<compile_context>
chip_gen: v7x
topology: tpu7x:2x2x1
jax: 0.10.2.dev20260603
libtpu: 0.0.44.dev20260713+nightly
codegen_flags: <defaults>
</compile_context>

<pallas_src>
import functools

import jax
import jax.numpy as jnp
from jax import lax
from jax.experimental import pallas as pl
from jax.experimental.pallas import tpu as pltpu
from jax.experimental.pallas import tpu_sc as plsc

VOCAB = 1000000
EMB = 64
PAD = 16
BATCH = 16384
SEQ = 200

PACK = 8
VP = VOCAB // PACK
NP = PAD * PACK

NC = 2
NS = 16
NW = NC * NS
ROWS_PER_W = BATCH // NW
CH = 8
NCHUNK = ROWS_PER_W // CH
TOK = CH * SEQ
GA, GB = 104, 96
G = 2 * CH

BV = 32768


def _proj_body(t_ref, w_ref, sel_ref, o_ref):
    out8 = lax.dot_general(t_ref[...], w_ref[...],
                           dimension_numbers=(((0,), (0,)), ((), ())),
                           preferred_element_type=jnp.float32)
    out83 = out8.reshape(BV // PACK, PACK, NP)
    for s in range(PACK):
        o_ref[:, s * PAD:(s + 1) * PAD] = out83[:, s, s * PAD:(s + 1) * PAD]


def _project(table_t, wt_rep, sel):
    return pl.pallas_call(
        _proj_body,
        grid=((VOCAB + BV - 1) // BV,),
        compiler_params=pltpu.CompilerParams(
            dimension_semantics=("parallel",)),
        in_specs=[
            pl.BlockSpec((EMB, BV), lambda i: (0, i)),
            pl.BlockSpec((EMB, NP), lambda i: (0, 0)),
            pl.BlockSpec((PACK, NP), lambda i: (0, 0)),
        ],
        out_specs=pl.BlockSpec((BV // PACK, NP), lambda i: (i, 0)),
        out_shape=jax.ShapeDtypeStruct((VP, NP), jnp.float32),
    )(table_t, wt_rep, sel)


def _invb_body(l_ref, sel_ref, o_ref):
    o_ref[...] = lax.dot_general(1.0 / l_ref[...], sel_ref[...],
                                 dimension_numbers=(((1,), (0,)), ((), ())),
                                 preferred_element_type=jnp.float32)


def _inv_packed(lenf2d, sel):
    return pl.pallas_call(
        _invb_body,
        out_shape=jax.ShapeDtypeStruct((BATCH // PACK, NP), jnp.float32),
    )(lenf2d, sel)


def _sc_pool(proj, data, invb, bias16):
    mesh = plsc.VectorSubcoreMesh(core_axis_name="c", subcore_axis_name="s")

    @functools.partial(
        pl.kernel,
        mesh=mesh,
        compiler_params=pltpu.CompilerParams(use_tc_tiling_on_sc=False),
        out_type=jax.ShapeDtypeStruct((BATCH, PAD), jnp.float32),
        scratch_types=[
            pltpu.VMEM((2, CH, SEQ), jnp.int32),
            pltpu.VMEM((2, TOK, PAD), jnp.float32),
            pltpu.VMEM((CH, PAD), jnp.float32),
            pltpu.VMEM((NCHUNK, NP), jnp.float32),
            pltpu.VMEM((PAD,), jnp.float32),
            pltpu.SemaphoreType.DMA,
            pltpu.SemaphoreType.DMA,
        ],
    )
    def k(proj_hbm, data_hbm, invb_hbm, bias_hbm, out_hbm,
          idx_v, rows_v, out_v, inv_v, bias_v, sem0, sem1):
        cid = lax.axis_index("c")
        sid = lax.axis_index("s")
        wid = sid * NC + cid
        sems = (sem0, sem1)
        gbase = pl.multiple_of(wid * NCHUNK, CH)
        pltpu.sync_copy(invb_hbm.at[pl.ds(gbase, NCHUNK)], inv_v)
        pltpu.sync_copy(bias_hbm, bias_v)

        def gather_list(p):
            ib = idx_v.at[p]
            pairs = []
            for r in range(CH):
                pairs.append((proj_hbm.at[ib.at[r, pl.ds(0, GA)]],
                              rows_v.at[p].at[pl.ds(r * SEQ, GA)]))
                pairs.append((proj_hbm.at[ib.at[r, pl.ds(GA, GB)]],
                              rows_v.at[p].at[pl.ds(r * SEQ + GA, GB)]))
            return pairs

        def stage(c, p):
            base = pl.multiple_of(wid * ROWS_PER_W + c * CH, CH)
            pltpu.sync_copy(data_hbm.at[pl.ds(base, CH), :], idx_v.at[p])
            for src, dst in gather_list(p):
                pltpu.async_copy(src, dst, sems[p])

        def drain(p):
            for src, dst in gather_list(p):
                pltpu.make_async_copy(src, dst, sems[p]).wait()

        def compute(c, p):
            base = pl.multiple_of(wid * ROWS_PER_W + c * CH, CH)
            rbuf = rows_v.at[p]
            for r in range(CH):
                rb = r * SEQ

                z = jnp.zeros((PAD,), jnp.float32)

                def tok_body(t, accs_in):
                    q = rb + t * 8
                    return tuple(a + rbuf[q + j, :]
                                 for j, a in enumerate(accs_in))

                accs = plsc.parallel_loop(0, SEQ // 8, unroll=2,
                                          carry=(z,) * 8)(tok_body)
                s0 = (accs[0] + accs[1]) + (accs[2] + accs[3])
                s1 = (accs[4] + accs[5]) + (accs[6] + accs[7])
                iv = inv_v[c, pl.ds(r * PAD, PAD)]
                out_v[r, :] = (s0 + s1) * iv + bias_v[...]
            pltpu.sync_copy(out_v, out_hbm.at[pl.ds(base, CH)])

        stage(0, 0)

        def pair_body(g, carry):
            stage(2 * g + 1, 1)
            drain(0)
            compute(2 * g, 0)

            @pl.when(g < NCHUNK // 2 - 1)
            def _():
                stage(2 * g + 2, 0)

            drain(1)
            compute(2 * g + 1, 1)
            return carry

        lax.fori_loop(0, NCHUNK // 2, pair_body, 0)

    return k(proj, data, invb, bias16)


def kernel(data, length, table, W, b):
    data = data.astype(jnp.int32)
    lenf2d = length.astype(jnp.float32).reshape(BATCH // PACK, PACK)
    wt = jnp.zeros((EMB, PAD), jnp.float32).at[:, :2].set(W.T)
    wt_rep = jnp.tile(wt, (1, PACK))
    sel = (jnp.arange(NP) // PAD == jnp.arange(PACK)[:, None]
           ).astype(jnp.float32)
    bias16 = jnp.zeros((PAD,), jnp.float32).at[:2].set(b)
    packed = _project(table.T, wt_rep, sel)
    proj = packed.reshape(VOCAB, PAD)
    invb = _inv_packed(lenf2d, sel)
    out = _sc_pool(proj, data, invb, bias16)
    return out[:, :2]

# --- scband reference (transcript-rebuilt; emitter-appended) ---
"""Pipeline reference for scband-bow-29557964931377 (READ-ONLY COPY).

The authoritative reference and input builder live on the scoring server;
editing this copy changes nothing except your own understanding.
"""

import jax, jax.numpy as jnp
import numpy as np

VOCAB = 1000000
EMB = 64
NUM_CLASSES = 2
B = 16384
L = 200

def setup_inputs(seed: int = 0) -> dict:
    key = jax.random.key(seed)
    k1, k2, k3, k4, k5 = jax.random.split(key, 5)
    data = jax.random.randint(k1, (B, L), 0, VOCAB, dtype=jnp.int64) if jax.config.jax_enable_x64 else jax.random.randint(k1, (B, L), 0, VOCAB, dtype=jnp.int32)
    # lengths in [1, L] to avoid divide-by-zero (non-trivial sentence lengths)
    length = jax.random.randint(k2, (B,), 1, L + 1, dtype=jnp.int32)
    table = jax.random.normal(k3, (VOCAB, EMB), dtype=jnp.float32)
    table = table.at[0].set(0.0)  # padding_idx=0 row is zeros
    W = jax.random.normal(k4, (NUM_CLASSES, EMB), dtype=jnp.float32) * (1.0 / np.sqrt(EMB))
    b = jax.random.normal(k5, (NUM_CLASSES,), dtype=jnp.float32) * 0.01
    return {"data": data, "length": length, "table": table, "W": W, "b": b}

def reference(data, length, table, W, b):
    # out = self.embed(data)
    out = jnp.take(table, data, axis=0)            # [B, L, EMB] gather
    # out = torch.sum(out, dim=1)
    out = jnp.sum(out, axis=1)                      # [B, EMB]
    # out /= length.view(-1,1).expand_as(out).float()
    out = out / length[:, None].astype(jnp.float32)
    # out = self.linear(out.float())
    out = out.astype(jnp.float32) @ W.T + b        # [B, NUM_CLASSES]
    return out

if __name__ == "__main__":
    import jax
    _d = setup_inputs()
    print(jax.jit(kernel)(*tuple(_d.values())))

</pallas_src>

<mosaic_0001>
#map = affine_map<(d0, d1) -> (0, 0)>
#map1 = affine_map<(d0, d1) -> (0)>
module attributes {stable_mosaic.version = 14 : i64} {
  func.func @k(%arg0: i32, %arg1: i32, %arg2: memref<1000000x16xf32, #tpu.memory_space<hbm>>, %arg3: memref<16384x200xi32, #tpu.memory_space<hbm>>, %arg4: memref<2048x128xf32, #tpu.memory_space<hbm>>, %arg5: memref<16xf32, #tpu.memory_space<hbm>>, %arg6: memref<16384x16xf32, #tpu.memory_space<hbm>>, %arg7: memref<2x8x200xi32, #tpu.memory_space<vmem>>, %arg8: memref<2x1600x16xf32, #tpu.memory_space<vmem>>, %arg9: memref<8x16xf32, #tpu.memory_space<vmem>>, %arg10: memref<64x128xf32, #tpu.memory_space<vmem>>, %arg11: memref<16xf32, #tpu.memory_space<vmem>>, %arg12: memref<!tpu.dma_semaphore, #tpu.memory_space<semaphore_mem>>, %arg13: memref<!tpu.dma_semaphore, #tpu.memory_space<semaphore_mem>>) attributes {dimension_semantics = [#tpu.dimension_semantics<core_parallel>, #tpu.dimension_semantics<subcore_parallel>], iteration_bounds = array<i64: 2, 16>, scalar_prefetch = 0 : i64, scratch_operands = 7 : i64, tpu.core_type = #tpu.core_type<sc_vector_subcore>, window_params = [{transform_indices = #map}, {transform_indices = #map}, {transform_indices = #map}, {transform_indices = #map1}, {transform_indices = #map}]} {
    %mul3A = arith.constant 2 : i32
    %mul3A_0 = arith.muli %arg1, %mul3A : i32
    %add3A = arith.addi %mul3A_0, %arg0 : i32
    %mul3A_1 = arith.constant 64 : i32
    %mul3A_2 = arith.muli %add3A, %mul3A_1 : i32
    %multiple_of3A = tpu.assume_multiple %mul3A_2, 8 : i32
    "tpu.region"() ({
      %run_scoped3A_332 = tpu.sem_alloc : memref<!tpu.dma_semaphore, #tpu.memory_space<semaphore_mem>>
      %dma_start3A_333 = arith.constant 0 : i32
      %dma_start3A_334 = tpu.memref_slice %arg4[%multiple_of3A, %dma_start3A_333] : memref<2048x128xf32, #tpu.memory_space<hbm>> -> memref<64x128xf32, #tpu.memory_space<hbm>>
      %dma_start3A_335 = arith.constant 0 : i32
      %dma_start3A_336 = tpu.memref_slice %arg4[%multiple_of3A, %dma_start3A_335] : memref<2048x128xf32, #tpu.memory_space<hbm>> -> memref<64x128xf32, #tpu.memory_space<hbm>>
      tpu.enqueue_dma source(%dma_start3A_336 : memref<64x128xf32, #tpu.memory_space<hbm>>) target(%arg10 : memref<64x128xf32, #tpu.memory_space<vmem>>) target_semaphore(%run_scoped3A_332 : memref<!tpu.dma_semaphore, #tpu.memory_space<semaphore_mem>>)
      %dma_wait3A = arith.constant 0 : i32
      %dma_wait3A_337 = tpu.memref_slice %arg4[%multiple_of3A, %dma_wait3A] : memref<2048x128xf32, #tpu.memory_space<hbm>> -> memref<64x128xf32, #tpu.memory_space<hbm>>
      %dma_wait3A_338 = arith.constant 0 : i32
      %dma_wait3A_339 = tpu.memref_slice %arg4[%multiple_of3A, %dma_wait3A_338] : memref<2048x128xf32, #tpu.memory_space<hbm>> -> memref<64x128xf32, #tpu.memory_space<hbm>>
      tpu.wait_dma2 semaphore(%run_scoped3A_332 : memref<!tpu.dma_semaphore, #tpu.memory_space<semaphore_mem>>) src(%dma_wait3A_339 : memref<64x128xf32, #tpu.memory_space<hbm>>) dst(%arg10 : memref<64x128xf32, #tpu.memory_space<vmem>>)
      tpu.yield
    }) : () -> ()
    "tpu.region"() ({
      %run_scoped3A_332 = tpu.sem_alloc : memref<!tpu.dma_semaphore, #tpu.memory_space<semaphore_mem>>
      tpu.enqueue_dma source(%arg5 : memref<16xf32, #tpu.memory_space<hbm>>) target(%arg11 : memref<16xf32, #tpu.memory_space<vmem>>) target_semaphore(%run_scoped3A_332 : memref<!tpu.dma_semaphore, #tpu.memory_space<semaphore_mem>>)
      tpu.wait_dma2 semaphore(%run_scoped3A_332 : memref<!tpu.dma_semaphore, #tpu.memory_space<semaphore_mem>>) src(%arg5 : memref<16xf32, #tpu.memory_space<hbm>>) dst(%arg11 : memref<16xf32, #tpu.memory_space<vmem>>)
      tpu.yield
    }) : () -> ()
    %mul3A_3 = arith.constant 512 : i32
    %mul3A_4 = arith.muli %add3A, %mul3A_3 : i32
    %add3A_5 = arith.constant 0 : i32
    %add3A_6 = arith.addi %mul3A_4, %add3A_5 : i32
    %multiple_of3A_7 = tpu.assume_multiple %add3A_6, 8 : i32
    %run_scoped3A = arith.constant 0 : i32
    "tpu.region"() ({
      %run_scoped3A_332 = tpu.sem_alloc : memref<!tpu.dma_semaphore, #tpu.memory_space<semaphore_mem>>
      %dma_start3A_333 = arith.constant 0 : i32
      %dma_start3A_334 = arith.constant 0 : i32
      %dma_start3A_335 = tpu.memref_slice %arg7[%run_scoped3A, %dma_start3A_333, %dma_start3A_334] : memref<2x8x200xi32, #tpu.memory_space<vmem>> -> memref<1x8x200xi32, #tpu.memory_space<vmem>>
      %dma_start3A_336 = tpu.memref_squeeze %dma_start3A_335 : memref<1x8x200xi32, #tpu.memory_space<vmem>> -> memref<8x200xi32, #tpu.memory_space<vmem>>
      %dma_start3A_337 = arith.constant 0 : i32
      %dma_start3A_338 = tpu.memref_slice %arg3[%multiple_of3A_7, %dma_start3A_337] : memref<16384x200xi32, #tpu.memory_space<hbm>> -> memref<8x200xi32, #tpu.memory_space<hbm>>
      %dma_start3A_339 = arith.constant 0 : i32
      %dma_start3A_340 = arith.constant 0 : i32
      %dma_start3A_341 = tpu.memref_slice %arg7[%run_scoped3A, %dma_start3A_339, %dma_start3A_340] : memref<2x8x200xi32, #tpu.memory_space<vmem>> -> memref<1x8x200xi32, #tpu.memory_space<vmem>>
      %dma_start3A_342 = tpu.memref_squeeze %dma_start3A_341 : memref<1x8x200xi32, #tpu.memory_space<vmem>> -> memref<8x200xi32, #tpu.memory_space<vmem>>
      %dma_start3A_343 = arith.constant 0 : i32
      %dma_start3A_344 = tpu.memref_slice %arg3[%multiple_of3A_7, %dma_start3A_343] : memref<16384x200xi32, #tpu.memory_space<hbm>> -> memref<8x200xi32, #tpu.memory_space<hbm>>
      tpu.enqueue_dma source(%dma_start3A_344 : memref<8x200xi32, #tpu.memory_space<hbm>>) target(%dma_start3A_342 : memref<8x200xi32, #tpu.memory_space<vmem>>) target_semaphore(%run_scoped3A_332 : memref<!tpu.dma_semaphore, #tpu.memory_space<semaphore_mem>>)
      %dma_wait3A = arith.constant 0 : i32
      %dma_wait3A_345 = arith.constant 0 : i32
      %dma_wait3A_346 = tpu.memref_slice %arg7[%run_scoped3A, %dma_wait3A, %dma_wait3A_345] : memref<2x8x200xi32, #tpu.memory_space<vmem>> -> memref<1x8x200xi32, #tpu.memory_space<vmem>>
      %dma_wait3A_347 = tpu.memref_squeeze %dma_wait3A_346 : memref<1x8x200xi32, #tpu.memory_space<vmem>> -> memref<8x200xi32, #tpu.memory_space<vmem>>
      %dma_wait3A_348 = arith.constant 0 : i32
      %dma_wait3A_349 = tpu.memref_slice %arg3[%multiple_of3A_7, %dma_wait3A_348] : memref<16384x200xi32, #tpu.memory_space<hbm>> -> memref<8x200xi32, #tpu.memory_space<hbm>>
      %dma_wait3A_350 = arith.constant 0 : i32
      %dma_wait3A_351 = arith.constant 0 : i32
      %dma_wait3A_352 = tpu.memref_slice %arg7[%run_scoped3A, %dma_wait3A_350, %dma_wait3A_351] : memref<2x8x200xi32, #tpu.memory_space<vmem>> -> memref<1x8x200xi32, #tpu.memory_space<vmem>>
      %dma_wait3A_353 = tpu.memref_squeeze %dma_wait3A_352 : memref<1x8x200xi32, #tpu.memory_space<vmem>> -> memref<8x200xi32, #tpu.memory_space<vmem>>
      %dma_wait3A_354 = arith.constant 0 : i32
      %dma_wait3A_355 = tpu.memref_slice %arg3[%multiple_of3A_7, %dma_wait3A_354] : memref<16384x200xi32, #tpu.memory_space<hbm>> -> memref<8x200xi32, #tpu.memory_space<hbm>>
      tpu.wait_dma2 semaphore(%run_scoped3A_332 : memref<!tpu.dma_semaphore, #tpu.memory_space<semaphore_mem>>) src(%dma_wait3A_355 : memref<8x200xi32, #tpu.memory_space<hbm>>) dst(%dma_wait3A_353 : memref<8x200xi32, #tpu.memory_space<vmem>>)
      tpu.yield
    }) : () -> ()
    %dma_start3A = arith.constant 0 : i32
    %dma_start3A_8 = arith.constant 0 : i32
    %dma_start3A_9 = arith.constant 0 : i32
    %dma_start3A_10 = arith.constant 0 : i32
    %dma_start3A_11 = arith.constant 0 : i32
    %dma_start3A_12 = tpu.memref_slice %arg8[%dma_start3A_9, %dma_start3A_10, %dma_start3A_11] : memref<2x1600x16xf32, #tpu.memory_space<vmem>> -> memref<1x1600x16xf32, #tpu.memory_space<vmem>>
    %dma_start3A_13 = tpu.memref_squeeze %dma_start3A_12 : memref<1x1600x16xf32, #tpu.memory_space<vmem>> -> memref<1600x16xf32, #tpu.memory_space<vmem>>
    %dma_start3A_14 = arith.constant 0 : i32
    %dma_start3A_15 = arith.constant 0 : i32
    %dma_start3A_16 = tpu.memref_slice %dma_start3A_13[%dma_start3A_14, %dma_start3A_15] : memref<1600x16xf32, #tpu.memory_space<vmem>> -> memref<104x16xf32, #tpu.memory_space<vmem>>
    %dma_start3A_17 = arith.constant 0 : i32
    %dma_start3A_18 = arith.constant 0 : i32
    %dma_start3A_19 = tpu.memref_slice %arg7[%dma_start3A, %dma_start3A_17, %dma_start3A_18] : memref<2x8x200xi32, #tpu.memory_space<vmem>> -> memref<1x8x200xi32, #tpu.memory_space<vmem>>
    %dma_start3A_20 = tpu.memref_squeeze %dma_start3A_19 : memref<1x8x200xi32, #tpu.memory_space<vmem>> -> memref<8x200xi32, #tpu.memory_space<vmem>>
    %dma_start3A_21 = arith.constant 0 : i32
    %dma_start3A_22 = tpu.memref_slice %dma_start3A_20[%dma_start3A_8, %dma_start3A_21] : memref<8x200xi32, #tpu.memory_space<vmem>> -> memref<1x104xi32, #tpu.memory_space<vmem>>
    %dma_start3A_23 = tpu.memref_squeeze %dma_start3A_22 : memref<1x104xi32, #tpu.memory_space<vmem>> -> memref<104xi32, #tpu.memory_space<vmem>>
    %dma_start3A_24 = arith.constant 0 : i32
    %dma_start3A_25 = arith.constant 0 : i32
    %dma_start3A_26 = tpu.memref_slice %arg2[%dma_start3A_24, %dma_start3A_25] : memref<1000000x16xf32, #tpu.memory_space<hbm>> -> memref<1000000x16xf32, #tpu.memory_space<hbm>>
    tpu.enqueue_indirect_dma source(%dma_start3A_26 : memref<1000000x16xf32, #tpu.memory_space<hbm>>) target(%dma_start3A_16 : memref<104x16xf32, #tpu.memory_space<vmem>>) offsets(%dma_start3A_23 : memref<104xi32, #tpu.memory_space<vmem>>) semaphore(%arg12 : memref<!tpu.dma_semaphore, #tpu.memory_space<semaphore_mem>>)
    %dma_start3A_27 = arith.constant 0 : i32
    %dma_start3A_28 = arith.constant 0 : i32
    %dma_start3A_29 = arith.constant 0 : i32
    %dma_start3A_30 = arith.constant 0 : i32
    %dma_start3A_31 = arith.constant 0 : i32
    %dma_start3A_32 = tpu.memref_slice %arg8[%dma_start3A_29, %dma_start3A_30, %dma_start3A_31] : memref<2x1600x16xf32, #tpu.memory_space<vmem>> -> memref<1x1600x16xf32, #tpu.memory_space<vmem>>
    %dma_start3A_33 = tpu.memref_squeeze %dma_start3A_32 : memref<1x1600x16xf32, #tpu.memory_space<vmem>> -> memref<1600x16xf32, #tpu.memory_space<vmem>>
    %dma_start3A_34 = arith.constant 104 : i32
    %dma_start3A_35 = arith.constant 0 : i32
    %dma_start3A_36 = tpu.memref_slice %dma_start3A_33[%dma_start3A_34, %dma_start3A_35] : memref<1600x16xf32, #tpu.memory_space<vmem>> -> memref<96x16xf32, #tpu.memory_space<vmem>>
    %dma_start3A_37 = arith.constant 0 : i32
    %dma_start3A_38 = arith.constant 0 : i32
    %dma_start3A_39 = tpu.memref_slice %arg7[%dma_start3A_27, %dma_start3A_37, %dma_start3A_38] : memref<2x8x200xi32, #tpu.memory_space<vmem>> -> memref<1x8x200xi32, #tpu.memory_space<vmem>>
    %dma_start3A_40 = tpu.memref_squeeze %dma_start3A_39 : memref<1x8x200xi32, #tpu.memory_space<vmem>> -> memref<8x200xi32, #tpu.memory_space<vmem>>
    %dma_start3A_41 = arith.constant 104 : i32
    %dma_start3A_42 = tpu.memref_slice %dma_start3A_40[%dma_start3A_28, %dma_start3A_41] : memref<8x200xi32, #tpu.memory_space<vmem>> -> memref<1x96xi32, #tpu.memory_space<vmem>>
    %dma_start3A_43 = tpu.memref_squeeze %dma_start3A_42 : memref<1x96xi32, #tpu.memory_space<vmem>> -> memref<96xi32, #tpu.memory_space<vmem>>
    %dma_start3A_44 = arith.constant 0 : i32
    %dma_start3A_45 = arith.constant 0 : i32
    %dma_start3A_46 = tpu.memref_slice %arg2[%dma_start3A_44, %dma_start3A_45] : memref<1000000x16xf32, #tpu.memory_space<hbm>> -> memref<1000000x16xf32, #tpu.memory_space<hbm>>
    tpu.enqueue_indirect_dma source(%dma_start3A_46 : memref<1000000x16xf32, #tpu.memory_space<hbm>>) target(%dma_start3A_36 : memref<96x16xf32, #tpu.memory_space<vmem>>) offsets(%dma_start3A_43 : memref<96xi32, #tpu.memory_space<vmem>>) semaphore(%arg12 : memref<!tpu.dma_semaphore, #tpu.memory_space<semaphore_mem>>)
    %dma_start3A_47 = arith.constant 0 : i32
    %dma_start3A_48 = arith.constant 1 : i32
    %dma_start3A_49 = arith.constant 0 : i32
    %dma_start3A_50 = arith.constant 0 : i32
    %dma_start3A_51 = arith.constant 0 : i32
    %dma_start3A_52 = tpu.memref_slice %arg8[%dma_start3A_49, %dma_start3A_50, %dma_start3A_51] : memref<2x1600x16xf32, #tpu.memory_space<vmem>> -> memref<1x1600x16xf32, #tpu.memory_space<vmem>>
    %dma_start3A_53 = tpu.memref_squeeze %dma_start3A_52 : memref<1x1600x16xf32, #tpu.memory_space<vmem>> -> memref<1600x16xf32, #tpu.memory_space<vmem>>
    %dma_start3A_54 = arith.constant 200 : i32
    %dma_start3A_55 = arith.constant 0 : i32
    %dma_start3A_56 = tpu.memref_slice %dma_start3A_53[%dma_start3A_54, %dma_start3A_55] : memref<1600x16xf32, #tpu.memory_space<vmem>> -> memref<104x16xf32, #tpu.memory_space<vmem>>
    %dma_start3A_57 = arith.constant 0 : i32
    %dma_start3A_58 = arith.constant 0 : i32
    %dma_start3A_59 = tpu.memref_slice %arg7[%dma_start3A_47, %dma_start3A_57, %dma_start3A_58] : memref<2x8x200xi32, #tpu.memory_space<vmem>> -> memref<1x8x200xi32, #tpu.memory_space<vmem>>
    %dma_start3A_60 = tpu.memref_squeeze %dma_start3A_59 : memref<1x8x200xi32, #tpu.memory_space<vmem>> -> memref<8x200xi32, #tpu.memory_space<vmem>>
    %dma_start3A_61 = arith.constant 0 : i32
    %dma_start3A_62 = tpu.memref_slice %dma_start3A_60[%dma_start3A_48, %dma_start3A_61] : memref<8x200xi32, #tpu.memory_space<vmem>> -> memref<1x104xi32, #tpu.memory_space<vmem>>
    %dma_start3A_63 = tpu.memref_squeeze %dma_start3A_62 : memref<1x104xi32, #tpu.memory_space<vmem>> -> memref<104xi32, #tpu.memory_space<vmem>>
    %dma_start3A_64 = arith.constant 0 : i32
    %dma_start3A_65 = arith.constant 0 : i32
    %dma_start3A_66 = tpu.memref_slice %arg2[%dma_start3A_64, %dma_start3A_65] : memref<1000000x16xf32, #tpu.memory_space<hbm>> -> memref<1000000x16xf32, #tpu.memory_space<hbm>>
    tpu.enqueue_indirect_dma source(%dma_start3A_66 : memref<1000000x16xf32, #tpu.memory_space<hbm>>) target(%dma_start3A_56 : memref<104x16xf32, #tpu.memory_space<vmem>>) offsets(%dma_start3A_63 : memref<104xi32, #tpu.memory_space<vmem>>) semaphore(%arg12 : memref<!tpu.dma_semaphore, #tpu.memory_space<semaphore_mem>>)
    %dma_start3A_67 = arith.constant 0 : i32
    %dma_start3A_68 = arith.constant 1 : i32
    %dma_start3A_69 = arith.constant 0 : i32
    %dma_start3A_70 = arith.constant 0 : i32
    %dma_start3A_71 = arith.constant 0 : i32
    %dma_start3A_72 = tpu.memref_slice %arg8[%dma_start3A_69, %dma_start3A_70, %dma_start3A_71] : memref<2x1600x16xf32, #tpu.memory_space<vmem>> -> memref<1x1600x16xf32, #tpu.memory_space<vmem>>
    %dma_start3A_73 = tpu.memref_squeeze %dma_start3A_72 : memref<1x1600x16xf32, #tpu.memory_space<vmem>> -> memref<1600x16xf32, #tpu.memory_space<vmem>>
    %dma_start3A_74 = arith.constant 304 : i32
    %dma_start3A_75 = arith.constant 0 : i32
    %dma_start3A_76 = tpu.memref_slice %dma_start3A_73[%dma_start3A_74, %dma_start3A_75] : memref<1600x16xf32, #tpu.memory_space<vmem>> -> memref<96x16xf32, #tpu.memory_space<vmem>>
    %dma_start3A_77 = arith.constant 0 : i32
    %dma_start3A_78 = arith.constant 0 : i32
    %dma_start3A_79 = tpu.memref_slice %arg7[%dma_start3A_67, %dma_start3A_77, %dma_start3A_78] : memref<2x8x200xi32, #tpu.memory_space<vmem>> -> memref<1x8x200xi32, #tpu.memory_space<vmem>>
    %dma_start3A_80 = tpu.memref_squeeze %dma_start3A_79 : memref<1x8x200xi32, #tpu.memory_space<vmem>> -> memref<8x200xi32, #tpu.memory_space<vmem>>
    %dma_start3A_81 = arith.constant 104 : i32
    %dma_start3A_82 = tpu.memref_slice %dma_start3A_80[%dma_start3A_68, %dma_start3A_81] : memref<8x200xi32, #tpu.memory_space<vmem>> -> memref<1x96xi32, #tpu.memory_space<vmem>>
    %dma_start3A_83 = tpu.memref_squeeze %dma_start3A_82 : memref<1x96xi32, #tpu.memory_space<vmem>> -> memref<96xi32, #tpu.memory_space<vmem>>
    %dma_start3A_84 = arith.constant 0 : i32
    %dma_start3A_85 = arith.constant 0 : i32
    %dma_start3A_86 = tpu.memref_slice %arg2[%dma_start3A_84, %dma_start3A_85] : memref<1000000x16xf32, #tpu.memory_space<hbm>> -> memref<1000000x16xf32, #tpu.memory_space<hbm>>
    tpu.enqueue_indirect_dma source(%dma_start3A_86 : memref<1000000x16xf32, #tpu.memory_space<hbm>>) target(%dma_start3A_76 : memref<96x16xf32, #tpu.memory_space<vmem>>) offsets(%dma_start3A_83 : memref<96xi32, #tpu.memory_space<vmem>>) semaphore(%arg12 : memref<!tpu.dma_semaphore, #tpu.memory_space<semaphore_mem>>)
    %dma_start3A_87 = arith.constant 0 : i32
    %dma_start3A_88 = arith.constant 2 : i32
    %dma_start3A_89 = arith.constant 0 : i32
    %dma_start3A_90 = arith.constant 0 : i32
    %dma_start3A_91 = arith.constant 0 : i32
    %dma_start3A_92 = tpu.memref_slice %arg8[%dma_start3A_89, %dma_start3A_90, %dma_start3A_91] : memref<2x1600x16xf32, #tpu.memory_space<vmem>> -> memref<1x1600x16xf32, #tpu.memory_space<vmem>>
    %dma_start3A_93 = tpu.memref_squeeze %dma_start3A_92 : memref<1x1600x16xf32, #tpu.memory_space<vmem>> -> memref<1600x16xf32, #tpu.memory_space<vmem>>
    %dma_start3A_94 = arith.constant 400 : i32
    %dma_start3A_95 = arith.constant 0 : i32
    %dma_start3A_96 = tpu.memref_slice %dma_start3A_93[%dma_start3A_94, %dma_start3A_95] : memref<1600x16xf32, #tpu.memory_space<vmem>> -> memref<104x16xf32, #tpu.memory_space<vmem>>
    %dma_start3A_97 = arith.constant 0 : i32
    %dma_start3A_98 = arith.constant 0 : i32
    %dma_start3A_99 = tpu.memref_slice %arg7[%dma_start3A_87, %dma_start3A_97, %dma_start3A_98] : memref<2x8x200xi32, #tpu.memory_space<vmem>> -> memref<1x8x200xi32, #tpu.memory_space<vmem>>
    %dma_start3A_100 = tpu.memref_squeeze %dma_start3A_99 : memref<1x8x200xi32, #tpu.memory_space<vmem>> -> memref<8x200xi32, #tpu.memory_space<vmem>>
    %dma_start3A_101 = arith.constant 0 : i32
    %dma_start3A_102 = tpu.memref_slice %dma_start3A_100[%dma_start3A_88, %dma_start3A_101] : memref<8x200xi32, #tpu.memory_space<vmem>> -> memref<1x104xi32, #tpu.memory_space<vmem>>
    %dma_start3A_103 = tpu.memref_squeeze %dma_start3A_102 : memref<1x104xi32, #tpu.memory_space<vmem>> -> memref<104xi32, #tpu.memory_space<vmem>>
    %dma_start3A_104 = arith.constant 0 : i32
    %dma_start3A_105 = arith.constant 0 : i32
    %dma_start3A_106 = tpu.memref_slice %arg2[%dma_start3A_104, %dma_start3A_105] : memref<1000000x16xf32, #tpu.memory_space<hbm>> -> memref<1000000x16xf32, #tpu.memory_space<hbm>>
    tpu.enqueue_indirect_dma source(%dma_start3A_106 : memref<1000000x16xf32, #tpu.memory_space<hbm>>) target(%dma_start3A_96 : memref<104x16xf32, #tpu.memory_space<vmem>>) offsets(%dma_start3A_103 : memref<104xi32, #tpu.memory_space<vmem>>) semaphore(%arg12 : memref<!tpu.dma_semaphore, #tpu.memory_space<semaphore_mem>>)
    %dma_start3A_107 = arith.constant 0 : i32
    %dma_start3A_108 = arith.constant 2 : i32
    %dma_start3A_109 = arith.constant 0 : i32
    %dma_start3A_110 = arith.constant 0 : i32
    %dma_start3A_111 = arith.constant 0 : i32
    %dma_start3A_112 = tpu.memref_slice %arg8[%dma_start3A_109, %dma_start3A_110, %dma_start3A_111] : memref<2x1600x16xf32, #tpu.memory_space<vmem>> -> memref<1x1600x16xf32, #tpu.memory_space<vmem>>
    %dma_start3A_113 = tpu.memref_squeeze %dma_start3A_112 : memref<1x1600x16xf32, #tpu.memory_space<vmem>> -> memref<1600x16xf32, #tpu.memory_space<vmem>>
    %dma_start3A_114 = arith.constant 504 : i32
    %dma_start3A_115 = arith.constant 0 : i32
    %dma_start3A_116 = tpu.memref_slice %dma_start3A_113[%dma_start3A_114, %dma_start3A_115] : memref<1600x16xf32, #tpu.memory_space<vmem>> -> memref<96x16xf32, #tpu.memory_space<vmem>>
    %dma_start3A_117 = arith.constant 0 : i32
    %dma_start3A_118 = arith.constant 0 : i32
    %dma_start3A_119 = tpu.memref_slice %arg7[%dma_start3A_107, %dma_start3A_117, %dma_start3A_118] : memref<2x8x200xi32, #tpu.memory_space<vmem>> -> memref<1x8x200xi32, #tpu.memory_space<vmem>>
    %dma_start3A_120 = tpu.memref_squeeze %dma_start3A_119 : memref<1x8x200xi32, #tpu.memory_space<vmem>> -> memref<8x200xi32, #tpu.memory_space<vmem>>
    %dma_start3A_121 = arith.constant 104 : i32
    %dma_start3A_122 = tpu.memref_slice %dma_start3A_120[%dma_start3A_108, %dma_start3A_121] : memref<8x200xi32, #tpu.memory_space<vmem>> -> memref<1x96xi32, #tpu.memory_space<vmem>>
    %dma_start3A_123 = tpu.memref_squeeze %dma_start3A_122 : memref<1x96xi32, #tpu.memory_space<vmem>> -> memref<96xi32, #tpu.memory_space<vmem>>
    %dma_start3A_124 = arith.constant 0 : i32
    %dma_start3A_125 = arith.constant 0 : i32
    %dma_start3A_126 = tpu.memref_slice %arg2[%dma_start3A_124, %dma_start3A_125] : memref<1000000x16xf32, #tpu.memory_space<hbm>> -> memref<1000000x16xf32, #tpu.memory_space<hbm>>
    tpu.enqueue_indirect_dma source(%dma_start3A_126 : memref<1000000x16xf32, #tpu.memory_space<hbm>>) target(%dma_start3A_116 : memref<96x16xf32, #tpu.memory_space<vmem>>) offsets(%dma_start3A_123 : memref<96xi32, #tpu.memory_space<vmem>>) semaphore(%arg12 : memref<!tpu.dma_semaphore, #tpu.memory_space<semaphore_mem>>)
    %dma_start3A_127 = arith.constant 0 : i32
    %dma_start3A_128 = arith.constant 3 : i32
    %dma_start3A_129 = arith.constant 0 : i32
    %dma_start3A_130 = arith.constant 0 : i32
    %dma_start3A_131 = arith.constant 0 : i32
    %dma_start3A_132 = tpu.memref_slice %arg8[%dma_start3A_129, %dma_start3A_130, %dma_start3A_131] : memref<2x1600x16xf32, #tpu.memory_space<vmem>> -> memref<1x1600x16xf32, #tpu.memory_space<vmem>>
    %dma_start3A_133 = tpu.memref_squeeze %dma_start3A_132 : memref<1x1600x16xf32, #tpu.memory_space<vmem>> -> memref<1600x16xf32, #tpu.memory_space<vmem>>
    %dma_start3A_134 = arith.constant 600 : i32
    %dma_start3A_135 = arith.constant 0 : i32
    %dma_start3A_136 = tpu.memref_slice %dma_start3A_133[%dma_start3A_134, %dma_start3A_135] : memref<1600x16xf32, #tpu.memory_space<vmem>> -> memref<104x16xf32, #tpu.memory_space<vmem>>
    %dma_start3A_137 = arith.constant 0 : i32
    %dma_start3A_138 = arith.constant 0 : i32
    %dma_start3A_139 = tpu.memref_slice %arg7[%dma_start3A_127, %dma_start3A_137, %dma_start3A_138] : memref<2x8x200xi32, #tpu.memory_space<vmem>> -> memref<1x8x200xi32, #tpu.memory_space<vmem>>
    %dma_start3A_140 = tpu.memref_squeeze %dma_start3A_139 : memref<1x8x200xi32, #tpu.memory_space<vmem>> -> memref<8x200xi32, #tpu.memory_space<vmem>>
    %dma_start3A_141 = arith.constant 0 : i32
    %dma_start3A_142 = tpu.memref_slice %dma_start3A_140[%dma_start3A_128, %dma_start3A_141] : memref<8x200xi32, #tpu.memory_space<vmem>> -> memref<1x104xi32, #tpu.memory_space<vmem>>
    %dma_start3A_143 = tpu.memref_squeeze %dma_start3A_142 : memref<1x104xi32, #tpu.memory_space<vmem>> -> memref<104xi32, #tpu.memory_space<vmem>>
    %dma_start3A_144 = arith.constant 0 : i32
    %dma_start3A_145 = arith.constant 0 : i32
    %dma_start3A_146 = tpu.memref_slice %arg2[%dma_start3A_144, %dma_start3A_145] : memref<1000000x16xf32, #tpu.memory_space<hbm>> -> memref<1000000x16xf32, #tpu.memory_space<hbm>>
    tpu.enqueue_indirect_dma source(%dma_start3A_146 : memref<1000000x16xf32, #tpu.memory_space<hbm>>) target(%dma_start3A_136 : memref<104x16xf32, #tpu.memory_space<vmem>>) offsets(%dma_start3A_143 : memref<104xi32, #tpu.memory_space<vmem>>) semaphore(%arg12 : memref<!tpu.dma_semaphore, #tpu.memory_space<semaphore_mem>>)
    %dma_start3A_147 = arith.constant 0 : i32
    %dma_start3A_148 = arith.constant 3 : i32
    %dma_start3A_149 = arith.constant 0 : i32
    %dma_start3A_150 = arith.constant 0 : i32
    %dma_start3A_151 = arith.constant 0 : i32
    %dma_start3A_152 = tpu.memref_slice %arg8[%dma_start3A_149, %dma_start3A_150, %dma_start3A_151] : memref<2x1600x16xf32, #tpu.memory_space<vmem>> -> memref<1x1600x16xf32, #tpu.memory_space<vmem>>
    %dma_start3A_153 = tpu.memref_squeeze %dma_start3A_152 : memref<1x1600x16xf32, #tpu.memory_space<vmem>> -> memref<1600x16xf32, #tpu.memory_space<vmem>>
    %dma_start3A_154 = arith.constant 704 : i32
    %dma_start3A_155 = arith.constant 0 : i32
    %dma_start3A_156 = tpu.memref_slice %dma_start3A_153[%dma_start3A_154, %dma_start3A_155] : memref<1600x16xf32, #tpu.memory_space<vmem>> -> memref<96x16xf32, #tpu.memory_space<vmem>>
    %dma_start3A_157 = arith.constant 0 : i32
    %dma_start3A_158 = arith.constant 0 : i32
    %dma_start3A_159 = tpu.memref_slice %arg7[%dma_start3A_147, %dma_start3A_157, %dma_start3A_158] : memref<2x8x200xi32, #tpu.memory_space<vmem>> -> memref<1x8x200xi32, #tpu.memory_space<vmem>>
    %dma_start3A_160 = tpu.memref_squeeze %dma_start3A_159 : memref<1x8x200xi32, #tpu.memory_space<vmem>> -> memref<8x200xi32, #tpu.memory_space<vmem>>
    %dma_start3A_161 = arith.constant 104 : i32
    %dma_start3A_162 = tpu.memref_slice %dma_start3A_160[%dma_start3A_148, %dma_start3A_161] : memref<8x200xi32, #tpu.memory_space<vmem>> -> memref<1x96xi32, #tpu.memory_space<vmem>>
    %dma_start3A_163 = tpu.memref_squeeze %dma_start3A_162 : memref<1x96xi32, #tpu.memory_space<vmem>> -> memref<96xi32, #tpu.memory_space<vmem>>
    %dma_start3A_164 = arith.constant 0 : i32
    %dma_start3A_165 = arith.constant 0 : i32
    %dma_start3A_166 = tpu.memref_slice %arg2[%dma_start3A_164, %dma_start3A_165] : memref<1000000x16xf32, #tpu.memory_space<hbm>> -> memref<1000000x16xf32, #tpu.memory_space<hbm>>
    tpu.enqueue_indirect_dma source(%dma_start3A_166 : memref<1000000x16xf32, #tpu.memory_space<hbm>>) target(%dma_start3A_156 : memref<96x16xf32, #tpu.memory_space<vmem>>) offsets(%dma_start3A_163 : memref<96xi32, #tpu.memory_space<vmem>>) semaphore(%arg12 : memref<!tpu.dma_semaphore, #tpu.memory_space<semaphore_mem>>)
    %dma_start3A_167 = arith.constant 0 : i32
    %dma_start3A_168 = arith.constant 4 : i32
    %dma_start3A_169 = arith.constant 0 : i32
    %dma_start3A_170 = arith.constant 0 : i32
    %dma_start3A_171 = arith.constant 0 : i32
    %dma_start3A_172 = tpu.memref_slice %arg8[%dma_start3A_169, %dma_start3A_170, %dma_start3A_171] : memref<2x1600x16xf32, #tpu.memory_space<vmem>> -> memref<1x1600x16xf32, #tpu.memory_space<vmem>>
    %dma_start3A_173 = tpu.memref_squeeze %dma_start3A_172 : memref<1x1600x16xf32, #tpu.memory_space<vmem>> -> memref<1600x16xf32, #tpu.memory_space<vmem>>
    %dma_start3A_174 = arith.constant 800 : i32
    %dma_start3A_175 = arith.constant 0 : i32
    %dma_start3A_176 = tpu.memref_slice %dma_start3A_173[%dma_start3A_174, %dma_start3A_175] : memref<1600x16xf32, #tpu.memory_space<vmem>> -> memref<104x16xf32, #tpu.memory_space<vmem>>
    %dma_start3A_177 = arith.constant 0 : i32
    %dma_start3A_178 = arith.constant 0 : i32
    %dma_start3A_179 = tpu.memref_slice %arg7[%dma_start3A_167, %dma_start3A_177, %dma_start3A_178] : memref<2x8x200xi32, #tpu.memory_space<vmem>> -> memref<1x8x200xi32, #tpu.memory_space<vmem>>
    %dma_start3A_180 = tpu.memref_squeeze %dma_start3A_179 : memref<1x8x200xi32, #tpu.memory_space<vmem>> -> memref<8x200xi32, #tpu.memory_space<vmem>>
    %dma_start3A_181 = arith.constant 0 : i32
    %dma_start3A_182 = tpu.memref_slice %dma_start3A_180[%dma_start3A_168, %dma_start3A_181] : memref<8x200xi32, #tpu.memory_space<vmem>> -> memref<1x104xi32, #tpu.memory_space<vmem>>
    %dma_start3A_183 = tpu.memref_squeeze %dma_start3A_182 : memref<1x104xi32, #tpu.memory_space<vmem>> -> memref<104xi32, #tpu.memory_space<vmem>>
    %dma_start3A_184 = arith.constant 0 : i32
    %dma_start3A_185 = arith.constant 0 : i32
    %dma_start3A_186 = tpu.memref_slice %arg2[%dma_start3A_184, %dma_start3A_185] : memref<1000000x16xf32, #tpu.memory_space<hbm>> -> memref<1000000x16xf32, #tpu.memory_space<hbm>>
    tpu.enqueue_indirect_dma source(%dma_start3A_186 : memref<1000000x16xf32, #tpu.memory_space<hbm>>) target(%dma_start3A_176 : memref<104x16xf32, #tpu.memory_space<vmem>>) offsets(%dma_start3A_183 : memref<104xi32, #tpu.memory_space<vmem>>) semaphore(%arg12 : memref<!tpu.dma_semaphore, #tpu.memory_space<semaphore_mem>>)
    %dma_start3A_187 = arith.constant 0 : i32
    %dma_start3A_188 = arith.constant 4 : i32
    %dma_start3A_189 = arith.constant 0 : i32
    %dma_start3A_190 = arith.constant 0 : i32
    %dma_start3A_191 = arith.constant 0 : i32
    %dma_start3A_192 = tpu.memref_slice %arg8[%dma_start3A_189, %dma_start3A_190, %dma_start3A_191] : memref<2x1600x16xf32, #tpu.memory_space<vmem>> -> memref<1x1600x16xf32, #tpu.memory_space<vmem>>
    %dma_start3A_193 = tpu.memref_squeeze %dma_start3A_192 : memref<1x1600x16xf32, #tpu.memory_space<vmem>> -> memref<1600x16xf32, #tpu.memory_space<vmem>>
    %dma_start3A_194 = arith.constant 904 : i32
    %dma_start3A_195 = arith.constant 0 : i32
    %dma_start3A_196 = tpu.memref_slice %dma_start3A_193[%dma_start3A_194, %dma_start3A_195] : memref<1600x16xf32, #tpu.memory_space<vmem>> -> memref<96x16xf32, #tpu.memory_space<vmem>>
    %dma_start3A_197 = arith.constant 0 : i32
    %dma_start3A_198 = arith.constant 0 : i32
    %dma_start3A_199 = tpu.memref_slice %arg7[%dma_start3A_187, %dma_start3A_197, %dma_start3A_198] : memref<2x8x200xi32, #tpu.memory_space<vmem>> -> memref<1x8x200xi32, #tpu.memory_space<vmem>>
    %dma_start3A_200 = tpu.memref_squeeze %dma_start3A_199 : memref<1x8x200xi32, #tpu.memory_space<vmem>> -> memref<8x200xi32, #tpu.memory_space<vmem>>
    %dma_start3A_201 = arith.constant 104 : i32
    %dma_start3A_202 = tpu.memref_slice %dma_start3A_200[%dma_start3A_188, %dma_start3A_201] : memref<8x200xi32, #tpu.memory_space<vmem>> -> memref<1x96xi32, #tpu.memory_space<vmem>>
    %dma_start3A_203 = tpu.memref_squeeze %dma_start3A_202 : memref<1x96xi32, #tpu.memory_space<vmem>> -> memref<96xi32, #tpu.memory_space<vmem>>
    %dma_start3A_204 = arith.constant 0 : i32
    %dma_start3A_205 = arith.constant 0 : i32
    %dma_start3A_206 = tpu.memref_slice %arg2[%dma_start3A_204, %dma_start3A_205] : memref<1000000x16xf32, #tpu.memory_space<hbm>> -> memref<1000000x16xf32, #tpu.memory_space<hbm>>
    tpu.enqueue_indirect_dma source(%dma_start3A_206 : memref<1000000x16xf32, #tpu.memory_space<hbm>>) target(%dma_start3A_196 : memref<96x16xf32, #tpu.memory_space<vmem>>) offsets(%dma_start3A_203 : memref<96xi32, #tpu.memory_space<vmem>>) semaphore(%arg12 : memref<!tpu.dma_semaphore, #tpu.memory_space<semaphore_mem>>)
    %dma_start3A_207 = arith.constant 0 : i32
    %dma_start3A_208 = arith.constant 5 : i32
    %dma_start3A_209 = arith.constant 0 : i32
    %dma_start3A_210 = arith.constant 0 : i32
    %dma_start3A_211 = arith.constant 0 : i32
    %dma_start3A_212 = tpu.memref_slice %arg8[%dma_start3A_209, %dma_start3A_210, %dma_start3A_211] : memref<2x1600x16xf32, #tpu.memory_space<vmem>> -> memref<1x1600x16xf32, #tpu.memory_space<vmem>>
    %dma_start3A_213 = tpu.memref_squeeze %dma_start3A_212 : memref<1x1600x16xf32, #tpu.memory_space<vmem>> -> memref<1600x16xf32, #tpu.memory_space<vmem>>
    %dma_start3A_214 = arith.constant 1000 : i32
    %dma_start3A_215 = arith.constant 0 : i32
    %dma_start3A_216 = tpu.memref_slice %dma_start3A_213[%dma_start3A_214, %dma_start3A_215] : memref<1600x16xf32, #tpu.memory_space<vmem>> -> memref<104x16xf32, #tpu.memory_space<vmem>>
    %dma_start3A_217 = arith.constant 0 : i32
    %dma_start3A_218 = arith.constant 0 : i32
    %dma_start3A_219 = tpu.memref_slice %arg7[%dma_start3A_207, %dma_start3A_217, %dma_start3A_218] : memref<2x8x200xi32, #tpu.memory_space<vmem>> -> memref<1x8x200xi32, #tpu.memory_space<vmem>>
    %dma_start3A_220 = tpu.memref_squeeze %dma_start3A_219 : memref<1x8x200xi32, #tpu.memory_space<vmem>> -> memref<8x200xi32, #tpu.memory_space<vmem>>
    %dma_start3A_221 = arith.constant 0 : i32
    %dma_start3A_222 = tpu.memref_slice %dma_start3A_220[%dma_start3A_208, %dma_start3A_221] : memref<8x200xi32, #tpu.memory_space<vmem>> -> memref<1x104xi32, #tpu.memory_space<vmem>>
    %dma_start3A_223 = tpu.memref_squeeze %dma_start3A_222 : memref<1x104xi32, #tpu.memory_space<vmem>> -> memref<104xi32, #tpu.memory_space<vmem>>
    %dma_start3A_224 = arith.constant 0 : i32
    %dma_start3A_225 = arith.constant 0 : i32
    %dma_start3A_226 = tpu.memref_slice %arg2[%dma_start3A_224, %dma_start3A_225] : memref<1000000x16xf32, #tpu.memory_space<hbm>> -> memref<1000000x16xf32, #tpu.memory_space<hbm>>
    tpu.enqueue_indirect_dma source(%dma_start3A_226 : memref<1000000x16xf32, #tpu.memory_space<hbm>>) target(%dma_start3A_216 : memref<104x16xf32, #tpu.memory_space<vmem>>) offsets(%dma_start3A_223 : memref<104xi32, #tpu.memory_space<vmem>>) semaphore(%arg12 : memref<!tpu.dma_semaphore, #tpu.memory_space<semaphore_mem>>)
    %dma_start3A_227 = arith.constant 0 : i32
    %dma_start3A_228 = arith.constant 5 : i32
    %dma_start3A_229 = arith.constant 0 : i32
    %dma_start3A_230 = arith.constant 0 : i32
    %dma_start3A_231 = arith.constant 0 : i32
    %dma_start3A_232 = tpu.memref_slice %arg8[%dma_start3A_229, %dma_start3A_230, %dma_start3A_231] : memref<2x1600x16xf32, #tpu.memory_space<vmem>> -> memref<1x1600x16xf32, #tpu.memory_space<vmem>>
    %dma_start3A_233 = tpu.memref_squeeze %dma_start3A_232 : memref<1x1600x16xf32, #tpu.memory_space<vmem>> -> memref<1600x16xf32, #tpu.memory_space<vmem>>
    %dma_start3A_234 = arith.constant 1104 : i32
    %dma_start3A_235 = arith.constant 0 : i32
    %dma_start3A_236 = tpu.memref_slice %dma_start3A_233[%dma_start3A_234, %dma_start3A_235] : memref<1600x16xf32, #tpu.memory_space<vmem>> -> memref<96x16xf32, #tpu.memory_space<vmem>>
    %dma_start3A_237 = arith.constant 0 : i32
    %dma_start3A_238 = arith.constant 0 : i32
    %dma_start3A_239 = tpu.memref_slice %arg7[%dma_start3A_227, %dma_start3A_237, %dma_start3A_238] : memref<2x8x200xi32, #tpu.memory_space<vmem>> -> memref<1x8x200xi32, #tpu.memory_space<vmem>>
    %dma_start3A_240 = tpu.memref_squeeze %dma_start3A_239 : memref<1x8x200xi32, #tpu.memory_space<vmem>> -> memref<8x200xi32, #tpu.memory_space<vmem>>
    %dma_start3A_241 = arith.constant 104 : i32
    %dma_start3A_242 = tpu.memref_slice %dma_start3A_240[%dma_start3A_228, %dma_start3A_241] : memref<8x200xi32, #tpu.memory_space<vmem>> -> memref<1x96xi32, #tpu.memory_space<vmem>>
    %dma_start3A_243 = tpu.memref_squeeze %dma_start3A_242 : memref<1x96xi32, #tpu.memory_space<vmem>> -> memref<96xi32, #tpu.memory_space<vmem>>
    %dma_start3A_244 = arith.constant 0 : i32
    %dma_start3A_245 = arith.constant 0 : i32
    %dma_start3A_246 = tpu.memref_slice %arg2[%dma_start3A_244, %dma_start3A_245] : memref<1000000x16xf32, #tpu.memory_space<hbm>> -> memref<1000000x16xf32, #tpu.memory_space<hbm>>
    tpu.enqueue_indirect_dma source(%dma_start3A_246 : memref<1000000x16xf32, #tpu.memory_space<hbm>>) target(%dma_start3A_236 : memref<96x16xf32, #tpu.memory_space<vmem>>) offsets(%dma_start3A_243 : memref<96xi32, #tpu.memory_space<vmem>>) semaphore(%arg12 : memref<!tpu.dma_semaphore, #tpu.memory_space<semaphore_mem>>)
    %dma_start3A_247 = arith.constant 0 : i32
    %dma_start3A_248 = arith.constant 6 : i32
    %dma_start3A_249 = arith.constant 0 : i32
    %dma_start3A_250 = arith.constant 0 : i32
    %dma_start3A_251 = arith.constant 0 : i32
    %dma_start3A_252 = tpu.memref_slice %arg8[%dma_start3A_249, %dma_start3A_250, %dma_start3A_251] : memref<2x1600x16xf32, #tpu.memory_space<vmem>> -> memref<1x1600x16xf32, #tpu.memory_space<vmem>>
    %dma_start3A_253 = tpu.memref_squeeze %dma_start3A_252 : memref<1x1600x16xf32, #tpu.memory_space<vmem>> -> memref<1600x16xf32, #tpu.memory_space<vmem>>
    %dma_start3A_254 = arith.constant 1200 : i32
    %dma_start3A_255 = arith.constant 0 : i32
    %dma_start3A_256 = tpu.memref_slice %dma_start3A_253[%dma_start3A_254, %dma_start3A_255] : memref<1600x16xf32, #tpu.memory_space<vmem>> -> memref<104x16xf32, #tpu.memory_space<vmem>>
    %dma_start3A_257 = arith.constant 0 : i32
    %dma_start3A_258 = arith.constant 0 : i32
    %dma_start3A_259 = tpu.memref_slice %arg7[%dma_start3A_247, %dma_start3A_257, %dma_start3A_258] : memref<2x8x200xi32, #tpu.memory_space<vmem>> -> memref<1x8x200xi32, #tpu.memory_space<vmem>>
    %dma_start3A_260 = tpu.memref_squeeze %dma_start3A_259 : memref<1x8x200xi32, #tpu.memory_space<vmem>> -> memref<8x200xi32, #tpu.memory_space<vmem>>
    %dma_start3A_261 = arith.constant 0 : i32
    %dma_start3A_262 = tpu.memref_slice %dma_start3A_260[%dma_start3A_248, %dma_start3A_261] : memref<8x200xi32, #tpu.memory_space<vmem>> -> memref<1x104xi32, #tpu.memory_space<vmem>>
    %dma_start3A_263 = tpu.memref_squeeze %dma_start3A_262 : memref<1x104xi32, #tpu.memory_space<vmem>> -> memref<104xi32, #tpu.memory_space<vmem>>
    %dma_start3A_264 = arith.constant 0 : i32
    %dma_start3A_265 = arith.constant 0 : i32
    %dma_start3A_266 = tpu.memref_slice %arg2[%dma_start3A_264, %dma_start3A_265] : memref<1000000x16xf32, #tpu.memory_space<hbm>> -> memref<1000000x16xf32, #tpu.memory_space<hbm>>
    tpu.enqueue_indirect_dma source(%dma_start3A_266 : memref<1000000x16xf32, #tpu.memory_space<hbm>>) target(%dma_start3A_256 : memref<104x16xf32, #tpu.memory_space<vmem>>) offsets(%dma_start3A_263 : memref<104xi32, #tpu.memory_space<vmem>>) semaphore(%arg12 : memref<!tpu.dma_semaphore, #tpu.memory_space<semaphore_mem>>)
    %dma_start3A_267 = arith.constant 0 : i32
    %dma_start3A_268 = arith.constant 6 : i32
    %dma_start3A_269 = arith.constant 0 : i32
    %dma_start3A_270 = arith.constant 0 : i32
    %dma_start3A_271 = arith.constant 0 : i32
    %dma_start3A_272 = tpu.memref_slice %arg8[%dma_start3A_269, %dma_start3A_270, %dma_start3A_271] : memref<2x1600x16xf32, #tpu.memory_space<vmem>> -> memref<1x1600x16xf32, #tpu.memory_space<vmem>>
    %dma_start3A_273 = tpu.memref_squeeze %dma_start3A_272 : memref<1x1600x16xf32, #tpu.memory_space<vmem>> -> memref<1600x16xf32, #tpu.memory_space<vmem>>
    %dma_start3A_274 = arith.constant 1304 : i32
    %dma_start3A_275 = arith.constant 0 : i32
    %dma_start3A_276 = tpu.memref_slice %dma_start3A_273[%dma_start3A_274, %dma_start3A_275] : memref<1600x16xf32, #tpu.memory_space<vmem>> -> memref<96x16xf32, #tpu.memory_space<vmem>>
    %dma_start3A_277 = arith.constant 0 : i32
    %dma_start3A_278 = arith.constant 0 : i32
    %dma_start3A_279 = tpu.memref_slice %arg7[%dma_start3A_267, %dma_start3A_277, %dma_start3A_278] : memref<2x8x200xi32, #tpu.memory_space<vmem>> -> memref<1x8x200xi32, #tpu.memory_space<vmem>>
    %dma_start3A_280 = tpu.memref_squeeze %dma_start3A_279 : memref<1x8x200xi32, #tpu.memory_space<vmem>> -> memref<8x200xi32, #tpu.memory_space<vmem>>
    %dma_start3A_281 = arith.constant 104 : i32
    %dma_start3A_282 = tpu.memref_slice %dma_start3A_280[%dma_start3A_268, %dma_start3A_281] : memref<8x200xi32, #tpu.memory_space<vmem>> -> memref<1x96xi32, #tpu.memory_space<vmem>>
    %dma_start3A_283 = tpu.memref_squeeze %dma_start3A_282 : memref<1x96xi32, #tpu.memory_space<vmem>> -> memref<96xi32, #tpu.memory_space<vmem>>
    %dma_start3A_284 = arith.constant 0 : i32
    %dma_start3A_285 = arith.constant 0 : i32
    %dma_start3A_286 = tpu.memref_slice %arg2[%dma_start3A_284, %dma_start3A_285] : memref<1000000x16xf32, #tpu.memory_space<hbm>> -> memref<1000000x16xf32, #tpu.memory_space<hbm>>
    tpu.enqueue_indirect_dma source(%dma_start3A_286 : memref<1000000x16xf32, #tpu.memory_space<hbm>>) target(%dma_start3A_276 : memref<96x16xf32, #tpu.memory_space<vmem>>) offsets(%dma_start3A_283 : memref<96xi32, #tpu.memory_space<vmem>>) semaphore(%arg12 : memref<!tpu.dma_semaphore, #tpu.memory_space<semaphore_mem>>)
    %dma_start3A_287 = arith.constant 0 : i32
    %dma_start3A_288 = arith.constant 7 : i32
    %dma_start3A_289 = arith.constant 0 : i32
    %dma_start3A_290 = arith.constant 0 : i32
    %dma_start3A_291 = arith.constant 0 : i32
    %dma_start3A_292 = tpu.memref_slice %arg8[%dma_start3A_289, %dma_start3A_290, %dma_start3A_291] : memref<2x1600x16xf32, #tpu.memory_space<vmem>> -> memref<1x1600x16xf32, #tpu.memory_space<vmem>>
    %dma_start3A_293 = tpu.memref_squeeze %dma_start3A_292 : memref<1x1600x16xf32, #tpu.memory_space<vmem>> -> memref<1600x16xf32, #tpu.memory_space<vmem>>
    %dma_start3A_294 = arith.constant 1400 : i32
    %dma_start3A_295 = arith.constant 0 : i32
    %dma_start3A_296 = tpu.memref_slice %dma_start3A_293[%dma_start3A_294, %dma_start3A_295] : memref<1600x16xf32, #tpu.memory_space<vmem>> -> memref<104x16xf32, #tpu.memory_space<vmem>>
    %dma_start3A_297 = arith.constant 0 : i32
    %dma_start3A_298 = arith.constant 0 : i32
    %dma_start3A_299 = tpu.memref_slice %arg7[%dma_start3A_287, %dma_start3A_297, %dma_start3A_298] : memref<2x8x200xi32, #tpu.memory_space<vmem>> -> memref<1x8x200xi32, #tpu.memory_space<vmem>>
    %dma_start3A_300 = tpu.memref_squeeze %dma_start3A_299 : memref<1x8x200xi32, #tpu.memory_space<vmem>> -> memref<8x200xi32, #tpu.memory_space<vmem>>
    %dma_start3A_301 = arith.constant 0 : i32
    %dma_start3A_302 = tpu.memref_slice %dma_start3A_300[%dma_start3A_288, %dma_start3A_301] : memref<8x200xi32, #tpu.memory_space<vmem>> -> memref<1x104xi32, #tpu.memory_space<vmem>>
    %dma_start3A_303 = tpu.memref_squeeze %dma_start3A_302 : memref<1x104xi32, #tpu.memory_space<vmem>> -> memref<104xi32, #tpu.memory_space<vmem>>
    %dma_start3A_304 = arith.constant 0 : i32
    %dma_start3A_305 = arith.constant 0 : i32
    %dma_start3A_306 = tpu.memref_slice %arg2[%dma_start3A_304, %dma_start3A_305] : memref<1000000x16xf32, #tpu.memory_space<hbm>> -> memref<1000000x16xf32, #tpu.memory_space<hbm>>
    tpu.enqueue_indirect_dma source(%dma_start3A_306 : memref<1000000x16xf32, #tpu.memory_space<hbm>>) target(%dma_start3A_296 : memref<104x16xf32, #tpu.memory_space<vmem>>) offsets(%dma_start3A_303 : memref<104xi32, #tpu.memory_space<vmem>>) semaphore(%arg12 : memref<!tpu.dma_semaphore, #tpu.memory_space<semaphore_mem>>)
    %dma_start3A_307 = arith.constant 0 : i32
    %dma_start3A_308 = arith.constant 7 : i32
    %dma_start3A_309 = arith.constant 0 : i32
    %dma_start3A_310 = arith.constant 0 : i32
    %dma_start3A_311 = arith.constant 0 : i32
    %dma_start3A_312 = tpu.memref_slice %arg8[%dma_start3A_309, %dma_start3A_310, %dma_start3A_311] : memref<2x1600x16xf32, #tpu.memory_space<vmem>> -> memref<1x1600x16xf32, #tpu.memory_space<vmem>>
    %dma_start3A_313 = tpu.memref_squeeze %dma_start3A_312 : memref<1x1600x16xf32, #tpu.memory_space<vmem>> -> memref<1600x16xf32, #tpu.memory_space<vmem>>
    %dma_start3A_314 = arith.constant 1504 : i32
    %dma_start3A_315 = arith.constant 0 : i32
    %dma_start3A_316 = tpu.memref_slice %dma_start3A_313[%dma_start3A_314, %dma_start3A_315] : memref<1600x16xf32, #tpu.memory_space<vmem>> -> memref<96x16xf32, #tpu.memory_space<vmem>>
    %dma_start3A_317 = arith.constant 0 : i32
    %dma_start3A_318 = arith.constant 0 : i32
    %dma_start3A_319 = tpu.memref_slice %arg7[%dma_start3A_307, %dma_start3A_317, %dma_start3A_318] : memref<2x8x200xi32, #tpu.memory_space<vmem>> -> memref<1x8x200xi32, #tpu.memory_space<vmem>>
    %dma_start3A_320 = tpu.memref_squeeze %dma_start3A_319 : memref<1x8x200xi32, #tpu.memory_space<vmem>> -> memref<8x200xi32, #tpu.memory_space<vmem>>
    %dma_start3A_321 = arith.constant 104 : i32
    %dma_start3A_322 = tpu.memref_slice %dma_start3A_320[%dma_start3A_308, %dma_start3A_321] : memref<8x200xi32, #tpu.memory_space<vmem>> -> memref<1x96xi32, #tpu.memory_space<vmem>>
    %dma_start3A_323 = tpu.memref_squeeze %dma_start3A_322 : memref<1x96xi32, #tpu.memory_space<vmem>> -> memref<96xi32, #tpu.memory_space<vmem>>
    %dma_start3A_324 = arith.constant 0 : i32
    %dma_start3A_325 = arith.constant 0 : i32
    %dma_start3A_326 = tpu.memref_slice %arg2[%dma_start3A_324, %dma_start3A_325] : memref<1000000x16xf32, #tpu.memory_space<hbm>> -> memref<1000000x16xf32, #tpu.memory_space<hbm>>
    tpu.enqueue_indirect_dma source(%dma_start3A_326 : memref<1000000x16xf32, #tpu.memory_space<hbm>>) target(%dma_start3A_316 : memref<96x16xf32, #tpu.memory_space<vmem>>) offsets(%dma_start3A_323 : memref<96xi32, #tpu.memory_space<vmem>>) semaphore(%arg12 : memref<!tpu.dma_semaphore, #tpu.memory_space<semaphore_mem>>)
    %scan3A = arith.constant 0 : i32
    %scan3A_327 = arith.constant 0 : i32
    %scan3A_328 = arith.constant 32 : i32
    %scan3A_329 = arith.addi %scan3A_327, %scan3A_328 : i32
    %scan3A_330 = arith.constant 1 : i32
    scf.for %scan3A_332 = %scan3A_327 to %scan3A_329 step %scan3A_330  : i32 {
      %mul3A_333 = arith.constant 2 : i32
      %mul3A_334 = arith.muli %mul3A_333, %scan3A_332 : i32
      %add3A_335 = arith.constant 1 : i32
      %add3A_336 = arith.addi %mul3A_334, %add3A_335 : i32
      %mul3A_337 = arith.constant 512 : i32
      %mul3A_338 = arith.muli %add3A, %mul3A_337 : i32
      %mul3A_339 = arith.constant 8 : i32
      %mul3A_340 = arith.muli %add3A_336, %mul3A_339 : i32
      %add3A_341 = arith.addi %mul3A_338, %mul3A_340 : i32
      %multiple_of3A_342 = tpu.assume_multiple %add3A_341, 8 : i32
      %run_scoped3A_343 = arith.constant 1 : i32
      "tpu.region"() ({
        %run_scoped3A_1783 = tpu.sem_alloc : memref<!tpu.dma_semaphore, #tpu.memory_space<semaphore_mem>>
        %dma_start3A_1784 = arith.constant 0 : i32
        %dma_start3A_1785 = arith.constant 0 : i32
        %dma_start3A_1786 = tpu.memref_slice %arg7[%run_scoped3A_343, %dma_start3A_1784, %dma_start3A_1785] : memref<2x8x200xi32, #tpu.memory_space<vmem>> -> memref<1x8x200xi32, #tpu.memory_space<vmem>>
        %dma_start3A_1787 = tpu.memref_squeeze %dma_start3A_1786 : memref<1x8x200xi32, #tpu.memory_space<vmem>> -> memref<8x200xi32, #tpu.memory_space<vmem>>
        %dma_start3A_1788 = arith.constant 0 : i32
        %dma_start3A_1789 = tpu.memref_slice %arg3[%multiple_of3A_342, %dma_start3A_1788] : memref<16384x200xi32, #tpu.memory_space<hbm>> -> memref<8x200xi32, #tpu.memory_space<hbm>>
        %dma_start3A_1790 = arith.constant 0 : i32
        %dma_start3A_1791 = arith.constant 0 : i32
        %dma_start3A_1792 = tpu.memref_slice %arg7[%run_scoped3A_343, %dma_start3A_1790, %dma_start3A_1791] : memref<2x8x200xi32, #tpu.memory_space<vmem>> -> memref<1x8x200xi32, #tpu.memory_space<vmem>>
        %dma_start3A_1793 = tpu.memref_squeeze %dma_start3A_1792 : memref<1x8x200xi32, #tpu.memory_space<vmem>> -> memref<8x200xi32, #tpu.memory_space<vmem>>
        %dma_start3A_1794 = arith.constant 0 : i32
        %dma_start3A_1795 = tpu.memref_slice %arg3[%multiple_of3A_342, %dma_start3A_1794] : memref<16384x200xi32, #tpu.memory_space<hbm>> -> memref<8x200xi32, #tpu.memory_space<hbm>>
        tpu.enqueue_dma source(%dma_start3A_1795 : memref<8x200xi32, #tpu.memory_space<hbm>>) target(%dma_start3A_1793 : memref<8x200xi32, #tpu.memory_space<vmem>>) target_semaphore(%run_scoped3A_1783 : memref<!tpu.dma_semaphore, #tpu.memory_space<semaphore_mem>>)
        %dma_wait3A_1796 = arith.constant 0 : i32
        %dma_wait3A_1797 = arith.constant 0 : i32
        %dma_wait3A_1798 = tpu.memref_slice %arg7[%run_scoped3A_343, %dma_wait3A_1796, %dma_wait3A_1797] : memref<2x8x200xi32, #tpu.memory_space<vmem>> -> memref<1x8x200xi32, #tpu.memory_space<vmem>>
        %dma_wait3A_1799 = tpu.memref_squeeze %dma_wait3A_1798 : memref<1x8x200xi32, #tpu.memory_space<vmem>> -> memref<8x200xi32, #tpu.memory_space<vmem>>
        %dma_wait3A_1800 = arith.constant 0 : i32
        %dma_wait3A_1801 = tpu.memref_slice %arg3[%multiple_of3A_342, %dma_wait3A_1800] : memref<16384x200xi32, #tpu.memory_space<hbm>> -> memref<8x200xi32, #tpu.memory_space<hbm>>
        %dma_wait3A_1802 = arith.constant 0 : i32
        %dma_wait3A_1803 = arith.constant 0 : i32
        %dma_wait3A_1804 = tpu.memref_slice %arg7[%run_scoped3A_343, %dma_wait3A_1802, %dma_wait3A_1803] : memref<2x8x200xi32, #tpu.memory_space<vmem>> -> memref<1x8x200xi32, #tpu.memory_space<vmem>>
        %dma_wait3A_1805 = tpu.memref_squeeze %dma_wait3A_1804 : memref<1x8x200xi32, #tpu.memory_space<vmem>> -> memref<8x200xi32, #tpu.memory_space<vmem>>
        %dma_wait3A_1806 = arith.constant 0 : i32
        %dma_wait3A_1807 = tpu.memref_slice %arg3[%multiple_of3A_342, %dma_wait3A_1806] : memref<16384x200xi32, #tpu.memory_space<hbm>> -> memref<8x200xi32, #tpu.memory_space<hbm>>
        tpu.wait_dma2 semaphore(%run_scoped3A_1783 : memref<!tpu.dma_semaphore, #tpu.memory_space<semaphore_mem>>) src(%dma_wait3A_1807 : memref<8x200xi32, #tpu.memory_space<hbm>>) dst(%dma_wait3A_1805 : memref<8x200xi32, #tpu.memory_space<vmem>>)
        tpu.yield
      }) : () -> ()
      %dma_start3A_344 = arith.constant 1 : i32
      %dma_start3A_345 = arith.constant 0 : i32
      %dma_start3A_346 = arith.constant 1 : i32
      %dma_start3A_347 = arith.constant 0 : i32
      %dma_start3A_348 = arith.constant 0 : i32
      %dma_start3A_349 = tpu.memref_slice %arg8[%dma_start3A_346, %dma_start3A_347, %dma_start3A_348] : memref<2x1600x16xf32, #tpu.memory_space<vmem>> -> memref<1x1600x16xf32, #tpu.memory_space<vmem>>
      %dma_start3A_350 = tpu.memref_squeeze %dma_start3A_349 : memref<1x1600x16xf32, #tpu.memory_space<vmem>> -> memref<1600x16xf32, #tpu.memory_space<vmem>>
      %dma_start3A_351 = arith.constant 0 : i32
      %dma_start3A_352 = arith.constant 0 : i32
      %dma_start3A_353 = tpu.memref_slice %dma_start3A_350[%dma_start3A_351, %dma_start3A_352] : memref<1600x16xf32, #tpu.memory_space<vmem>> -> memref<104x16xf32, #tpu.memory_space<vmem>>
      %dma_start3A_354 = arith.constant 0 : i32
      %dma_start3A_355 = arith.constant 0 : i32
      %dma_start3A_356 = tpu.memref_slice %arg7[%dma_start3A_344, %dma_start3A_354, %dma_start3A_355] : memref<2x8x200xi32, #tpu.memory_space<vmem>> -> memref<1x8x200xi32, #tpu.memory_space<vmem>>
      %dma_start3A_357 = tpu.memref_squeeze %dma_start3A_356 : memref<1x8x200xi32, #tpu.memory_space<vmem>> -> memref<8x200xi32, #tpu.memory_space<vmem>>
      %dma_start3A_358 = arith.constant 0 : i32
      %dma_start3A_359 = tpu.memref_slice %dma_start3A_357[%dma_start3A_345, %dma_start3A_358] : memref<8x200xi32, #tpu.memory_space<vmem>> -> memref<1x104xi32, #tpu.memory_space<vmem>>
      %dma_start3A_360 = tpu.memref_squeeze %dma_start3A_359 : memref<1x104xi32, #tpu.memory_space<vmem>> -> memref<104xi32, #tpu.memory_space<vmem>>
      %dma_start3A_361 = arith.constant 0 : i32
      %dma_start3A_362 = arith.constant 0 : i32
      %dma_start3A_363 = tpu.memref_slice %arg2[%dma_start3A_361, %dma_start3A_362] : memref<1000000x16xf32, #tpu.memory_space<hbm>> -> memref<1000000x16xf32, #tpu.memory_space<hbm>>
      tpu.enqueue_indirect_dma source(%dma_start3A_363 : memref<1000000x16xf32, #tpu.memory_space<hbm>>) target(%dma_start3A_353 : memref<104x16xf32, #tpu.memory_space<vmem>>) offsets(%dma_start3A_360 : memref<104xi32, #tpu.memory_space<vmem>>) semaphore(%arg13 : memref<!tpu.dma_semaphore, #tpu.memory_space<semaphore_mem>>)
      %dma_start3A_364 = arith.constant 1 : i32
      %dma_start3A_365 = arith.constant 0 : i32
      %dma_start3A_366 = arith.constant 1 : i32
      %dma_start3A_367 = arith.constant 0 : i32
      %dma_start3A_368 = arith.constant 0 : i32
      %dma_start3A_369 = tpu.memref_slice %arg8[%dma_start3A_366, %dma_start3A_367, %dma_start3A_368] : memref<2x1600x16xf32, #tpu.memory_space<vmem>> -> memref<1x1600x16xf32, #tpu.memory_space<vmem>>
      %dma_start3A_370 = tpu.memref_squeeze %dma_start3A_369 : memref<1x1600x16xf32, #tpu.memory_space<vmem>> -> memref<1600x16xf32, #tpu.memory_space<vmem>>
      %dma_start3A_371 = arith.constant 104 : i32
      %dma_start3A_372 = arith.constant 0 : i32
      %dma_start3A_373 = tpu.memref_slice %dma_start3A_370[%dma_start3A_371, %dma_start3A_372] : memref<1600x16xf32, #tpu.memory_space<vmem>> -> memref<96x16xf32, #tpu.memory_space<vmem>>
      %dma_start3A_374 = arith.constant 0 : i32
      %dma_start3A_375 = arith.constant 0 : i32
      %dma_start3A_376 = tpu.memref_slice %arg7[%dma_start3A_364, %dma_start3A_374, %dma_start3A_375] : memref<2x8x200xi32, #tpu.memory_space<vmem>> -> memref<1x8x200xi32, #tpu.memory_space<vmem>>
      %dma_start3A_377 = tpu.memref_squeeze %dma_start3A_376 : memref<1x8x200xi32, #tpu.memory_space<vmem>> -> memref<8x200xi32, #tpu.memory_space<vmem>>
      %dma_start3A_378 = arith.constant 104 : i32
      %dma_start3A_379 = tpu.memref_slice %dma_start3A_377[%dma_start3A_365, %dma_start3A_378] : memref<8x200xi32, #tpu.memory_space<vmem>> -> memref<1x96xi32, #tpu.memory_space<vmem>>
      %dma_start3A_380 = tpu.memref_squeeze %dma_start3A_379 : memref<1x96xi32, #tpu.memory_space<vmem>> -> memref<96xi32, #tpu.memory_space<vmem>>
      %dma_start3A_381 = arith.constant 0 : i32
      %dma_start3A_382 = arith.constant 0 : i32
      %dma_start3A_383 = tpu.memref_slice %arg2[%dma_start3A_381, %dma_start3A_382] : memref<1000000x16xf32, #tpu.memory_space<hbm>> -> memref<1000000x16xf32, #tpu.memory_space<hbm>>
      tpu.enqueue_indirect_dma source(%dma_start3A_383 : memref<1000000x16xf32, #tpu.memory_space<hbm>>) target(%dma_start3A_373 : memref<96x16xf32, #tpu.memory_space<vmem>>) offsets(%dma_start3A_380 : memref<96xi32, #tpu.memory_space<vmem>>) semaphore(%arg13 : memref<!tpu.dma_semaphore, #tpu.memory_space<semaphore_mem>>)
      %dma_start3A_384 = arith.constant 1 : i32
      %dma_start3A_385 = arith.constant 1 : i32
      %dma_start3A_386 = arith.constant 1 : i32
      %dma_start3A_387 = arith.constant 0 : i32
      %dma_start3A_388 = arith.constant 0 : i32
      %dma_start3A_389 = tpu.memref_slice %arg8[%dma_start3A_386, %dma_start3A_387, %dma_start3A_388] : memref<2x1600x16xf32, #tpu.memory_space<vmem>> -> memref<1x1600x16xf32, #tpu.memory_space<vmem>>
      %dma_start3A_390 = tpu.memref_squeeze %dma_start3A_389 : memref<1x1600x16xf32, #tpu.memory_space<vmem>> -> memref<1600x16xf32, #tpu.memory_space<vmem>>
      %dma_start3A_391 = arith.constant 200 : i32
      %dma_start3A_392 = arith.constant 0 : i32
      %dma_start3A_393 = tpu.memref_slice %dma_start3A_390[%dma_start3A_391, %dma_start3A_392] : memref<1600x16xf32, #tpu.memory_space<vmem>> -> memref<104x16xf32, #tpu.memory_space<vmem>>
      %dma_start3A_394 = arith.constant 0 : i32
      %dma_start3A_395 = arith.constant 0 : i32
      %dma_start3A_396 = tpu.memref_slice %arg7[%dma_start3A_384, %dma_start3A_394, %dma_start3A_395] : memref<2x8x200xi32, #tpu.memory_space<vmem>> -> memref<1x8x200xi32, #tpu.memory_space<vmem>>
      %dma_start3A_397 = tpu.memref_squeeze %dma_start3A_396 : memref<1x8x200xi32, #tpu.memory_space<vmem>> -> memref<8x200xi32, #tpu.memory_space<vmem>>
      %dma_start3A_398 = arith.constant 0 : i32
      %dma_start3A_399 = tpu.memref_slice %dma_start3A_397[%dma_start3A_385, %dma_start3A_398] : memref<8x200xi32, #tpu.memory_space<vmem>> -> memref<1x104xi32, #tpu.memory_space<vmem>>
      %dma_start3A_400 = tpu.memref_squeeze %dma_start3A_399 : memref<1x104xi32, #tpu.memory_space<vmem>> -> memref<104xi32, #tpu.memory_space<vmem>>
      %dma_start3A_401 = arith.constant 0 : i32
      %dma_start3A_402 = arith.constant 0 : i32
      %dma_start3A_403 = tpu.memref_slice %arg2[%dma_start3A_401, %dma_start3A_402] : memref<1000000x16xf32, #tpu.memory_space<hbm>> -> memref<1000000x16xf32, #tpu.memory_space<hbm>>
      tpu.enqueue_indirect_dma source(%dma_start3A_403 : memref<1000000x16xf32, #tpu.memory_space<hbm>>) target(%dma_start3A_393 : memref<104x16xf32, #tpu.memory_space<vmem>>) offsets(%dma_start3A_400 : memref<104xi32, #tpu.memory_space<vmem>>) semaphore(%arg13 : memref<!tpu.dma_semaphore, #tpu.memory_space<semaphore_mem>>)
      %dma_start3A_404 = arith.constant 1 : i32
      %dma_start3A_405 = arith.constant 1 : i32
      %dma_start3A_406 = arith.constant 1 : i32
      %dma_start3A_407 = arith.constant 0 : i32
      %dma_start3A_408 = arith.constant 0 : i32
      %dma_start3A_409 = tpu.memref_slice %arg8[%dma_start3A_406, %dma_start3A_407, %dma_start3A_408] : memref<2x1600x16xf32, #tpu.memory_space<vmem>> -> memref<1x1600x16xf32, #tpu.memory_space<vmem>>
      %dma_start3A_410 = tpu.memref_squeeze %dma_start3A_409 : memref<1x1600x16xf32, #tpu.memory_space<vmem>> -> memref<1600x16xf32, #tpu.memory_space<vmem>>
      %dma_start3A_411 = arith.constant 304 : i32
      %dma_start3A_412 = arith.constant 0 : i32
      %dma_start3A_413 = tpu.memref_slice %dma_start3A_410[%dma_start3A_411, %dma_start3A_412] : memref<1600x16xf32, #tpu.memory_space<vmem>> -> memref<96x16xf32, #tpu.memory_space<vmem>>
      %dma_start3A_414 = arith.constant 0 : i32
      %dma_start3A_415 = arith.constant 0 : i32
      %dma_start3A_416 = tpu.memref_slice %arg7[%dma_start3A_404, %dma_start3A_414, %dma_start3A_415] : memref<2x8x200xi32, #tpu.memory_space<vmem>> -> memref<1x8x200xi32, #tpu.memory_space<vmem>>
      %dma_start3A_417 = tpu.memref_squeeze %dma_start3A_416 : memref<1x8x200xi32, #tpu.memory_space<vmem>> -> memref<8x200xi32, #tpu.memory_space<vmem>>
      %dma_start3A_418 = arith.constant 104 : i32
      %dma_start3A_419 = tpu.memref_slice %dma_start3A_417[%dma_start3A_405, %dma_start3A_418] : memref<8x200xi32, #tpu.memory_space<vmem>> -> memref<1x96xi32, #tpu.memory_space<vmem>>
      %dma_start3A_420 = tpu.memref_squeeze %dma_start3A_419 : memref<1x96xi32, #tpu.memory_space<vmem>> -> memref<96xi32, #tpu.memory_space<vmem>>
      %dma_start3A_421 = arith.constant 0 : i32
      %dma_start3A_422 = arith.constant 0 : i32
      %dma_start3A_423 = tpu.memref_slice %arg2[%dma_start3A_421, %dma_start3A_422] : memref<1000000x16xf32, #tpu.memory_space<hbm>> -> memref<1000000x16xf32, #tpu.memory_space<hbm>>
      tpu.enqueue_indirect_dma source(%dma_start3A_423 : memref<1000000x16xf32, #tpu.memory_space<hbm>>) target(%dma_start3A_413 : memref<96x16xf32, #tpu.memory_space<vmem>>) offsets(%dma_start3A_420 : memref<96xi32, #tpu.memory_space<vmem>>) semaphore(%arg13 : memref<!tpu.dma_semaphore, #tpu.memory_space<semaphore_mem>>)
      %dma_start3A_424 = arith.constant 1 : i32
      %dma_start3A_425 = arith.constant 2 : i32
      %dma_start3A_426 = arith.constant 1 : i32
      %dma_start3A_427 = arith.constant 0 : i32
      %dma_start3A_428 = arith.constant 0 : i32
      %dma_start3A_429 = tpu.memref_slice %arg8[%dma_start3A_426, %dma_start3A_427, %dma_start3A_428] : memref<2x1600x16xf32, #tpu.memory_space<vmem>> -> memref<1x1600x16xf32, #tpu.memory_space<vmem>>
      %dma_start3A_430 = tpu.memref_squeeze %dma_start3A_429 : memref<1x1600x16xf32, #tpu.memory_space<vmem>> -> memref<1600x16xf32, #tpu.memory_space<vmem>>
      %dma_start3A_431 = arith.constant 400 : i32
      %dma_start3A_432 = arith.constant 0 : i32
      %dma_start3A_433 = tpu.memref_slice %dma_start3A_430[%dma_start3A_431, %dma_start3A_432] : memref<1600x16xf32, #tpu.memory_space<vmem>> -> memref<104x16xf32, #tpu.memory_space<vmem>>
      %dma_start3A_434 = arith.constant 0 : i32
      %dma_start3A_435 = arith.constant 0 : i32
      %dma_start3A_436 = tpu.memref_slice %arg7[%dma_start3A_424, %dma_start3A_434, %dma_start3A_435] : memref<2x8x200xi32, #tpu.memory_space<vmem>> -> memref<1x8x200xi32, #tpu.memory_space<vmem>>
      %dma_start3A_437 = tpu.memref_squeeze %dma_start3A_436 : memref<1x8x200xi32, #tpu.memory_space<vmem>> -> memref<8x200xi32, #tpu.memory_space<vmem>>
      %dma_start3A_438 = arith.constant 0 : i32
      %dma_start3A_439 = tpu.memref_slice %dma_start3A_437[%dma_start3A_425, %dma_start3A_438] : memref<8x200xi32, #tpu.memory_space<vmem>> -> memref<1x104xi32, #tpu.memory_space<vmem>>
      %dma_start3A_440 = tpu.memref_squeeze %dma_start3A_439 : memref<1x104xi32, #tpu.memory_space<vmem>> -> memref<104xi32, #tpu.memory_space<vmem>>
      %dma_start3A_441 = arith.constant 0 : i32
      %dma_start3A_442 = arith.constant 0 : i32
      %dma_start3A_443 = tpu.memref_slice %arg2[%dma_start3A_441, %dma_start3A_442] : memref<1000000x16xf32, #tpu.memory_space<hbm>> -> memref<1000000x16xf32, #tpu.memory_space<hbm>>
      tpu.enqueue_indirect_dma source(%dma_start3A_443 : memref<1000000x16xf32, #tpu.memory_space<hbm>>) target(%dma_start3A_433 : memref<104x16xf32, #tpu.memory_space<vmem>>) offsets(%dma_start3A_440 : memref<104xi32, #tpu.memory_space<vmem>>) semaphore(%arg13 : memref<!tpu.dma_semaphore, #tpu.memory_space<semaphore_mem>>)
      %dma_start3A_444 = arith.constant 1 : i32
      %dma_start3A_445 = arith.constant 2 : i32
      %dma_start3A_446 = arith.constant 1 : i32
      %dma_start3A_447 = arith.constant 0 : i32
      %dma_start3A_448 = arith.constant 0 : i32
      %dma_start3A_449 = tpu.memref_slice %arg8[%dma_start3A_446, %dma_start3A_447, %dma_start3A_448] : memref<2x1600x16xf32, #tpu.memory_space<vmem>> -> memref<1x1600x16xf32, #tpu.memory_space<vmem>>
      %dma_start3A_450 = tpu.memref_squeeze %dma_start3A_449 : memref<1x1600x16xf32, #tpu.memory_space<vmem>> -> memref<1600x16xf32, #tpu.memory_space<vmem>>
      %dma_start3A_451 = arith.constant 504 : i32
      %dma_start3A_452 = arith.constant 0 : i32
      %dma_start3A_453 = tpu.memref_slice %dma_start3A_450[%dma_start3A_451, %dma_start3A_452] : memref<1600x16xf32, #tpu.memory_space<vmem>> -> memref<96x16xf32, #tpu.memory_space<vmem>>
      %dma_start3A_454 = arith.constant 0 : i32
      %dma_start3A_455 = arith.constant 0 : i32
      %dma_start3A_456 = tpu.memref_slice %arg7[%dma_start3A_444, %dma_start3A_454, %dma_start3A_455] : memref<2x8x200xi32, #tpu.memory_space<vmem>> -> memref<1x8x200xi32, #tpu.memory_space<vmem>>
      %dma_start3A_457 = tpu.memref_squeeze %dma_start3A_456 : memref<1x8x200xi32, #tpu.memory_space<vmem>> -> memref<8x200xi32, #tpu.memory_space<vmem>>
      %dma_start3A_458 = arith.constant 104 : i32
      %dma_start3A_459 = tpu.memref_slice %dma_start3A_457[%dma_start3A_445, %dma_start3A_458] : memref<8x200xi32, #tpu.memory_space<vmem>> -> memref<1x96xi32, #tpu.memory_space<vmem>>
      %dma_start3A_460 = tpu.memref_squeeze %dma_start3A_459 : memref<1x96xi32, #tpu.memory_space<vmem>> -> memref<96xi32, #tpu.memory_space<vmem>>
      %dma_start3A_461 = arith.constant 0 : i32
      %dma_start3A_462 = arith.constant 0 : i32
      %dma_start3A_463 = tpu.memref_slice %arg2[%dma_start3A_461, %dma_start3A_462] : memref<1000000x16xf32, #tpu.memory_space<hbm>> -> memref<1000000x16xf32, #tpu.memory_space<hbm>>
      tpu.enqueue_indirect_dma source(%dma_start3A_463 : memref<1000000x16xf32, #tpu.memory_space<hbm>>) target(%dma_start3A_453 : memref<96x16xf32, #tpu.memory_space<vmem>>) offsets(%dma_start3A_460 : memref<96xi32, #tpu.memory_space<vmem>>) semaphore(%arg13 : memref<!tpu.dma_semaphore, #tpu.memory_space<semaphore_mem>>)
      %dma_start3A_464 = arith.constant 1 : i32
      %dma_start3A_465 = arith.constant 3 : i32
      %dma_start3A_466 = arith.constant 1 : i32
      %dma_start3A_467 = arith.constant 0 : i32
      %dma_start3A_468 = arith.constant 0 : i32
      %dma_start3A_469 = tpu.memref_slice %arg8[%dma_start3A_466, %dma_start3A_467, %dma_start3A_468] : memref<2x1600x16xf32, #tpu.memory_space<vmem>> -> memref<1x1600x16xf32, #tpu.memory_space<vmem>>
      %dma_start3A_470 = tpu.memref_squeeze %dma_start3A_469 : memref<1x1600x16xf32, #tpu.memory_space<vmem>> -> memref<1600x16xf32, #tpu.memory_space<vmem>>
      %dma_start3A_471 = arith.constant 600 : i32
      %dma_start3A_472 = arith.constant 0 : i32
      %dma_start3A_473 = tpu.memref_slice %dma_start3A_470[%dma_start3A_471, %dma_start3A_472] : memref<1600x16xf32, #tpu.memory_space<vmem>> -> memref<104x16xf32, #tpu.memory_space<vmem>>
      %dma_start3A_474 = arith.constant 0 : i32
      %dma_start3A_475 = arith.constant 0 : i32
      %dma_start3A_476 = tpu.memref_slice %arg7[%dma_start3A_464, %dma_start3A_474, %dma_start3A_475] : memref<2x8x200xi32, #tpu.memory_space<vmem>> -> memref<1x8x200xi32, #tpu.memory_space<vmem>>
      %dma_start3A_477 = tpu.memref_squeeze %dma_start3A_476 : memref<1x8x200xi32, #tpu.memory_space<vmem>> -> memref<8x200xi32, #tpu.memory_space<vmem>>
      %dma_start3A_478 = arith.constant 0 : i32
      %dma_start3A_479 = tpu.memref_slice %dma_start3A_477[%dma_start3A_465, %dma_start3A_478] : memref<8x200xi32, #tpu.memory_space<vmem>> -> memref<1x104xi32, #tpu.memory_space<vmem>>
      %dma_start3A_480 = tpu.memref_squeeze %dma_start3A_479 : memref<1x104xi32, #tpu.memory_space<vmem>> -> memref<104xi32, #tpu.memory_space<vmem>>
      %dma_start3A_481 = arith.constant 0 : i32
      %dma_start3A_482 = arith.constant 0 : i32
      %dma_start3A_483 = tpu.memref_slice %arg2[%dma_start3A_481, %dma_start3A_482] : memref<1000000x16xf32, #tpu.memory_space<hbm>> -> memref<1000000x16xf32, #tpu.memory_space<hbm>>
      tpu.enqueue_indirect_dma source(%dma_start3A_483 : memref<1000000x16xf32, #tpu.memory_space<hbm>>) target(%dma_start3A_473 : memref<104x16xf32, #tpu.memory_space<vmem>>) offsets(%dma_start3A_480 : memref<104xi32, #tpu.memory_space<vmem>>) semaphore(%arg13 : memref<!tpu.dma_semaphore, #tpu.memory_space<semaphore_mem>>)
      %dma_start3A_484 = arith.constant 1 : i32
      %dma_start3A_485 = arith.constant 3 : i32
      %dma_start3A_486 = arith.constant 1 : i32
      %dma_start3A_487 = arith.constant 0 : i32
      %dma_start3A_488 = arith.constant 0 : i32
      %dma_start3A_489 = tpu.memref_slice %arg8[%dma_start3A_486, %dma_start3A_487, %dma_start3A_488] : memref<2x1600x16xf32, #tpu.memory_space<vmem>> -> memref<1x1600x16xf32, #tpu.memory_space<vmem>>
      %dma_start3A_490 = tpu.memref_squeeze %dma_start3A_489 : memref<1x1600x16xf32, #tpu.memory_space<vmem>> -> memref<1600x16xf32, #tpu.memory_space<vmem>>
      %dma_start3A_491 = arith.constant 704 : i32
      %dma_start3A_492 = arith.constant 0 : i32
      %dma_start3A_493 = tpu.memref_slice %dma_start3A_490[%dma_start3A_491, %dma_start3A_492] : memref<1600x16xf32, #tpu.memory_space<vmem>> -> memref<96x16xf32, #tpu.memory_space<vmem>>
      %dma_start3A_494 = arith.constant 0 : i32
      %dma_start3A_495 = arith.constant 0 : i32
      %dma_start3A_496 = tpu.memref_slice %arg7[%dma_start3A_484, %dma_start3A_494, %dma_start3A_495] : memref<2x8x200xi32, #tpu.memory_space<vmem>> -> memref<1x8x200xi32, #tpu.memory_space<vmem>>
      %dma_start3A_497 = tpu.memref_squeeze %dma_start3A_496 : memref<1x8x200xi32, #tpu.memory_space<vmem>> -> memref<8x200xi32, #tpu.memory_space<vmem>>
      %dma_start3A_498 = arith.constant 104 : i32
      %dma_start3A_499 = tpu.memref_slice %dma_start3A_497[%dma_start3A_485, %dma_start3A_498] : memref<8x200xi32, #tpu.memory_space<vmem>> -> memref<1x96xi32, #tpu.memory_space<vmem>>
      %dma_start3A_500 = tpu.memref_squeeze %dma_start3A_499 : memref<1x96xi32, #tpu.memory_space<vmem>> -> memref<96xi32, #tpu.memory_space<vmem>>
      %dma_start3A_501 = arith.constant 0 : i32
      %dma_start3A_502 = arith.constant 0 : i32
      %dma_start3A_503 = tpu.memref_slice %arg2[%dma_start3A_501, %dma_start3A_502] : memref<1000000x16xf32, #tpu.memory_space<hbm>> -> memref<1000000x16xf32, #tpu.memory_space<hbm>>
      tpu.enqueue_indirect_dma source(%dma_start3A_503 : memref<1000000x16xf32, #tpu.memory_space<hbm>>) target(%dma_start3A_493 : memref<96x16xf32, #tpu.memory_space<vmem>>) offsets(%dma_start3A_500 : memref<96xi32, #tpu.memory_space<vmem>>) semaphore(%arg13 : memref<!tpu.dma_semaphore, #tpu.memory_space<semaphore_mem>>)
      %dma_start3A_504 = arith.constant 1 : i32
      %dma_start3A_505 = arith.constant 4 : i32
      %dma_start3A_506 = arith.constant 1 : i32
      %dma_start3A_507 = arith.constant 0 : i32
      %dma_start3A_508 = arith.constant 0 : i32
      %dma_start3A_509 = tpu.memref_slice %arg8[%dma_start3A_506, %dma_start3A_507, %dma_start3A_508] : memref<2x1600x16xf32, #tpu.memory_space<vmem>> -> memref<1x1600x16xf32, #tpu.memory_space<vmem>>
      %dma_start3A_510 = tpu.memref_squeeze %dma_start3A_509 : memref<1x1600x16xf32, #tpu.memory_space<vmem>> -> memref<1600x16xf32, #tpu.memory_space<vmem>>
      %dma_start3A_511 = arith.constant 800 : i32
      %dma_start3A_512 = arith.constant 0 : i32
      %dma_start3A_513 = tpu.memref_slice %dma_start3A_510[%dma_start3A_511, %dma_start3A_512] : memref<1600x16xf32, #tpu.memory_space<vmem>> -> memref<104x16xf32, #tpu.memory_space<vmem>>
      %dma_start3A_514 = arith.constant 0 : i32
      %dma_start3A_515 = arith.constant 0 : i32
      %dma_start3A_516 = tpu.memref_slice %arg7[%dma_start3A_504, %dma_start3A_514, %dma_start3A_515] : memref<2x8x200xi32, #tpu.memory_space<vmem>> -> memref<1x8x200xi32, #tpu.memory_space<vmem>>
      %dma_start3A_517 = tpu.memref_squeeze %dma_start3A_516 : memref<1x8x200xi32, #tpu.memory_space<vmem>> -> memref<8x200xi32, #tpu.memory_space<vmem>>
      %dma_start3A_518 = arith.constant 0 : i32
      %dma_start3A_519 = tpu.memref_slice %dma_start3A_517[%dma_start3A_505, %dma_start3A_518] : memref<8x200xi32, #tpu.memory_space<vmem>> -> memref<1x104xi32, #tpu.memory_space<vmem>>
      %dma_start3A_520 = tpu.memref_squeeze %dma_start3A_519 : memref<1x104xi32, #tpu.memory_space<vmem>> -> memref<104xi32, #tpu.memory_space<vmem>>
      %dma_start3A_521 = arith.constant 0 : i32
      %dma_start3A_522 = arith.constant 0 : i32
      %dma_start3A_523 = tpu.memref_slice %arg2[%dma_start3A_521, %dma_start3A_522] : memref<1000000x16xf32, #tpu.memory_space<hbm>> -> memref<1000000x16xf32, #tpu.memory_space<hbm>>
      tpu.enqueue_indirect_dma source(%dma_start3A_523 : memref<1000000x16xf32, #tpu.memory_space<hbm>>) target(%dma_start3A_513 : memref<104x16xf32, #tpu.memory_space<vmem>>) offsets(%dma_start3A_520 : memref<104xi32, #tpu.memory_space<vmem>>) semaphore(%arg13 : memref<!tpu.dma_semaphore, #tpu.memory_space<semaphore_mem>>)
      %dma_start3A_524 = arith.constant 1 : i32
      %dma_start3A_525 = arith.constant 4 : i32
      %dma_start3A_526 = arith.constant 1 : i32
      %dma_start3A_527 = arith.constant 0 : i32
      %dma_start3A_528 = arith.constant 0 : i32
      %dma_start3A_529 = tpu.memref_slice %arg8[%dma_start3A_526, %dma_start3A_527, %dma_start3A_528] : memref<2x1600x16xf32, #tpu.memory_space<vmem>> -> memref<1x1600x16xf32, #tpu.memory_space<vmem>>
      %dma_start3A_530 = tpu.memref_squeeze %dma_start3A_529 : memref<1x1600x16xf32, #tpu.memory_space<vmem>> -> memref<1600x16xf32, #tpu.memory_space<vmem>>
      %dma_start3A_531 = arith.constant 904 : i32
      %dma_start3A_532 = arith.constant 0 : i32
      %dma_start3A_533 = tpu.memref_slice %dma_start3A_530[%dma_start3A_531, %dma_start3A_532] : memref<1600x16xf32, #tpu.memory_space<vmem>> -> memref<96x16xf32, #tpu.memory_space<vmem>>
      %dma_start3A_534 = arith.constant 0 : i32
      %dma_start3A_535 = arith.constant 0 : i32
      %dma_start3A_536 = tpu.memref_slice %arg7[%dma_start3A_524, %dma_start3A_534, %dma_start3A_535] : memref<2x8x200xi32, #tpu.memory_space<vmem>> -> memref<1x8x200xi32, #tpu.memory_space<vmem>>
      %dma_start3A_537 = tpu.memref_squeeze %dma_start3A_536 : memref<1x8x200xi32, #tpu.memory_space<vmem>> -> memref<8x200xi32, #tpu.memory_space<vmem>>
      %dma_start3A_538 = arith.constant 104 : i32
      %dma_start3A_539 = tpu.memref_slice %dma_start3A_537[%dma_start3A_525, %dma_start3A_538] : memref<8x200xi32, #tpu.memory_space<vmem>> -> memref<1x96xi32, #tpu.memory_space<vmem>>
      %dma_start3A_540 = tpu.memref_squeeze %dma_start3A_539 : memref<1x96xi32, #tpu.memory_space<vmem>> -> memref<96xi32, #tpu.memory_space<vmem>>
      %dma_start3A_541 = arith.constant 0 : i32
      %dma_start3A_542 = arith.constant 0 : i32
      %dma_start3A_543 = tpu.memref_slice %arg2[%dma_start3A_541, %dma_start3A_542] : memref<1000000x16xf32, #tpu.memory_space<hbm>> -> memref<1000000x16xf32, #tpu.memory_space<hbm>>
      tpu.enqueue_indirect_dma source(%dma_start3A_543 : memref<1000000x16xf32, #tpu.memory_space<hbm>>) target(%dma_start3A_533 : memref<96x16xf32, #tpu.memory_space<vmem>>) offsets(%dma_start3A_540 : memref<96xi32, #tpu.memory_space<vmem>>) semaphore(%arg13 : memref<!tpu.dma_semaphore, #tpu.memory_space<semaphore_mem>>)
      %dma_start3A_544 = arith.constant 1 : i32
      %dma_start3A_545 = arith.constant 5 : i32
      %dma_start3A_546 = arith.constant 1 : i32
      %dma_start3A_547 = arith.constant 0 : i32
      %dma_start3A_548 = arith.constant 0 : i32
      %dma_start3A_549 = tpu.memref_slice %arg8[%dma_start3A_546, %dma_start3A_547, %dma_start3A_548] : memref<2x1600x16xf32, #tpu.memory_space<vmem>> -> memref<1x1600x16xf32, #tpu.memory_space<vmem>>
      %dma_start3A_550 = tpu.memref_squeeze %dma_start3A_549 : memref<1x1600x16xf32, #tpu.memory_space<vmem>> -> memref<1600x16xf32, #tpu.memory_space<vmem>>
      %dma_start3A_551 = arith.constant 1000 : i32
      %dma_start3A_552 = arith.constant 0 : i32
      %dma_start3A_553 = tpu.memref_slice %dma_start3A_550[%dma_start3A_551, %dma_start3A_552] : memref<1600x16xf32, #tpu.memory_space<vmem>> -> memref<104x16xf32, #tpu.memory_space<vmem>>
      %dma_start3A_554 = arith.constant 0 : i32
      %dma_start3A_555 = arith.constant 0 : i32
      %dma_start3A_556 = tpu.memref_slice %arg7[%dma_start3A_544, %dma_start3A_554, %dma_start3A_555] : memref<2x8x200xi32, #tpu.memory_space<vmem>> -> memref<1x8x200xi32, #tpu.memory_space<vmem>>
      %dma_start3A_557 = tpu.memref_squeeze %dma_start3A_556 : memref<1x8x200xi32, #tpu.memory_space<vmem>> -> memref<8x200xi32, #tpu.memory_space<vmem>>
      %dma_start3A_558 = arith.constant 0 : i32
      %dma_start3A_559 = tpu.memref_slice %dma_start3A_557[%dma_start3A_545, %dma_start3A_558] : memref<8x200xi32, #tpu.memory_space<vmem>> -> memref<1x104xi32, #tpu.memory_space<vmem>>
      %dma_start3A_560 = tpu.memref_squeeze %dma_start3A_559 : memref<1x104xi32, #tpu.memory_space<vmem>> -> memref<104xi32, #tpu.memory_space<vmem>>
      %dma_start3A_561 = arith.constant 0 : i32
      %dma_start3A_562 = arith.constant 0 : i32
      %dma_start3A_563 = tpu.memref_slice %arg2[%dma_start3A_561, %dma_start3A_562] : memref<1000000x16xf32, #tpu.memory_space<hbm>> -> memref<1000000x16xf32, #tpu.memory_space<hbm>>
      tpu.enqueue_indirect_dma source(%dma_start3A_563 : memref<1000000x16xf32, #tpu.memory_space<hbm>>) target(%dma_start3A_553 : memref<104x16xf32, #tpu.memory_space<vmem>>) offsets(%dma_start3A_560 : memref<104xi32, #tpu.memory_space<vmem>>) semaphore(%arg13 : memref<!tpu.dma_semaphore, #tpu.memory_space<semaphore_mem>>)
      %dma_start3A_564 = arith.constant 1 : i32
      %dma_start3A_565 = arith.constant 5 : i32
      %dma_start3A_566 = arith.constant 1 : i32
      %dma_start3A_567 = arith.constant 0 : i32
      %dma_start3A_568 = arith.constant 0 : i32
      %dma_start3A_569 = tpu.memref_slice %arg8[%dma_start3A_566, %dma_start3A_567, %dma_start3A_568] : memref<2x1600x16xf32, #tpu.memory_space<vmem>> -> memref<1x1600x16xf32, #tpu.memory_space<vmem>>
      %dma_start3A_570 = tpu.memref_squeeze %dma_start3A_569 : memref<1x1600x16xf32, #tpu.memory_space<vmem>> -> memref<1600x16xf32, #tpu.memory_space<vmem>>
      %dma_start3A_571 = arith.constant 1104 : i32
      %dma_start3A_572 = arith.constant 0 : i32
      %dma_start3A_573 = tpu.memref_slice %dma_start3A_570[%dma_start3A_571, %dma_start3A_572] : memref<1600x16xf32, #tpu.memory_space<vmem>> -> memref<96x16xf32, #tpu.memory_space<vmem>>
      %dma_start3A_574 = arith.constant 0 : i32
      %dma_start3A_575 = arith.constant 0 : i32
      %dma_start3A_576 = tpu.memref_slice %arg7[%dma_start3A_564, %dma_start3A_574, %dma_start3A_575] : memref<2x8x200xi32, #tpu.memory_space<vmem>> -> memref<1x8x200xi32, #tpu.memory_space<vmem>>
      %dma_start3A_577 = tpu.memref_squeeze %dma_start3A_576 : memref<1x8x200xi32, #tpu.memory_space<vmem>> -> memref<8x200xi32, #tpu.memory_space<vmem>>
      %dma_start3A_578 = arith.constant 104 : i32
      %dma_start3A_579 = tpu.memref_slice %dma_start3A_577[%dma_start3A_565, %dma_start3A_578] : memref<8x200xi32, #tpu.memory_space<vmem>> -> memref<1x96xi32, #tpu.memory_space<vmem>>
      %dma_start3A_580 = tpu.memref_squeeze %dma_start3A_579 : memref<1x96xi32, #tpu.memory_space<vmem>> -> memref<96xi32, #tpu.memory_space<vmem>>
      %dma_start3A_581 = arith.constant 0 : i32
      %dma_start3A_582 = arith.constant 0 : i32
      %dma_start3A_583 = tpu.memref_slice %arg2[%dma_start3A_581, %dma_start3A_582] : memref<1000000x16xf32, #tpu.memory_space<hbm>> -> memref<1000000x16xf32, #tpu.memory_space<hbm>>
      tpu.enqueue_indirect_dma source(%dma_start3A_583 : memref<1000000x16xf32, #tpu.memory_space<hbm>>) target(%dma_start3A_573 : memref<96x16xf32, #tpu.memory_space<vmem>>) offsets(%dma_start3A_580 : memref<96xi32, #tpu.memory_space<vmem>>) semaphore(%arg13 : memref<!tpu.dma_semaphore, #tpu.memory_space<semaphore_mem>>)
      %dma_start3A_584 = arith.constant 1 : i32
      %dma_start3A_585 = arith.constant 6 : i32
      %dma_start3A_586 = arith.constant 1 : i32
      %dma_start3A_587 = arith.constant 0 : i32
      %dma_start3A_588 = arith.constant 0 : i32
      %dma_start3A_589 = tpu.memref_slice %arg8[%dma_start3A_586, %dma_start3A_587, %dma_start3A_588] : memref<2x1600x16xf32, #tpu.memory_space<vmem>> -> memref<1x1600x16xf32, #tpu.memory_space<vmem>>
      %dma_start3A_590 = tpu.memref_squeeze %dma_start3A_589 : memref<1x1600x16xf32, #tpu.memory_space<vmem>> -> memref<1600x16xf32, #tpu.memory_space<vmem>>
      %dma_start3A_591 = arith.constant 1200 : i32
      %dma_start3A_592 = arith.constant 0 : i32
      %dma_start3A_593 = tpu.memref_slice %dma_start3A_590[%dma_start3A_591, %dma_start3A_592] : memref<1600x16xf32, #tpu.memory_space<vmem>> -> memref<104x16xf32, #tpu.memory_space<vmem>>
      %dma_start3A_594 = arith.constant 0 : i32
      %dma_start3A_595 = arith.constant 0 : i32
      %dma_start3A_596 = tpu.memref_slice %arg7[%dma_start3A_584, %dma_start3A_594, %dma_start3A_595] : memref<2x8x200xi32, #tpu.memory_space<vmem>> -> memref<1x8x200xi32, #tpu.memory_space<vmem>>
      %dma_start3A_597 = tpu.memref_squeeze %dma_start3A_596 : memref<1x8x200xi32, #tpu.memory_space<vmem>> -> memref<8x200xi32, #tpu.memory_space<vmem>>
      %dma_start3A_598 = arith.constant 0 : i32
      %dma_start3A_599 = tpu.memref_slice %dma_start3A_597[%dma_start3A_585, %dma_start3A_598] : memref<8x200xi32, #tpu.memory_space<vmem>> -> memref<1x104xi32, #tpu.memory_space<vmem>>
      %dma_start3A_600 = tpu.memref_squeeze %dma_start3A_599 : memref<1x104xi32, #tpu.memory_space<vmem>> -> memref<104xi32, #tpu.memory_space<vmem>>
      %dma_start3A_601 = arith.constant 0 : i32
      %dma_start3A_602 = arith.constant 0 : i32
      %dma_start3A_603 = tpu.memref_slice %arg2[%dma_start3A_601, %dma_start3A_602] : memref<1000000x16xf32, #tpu.memory_space<hbm>> -> memref<1000000x16xf32, #tpu.memory_space<hbm>>
      tpu.enqueue_indirect_dma source(%dma_start3A_603 : memref<1000000x16xf32, #tpu.memory_space<hbm>>) target(%dma_start3A_593 : memref<104x16xf32, #tpu.memory_space<vmem>>) offsets(%dma_start3A_600 : memref<104xi32, #tpu.memory_space<vmem>>) semaphore(%arg13 : memref<!tpu.dma_semaphore, #tpu.memory_space<semaphore_mem>>)
      %dma_start3A_604 = arith.constant 1 : i32
      %dma_start3A_605 = arith.constant 6 : i32
      %dma_start3A_606 = arith.constant 1 : i32
      %dma_start3A_607 = arith.constant 0 : i32
      %dma_start3A_608 = arith.constant 0 : i32
      %dma_start3A_609 = tpu.memref_slice %arg8[%dma_start3A_606, %dma_start3A_607, %dma_start3A_608] : memref<2x1600x16xf32, #tpu.memory_space<vmem>> -> memref<1x1600x16xf32, #tpu.memory_space<vmem>>
      %dma_start3A_610 = tpu.memref_squeeze %dma_start3A_609 : memref<1x1600x16xf32, #tpu.memory_space<vmem>> -> memref<1600x16xf32, #tpu.memory_space<vmem>>
      %dma_start3A_611 = arith.constant 1304 : i32
      %dma_start3A_612 = arith.constant 0 : i32
      %dma_start3A_613 = tpu.memref_slice %dma_start3A_610[%dma_start3A_611, %dma_start3A_612] : memref<1600x16xf32, #tpu.memory_space<vmem>> -> memref<96x16xf32, #tpu.memory_space<vmem>>
      %dma_start3A_614 = arith.constant 0 : i32
      %dma_start3A_615 = arith.constant 0 : i32
      %dma_start3A_616 = tpu.memref_slice %arg7[%dma_start3A_604, %dma_start3A_614, %dma_start3A_615] : memref<2x8x200xi32, #tpu.memory_space<vmem>> -> memref<1x8x200xi32, #tpu.memory_space<vmem>>
      %dma_start3A_617 = tpu.memref_squeeze %dma_start3A_616 : memref<1x8x200xi32, #tpu.memory_space<vmem>> -> memref<8x200xi32, #tpu.memory_space<vmem>>
      %dma_start3A_618 = arith.constant 104 : i32
      %dma_start3A_619 = tpu.memref_slice %dma_start3A_617[%dma_start3A_605, %dma_start3A_618] : memref<8x200xi32, #tpu.memory_space<vmem>> -> memref<1x96xi32, #tpu.memory_space<vmem>>
      %dma_start3A_620 = tpu.memref_squeeze %dma_start3A_619 : memref<1x96xi32, #tpu.memory_space<vmem>> -> memref<96xi32, #tpu.memory_space<vmem>>
      %dma_start3A_621 = arith.constant 0 : i32
      %dma_start3A_622 = arith.constant 0 : i32
      %dma_start3A_623 = tpu.memref_slice %arg2[%dma_start3A_621, %dma_start3A_622] : memref<1000000x16xf32, #tpu.memory_space<hbm>> -> memref<1000000x16xf32, #tpu.memory_space<hbm>>
      tpu.enqueue_indirect_dma source(%dma_start3A_623 : memref<1000000x16xf32, #tpu.memory_space<hbm>>) target(%dma_start3A_613 : memref<96x16xf32, #tpu.memory_space<vmem>>) offsets(%dma_start3A_620 : memref<96xi32, #tpu.memory_space<vmem>>) semaphore(%arg13 : memref<!tpu.dma_semaphore, #tpu.memory_space<semaphore_mem>>)
      %dma_start3A_624 = arith.constant 1 : i32
      %dma_start3A_625 = arith.constant 7 : i32
      %dma_start3A_626 = arith.constant 1 : i32
      %dma_start3A_627 = arith.constant 0 : i32
      %dma_start3A_628 = arith.constant 0 : i32
      %dma_start3A_629 = tpu.memref_slice %arg8[%dma_start3A_626, %dma_start3A_627, %dma_start3A_628] : memref<2x1600x16xf32, #tpu.memory_space<vmem>> -> memref<1x1600x16xf32, #tpu.memory_space<vmem>>
      %dma_start3A_630 = tpu.memref_squeeze %dma_start3A_629 : memref<1x1600x16xf32, #tpu.memory_space<vmem>> -> memref<1600x16xf32, #tpu.memory_space<vmem>>
      %dma_start3A_631 = arith.constant 1400 : i32
      %dma_start3A_632 = arith.constant 0 : i32
      %dma_start3A_633 = tpu.memref_slice %dma_start3A_630[%dma_start3A_631, %dma_start3A_632] : memref<1600x16xf32, #tpu.memory_space<vmem>> -> memref<104x16xf32, #tpu.memory_space<vmem>>
      %dma_start3A_634 = arith.constant 0 : i32
      %dma_start3A_635 = arith.constant 0 : i32
      %dma_start3A_636 = tpu.memref_slice %arg7[%dma_start3A_624, %dma_start3A_634, %dma_start3A_635] : memref<2x8x200xi32, #tpu.memory_space<vmem>> -> memref<1x8x200xi32, #tpu.memory_space<vmem>>
      %dma_start3A_637 = tpu.memref_squeeze %dma_start3A_636 : memref<1x8x200xi32, #tpu.memory_space<vmem>> -> memref<8x200xi32, #tpu.memory_space<vmem>>
      %dma_start3A_638 = arith.constant 0 : i32
      %dma_start3A_639 = tpu.memref_slice %dma_start3A_637[%dma_start3A_625, %dma_start3A_638] : memref<8x200xi32, #tpu.memory_space<vmem>> -> memref<1x104xi32, #tpu.memory_space<vmem>>
      %dma_start3A_640 = tpu.memref_squeeze %dma_start3A_639 : memref<1x104xi32, #tpu.memory_space<vmem>> -> memref<104xi32, #tpu.memory_space<vmem>>
      %dma_start3A_641 = arith.constant 0 : i32
      %dma_start3A_642 = arith.constant 0 : i32
      %dma_start3A_643 = tpu.memref_slice %arg2[%dma_start3A_641, %dma_start3A_642] : memref<1000000x16xf32, #tpu.memory_space<hbm>> -> memref<1000000x16xf32, #tpu.memory_space<hbm>>
      tpu.enqueue_indirect_dma source(%dma_start3A_643 : memref<1000000x16xf32, #tpu.memory_space<hbm>>) target(%dma_start3A_633 : memref<104x16xf32, #tpu.memory_space<vmem>>) offsets(%dma_start3A_640 : memref<104xi32, #tpu.memory_space<vmem>>) semaphore(%arg13 : memref<!tpu.dma_semaphore, #tpu.memory_space<semaphore_mem>>)
      %dma_start3A_644 = arith.constant 1 : i32
      %dma_start3A_645 = arith.constant 7 : i32
      %dma_start3A_646 = arith.constant 1 : i32
      %dma_start3A_647 = arith.constant 0 : i32
      %dma_start3A_648 = arith.constant 0 : i32
      %dma_start3A_649 = tpu.memref_slice %arg8[%dma_start3A_646, %dma_start3A_647, %dma_start3A_648] : memref<2x1600x16xf32, #tpu.memory_space<vmem>> -> memref<1x1600x16xf32, #tpu.memory_space<vmem>>
      %dma_start3A_650 = tpu.memref_squeeze %dma_start3A_649 : memref<1x1600x16xf32, #tpu.memory_space<vmem>> -> memref<1600x16xf32, #tpu.memory_space<vmem>>
      %dma_start3A_651 = arith.constant 1504 : i32
      %dma_start3A_652 = arith.constant 0 : i32
      %dma_start3A_653 = tpu.memref_slice %dma_start3A_650[%dma_start3A_651, %dma_start3A_652] : memref<1600x16xf32, #tpu.memory_space<vmem>> -> memref<96x16xf32, #tpu.memory_space<vmem>>
      %dma_start3A_654 = arith.constant 0 : i32
      %dma_start3A_655 = arith.constant 0 : i32
      %dma_start3A_656 = tpu.memref_slice %arg7[%dma_start3A_644, %dma_start3A_654, %dma_start3A_655] : memref<2x8x200xi32, #tpu.memory_space<vmem>> -> memref<1x8x200xi32, #tpu.memory_space<vmem>>
      %dma_start3A_657 = tpu.memref_squeeze %dma_start3A_656 : memref<1x8x200xi32, #tpu.memory_space<vmem>> -> memref<8x200xi32, #tpu.memory_space<vmem>>
      %dma_start3A_658 = arith.constant 104 : i32
      %dma_start3A_659 = tpu.memref_slice %dma_start3A_657[%dma_start3A_645, %dma_start3A_658] : memref<8x200xi32, #tpu.memory_space<vmem>> -> memref<1x96xi32, #tpu.memory_space<vmem>>
      %dma_start3A_660 = tpu.memref_squeeze %dma_start3A_659 : memref<1x96xi32, #tpu.memory_space<vmem>> -> memref<96xi32, #tpu.memory_space<vmem>>
      %dma_start3A_661 = arith.constant 0 : i32
      %dma_start3A_662 = arith.constant 0 : i32
      %dma_start3A_663 = tpu.memref_slice %arg2[%dma_start3A_661, %dma_start3A_662] : memref<1000000x16xf32, #tpu.memory_space<hbm>> -> memref<1000000x16xf32, #tpu.memory_space<hbm>>
      tpu.enqueue_indirect_dma source(%dma_start3A_663 : memref<1000000x16xf32, #tpu.memory_space<hbm>>) target(%dma_start3A_653 : memref<96x16xf32, #tpu.memory_space<vmem>>) offsets(%dma_start3A_660 : memref<96xi32, #tpu.memory_space<vmem>>) semaphore(%arg13 : memref<!tpu.dma_semaphore, #tpu.memory_space<semaphore_mem>>)
      %dma_wait3A = arith.constant 0 : i32
      %dma_wait3A_664 = arith.constant 0 : i32
      %dma_wait3A_665 = arith.constant 0 : i32
      %dma_wait3A_666 = arith.constant 0 : i32
      %dma_wait3A_667 = arith.constant 0 : i32
      %dma_wait3A_668 = tpu.memref_slice %arg8[%dma_wait3A_665, %dma_wait3A_666, %dma_wait3A_667] : memref<2x1600x16xf32, #tpu.memory_space<vmem>> -> memref<1x1600x16xf32, #tpu.memory_space<vmem>>
      %dma_wait3A_669 = tpu.memref_squeeze %dma_wait3A_668 : memref<1x1600x16xf32, #tpu.memory_space<vmem>> -> memref<1600x16xf32, #tpu.memory_space<vmem>>
      %dma_wait3A_670 = arith.constant 0 : i32
      %dma_wait3A_671 = arith.constant 0 : i32
      %dma_wait3A_672 = tpu.memref_slice %dma_wait3A_669[%dma_wait3A_670, %dma_wait3A_671] : memref<1600x16xf32, #tpu.memory_space<vmem>> -> memref<104x16xf32, #tpu.memory_space<vmem>>
      %dma_wait3A_673 = arith.constant 0 : i32
      %dma_wait3A_674 = arith.constant 0 : i32
      %dma_wait3A_675 = tpu.memref_slice %arg7[%dma_wait3A, %dma_wait3A_673, %dma_wait3A_674] : memref<2x8x200xi32, #tpu.memory_space<vmem>> -> memref<1x8x200xi32, #tpu.memory_space<vmem>>
      %dma_wait3A_676 = tpu.memref_squeeze %dma_wait3A_675 : memref<1x8x200xi32, #tpu.memory_space<vmem>> -> memref<8x200xi32, #tpu.memory_space<vmem>>
      %dma_wait3A_677 = arith.constant 0 : i32
      %dma_wait3A_678 = tpu.memref_slice %dma_wait3A_676[%dma_wait3A_664, %dma_wait3A_677] : memref<8x200xi32, #tpu.memory_space<vmem>> -> memref<1x104xi32, #tpu.memory_space<vmem>>
      %dma_wait3A_679 = tpu.memref_squeeze %dma_wait3A_678 : memref<1x104xi32, #tpu.memory_space<vmem>> -> memref<104xi32, #tpu.memory_space<vmem>>
      %dma_wait3A_680 = arith.constant 0 : i32
      %dma_wait3A_681 = arith.constant 0 : i32
      %dma_wait3A_682 = tpu.memref_slice %arg2[%dma_wait3A_680, %dma_wait3A_681] : memref<1000000x16xf32, #tpu.memory_space<hbm>> -> memref<1000000x16xf32, #tpu.memory_space<hbm>>
      tpu.wait_indirect_dma semaphore(%arg12 : memref<!tpu.dma_semaphore, #tpu.memory_space<semaphore_mem>>) src(%dma_wait3A_682 : memref<1000000x16xf32, #tpu.memory_space<hbm>>) dst(%dma_wait3A_672 : memref<104x16xf32, #tpu.memory_space<vmem>>)
      %dma_wait3A_683 = arith.constant 0 : i32
      %dma_wait3A_684 = arith.constant 0 : i32
      %dma_wait3A_685 = arith.constant 0 : i32
      %dma_wait3A_686 = arith.constant 0 : i32
      %dma_wait3A_687 = arith.constant 0 : i32
      %dma_wait3A_688 = tpu.memref_slice %arg8[%dma_wait3A_685, %dma_wait3A_686, %dma_wait3A_687] : memref<2x1600x16xf32, #tpu.memory_space<vmem>> -> memref<1x1600x16xf32, #tpu.memory_space<vmem>>
      %dma_wait3A_689 = tpu.memref_squeeze %dma_wait3A_688 : memref<1x1600x16xf32, #tpu.memory_space<vmem>> -> memref<1600x16xf32, #tpu.memory_space<vmem>>
      %dma_wait3A_690 = arith.constant 104 : i32
      %dma_wait3A_691 = arith.constant 0 : i32
      %dma_wait3A_692 = tpu.memref_slice %dma_wait3A_689[%dma_wait3A_690, %dma_wait3A_691] : memref<1600x16xf32, #tpu.memory_space<vmem>> -> memref<96x16xf32, #tpu.memory_space<vmem>>
      %dma_wait3A_693 = arith.constant 0 : i32
      %dma_wait3A_694 = arith.constant 0 : i32
      %dma_wait3A_695 = tpu.memref_slice %arg7[%dma_wait3A_683, %dma_wait3A_693, %dma_wait3A_694] : memref<2x8x200xi32, #tpu.memory_space<vmem>> -> memref<1x8x200xi32, #tpu.memory_space<vmem>>
      %dma_wait3A_696 = tpu.memref_squeeze %dma_wait3A_695 : memref<1x8x200xi32, #tpu.memory_space<vmem>> -> memref<8x200xi32, #tpu.memory_space<vmem>>
      %dma_wait3A_697 = arith.constant 104 : i32
      %dma_wait3A_698 = tpu.memref_slice %dma_wait3A_696[%dma_wait3A_684, %dma_wait3A_697] : memref<8x200xi32, #tpu.memory_space<vmem>> -> memref<1x96xi32, #tpu.memory_space<vmem>>
      %dma_wait3A_699 = tpu.memref_squeeze %dma_wait3A_698 : memref<1x96xi32, #tpu.memory_space<vmem>> -> memref<96xi32, #tpu.memory_space<vmem>>
      %dma_wait3A_700 = arith.constant 0 : i32
      %dma_wait3A_701 = arith.constant 0 : i32
      %dma_wait3A_702 = tpu.memref_slice %arg2[%dma_wait3A_700, %dma_wait3A_701] : memref<1000000x16xf32, #tpu.memory_space<hbm>> -> memref<1000000x16xf32, #tpu.memory_space<hbm>>
      tpu.wait_indirect_dma semaphore(%arg12 : memref<!tpu.dma_semaphore, #tpu.memory_space<semaphore_mem>>) src(%dma_wait3A_702 : memref<1000000x16xf32, #tpu.memory_space<hbm>>) dst(%dma_wait3A_692 : memref<96x16xf32, #tpu.memory_space<vmem>>)
      %dma_wait3A_703 = arith.constant 0 : i32
      %dma_wait3A_704 = arith.constant 1 : i32
      %dma_wait3A_705 = arith.constant 0 : i32
      %dma_wait3A_706 = arith.constant 0 : i32
      %dma_wait3A_707 = arith.constant 0 : i32
      %dma_wait3A_708 = tpu.memref_slice %arg8[%dma_wait3A_705, %dma_wait3A_706, %dma_wait3A_707] : memref<2x1600x16xf32, #tpu.memory_space<vmem>> -> memref<1x1600x16xf32, #tpu.memory_space<vmem>>
      %dma_wait3A_709 = tpu.memref_squeeze %dma_wait3A_708 : memref<1x1600x16xf32, #tpu.memory_space<vmem>> -> memref<1600x16xf32, #tpu.memory_space<vmem>>
      %dma_wait3A_710 = arith.constant 200 : i32
      %dma_wait3A_711 = arith.constant 0 : i32
      %dma_wait3A_712 = tpu.memref_slice %dma_wait3A_709[%dma_wait3A_710, %dma_wait3A_711] : memref<1600x16xf32, #tpu.memory_space<vmem>> -> memref<104x16xf32, #tpu.memory_space<vmem>>
      %dma_wait3A_713 = arith.constant 0 : i32
      %dma_wait3A_714 = arith.constant 0 : i32
      %dma_wait3A_715 = tpu.memref_slice %arg7[%dma_wait3A_703, %dma_wait3A_713, %dma_wait3A_714] : memref<2x8x200xi32, #tpu.memory_space<vmem>> -> memref<1x8x200xi32, #tpu.memory_space<vmem>>
      %dma_wait3A_716 = tpu.memref_squeeze %dma_wait3A_715 : memref<1x8x200xi32, #tpu.memory_space<vmem>> -> memref<8x200xi32, #tpu.memory_space<vmem>>
      %dma_wait3A_717 = arith.constant 0 : i32
      %dma_wait3A_718 = tpu.memref_slice %dma_wait3A_716[%dma_wait3A_704, %dma_wait3A_717] : memref<8x200xi32, #tpu.memory_space<vmem>> -> memref<1x104xi32, #tpu.memory_space<vmem>>
      %dma_wait3A_719 = tpu.memref_squeeze %dma_wait3A_718 : memref<1x104xi32, #tpu.memory_space<vmem>> -> memref<104xi32, #tpu.memory_space<vmem>>
      %dma_wait3A_720 = arith.constant 0 : i32
      %dma_wait3A_721 = arith.constant 0 : i32
      %dma_wait3A_722 = tpu.memref_slice %arg2[%dma_wait3A_720, %dma_wait3A_721] : memref<1000000x16xf32, #tpu.memory_space<hbm>> -> memref<1000000x16xf32, #tpu.memory_space<hbm>>
      tpu.wait_indirect_dma semaphore(%arg12 : memref<!tpu.dma_semaphore, #tpu.memory_space<semaphore_mem>>) src(%dma_wait3A_722 : memref<1000000x16xf32, #tpu.memory_space<hbm>>) dst(%dma_wait3A_712 : memref<104x16xf32, #tpu.memory_space<vmem>>)
      %dma_wait3A_723 = arith.constant 0 : i32
      %dma_wait3A_724 = arith.constant 1 : i32
      %dma_wait3A_725 = arith.constant 0 : i32
      %dma_wait3A_726 = arith.constant 0 : i32
      %dma_wait3A_727 = arith.constant 0 : i32
      %dma_wait3A_728 = tpu.memref_slice %arg8[%dma_wait3A_725, %dma_wait3A_726, %dma_wait3A_727] : memref<2x1600x16xf32, #tpu.memory_space<vmem>> -> memref<1x1600x16xf32, #tpu.memory_space<vmem>>
      %dma_wait3A_729 = tpu.memref_squeeze %dma_wait3A_728 : memref<1x1600x16xf32, #tpu.memory_space<vmem>> -> memref<1600x16xf32, #tpu.memory_space<vmem>>
      %dma_wait3A_730 = arith.constant 304 : i32
      %dma_wait3A_731 = arith.constant 0 : i32
      %dma_wait3A_732 = tpu.memref_slice %dma_wait3A_729[%dma_wait3A_730, %dma_wait3A_731] : memref<1600x16xf32, #tpu.memory_space<vmem>> -> memref<96x16xf32, #tpu.memory_space<vmem>>
      %dma_wait3A_733 = arith.constant 0 : i32
      %dma_wait3A_734 = arith.constant 0 : i32
      %dma_wait3A_735 = tpu.memref_slice %arg7[%dma_wait3A_723, %dma_wait3A_733, %dma_wait3A_734] : memref<2x8x200xi32, #tpu.memory_space<vmem>> -> memref<1x8x200xi32, #tpu.memory_space<vmem>>
      %dma_wait3A_736 = tpu.memref_squeeze %dma_wait3A_735 : memref<1x8x200xi32, #tpu.memory_space<vmem>> -> memref<8x200xi32, #tpu.memory_space<vmem>>
      %dma_wait3A_737 = arith.constant 104 : i32
      %dma_wait3A_738 = tpu.memref_slice %dma_wait3A_736[%dma_wait3A_724, %dma_wait3A_737] : memref<8x200xi32, #tpu.memory_space<vmem>> -> memref<1x96xi32, #tpu.memory_space<vmem>>
      %dma_wait3A_739 = tpu.memref_squeeze %dma_wait3A_738 : memref<1x96xi32, #tpu.memory_space<vmem>> -> memref<96xi32, #tpu.memory_space<vmem>>
      %dma_wait3A_740 = arith.constant 0 : i32
      %dma_wait3A_741 = arith.constant 0 : i32
      %dma_wait3A_742 = tpu.memref_slice %arg2[%dma_wait3A_740, %dma_wait3A_741] : memref<1000000x16xf32, #tpu.memory_space<hbm>> -> memref<1000000x16xf32, #tpu.memory_space<hbm>>
      tpu.wait_indirect_dma semaphore(%arg12 : memref<!tpu.dma_semaphore, #tpu.memory_space<semaphore_mem>>) src(%dma_wait3A_742 : memref<1000000x16xf32, #tpu.memory_space<hbm>>) dst(%dma_wait3A_732 : memref<96x16xf32, #tpu.memory_space<vmem>>)
      %dma_wait3A_743 = arith.constant 0 : i32
      %dma_wait3A_744 = arith.constant 2 : i32
      %dma_wait3A_745 = arith.constant 0 : i32
      %dma_wait3A_746 = arith.constant 0 : i32
      %dma_wait3A_747 = arith.constant 0 : i32
      %dma_wait3A_748 = tpu.memref_slice %arg8[%dma_wait3A_745, %dma_wait3A_746, %dma_wait3A_747] : memref<2x1600x16xf32, #tpu.memory_space<vmem>> -> memref<1x1600x16xf32, #tpu.memory_space<vmem>>
      %dma_wait3A_749 = tpu.memref_squeeze %dma_wait3A_748 : memref<1x1600x16xf32, #tpu.memory_space<vmem>> -> memref<1600x16xf32, #tpu.memory_space<vmem>>
      %dma_wait3A_750 = arith.constant 400 : i32
      %dma_wait3A_751 = arith.constant 0 : i32
      %dma_wait3A_752 = tpu.memref_slice %dma_wait3A_749[%dma_wait3A_750, %dma_wait3A_751] : memref<1600x16xf32, #tpu.memory_space<vmem>> -> memref<104x16xf32, #tpu.memory_space<vmem>>
      %dma_wait3A_753 = arith.constant 0 : i32
      %dma_wait3A_754 = arith.constant 0 : i32
      %dma_wait3A_755 = tpu.memref_slice %arg7[%dma_wait3A_743, %dma_wait3A_753, %dma_wait3A_754] : memref<2x8x200xi32, #tpu.memory_space<vmem>> -> memref<1x8x200xi32, #tpu.memory_space<vmem>>
      %dma_wait3A_756 = tpu.memref_squeeze %dma_wait3A_755 : memref<1x8x200xi32, #tpu.memory_space<vmem>> -> memref<8x200xi32, #tpu.memory_space<vmem>>
      %dma_wait3A_757 = arith.constant 0 : i32
      %dma_wait3A_758 = tpu.memref_slice %dma_wait3A_756[%dma_wait3A_744, %dma_wait3A_757] : memref<8x200xi32, #tpu.memory_space<vmem>> -> memref<1x104xi32, #tpu.memory_space<vmem>>
      %dma_wait3A_759 = tpu.memref_squeeze %dma_wait3A_758 : memref<1x104xi32, #tpu.memory_space<vmem>> -> memref<104xi32, #tpu.memory_space<vmem>>
      %dma_wait3A_760 = arith.constant 0 : i32
      %dma_wait3A_761 = arith.constant 0 : i32
      %dma_wait3A_762 = tpu.memref_slice %arg2[%dma_wait3A_760, %dma_wait3A_761] : memref<1000000x16xf32, #tpu.memory_space<hbm>> -> memref<1000000x16xf32, #tpu.memory_space<hbm>>
      tpu.wait_indirect_dma semaphore(%arg12 : memref<!tpu.dma_semaphore, #tpu.memory_space<semaphore_mem>>) src(%dma_wait3A_762 : memref<1000000x16xf32, #tpu.memory_space<hbm>>) dst(%dma_wait3A_752 : memref<104x16xf32, #tpu.memory_space<vmem>>)
      %dma_wait3A_763 = arith.constant 0 : i32
      %dma_wait3A_764 = arith.constant 2 : i32
      %dma_wait3A_765 = arith.constant 0 : i32
      %dma_wait3A_766 = arith.constant 0 : i32
      %dma_wait3A_767 = arith.constant 0 : i32
      %dma_wait3A_768 = tpu.memref_slice %arg8[%dma_wait3A_765, %dma_wait3A_766, %dma_wait3A_767] : memref<2x1600x16xf32, #tpu.memory_space<vmem>> -> memref<1x1600x16xf32, #tpu.memory_space<vmem>>
      %dma_wait3A_769 = tpu.memref_squeeze %dma_wait3A_768 : memref<1x1600x16xf32, #tpu.memory_space<vmem>> -> memref<1600x16xf32, #tpu.memory_space<vmem>>
      %dma_wait3A_770 = arith.constant 504 : i32
      %dma_wait3A_771 = arith.constant 0 : i32
      %dma_wait3A_772 = tpu.memref_slice %dma_wait3A_769[%dma_wait3A_770, %dma_wait3A_771] : memref<1600x16xf32, #tpu.memory_space<vmem>> -> memref<96x16xf32, #tpu.memory_space<vmem>>
      %dma_wait3A_773 = arith.constant 0 : i32
      %dma_wait3A_774 = arith.constant 0 : i32
      %dma_wait3A_775 = tpu.memref_slice %arg7[%dma_wait3A_763, %dma_wait3A_773, %dma_wait3A_774] : memref<2x8x200xi32, #tpu.memory_space<vmem>> -> memref<1x8x200xi32, #tpu.memory_space<vmem>>
      %dma_wait3A_776 = tpu.memref_squeeze %dma_wait3A_775 : memref<1x8x200xi32, #tpu.memory_space<vmem>> -> memref<8x200xi32, #tpu.memory_space<vmem>>
      %dma_wait3A_777 = arith.constant 104 : i32
      %dma_wait3A_778 = tpu.memref_slice %dma_wait3A_776[%dma_wait3A_764, %dma_wait3A_777] : memref<8x200xi32, #tpu.memory_space<vmem>> -> memref<1x96xi32, #tpu.memory_space<vmem>>
      %dma_wait3A_779 = tpu.memref_squeeze %dma_wait3A_778 : memref<1x96xi32, #tpu.memory_space<vmem>> -> memref<96xi32, #tpu.memory_space<vmem>>
      %dma_wait3A_780 = arith.constant 0 : i32
      %dma_wait3A_781 = arith.constant 0 : i32
      %dma_wait3A_782 = tpu.memref_slice %arg2[%dma_wait3A_780, %dma_wait3A_781] : memref<1000000x16xf32, #tpu.memory_space<hbm>> -> memref<1000000x16xf32, #tpu.memory_space<hbm>>
      tpu.wait_indirect_dma semaphore(%arg12 : memref<!tpu.dma_semaphore, #tpu.memory_space<semaphore_mem>>) src(%dma_wait3A_782 : memref<1000000x16xf32, #tpu.memory_space<hbm>>) dst(%dma_wait3A_772 : memref<96x16xf32, #tpu.memory_space<vmem>>)
      %dma_wait3A_783 = arith.constant 0 : i32
      %dma_wait3A_784 = arith.constant 3 : i32
      %dma_wait3A_785 = arith.constant 0 : i32
      %dma_wait3A_786 = arith.constant 0 : i32
      %dma_wait3A_787 = arith.constant 0 : i32
      %dma_wait3A_788 = tpu.memref_slice %arg8[%dma_wait3A_785, %dma_wait3A_786, %dma_wait3A_787] : memref<2x1600x16xf32, #tpu.memory_space<vmem>> -> memref<1x1600x16xf32, #tpu.memory_space<vmem>>
      %dma_wait3A_789 = tpu.memref_squeeze %dma_wait3A_788 : memref<1x1600x16xf32, #tpu.memory_space<vmem>> -> memref<1600x16xf32, #tpu.memory_space<vmem>>
      %dma_wait3A_790 = arith.constant 600 : i32
      %dma_wait3A_791 = arith.constant 0 : i32
      %dma_wait3A_792 = tpu.memref_slice %dma_wait3A_789[%dma_wait3A_790, %dma_wait3A_791] : memref<1600x16xf32, #tpu.memory_space<vmem>> -> memref<104x16xf32, #tpu.memory_space<vmem>>
      %dma_wait3A_793 = arith.constant 0 : i32
      %dma_wait3A_794 = arith.constant 0 : i32
      %dma_wait3A_795 = tpu.memref_slice %arg7[%dma_wait3A_783, %dma_wait3A_793, %dma_wait3A_794] : memref<2x8x200xi32, #tpu.memory_space<vmem>> -> memref<1x8x200xi32, #tpu.memory_space<vmem>>
      %dma_wait3A_796 = tpu.memref_squeeze %dma_wait3A_795 : memref<1x8x200xi32, #tpu.memory_space<vmem>> -> memref<8x200xi32, #tpu.memory_space<vmem>>
      %dma_wait3A_797 = arith.constant 0 : i32
      %dma_wait3A_798 = tpu.memref_slice %dma_wait3A_796[%dma_wait3A_784, %dma_wait3A_797] : memref<8x200xi32, #tpu.memory_space<vmem>> -> memref<1x104xi32, #tpu.memory_space<vmem>>
      %dma_wait3A_799 = tpu.memref_squeeze %dma_wait3A_798 : memref<1x104xi32, #tpu.memory_space<vmem>> -> memref<104xi32, #tpu.memory_space<vmem>>
      %dma_wait3A_800 = arith.constant 0 : i32
      %dma_wait3A_801 = arith.constant 0 : i32
      %dma_wait3A_802 = tpu.memref_slice %arg2[%dma_wait3A_800, %dma_wait3A_801] : memref<1000000x16xf32, #tpu.memory_space<hbm>> -> memref<1000000x16xf32, #tpu.memory_space<hbm>>
      tpu.wait_indirect_dma semaphore(%arg12 : memref<!tpu.dma_semaphore, #tpu.memory_space<semaphore_mem>>) src(%dma_wait3A_802 : memref<1000000x16xf32, #tpu.memory_space<hbm>>) dst(%dma_wait3A_792 : memref<104x16xf32, #tpu.memory_space<vmem>>)
      %dma_wait3A_803 = arith.constant 0 : i32
      %dma_wait3A_804 = arith.constant 3 : i32
      %dma_wait3A_805 = arith.constant 0 : i32
      %dma_wait3A_806 = arith.constant 0 : i32
      %dma_wait3A_807 = arith.constant 0 : i32
      %dma_wait3A_808 = tpu.memref_slice %arg8[%dma_wait3A_805, %dma_wait3A_806, %dma_wait3A_807] : memref<2x1600x16xf32, #tpu.memory_space<vmem>> -> memref<1x1600x16xf32, #tpu.memory_space<vmem>>
      %dma_wait3A_809 = tpu.memref_squeeze %dma_wait3A_808 : memref<1x1600x16xf32, #tpu.memory_space<vmem>> -> memref<1600x16xf32, #tpu.memory_space<vmem>>
      %dma_wait3A_810 = arith.constant 704 : i32
      %dma_wait3A_811 = arith.constant 0 : i32
      %dma_wait3A_812 = tpu.memref_slice %dma_wait3A_809[%dma_wait3A_810, %dma_wait3A_811] : memref<1600x16xf32, #tpu.memory_space<vmem>> -> memref<96x16xf32, #tpu.memory_space<vmem>>
      %dma_wait3A_813 = arith.constant 0 : i32
      %dma_wait3A_814 = arith.constant 0 : i32
      %dma_wait3A_815 = tpu.memref_slice %arg7[%dma_wait3A_803, %dma_wait3A_813, %dma_wait3A_814] : memref<2x8x200xi32, #tpu.memory_space<vmem>> -> memref<1x8x200xi32, #tpu.memory_space<vmem>>
      %dma_wait3A_816 = tpu.memref_squeeze %dma_wait3A_815 : memref<1x8x200xi32, #tpu.memory_space<vmem>> -> memref<8x200xi32, #tpu.memory_space<vmem>>
      %dma_wait3A_817 = arith.constant 104 : i32
      %dma_wait3A_818 = tpu.memref_slice %dma_wait3A_816[%dma_wait3A_804, %dma_wait3A_817] : memref<8x200xi32, #tpu.memory_space<vmem>> -> memref<1x96xi32, #tpu.memory_space<vmem>>
      %dma_wait3A_819 = tpu.memref_squeeze %dma_wait3A_818 : memref<1x96xi32, #tpu.memory_space<vmem>> -> memref<96xi32, #tpu.memory_space<vmem>>
      %dma_wait3A_820 = arith.constant 0 : i32
      %dma_wait3A_821 = arith.constant 0 : i32
      %dma_wait3A_822 = tpu.memref_slice %arg2[%dma_wait3A_820, %dma_wait3A_821] : memref<1000000x16xf32, #tpu.memory_space<hbm>> -> memref<1000000x16xf32, #tpu.memory_space<hbm>>
      tpu.wait_indirect_dma semaphore(%arg12 : memref<!tpu.dma_semaphore, #tpu.memory_space<semaphore_mem>>) src(%dma_wait3A_822 : memref<1000000x16xf32, #tpu.memory_space<hbm>>) dst(%dma_wait3A_812 : memref<96x16xf32, #tpu.memory_space<vmem>>)
      %dma_wait3A_823 = arith.constant 0 : i32
      %dma_wait3A_824 = arith.constant 4 : i32
      %dma_wait3A_825 = arith.constant 0 : i32
      %dma_wait3A_826 = arith.constant 0 : i32
      %dma_wait3A_827 = arith.constant 0 : i32
      %dma_wait3A_828 = tpu.memref_slice %arg8[%dma_wait3A_825, %dma_wait3A_826, %dma_wait3A_827] : memref<2x1600x16xf32, #tpu.memory_space<vmem>> -> memref<1x1600x16xf32, #tpu.memory_space<vmem>>
      %dma_wait3A_829 = tpu.memref_squeeze %dma_wait3A_828 : memref<1x1600x16xf32, #tpu.memory_space<vmem>> -> memref<1600x16xf32, #tpu.memory_space<vmem>>
      %dma_wait3A_830 = arith.constant 800 : i32
      %dma_wait3A_831 = arith.constant 0 : i32
      %dma_wait3A_832 = tpu.memref_slice %dma_wait3A_829[%dma_wait3A_830, %dma_wait3A_831] : memref<1600x16xf32, #tpu.memory_space<vmem>> -> memref<104x16xf32, #tpu.memory_space<vmem>>
      %dma_wait3A_833 = arith.constant 0 : i32
      %dma_wait3A_834 = arith.constant 0 : i32
      %dma_wait3A_835 = tpu.memref_slice %arg7[%dma_wait3A_823, %dma_wait3A_833, %dma_wait3A_834] : memref<2x8x200xi32, #tpu.memory_space<vmem>> -> memref<1x8x200xi32, #tpu.memory_space<vmem>>
      %dma_wait3A_836 = tpu.memref_squeeze %dma_wait3A_835 : memref<1x8x200xi32, #tpu.memory_space<vmem>> -> memref<8x200xi32, #tpu.memory_space<vmem>>
      %dma_wait3A_837 = arith.constant 0 : i32
      %dma_wait3A_838 = tpu.memref_slice %dma_wait3A_836[%dma_wait3A_824, %dma_wait3A_837] : memref<8x200xi32, #tpu.memory_space<vmem>> -> memref<1x104xi32, #tpu.memory_space<vmem>>
      %dma_wait3A_839 = tpu.memref_squeeze %dma_wait3A_838 : memref<1x104xi32, #tpu.memory_space<vmem>> -> memref<104xi32, #tpu.memory_space<vmem>>
      %dma_wait3A_840 = arith.constant 0 : i32
      %dma_wait3A_841 = arith.constant 0 : i32
      %dma_wait3A_842 = tpu.memref_slice %arg2[%dma_wait3A_840, %dma_wait3A_841] : memref<1000000x16xf32, #tpu.memory_space<hbm>> -> memref<1000000x16xf32, #tpu.memory_space<hbm>>
      tpu.wait_indirect_dma semaphore(%arg12 : memref<!tpu.dma_semaphore, #tpu.memory_space<semaphore_mem>>) src(%dma_wait3A_842 : memref<1000000x16xf32, #tpu.memory_space<hbm>>) dst(%dma_wait3A_832 : memref<104x16xf32, #tpu.memory_space<vmem>>)
      %dma_wait3A_843 = arith.constant 0 : i32
      %dma_wait3A_844 = arith.constant 4 : i32
      %dma_wait3A_845 = arith.constant 0 : i32
      %dma_wait3A_846 = arith.constant 0 : i32
      %dma_wait3A_847 = arith.constant 0 : i32
      %dma_wait3A_848 = tpu.memref_slice %arg8[%dma_wait3A_845, %dma_wait3A_846, %dma_wait3A_847] : memref<2x1600x16xf32, #tpu.memory_space<vmem>> -> memref<1x1600x16xf32, #tpu.memory_space<vmem>>
      %dma_wait3A_849 = tpu.memref_squeeze %dma_wait3A_848 : memref<1x1600x16xf32, #tpu.memory_space<vmem>> -> memref<1600x16xf32, #tpu.memory_space<vmem>>
      %dma_wait3A_850 = arith.constant 904 : i32
      %dma_wait3A_851 = arith.constant 0 : i32
      %dma_wait3A_852 = tpu.memref_slice %dma_wait3A_849[%dma_wait3A_850, %dma_wait3A_851] : memref<1600x16xf32, #tpu.memory_space<vmem>> -> memref<96x16xf32, #tpu.memory_space<vmem>>
      %dma_wait3A_853 = arith.constant 0 : i32
      %dma_wait3A_854 = arith.constant 0 : i32
      %dma_wait3A_855 = tpu.memref_slice %arg7[%dma_wait3A_843, %dma_wait3A_853, %dma_wait3A_854] : memref<2x8x200xi32, #tpu.memory_space<vmem>> -> memref<1x8x200xi32, #tpu.memory_space<vmem>>
      %dma_wait3A_856 = tpu.memref_squeeze %dma_wait3A_855 : memref<1x8x200xi32, #tpu.memory_space<vmem>> -> memref<8x200xi32, #tpu.memory_space<vmem>>
      %dma_wait3A_857 = arith.constant 104 : i32
      %dma_wait3A_858 = tpu.memref_slice %dma_wait3A_856[%dma_wait3A_844, %dma_wait3A_857] : memref<8x200xi32, #tpu.memory_space<vmem>> -> memref<1x96xi32, #tpu.memory_space<vmem>>
      %dma_wait3A_859 = tpu.memref_squeeze %dma_wait3A_858 : memref<1x96xi32, #tpu.memory_space<vmem>> -> memref<96xi32, #tpu.memory_space<vmem>>
      %dma_wait3A_860 = arith.constant 0 : i32
      %dma_wait3A_861 = arith.constant 0 : i32
      %dma_wait3A_862 = tpu.memref_slice %arg2[%dma_wait3A_860, %dma_wait3A_861] : memref<1000000x16xf32, #tpu.memory_space<hbm>> -> memref<1000000x16xf32, #tpu.memory_space<hbm>>
      tpu.wait_indirect_dma semaphore(%arg12 : memref<!tpu.dma_semaphore, #tpu.memory_space<semaphore_mem>>) src(%dma_wait3A_862 : memref<1000000x16xf32, #tpu.memory_space<hbm>>) dst(%dma_wait3A_852 : memref<96x16xf32, #tpu.memory_space<vmem>>)
      %dma_wait3A_863 = arith.constant 0 : i32
      %dma_wait3A_864 = arith.constant 5 : i32
      %dma_wait3A_865 = arith.constant 0 : i32
      %dma_wait3A_866 = arith.constant 0 : i32
      %dma_wait3A_867 = arith.constant 0 : i32
      %dma_wait3A_868 = tpu.memref_slice %arg8[%dma_wait3A_865, %dma_wait3A_866, %dma_wait3A_867] : memref<2x1600x16xf32, #tpu.memory_space<vmem>> -> memref<1x1600x16xf32, #tpu.memory_space<vmem>>
      %dma_wait3A_869 = tpu.memref_squeeze %dma_wait3A_868 : memref<1x1600x16xf32, #tpu.memory_space<vmem>> -> memref<1600x16xf32, #tpu.memory_space<vmem>>
      %dma_wait3A_870 = arith.constant 1000 : i32
      %dma_wait3A_871 = arith.constant 0 : i32
      %dma_wait3A_872 = tpu.memref_slice %dma_wait3A_869[%dma_wait3A_870, %dma_wait3A_871] : memref<1600x16xf32, #tpu.memory_space<vmem>> -> memref<104x16xf32, #tpu.memory_space<vmem>>
      %dma_wait3A_873 = arith.constant 0 : i32
      %dma_wait3A_874 = arith.constant 0 : i32
      %dma_wait3A_875 = tpu.memref_slice %arg7[%dma_wait3A_863, %dma_wait3A_873, %dma_wait3A_874] : memref<2x8x200xi32, #tpu.memory_space<vmem>> -> memref<1x8x200xi32, #tpu.memory_space<vmem>>
      %dma_wait3A_876 = tpu.memref_squeeze %dma_wait3A_875 : memref<1x8x200xi32, #tpu.memory_space<vmem>> -> memref<8x200xi32, #tpu.memory_space<vmem>>
      %dma_wait3A_877 = arith.constant 0 : i32
      %dma_wait3A_878 = tpu.memref_slice %dma_wait3A_876[%dma_wait3A_864, %dma_wait3A_877] : memref<8x200xi32, #tpu.memory_space<vmem>> -> memref<1x104xi32, #tpu.memory_space<vmem>>
      %dma_wait3A_879 = tpu.memref_squeeze %dma_wait3A_878 : memref<1x104xi32, #tpu.memory_space<vmem>> -> memref<104xi32, #tpu.memory_space<vmem>>
      %dma_wait3A_880 = arith.constant 0 : i32
      %dma_wait3A_881 = arith.constant 0 : i32
      %dma_wait3A_882 = tpu.memref_slice %arg2[%dma_wait3A_880, %dma_wait3A_881] : memref<1000000x16xf32, #tpu.memory_space<hbm>> -> memref<1000000x16xf32, #tpu.memory_space<hbm>>
      tpu.wait_indirect_dma semaphore(%arg12 : memref<!tpu.dma_semaphore, #tpu.memory_space<semaphore_mem>>) src(%dma_wait3A_882 : memref<1000000x16xf32, #tpu.memory_space<hbm>>) dst(%dma_wait3A_872 : memref<104x16xf32, #tpu.memory_space<vmem>>)
      %dma_wait3A_883 = arith.constant 0 : i32
      %dma_wait3A_884 = arith.constant 5 : i32
      %dma_wait3A_885 = arith.constant 0 : i32
      %dma_wait3A_886 = arith.constant 0 : i32
      %dma_wait3A_887 = arith.constant 0 : i32
      %dma_wait3A_888 = tpu.memref_slice %arg8[%dma_wait3A_885, %dma_wait3A_886, %dma_wait3A_887] : memref<2x1600x16xf32, #tpu.memory_space<vmem>> -> memref<1x1600x16xf32, #tpu.memory_space<vmem>>
      %dma_wait3A_889 = tpu.memref_squeeze %dma_wait3A_888 : memref<1x1600x16xf32, #tpu.memory_space<vmem>> -> memref<1600x16xf32, #tpu.memory_space<vmem>>
      %dma_wait3A_890 = arith.constant 1104 : i32
      %dma_wait3A_891 = arith.constant 0 : i32
      %dma_wait3A_892 = tpu.memref_slice %dma_wait3A_889[%dma_wait3A_890, %dma_wait3A_891] : memref<1600x16xf32, #tpu.memory_space<vmem>> -> memref<96x16xf32, #tpu.memory_space<vmem>>
      %dma_wait3A_893 = arith.constant 0 : i32
      %dma_wait3A_894 = arith.constant 0 : i32
      %dma_wait3A_895 = tpu.memref_slice %arg7[%dma_wait3A_883, %dma_wait3A_893, %dma_wait3A_894] : memref<2x8x200xi32, #tpu.memory_space<vmem>> -> memref<1x8x200xi32, #tpu.memory_space<vmem>>
      %dma_wait3A_896 = tpu.memref_squeeze %dma_wait3A_895 : memref<1x8x200xi32, #tpu.memory_space<vmem>> -> memref<8x200xi32, #tpu.memory_space<vmem>>
      %dma_wait3A_897 = arith.constant 104 : i32
      %dma_wait3A_898 = tpu.memref_slice %dma_wait3A_896[%dma_wait3A_884, %dma_wait3A_897] : memref<8x200xi32, #tpu.memory_space<vmem>> -> memref<1x96xi32, #tpu.memory_space<vmem>>
      %dma_wait3A_899 = tpu.memref_squeeze %dma_wait3A_898 : memref<1x96xi32, #tpu.memory_space<vmem>> -> memref<96xi32, #tpu.memory_space<vmem>>
      %dma_wait3A_900 = arith.constant 0 : i32
      %dma_wait3A_901 = arith.constant 0 : i32
      %dma_wait3A_902 = tpu.memref_slice %arg2[%dma_wait3A_900, %dma_wait3A_901] : memref<1000000x16xf32, #tpu.memory_space<hbm>> -> memref<1000000x16xf32, #tpu.memory_space<hbm>>
      tpu.wait_indirect_dma semaphore(%arg12 : memref<!tpu.dma_semaphore, #tpu.memory_space<semaphore_mem>>) src(%dma_wait3A_902 : memref<1000000x16xf32, #tpu.memory_space<hbm>>) dst(%dma_wait3A_892 : memref<96x16xf32, #tpu.memory_space<vmem>>)
      %dma_wait3A_903 = arith.constant 0 : i32
      %dma_wait3A_904 = arith.constant 6 : i32
      %dma_wait3A_905 = arith.constant 0 : i32
      %dma_wait3A_906 = arith.constant 0 : i32
      %dma_wait3A_907 = arith.constant 0 : i32
      %dma_wait3A_908 = tpu.memref_slice %arg8[%dma_wait3A_905, %dma_wait3A_906, %dma_wait3A_907] : memref<2x1600x16xf32, #tpu.memory_space<vmem>> -> memref<1x1600x16xf32, #tpu.memory_space<vmem>>
      %dma_wait3A_909 = tpu.memref_squeeze %dma_wait3A_908 : memref<1x1600x16xf32, #tpu.memory_space<vmem>> -> memref<1600x16xf32, #tpu.memory_space<vmem>>
      %dma_wait3A_910 = arith.constant 1200 : i32
      %dma_wait3A_911 = arith.constant 0 : i32
      %dma_wait3A_912 = tpu.memref_slice %dma_wait3A_909[%dma_wait3A_910, %dma_wait3A_911] : memref<1600x16xf32, #tpu.memory_space<vmem>> -> memref<104x16xf32, #tpu.memory_space<vmem>>
      %dma_wait3A_913 = arith.constant 0 : i32
      %dma_wait3A_914 = arith.constant 0 : i32
      %dma_wait3A_915 = tpu.memref_slice %arg7[%dma_wait3A_903, %dma_wait3A_913, %dma_wait3A_914] : memref<2x8x200xi32, #tpu.memory_space<vmem>> -> memref<1x8x200xi32, #tpu.memory_space<vmem>>
      %dma_wait3A_916 = tpu.memref_squeeze %dma_wait3A_915 : memref<1x8x200xi32, #tpu.memory_space<vmem>> -> memref<8x200xi32, #tpu.memory_space<vmem>>
      %dma_wait3A_917 = arith.constant 0 : i32
      %dma_wait3A_918 = tpu.memref_slice %dma_wait3A_916[%dma_wait3A_904, %dma_wait3A_917] : memref<8x200xi32, #tpu.memory_space<vmem>> -> memref<1x104xi32, #tpu.memory_space<vmem>>
      %dma_wait3A_919 = tpu.memref_squeeze %dma_wait3A_918 : memref<1x104xi32, #tpu.memory_space<vmem>> -> memref<104xi32, #tpu.memory_space<vmem>>
      %dma_wait3A_920 = arith.constant 0 : i32
      %dma_wait3A_921 = arith.constant 0 : i32
      %dma_wait3A_922 = tpu.memref_slice %arg2[%dma_wait3A_920, %dma_wait3A_921] : memref<1000000x16xf32, #tpu.memory_space<hbm>> -> memref<1000000x16xf32, #tpu.memory_space<hbm>>
      tpu.wait_indirect_dma semaphore(%arg12 : memref<!tpu.dma_semaphore, #tpu.memory_space<semaphore_mem>>) src(%dma_wait3A_922 : memref<1000000x16xf32, #tpu.memory_space<hbm>>) dst(%dma_wait3A_912 : memref<104x16xf32, #tpu.memory_space<vmem>>)
      %dma_wait3A_923 = arith.constant 0 : i32
      %dma_wait3A_924 = arith.constant 6 : i32
      %dma_wait3A_925 = arith.constant 0 : i32
      %dma_wait3A_926 = arith.constant 0 : i32
      %dma_wait3A_927 = arith.constant 0 : i32
      %dma_wait3A_928 = tpu.memref_slice %arg8[%dma_wait3A_925, %dma_wait3A_926, %dma_wait3A_927] : memref<2x1600x16xf32, #tpu.memory_space<vmem>> -> memref<1x1600x16xf32, #tpu.memory_space<vmem>>
      %dma_wait3A_929 = tpu.memref_squeeze %dma_wait3A_928 : memref<1x1600x16xf32, #tpu.memory_space<vmem>> -> memref<1600x16xf32, #tpu.memory_space<vmem>>
      %dma_wait3A_930 = arith.constant 1304 : i32
      %dma_wait3A_931 = arith.constant 0 : i32
      %dma_wait3A_932 = tpu.memref_slice %dma_wait3A_929[%dma_wait3A_930, %dma_wait3A_931] : memref<1600x16xf32, #tpu.memory_space<vmem>> -> memref<96x16xf32, #tpu.memory_space<vmem>>
      %dma_wait3A_933 = arith.constant 0 : i32
      %dma_wait3A_934 = arith.constant 0 : i32
      %dma_wait3A_935 = tpu.memref_slice %arg7[%dma_wait3A_923, %dma_wait3A_933, %dma_wait3A_934] : memref<2x8x200xi32, #tpu.memory_space<vmem>> -> memref<1x8x200xi32, #tpu.memory_space<vmem>>
      %dma_wait3A_936 = tpu.memref_squeeze %dma_wait3A_935 : memref<1x8x200xi32, #tpu.memory_space<vmem>> -> memref<8x200xi32, #tpu.memory_space<vmem>>
      %dma_wait3A_937 = arith.constant 104 : i32
      %dma_wait3A_938 = tpu.memref_slice %dma_wait3A_936[%dma_wait3A_924, %dma_wait3A_937] : memref<8x200xi32, #tpu.memory_space<vmem>> -> memref<1x96xi32, #tpu.memory_space<vmem>>
      %dma_wait3A_939 = tpu.memref_squeeze %dma_wait3A_938 : memref<1x96xi32, #tpu.memory_space<vmem>> -> memref<96xi32, #tpu.memory_space<vmem>>
      %dma_wait3A_940 = arith.constant 0 : i32
      %dma_wait3A_941 = arith.constant 0 : i32
      %dma_wait3A_942 = tpu.memref_slice %arg2[%dma_wait3A_940, %dma_wait3A_941] : memref<1000000x16xf32, #tpu.memory_space<hbm>> -> memref<1000000x16xf32, #tpu.memory_space<hbm>>
      tpu.wait_indirect_dma semaphore(%arg12 : memref<!tpu.dma_semaphore, #tpu.memory_space<semaphore_mem>>) src(%dma_wait3A_942 : memref<1000000x16xf32, #tpu.memory_space<hbm>>) dst(%dma_wait3A_932 : memref<96x16xf32, #tpu.memory_space<vmem>>)
      %dma_wait3A_943 = arith.constant 0 : i32
      %dma_wait3A_944 = arith.constant 7 : i32
      %dma_wait3A_945 = arith.constant 0 : i32
      %dma_wait3A_946 = arith.constant 0 : i32
      %dma_wait3A_947 = arith.constant 0 : i32
      %dma_wait3A_948 = tpu.memref_slice %arg8[%dma_wait3A_945, %dma_wait3A_946, %dma_wait3A_947] : memref<2x1600x16xf32, #tpu.memory_space<vmem>> -> memref<1x1600x16xf32, #tpu.memory_space<vmem>>
      %dma_wait3A_949 = tpu.memref_squeeze %dma_wait3A_948 : memref<1x1600x16xf32, #tpu.memory_space<vmem>> -> memref<1600x16xf32, #tpu.memory_space<vmem>>
      %dma_wait3A_950 = arith.constant 1400 : i32
      %dma_wait3A_951 = arith.constant 0 : i32
      %dma_wait3A_952 = tpu.memref_slice %dma_wait3A_949[%dma_wait3A_950, %dma_wait3A_951] : memref<1600x16xf32, #tpu.memory_space<vmem>> -> memref<104x16xf32, #tpu.memory_space<vmem>>
      %dma_wait3A_953 = arith.constant 0 : i32
      %dma_wait3A_954 = arith.constant 0 : i32
      %dma_wait3A_955 = tpu.memref_slice %arg7[%dma_wait3A_943, %dma_wait3A_953, %dma_wait3A_954] : memref<2x8x200xi32, #tpu.memory_space<vmem>> -> memref<1x8x200xi32, #tpu.memory_space<vmem>>
      %dma_wait3A_956 = tpu.memref_squeeze %dma_wait3A_955 : memref<1x8x200xi32, #tpu.memory_space<vmem>> -> memref<8x200xi32, #tpu.memory_space<vmem>>
      %dma_wait3A_957 = arith.constant 0 : i32
      %dma_wait3A_958 = tpu.memref_slice %dma_wait3A_956[%dma_wait3A_944, %dma_wait3A_957] : memref<8x200xi32, #tpu.memory_space<vmem>> -> memref<1x104xi32, #tpu.memory_space<vmem>>
      %dma_wait3A_959 = tpu.memref_squeeze %dma_wait3A_958 : memref<1x104xi32, #tpu.memory_space<vmem>> -> memref<104xi32, #tpu.memory_space<vmem>>
      %dma_wait3A_960 = arith.constant 0 : i32
      %dma_wait3A_961 = arith.constant 0 : i32
      %dma_wait3A_962 = tpu.memref_slice %arg2[%dma_wait3A_960, %dma_wait3A_961] : memref<1000000x16xf32, #tpu.memory_space<hbm>> -> memref<1000000x16xf32, #tpu.memory_space<hbm>>
      tpu.wait_indirect_dma semaphore(%arg12 : memref<!tpu.dma_semaphore, #tpu.memory_space<semaphore_mem>>) src(%dma_wait3A_962 : memref<1000000x16xf32, #tpu.memory_space<hbm>>) dst(%dma_wait3A_952 : memref<104x16xf32, #tpu.memory_space<vmem>>)
      %dma_wait3A_963 = arith.constant 0 : i32
      %dma_wait3A_964 = arith.constant 7 : i32
      %dma_wait3A_965 = arith.constant 0 : i32
      %dma_wait3A_966 = arith.constant 0 : i32
      %dma_wait3A_967 = arith.constant 0 : i32
      %dma_wait3A_968 = tpu.memref_slice %arg8[%dma_wait3A_965, %dma_wait3A_966, %dma_wait3A_967] : memref<2x1600x16xf32, #tpu.memory_space<vmem>> -> memref<1x1600x16xf32, #tpu.memory_space<vmem>>
      %dma_wait3A_969 = tpu.memref_squeeze %dma_wait3A_968 : memref<1x1600x16xf32, #tpu.memory_space<vmem>> -> memref<1600x16xf32, #tpu.memory_space<vmem>>
      %dma_wait3A_970 = arith.constant 1504 : i32
      %dma_wait3A_971 = arith.constant 0 : i32
      %dma_wait3A_972 = tpu.memref_slice %dma_wait3A_969[%dma_wait3A_970, %dma_wait3A_971] : memref<1600x16xf32, #tpu.memory_space<vmem>> -> memref<96x16xf32, #tpu.memory_space<vmem>>
      %dma_wait3A_973 = arith.constant 0 : i32
      %dma_wait3A_974 = arith.constant 0 : i32
      %dma_wait3A_975 = tpu.memref_slice %arg7[%dma_wait3A_963, %dma_wait3A_973, %dma_wait3A_974] : memref<2x8x200xi32, #tpu.memory_space<vmem>> -> memref<1x8x200xi32, #tpu.memory_space<vmem>>
      %dma_wait3A_976 = tpu.memref_squeeze %dma_wait3A_975 : memref<1x8x200xi32, #tpu.memory_space<vmem>> -> memref<8x200xi32, #tpu.memory_space<vmem>>
      %dma_wait3A_977 = arith.constant 104 : i32
      %dma_wait3A_978 = tpu.memref_slice %dma_wait3A_976[%dma_wait3A_964, %dma_wait3A_977] : memref<8x200xi32, #tpu.memory_space<vmem>> -> memref<1x96xi32, #tpu.memory_space<vmem>>
      %dma_wait3A_979 = tpu.memref_squeeze %dma_wait3A_978 : memref<1x96xi32, #tpu.memory_space<vmem>> -> memref<96xi32, #tpu.memory_space<vmem>>
      %dma_wait3A_980 = arith.constant 0 : i32
      %dma_wait3A_981 = arith.constant 0 : i32
      %dma_wait3A_982 = tpu.memref_slice %arg2[%dma_wait3A_980, %dma_wait3A_981] : memref<1000000x16xf32, #tpu.memory_space<hbm>> -> memref<1000000x16xf32, #tpu.memory_space<hbm>>
      tpu.wait_indirect_dma semaphore(%arg12 : memref<!tpu.dma_semaphore, #tpu.memory_space<semaphore_mem>>) src(%dma_wait3A_982 : memref<1000000x16xf32, #tpu.memory_space<hbm>>) dst(%dma_wait3A_972 : memref<96x16xf32, #tpu.memory_space<vmem>>)
      %mul3A_983 = arith.constant 2 : i32
      %mul3A_984 = arith.muli %mul3A_983, %scan3A_332 : i32
      %mul3A_985 = arith.constant 512 : i32
      %mul3A_986 = arith.muli %add3A, %mul3A_985 : i32
      %mul3A_987 = arith.constant 8 : i32
      %mul3A_988 = arith.muli %mul3A_984, %mul3A_987 : i32
      %add3A_989 = arith.addi %mul3A_986, %mul3A_988 : i32
      %multiple_of3A_990 = tpu.assume_multiple %add3A_989, 8 : i32
      %broadcast_in_dim3A = arith.constant 0.000000e+00 : f32
      %broadcast_in_dim3A_991 = vector.broadcast %broadcast_in_dim3A : f32 to vector<16xf32>
      %parallel_loop3A = arith.constant 0 : i32
      %parallel_loop3A_992 = arith.constant 25 : i32
      %parallel_loop3A_993 = arith.constant 1 : i32
      %parallel_loop3A_994 = arith.constant 0 : i32
      %parallel_loop3A_995:8 = scf.for %parallel_loop3A_1783 = %parallel_loop3A to %parallel_loop3A_992 step %parallel_loop3A_993 iter_args(%parallel_loop3A_1784 = %broadcast_in_dim3A_991, %parallel_loop3A_1785 = %broadcast_in_dim3A_991, %parallel_loop3A_1786 = %broadcast_in_dim3A_991, %parallel_loop3A_1787 = %broadcast_in_dim3A_991, %parallel_loop3A_1788 = %broadcast_in_dim3A_991, %parallel_loop3A_1789 = %broadcast_in_dim3A_991, %parallel_loop3A_1790 = %broadcast_in_dim3A_991, %parallel_loop3A_1791 = %broadcast_in_dim3A_991) -> (vector<16xf32>, vector<16xf32>, vector<16xf32>, vector<16xf32>, vector<16xf32>, vector<16xf32>, vector<16xf32>, vector<16xf32>)  : i32 {
        %parallel_loop3A_1792 = arith.constant 8 : i32
        %parallel_loop3A_1793 = arith.muli %parallel_loop3A_1783, %parallel_loop3A_1792 : i32
        %parallel_loop3A_1794 = arith.constant 0 : i32
        %parallel_loop3A_1795 = arith.addi %parallel_loop3A_1794, %parallel_loop3A_1793 : i32
        %parallel_loop3A_1796 = arith.constant 0 : i32
        %parallel_loop3A_1797 = arith.addi %parallel_loop3A_1795, %parallel_loop3A_1796 : i32
        %parallel_loop3A_1798 = arith.constant 0 : i32
        %parallel_loop3A_1799 = arith.constant 0 : i32
        %parallel_loop3A_1800 = tpu.memref_slice %arg8[%parallel_loop3A_994, %parallel_loop3A_1798, %parallel_loop3A_1799] : memref<2x1600x16xf32, #tpu.memory_space<vmem>> -> memref<1x1600x16xf32, #tpu.memory_space<vmem>>
        %parallel_loop3A_1801 = tpu.memref_squeeze %parallel_loop3A_1800 : memref<1x1600x16xf32, #tpu.memory_space<vmem>> -> memref<1600x16xf32, #tpu.memory_space<vmem>>
        %parallel_loop3A_1802 = arith.index_cast %parallel_loop3A_1797 : i32 to index
        %parallel_loop3A_1803 = arith.constant 0 : index
        %parallel_loop3A_1804 = tpu.vector_load %parallel_loop3A_1801[%parallel_loop3A_1802, %parallel_loop3A_1803] {strides = array<i32>} : memref<1600x16xf32, #tpu.memory_space<vmem>>, vector<1x16xf32>,
        %parallel_loop3A_1805 = vector.shape_cast %parallel_loop3A_1804 : vector<1x16xf32> to vector<16xf32>
        %parallel_loop3A_1806 = arith.addf %parallel_loop3A_1784, %parallel_loop3A_1805 : vector<16xf32>
        %parallel_loop3A_1807 = arith.constant 1 : i32
        %parallel_loop3A_1808 = arith.addi %parallel_loop3A_1795, %parallel_loop3A_1807 : i32
        %parallel_loop3A_1809 = arith.constant 0 : i32
        %parallel_loop3A_1810 = arith.constant 0 : i32
        %parallel_loop3A_1811 = tpu.memref_slice %arg8[%parallel_loop3A_994, %parallel_loop3A_1809, %parallel_loop3A_1810] : memref<2x1600x16xf32, #tpu.memory_space<vmem>> -> memref<1x1600x16xf32, #tpu.memory_space<vmem>>
        %parallel_loop3A_1812 = tpu.memref_squeeze %parallel_loop3A_1811 : memref<1x1600x16xf32, #tpu.memory_space<vmem>> -> memref<1600x16xf32, #tpu.memory_space<vmem>>
        %parallel_loop3A_1813 = arith.index_cast %parallel_loop3A_1808 : i32 to index
        %parallel_loop3A_1814 = arith.constant 0 : index
        %parallel_loop3A_1815 = tpu.vector_load %parallel_loop3A_1812[%parallel_loop3A_1813, %parallel_loop3A_1814] {strides = array<i32>} : memref<1600x16xf32, #tpu.memory_space<vmem>>, vector<1x16xf32>,
        %parallel_loop3A_1816 = vector.shape_cast %parallel_loop3A_1815 : vector<1x16xf32> to vector<16xf32>
        %parallel_loop3A_1817 = arith.addf %parallel_loop3A_1785, %parallel_loop3A_1816 : vector<16xf32>
        %parallel_loop3A_1818 = arith.constant 2 : i32
        %parallel_loop3A_1819 = arith.addi %parallel_loop3A_1795, %parallel_loop3A_1818 : i32
        %parallel_loop3A_1820 = arith.constant 0 : i32
        %parallel_loop3A_1821 = arith.constant 0 : i32
        %parallel_loop3A_1822 = tpu.memref_slice %arg8[%parallel_loop3A_994, %parallel_loop3A_1820, %parallel_loop3A_1821] : memref<2x1600x16xf32, #tpu.memory_space<vmem>> -> memref<1x1600x16xf32, #tpu.memory_space<vmem>>
        %parallel_loop3A_1823 = tpu.memref_squeeze %parallel_loop3A_1822 : memref<1x1600x16xf32, #tpu.memory_space<vmem>> -> memref<1600x16xf32, #tpu.memory_space<vmem>>
        %parallel_loop3A_1824 = arith.index_cast %parallel_loop3A_1819 : i32 to index
        %parallel_loop3A_1825 = arith.constant 0 : index
        %parallel_loop3A_1826 = tpu.vector_load %parallel_loop3A_1823[%parallel_loop3A_1824, %parallel_loop3A_1825] {strides = array<i32>} : memref<1600x16xf32, #tpu.memory_space<vmem>>, vector<1x16xf32>,
        %parallel_loop3A_1827 = vector.shape_cast %parallel_loop3A_1826 : vector<1x16xf32> to vector<16xf32>
        %parallel_loop3A_1828 = arith.addf %parallel_loop3A_1786, %parallel_loop3A_1827 : vector<16xf32>
        %parallel_loop3A_1829 = arith.constant 3 : i32
        %parallel_loop3A_1830 = arith.addi %parallel_loop3A_1795, %parallel_loop3A_1829 : i32
        %parallel_loop3A_1831 = arith.constant 0 : i32
        %parallel_loop3A_1832 = arith.constant 0 : i32
        %parallel_loop3A_1833 = tpu.memref_slice %arg8[%parallel_loop3A_994, %parallel_loop3A_1831, %parallel_loop3A_1832] : memref<2x1600x16xf32, #tpu.memory_space<vmem>> -> memref<1x1600x16xf32, #tpu.memory_space<vmem>>
        %parallel_loop3A_1834 = tpu.memref_squeeze %parallel_loop3A_1833 : memref<1x1600x16xf32, #tpu.memory_space<vmem>> -> memref<1600x16xf32, #tpu.memory_space<vmem>>
        %parallel_loop3A_1835 = arith.index_cast %parallel_loop3A_1830 : i32 to index
        %parallel_loop3A_1836 = arith.constant 0 : index
        %parallel_loop3A_1837 = tpu.vector_load %parallel_loop3A_1834[%parallel_loop3A_1835, %parallel_loop3A_1836] {strides = array<i32>} : memref<1600x16xf32, #tpu.memory_space<vmem>>, vector<1x16xf32>,
        %parallel_loop3A_1838 = vector.shape_cast %parallel_loop3A_1837 : vector<1x16xf32> to vector<16xf32>
        %parallel_loop3A_1839 = arith.addf %parallel_loop3A_1787, %parallel_loop3A_1838 : vector<16xf32>
        %parallel_loop3A_1840 = arith.constant 4 : i32
        %parallel_loop3A_1841 = arith.addi %parallel_loop3A_1795, %parallel_loop3A_1840 : i32
        %parallel_loop3A_1842 = arith.constant 0 : i32
        %parallel_loop3A_1843 = arith.constant 0 : i32
        %parallel_loop3A_1844 = tpu.memref_slice %arg8[%parallel_loop3A_994, %parallel_loop3A_1842, %parallel_loop3A_1843] : memref<2x1600x16xf32, #tpu.memory_space<vmem>> -> memref<1x1600x16xf32, #tpu.memory_space<vmem>>
        %parallel_loop3A_1845 = tpu.memref_squeeze %parallel_loop3A_1844 : memref<1x1600x16xf32, #tpu.memory_space<vmem>> -> memref<1600x16xf32, #tpu.memory_space<vmem>>
        %parallel_loop3A_1846 = arith.index_cast %parallel_loop3A_1841 : i32 to index
        %parallel_loop3A_1847 = arith.constant 0 : index
        %parallel_loop3A_1848 = tpu.vector_load %parallel_loop3A_1845[%parallel_loop3A_1846, %parallel_loop3A_1847] {strides = array<i32>} : memref<1600x16xf32, #tpu.memory_space<vmem>>, vector<1x16xf32>,
        %parallel_loop3A_1849 = vector.shape_cast %parallel_loop3A_1848 : vector<1x16xf32> to vector<16xf32>
        %parallel_loop3A_1850 = arith.addf %parallel_loop3A_1788, %parallel_loop3A_1849 : vector<16xf32>
        %parallel_loop3A_1851 = arith.constant 5 : i32
        %parallel_loop3A_1852 = arith.addi %parallel_loop3A_1795, %parallel_loop3A_1851 : i32
        %parallel_loop3A_1853 = arith.constant 0 : i32
        %parallel_loop3A_1854 = arith.constant 0 : i32
        %parallel_loop3A_1855 = tpu.memref_slice %arg8[%parallel_loop3A_994, %parallel_loop3A_1853, %parallel_loop3A_1854] : memref<2x1600x16xf32, #tpu.memory_space<vmem>> -> memref<1x1600x16xf32, #tpu.memory_space<vmem>>
        %parallel_loop3A_1856 = tpu.memref_squeeze %parallel_loop3A_1855 : memref<1x1600x16xf32, #tpu.memory_space<vmem>> -> memref<1600x16xf32, #tpu.memory_space<vmem>>
        %parallel_loop3A_1857 = arith.index_cast %parallel_loop3A_1852 : i32 to index
        %parallel_loop3A_1858 = arith.constant 0 : index
        %parallel_loop3A_1859 = tpu.vector_load %parallel_loop3A_1856[%parallel_loop3A_1857, %parallel_loop3A_1858] {strides = array<i32>} : memref<1600x16xf32, #tpu.memory_space<vmem>>, vector<1x16xf32>,
        %parallel_loop3A_1860 = vector.shape_cast %parallel_loop3A_1859 : vector<1x16xf32> to vector<16xf32>
        %parallel_loop3A_1861 = arith.addf %parallel_loop3A_1789, %parallel_loop3A_1860 : vector<16xf32>
        %parallel_loop3A_1862 = arith.constant 6 : i32
        %parallel_loop3A_1863 = arith.addi %parallel_loop3A_1795, %parallel_loop3A_1862 : i32
        %parallel_loop3A_1864 = arith.constant 0 : i32
        %parallel_loop3A_1865 = arith.constant 0 : i32
        %parallel_loop3A_1866 = tpu.memref_slice %arg8[%parallel_loop3A_994, %parallel_loop3A_1864, %parallel_loop3A_1865] : memref<2x1600x16xf32, #tpu.memory_space<vmem>> -> memref<1x1600x16xf32, #tpu.memory_space<vmem>>
        %parallel_loop3A_1867 = tpu.memref_squeeze %parallel_loop3A_1866 : memref<1x1600x16xf32, #tpu.memory_space<vmem>> -> memref<1600x16xf32, #tpu.memory_space<vmem>>
        %parallel_loop3A_1868 = arith.index_cast %parallel_loop3A_1863 : i32 to index
        %parallel_loop3A_1869 = arith.constant 0 : index
        %parallel_loop3A_1870 = tpu.vector_load %parallel_loop3A_1867[%parallel_loop3A_1868, %parallel_loop3A_1869] {strides = array<i32>} : memref<1600x16xf32, #tpu.memory_space<vmem>>, vector<1x16xf32>,
        %parallel_loop3A_1871 = vector.shape_cast %parallel_loop3A_1870 : vector<1x16xf32> to vector<16xf32>
        %parallel_loop3A_1872 = arith.addf %parallel_loop3A_1790, %parallel_loop3A_1871 : vector<16xf32>
        %parallel_loop3A_1873 = arith.constant 7 : i32
        %parallel_loop3A_1874 = arith.addi %parallel_loop3A_1795, %parallel_loop3A_1873 : i32
        %parallel_loop3A_1875 = arith.constant 0 : i32
        %parallel_loop3A_1876 = arith.constant 0 : i32
        %parallel_loop3A_1877 = tpu.memref_slice %arg8[%parallel_loop3A_994, %parallel_loop3A_1875, %parallel_loop3A_1876] : memref<2x1600x16xf32, #tpu.memory_space<vmem>> -> memref<1x1600x16xf32, #tpu.memory_space<vmem>>
        %parallel_loop3A_1878 = tpu.memref_squeeze %parallel_loop3A_1877 : memref<1x1600x16xf32, #tpu.memory_space<vmem>> -> memref<1600x16xf32, #tpu.memory_space<vmem>>
        %parallel_loop3A_1879 = arith.index_cast %parallel_loop3A_1874 : i32 to index
        %parallel_loop3A_1880 = arith.constant 0 : index
        %parallel_loop3A_1881 = tpu.vector_load %parallel_loop3A_1878[%parallel_loop3A_1879, %parallel_loop3A_1880] {strides = array<i32>} : memref<1600x16xf32, #tpu.memory_space<vmem>>, vector<1x16xf32>,
        %parallel_loop3A_1882 = vector.shape_cast %parallel_loop3A_1881 : vector<1x16xf32> to vector<16xf32>
        %parallel_loop3A_1883 = arith.addf %parallel_loop3A_1791, %parallel_loop3A_1882 : vector<16xf32>
        scf.yield %parallel_loop3A_1806, %parallel_loop3A_1817, %parallel_loop3A_1828, %parallel_loop3A_1839, %parallel_loop3A_1850, %parallel_loop3A_1861, %parallel_loop3A_1872, %parallel_loop3A_1883 : vector<16xf32>, vector<16xf32>, vector<16xf32>, vector<16xf32>, vector<16xf32>, vector<16xf32>, vector<16xf32>, vector<16xf32>
      } {sc.loop_unroll_factor = 2 : i64, sc.parallel_access}
      %add3A_996 = arith.addf %parallel_loop3A_995#0, %parallel_loop3A_995#1 : vector<16xf32>
      %add3A_997 = arith.addf %parallel_loop3A_995#2, %parallel_loop3A_995#3 : vector<16xf32>
      %add3A_998 = arith.addf %add3A_996, %add3A_997 : vector<16xf32>
      %add3A_999 = arith.addf %parallel_loop3A_995#4, %parallel_loop3A_995#5 : vector<16xf32>
      %add3A_1000 = arith.addf %parallel_loop3A_995#6, %parallel_loop3A_995#7 : vector<16xf32>
      %add3A_1001 = arith.addf %add3A_999, %add3A_1000 : vector<16xf32>
      %get3A = arith.index_cast %mul3A_984 : i32 to index
      %get3A_1002 = arith.constant 0 : index
      %get3A_1003 = tpu.vector_load %arg10[%get3A, %get3A_1002] {strides = array<i32>} : memref<64x128xf32, #tpu.memory_space<vmem>>, vector<1x16xf32>,
      %get3A_1004 = vector.shape_cast %get3A_1003 : vector<1x16xf32> to vector<16xf32>
      %add3A_1005 = arith.addf %add3A_998, %add3A_1001 : vector<16xf32>
      %mul3A_1006 = arith.mulf %add3A_1005, %get3A_1004 : vector<16xf32>
      %get3A_1007 = arith.constant 0 : index
      %get3A_1008 = tpu.vector_load %arg11[%get3A_1007] {strides = array<i32>} : memref<16xf32, #tpu.memory_space<vmem>>, vector<16xf32>,
      %get3A_1009 = vector.shape_cast %get3A_1008 : vector<16xf32> to vector<16xf32>
      %add3A_1010 = arith.addf %mul3A_1006, %get3A_1009 : vector<16xf32>
      %swap3A = arith.constant 0 : i32
      %swap3A_1011 = arith.index_cast %swap3A : i32 to index
      %swap3A_1012 = arith.constant 0 : index
      %swap3A_1013 = tpu.vector_load %arg9[%swap3A_1011, %swap3A_1012] {strides = array<i32>} : memref<8x16xf32, #tpu.memory_space<vmem>>, vector<1x16xf32>,
      %swap3A_1014 = vector.shape_cast %swap3A_1013 : vector<1x16xf32> to vector<16xf32>
      %swap3A_1015 = vector.shape_cast %add3A_1010 : vector<16xf32> to vector<1x16xf32>
      tpu.vector_store %arg9[%swap3A_1011, %swap3A_1012], %swap3A_1015 {strides = array<i32>} : memref<8x16xf32, #tpu.memory_space<vmem>>, vector<1x16xf32>,
      %broadcast_in_dim3A_1016 = arith.constant 0.000000e+00 : f32
      %broadcast_in_dim3A_1017 = vector.broadcast %broadcast_in_dim3A_1016 : f32 to vector<16xf32>
      %parallel_loop3A_1018 = arith.constant 0 : i32
      %parallel_loop3A_1019 = arith.constant 25 : i32
      %parallel_loop3A_1020 = arith.constant 1 : i32
      %parallel_loop3A_1021 = arith.constant 0 : i32
      %parallel_loop3A_1022:8 = scf.for %parallel_loop3A_1783 = %parallel_loop3A_1018 to %parallel_loop3A_1019 step %parallel_loop3A_1020 iter_args(%parallel_loop3A_1784 = %broadcast_in_dim3A_1017, %parallel_loop3A_1785 = %broadcast_in_dim3A_1017, %parallel_loop3A_1786 = %broadcast_in_dim3A_1017, %parallel_loop3A_1787 = %broadcast_in_dim3A_1017, %parallel_loop3A_1788 = %broadcast_in_dim3A_1017, %parallel_loop3A_1789 = %broadcast_in_dim3A_1017, %parallel_loop3A_1790 = %broadcast_in_dim3A_1017, %parallel_loop3A_1791 = %broadcast_in_dim3A_1017) -> (vector<16xf32>, vector<16xf32>, vector<16xf32>, vector<16xf32>, vector<16xf32>, vector<16xf32>, vector<16xf32>, vector<16xf32>)  : i32 {
        %parallel_loop3A_1792 = arith.constant 8 : i32
        %parallel_loop3A_1793 = arith.muli %parallel_loop3A_1783, %parallel_loop3A_1792 : i32
        %parallel_loop3A_1794 = arith.constant 200 : i32
        %parallel_loop3A_1795 = arith.addi %parallel_loop3A_1794, %parallel_loop3A_1793 : i32
        %parallel_loop3A_1796 = arith.constant 0 : i32
        %parallel_loop3A_1797 = arith.addi %parallel_loop3A_1795, %parallel_loop3A_1796 : i32
        %parallel_loop3A_1798 = arith.constant 0 : i32
        %parallel_loop3A_1799 = arith.constant 0 : i32
        %parallel_loop3A_1800 = tpu.memref_slice %arg8[%parallel_loop3A_1021, %parallel_loop3A_1798, %parallel_loop3A_1799] : memref<2x1600x16xf32, #tpu.memory_space<vmem>> -> memref<1x1600x16xf32, #tpu.memory_space<vmem>>
        %parallel_loop3A_1801 = tpu.memref_squeeze %parallel_loop3A_1800 : memref<1x1600x16xf32, #tpu.memory_space<vmem>> -> memref<1600x16xf32, #tpu.memory_space<vmem>>
        %parallel_loop3A_1802 = arith.index_cast %parallel_loop3A_1797 : i32 to index
        %parallel_loop3A_1803 = arith.constant 0 : index
        %parallel_loop3A_1804 = tpu.vector_load %parallel_loop3A_1801[%parallel_loop3A_1802, %parallel_loop3A_1803] {strides = array<i32>} : memref<1600x16xf32, #tpu.memory_space<vmem>>, vector<1x16xf32>,
        %parallel_loop3A_1805 = vector.shape_cast %parallel_loop3A_1804 : vector<1x16xf32> to vector<16xf32>
        %parallel_loop3A_1806 = arith.addf %parallel_loop3A_1784, %parallel_loop3A_1805 : vector<16xf32>
        %parallel_loop3A_1807 = arith.constant 1 : i32
        %parallel_loop3A_1808 = arith.addi %parallel_loop3A_1795, %parallel_loop3A_1807 : i32
        %parallel_loop3A_1809 = arith.constant 0 : i32
        %parallel_loop3A_1810 = arith.constant 0 : i32
        %parallel_loop3A_1811 = tpu.memref_slice %arg8[%parallel_loop3A_1021, %parallel_loop3A_1809, %parallel_loop3A_1810] : memref<2x1600x16xf32, #tpu.memory_space<vmem>> -> memref<1x1600x16xf32, #tpu.memory_space<vmem>>
        %parallel_loop3A_1812 = tpu.memref_squeeze %parallel_loop3A_1811 : memref<1x1600x16xf32, #tpu.memory_space<vmem>> -> memref<1600x16xf32, #tpu.memory_space<vmem>>
        %parallel_loop3A_1813 = arith.index_cast %parallel_loop3A_1808 : i32 to index
        %parallel_loop3A_1814 = arith.constant 0 : index
        %parallel_loop3A_1815 = tpu.vector_load %parallel_loop3A_1812[%parallel_loop3A_1813, %parallel_loop3A_1814] {strides = array<i32>} : memref<1600x16xf32, #tpu.memory_space<vmem>>, vector<1x16xf32>,
        %parallel_loop3A_1816 = vector.shape_cast %parallel_loop3A_1815 : vector<1x16xf32> to vector<16xf32>
        %parallel_loop3A_1817 = arith.addf %parallel_loop3A_1785, %parallel_loop3A_1816 : vector<16xf32>
        %parallel_loop3A_1818 = arith.constant 2 : i32
        %parallel_loop3A_1819 = arith.addi %parallel_loop3A_1795, %parallel_loop3A_1818 : i32
        %parallel_loop3A_1820 = arith.constant 0 : i32
        %parallel_loop3A_1821 = arith.constant 0 : i32
        %parallel_loop3A_1822 = tpu.memref_slice %arg8[%parallel_loop3A_1021, %parallel_loop3A_1820, %parallel_loop3A_1821] : memref<2x1600x16xf32, #tpu.memory_space<vmem>> -> memref<1x1600x16xf32, #tpu.memory_space<vmem>>
        %parallel_loop3A_1823 = tpu.memref_squeeze %parallel_loop3A_1822 : memref<1x1600x16xf32, #tpu.memory_space<vmem>> -> memref<1600x16xf32, #tpu.memory_space<vmem>>
        %parallel_loop3A_1824 = arith.index_cast %parallel_loop3A_1819 : i32 to index
        %parallel_loop3A_1825 = arith.constant 0 : index
        %parallel_loop3A_1826 = tpu.vector_load %parallel_loop3A_1823[%parallel_loop3A_1824, %parallel_loop3A_1825] {strides = array<i32>} : memref<1600x16xf32, #tpu.memory_space<vmem>>, vector<1x16xf32>,
        %parallel_loop3A_1827 = vector.shape_cast %parallel_loop3A_1826 : vector<1x16xf32> to vector<16xf32>
        %parallel_loop3A_1828 = arith.addf %parallel_loop3A_1786, %parallel_loop3A_1827 : vector<16xf32>
        %parallel_loop3A_1829 = arith.constant 3 : i32
        %parallel_loop3A_1830 = arith.addi %parallel_loop3A_1795, %parallel_loop3A_1829 : i32
        %parallel_loop3A_1831 = arith.constant 0 : i32
        %parallel_loop3A_1832 = arith.constant 0 : i32
        %parallel_loop3A_1833 = tpu.memref_slice %arg8[%parallel_loop3A_1021, %parallel_loop3A_1831, %parallel_loop3A_1832] : memref<2x1600x16xf32, #tpu.memory_space<vmem>> -> memref<1x1600x16xf32, #tpu.memory_space<vmem>>
        %parallel_loop3A_1834 = tpu.memref_squeeze %parallel_loop3A_1833 : memref<1x1600x16xf32, #tpu.memory_space<vmem>> -> memref<1600x16xf32, #tpu.memory_space<vmem>>
        %parallel_loop3A_1835 = arith.index_cast %parallel_loop3A_1830 : i32 to index
        %parallel_loop3A_1836 = arith.constant 0 : index
        %parallel_loop3A_1837 = tpu.vector_load %parallel_loop3A_1834[%parallel_loop3A_1835, %parallel_loop3A_1836] {strides = array<i32>} : memref<1600x16xf32, #tpu.memory_space<vmem>>, vector<1x16xf32>,
        %parallel_loop3A_1838 = vector.shape_cast %parallel_loop3A_1837 : vector<1x16xf32> to vector<16xf32>
        %parallel_loop3A_1839 = arith.addf %parallel_loop3A_1787, %parallel_loop3A_1838 : vector<16xf32>
        %parallel_loop3A_1840 = arith.constant 4 : i32
        %parallel_loop3A_1841 = arith.addi %parallel_loop3A_1795, %parallel_loop3A_1840 : i32
        %parallel_loop3A_1842 = arith.constant 0 : i32
        %parallel_loop3A_1843 = arith.constant 0 : i32
        %parallel_loop3A_1844 = tpu.memref_slice %arg8[%parallel_loop3A_1021, %parallel_loop3A_1842, %parallel_loop3A_1843] : memref<2x1600x16xf32, #tpu.memory_space<vmem>> -> memref<1x1600x16xf32, #tpu.memory_space<vmem>>
        %parallel_loop3A_1845 = tpu.memref_squeeze %parallel_loop3A_1844 : memref<1x1600x16xf32, #tpu.memory_space<vmem>> -> memref<1600x16xf32, #tpu.memory_space<vmem>>
        %parallel_loop3A_1846 = arith.index_cast %parallel_loop3A_1841 : i32 to index
        %parallel_loop3A_1847 = arith.constant 0 : index
        %parallel_loop3A_1848 = tpu.vector_load %parallel_loop3A_1845[%parallel_loop3A_1846, %parallel_loop3A_1847] {strides = array<i32>} : memref<1600x16xf32, #tpu.memory_space<vmem>>, vector<1x16xf32>,
        %parallel_loop3A_1849 = vector.shape_cast %parallel_loop3A_1848 : vector<1x16xf32> to vector<16xf32>
        %parallel_loop3A_1850 = arith.addf %parallel_loop3A_1788, %parallel_loop3A_1849 : vector<16xf32>
        %parallel_loop3A_1851 = arith.constant 5 : i32
        %parallel_loop3A_1852 = arith.addi %parallel_loop3A_1795, %parallel_loop3A_1851 : i32
        %parallel_loop3A_1853 = arith.constant 0 : i32
        %parallel_loop3A_1854 = arith.constant 0 : i32
        %parallel_loop3A_1855 = tpu.memref_slice %arg8[%parallel_loop3A_1021, %parallel_loop3A_1853, %parallel_loop3A_1854] : memref<2x1600x16xf32, #tpu.memory_space<vmem>> -> memref<1x1600x16xf32, #tpu.memory_space<vmem>>
        %parallel_loop3A_1856 = tpu.memref_squeeze %parallel_loop3A_1855 : memref<1x1600x16xf32, #tpu.memory_space<vmem>> -> memref<1600x16xf32, #tpu.memory_space<vmem>>
        %parallel_loop3A_1857 = arith.index_cast %parallel_loop3A_1852 : i32 to index
        %parallel_loop3A_1858 = arith.constant 0 : index
        %parallel_loop3A_1859 = tpu.vector_load %parallel_loop3A_1856[%parallel_loop3A_1857, %parallel_loop3A_1858] {strides = array<i32>} : memref<1600x16xf32, #tpu.memory_space<vmem>>, vector<1x16xf32>,
        %parallel_loop3A_1860 = vector.shape_cast %parallel_loop3A_1859 : vector<1x16xf32> to vector<16xf32>
        %parallel_loop3A_1861 = arith.addf %parallel_loop3A_1789, %parallel_loop3A_1860 : vector<16xf32>
        %parallel_loop3A_1862 = arith.constant 6 : i32
        %parallel_loop3A_1863 = arith.addi %parallel_loop3A_1795, %parallel_loop3A_1862 : i32
        %parallel_loop3A_1864 = arith.constant 0 : i32
        %parallel_loop3A_1865 = arith.constant 0 : i32
        %parallel_loop3A_1866 = tpu.memref_slice %arg8[%parallel_loop3A_1021, %parallel_loop3A_1864, %parallel_loop3A_1865] : memref<2x1600x16xf32, #tpu.memory_space<vmem>> -> memref<1x1600x16xf32, #tpu.memory_space<vmem>>
        %parallel_loop3A_1867 = tpu.memref_squeeze %parallel_loop3A_1866 : memref<1x1600x16xf32, #tpu.memory_space<vmem>> -> memref<1600x16xf32, #tpu.memory_space<vmem>>
        %parallel_loop3A_1868 = arith.index_cast %parallel_loop3A_1863 : i32 to index
        %parallel_loop3A_1869 = arith.constant 0 : index
        %parallel_loop3A_1870 = tpu.vector_load %parallel_loop3A_1867[%parallel_loop3A_1868, %parallel_loop3A_1869] {strides = array<i32>} : memref<1600x16xf32, #tpu.memory_space<vmem>>, vector<1x16xf32>,
        %parallel_loop3A_1871 = vector.shape_cast %parallel_loop3A_1870 : vector<1x16xf32> to vector<16xf32>
        %parallel_loop3A_1872 = arith.addf %parallel_loop3A_1790, %parallel_loop3A_1871 : vector<16xf32>
        %parallel_loop3A_1873 = arith.constant 7 : i32
        %parallel_loop3A_1874 = arith.addi %parallel_loop3A_1795, %parallel_loop3A_1873 : i32
        %parallel_loop3A_1875 = arith.constant 0 : i32
        %parallel_loop3A_1876 = arith.constant 0 : i32
        %parallel_loop3A_1877 = tpu.memref_slice %arg8[%parallel_loop3A_1021, %parallel_loop3A_1875, %parallel_loop3A_1876] : memref<2x1600x16xf32, #tpu.memory_space<vmem>> -> memref<1x1600x16xf32, #tpu.memory_space<vmem>>
        %parallel_loop3A_1878 = tpu.memref_squeeze %parallel_loop3A_1877 : memref<1x1600x16xf32, #tpu.memory_space<vmem>> -> memref<1600x16xf32, #tpu.memory_space<vmem>>
        %parallel_loop3A_1879 = arith.index_cast %parallel_loop3A_1874 : i32 to index
        %parallel_loop3A_1880 = arith.constant 0 : index
        %parallel_loop3A_1881 = tpu.vector_load %parallel_loop3A_1878[%parallel_loop3A_1879, %parallel_loop3A_1880] {strides = array<i32>} : memref<1600x16xf32, #tpu.memory_space<vmem>>, vector<1x16xf32>,
        %parallel_loop3A_1882 = vector.shape_cast %parallel_loop3A_1881 : vector<1x16xf32> to vector<16xf32>
        %parallel_loop3A_1883 = arith.addf %parallel_loop3A_1791, %parallel_loop3A_1882 : vector<16xf32>
        scf.yield %parallel_loop3A_1806, %parallel_loop3A_1817, %parallel_loop3A_1828, %parallel_loop3A_1839, %parallel_loop3A_1850, %parallel_loop3A_1861, %parallel_loop3A_1872, %parallel_loop3A_1883 : vector<16xf32>, vector<16xf32>, vector<16xf32>, vector<16xf32>, vector<16xf32>, vector<16xf32>, vector<16xf32>, vector<16xf32>
      } {sc.loop_unroll_factor = 2 : i64, sc.parallel_access}
      %add3A_1023 = arith.addf %parallel_loop3A_1022#0, %parallel_loop3A_1022#1 : vector<16xf32>
      %add3A_1024 = arith.addf %parallel_loop3A_1022#2, %parallel_loop3A_1022#3 : vector<16xf32>
      %add3A_1025 = arith.addf %add3A_1023, %add3A_1024 : vector<16xf32>
      %add3A_1026 = arith.addf %parallel_loop3A_1022#4, %parallel_loop3A_1022#5 : vector<16xf32>
      %add3A_1027 = arith.addf %parallel_loop3A_1022#6, %parallel_loop3A_1022#7 : vector<16xf32>
      %add3A_1028 = arith.addf %add3A_1026, %add3A_1027 : vector<16xf32>
      %get3A_1029 = arith.index_cast %mul3A_984 : i32 to index
      %get3A_1030 = arith.constant 16 : index
      %get3A_1031 = tpu.vector_load %arg10[%get3A_1029, %get3A_1030] {strides = array<i32>} : memref<64x128xf32, #tpu.memory_space<vmem>>, vector<1x16xf32>,
      %get3A_1032 = vector.shape_cast %get3A_1031 : vector<1x16xf32> to vector<16xf32>
      %add3A_1033 = arith.addf %add3A_1025, %add3A_1028 : vector<16xf32>
      %mul3A_1034 = arith.mulf %add3A_1033, %get3A_1032 : vector<16xf32>
      %get3A_1035 = arith.constant 0 : index
      %get3A_1036 = tpu.vector_load %arg11[%get3A_1035] {strides = array<i32>} : memref<16xf32, #tpu.memory_space<vmem>>, vector<16xf32>,
      %get3A_1037 = vector.shape_cast %get3A_1036 : vector<16xf32> to vector<16xf32>
      %add3A_1038 = arith.addf %mul3A_1034, %get3A_1037 : vector<16xf32>
      %swap3A_1039 = arith.constant 1 : i32
      %swap3A_1040 = arith.index_cast %swap3A_1039 : i32 to index
      %swap3A_1041 = arith.constant 0 : index
      %swap3A_1042 = tpu.vector_load %arg9[%swap3A_1040, %swap3A_1041] {strides = array<i32>} : memref<8x16xf32, #tpu.memory_space<vmem>>, vector<1x16xf32>,
      %swap3A_1043 = vector.shape_cast %swap3A_1042 : vector<1x16xf32> to vector<16xf32>
      %swap3A_1044 = vector.shape_cast %add3A_1038 : vector<16xf32> to vector<1x16xf32>
      tpu.vector_store %arg9[%swap3A_1040, %swap3A_1041], %swap3A_1044 {strides = array<i32>} : memref<8x16xf32, #tpu.memory_space<vmem>>, vector<1x16xf32>,
      %broadcast_in_dim3A_1045 = arith.constant 0.000000e+00 : f32
      %broadcast_in_dim3A_1046 = vector.broadcast %broadcast_in_dim3A_1045 : f32 to vector<16xf32>
      %parallel_loop3A_1047 = arith.constant 0 : i32
      %parallel_loop3A_1048 = arith.constant 25 : i32
      %parallel_loop3A_1049 = arith.constant 1 : i32
      %parallel_loop3A_1050 = arith.constant 0 : i32
      %parallel_loop3A_1051:8 = scf.for %parallel_loop3A_1783 = %parallel_loop3A_1047 to %parallel_loop3A_1048 step %parallel_loop3A_1049 iter_args(%parallel_loop3A_1784 = %broadcast_in_dim3A_1046, %parallel_loop3A_1785 = %broadcast_in_dim3A_1046, %parallel_loop3A_1786 = %broadcast_in_dim3A_1046, %parallel_loop3A_1787 = %broadcast_in_dim3A_1046, %parallel_loop3A_1788 = %broadcast_in_dim3A_1046, %parallel_loop3A_1789 = %broadcast_in_dim3A_1046, %parallel_loop3A_1790 = %broadcast_in_dim3A_1046, %parallel_loop3A_1791 = %broadcast_in_dim3A_1046) -> (vector<16xf32>, vector<16xf32>, vector<16xf32>, vector<16xf32>, vector<16xf32>, vector<16xf32>, vector<16xf32>, vector<16xf32>)  : i32 {
        %parallel_loop3A_1792 = arith.constant 8 : i32
        %parallel_loop3A_1793 = arith.muli %parallel_loop3A_1783, %parallel_loop3A_1792 : i32
        %parallel_loop3A_1794 = arith.constant 400 : i32
        %parallel_loop3A_1795 = arith.addi %parallel_loop3A_1794, %parallel_loop3A_1793 : i32
        %parallel_loop3A_1796 = arith.constant 0 : i32
        %parallel_loop3A_1797 = arith.addi %parallel_loop3A_1795, %parallel_loop3A_1796 : i32
        %parallel_loop3A_1798 = arith.constant 0 : i32
        %parallel_loop3A_1799 = arith.constant 0 : i32
        %parallel_loop3A_1800 = tpu.memref_slice %arg8[%parallel_loop3A_1050, %parallel_loop3A_1798, %parallel_loop3A_1799] : memref<2x1600x16xf32, #tpu.memory_space<vmem>> -> memref<1x1600x16xf32, #tpu.memory_space<vmem>>
        %parallel_loop3A_1801 = tpu.memref_squeeze %parallel_loop3A_1800 : memref<1x1600x16xf32, #tpu.memory_space<vmem>> -> memref<1600x16xf32, #tpu.memory_space<vmem>>
        %parallel_loop3A_1802 = arith.index_cast %parallel_loop3A_1797 : i32 to index
        %parallel_loop3A_1803 = arith.constant 0 : index
        %parallel_loop3A_1804 = tpu.vector_load %parallel_loop3A_1801[%parallel_loop3A_1802, %parallel_loop3A_1803] {strides = array<i32>} : memref<1600x16xf32, #tpu.memory_space<vmem>>, vector<1x16xf32>,
        %parallel_loop3A_1805 = vector.shape_cast %parallel_loop3A_1804 : vector<1x16xf32> to vector<16xf32>
        %parallel_loop3A_1806 = arith.addf %parallel_loop3A_1784, %parallel_loop3A_1805 : vector<16xf32>
        %parallel_loop3A_1807 = arith.constant 1 : i32
        %parallel_loop3A_1808 = arith.addi %parallel_loop3A_1795, %parallel_loop3A_1807 : i32
        %parallel_loop3A_1809 = arith.constant 0 : i32
        %parallel_loop3A_1810 = arith.constant 0 : i32
        %parallel_loop3A_1811 = tpu.memref_slice %arg8[%parallel_loop3A_1050, %parallel_loop3A_1809, %parallel_loop3A_1810] : memref<2x1600x16xf32, #tpu.memory_space<vmem>> -> memref<1x1600x16xf32, #tpu.memory_space<vmem>>
        %parallel_loop3A_1812 = tpu.memref_squeeze %parallel_loop3A_1811 : memref<1x1600x16xf32, #tpu.memory_space<vmem>> -> memref<1600x16xf32, #tpu.memory_space<vmem>>
        %parallel_loop3A_1813 = arith.index_cast %parallel_loop3A_1808 : i32 to index
        %parallel_loop3A_1814 = arith.constant 0 : index
        %parallel_loop3A_1815 = tpu.vector_load %parallel_loop3A_1812[%parallel_loop3A_1813, %parallel_loop3A_1814] {strides = array<i32>} : memref<1600x16xf32, #tpu.memory_space<vmem>>, vector<1x16xf32>,
        %parallel_loop3A_1816 = vector.shape_cast %parallel_loop3A_1815 : vector<1x16xf32> to vector<16xf32>
        %parallel_loop3A_1817 = arith.addf %parallel_loop3A_1785, %parallel_loop3A_1816 : vector<16xf32>
        %parallel_loop3A_1818 = arith.constant 2 : i32
        %parallel_loop3A_1819 = arith.addi %parallel_loop3A_1795, %parallel_loop3A_1818 : i32
        %parallel_loop3A_1820 = arith.constant 0 : i32
        %parallel_loop3A_1821 = arith.constant 0 : i32
        %parallel_loop3A_1822 = tpu.memref_slice %arg8[%parallel_loop3A_1050, %parallel_loop3A_1820, %parallel_loop3A_1821] : memref<2x1600x16xf32, #tpu.memory_space<vmem>> -> memref<1x1600x16xf32, #tpu.memory_space<vmem>>
        %parallel_loop3A_1823 = tpu.memref_squeeze %parallel_loop3A_1822 : memref<1x1600x16xf32, #tpu.memory_space<vmem>> -> memref<1600x16xf32, #tpu.memory_space<vmem>>
        %parallel_loop3A_1824 = arith.index_cast %parallel_loop3A_1819 : i32 to index
        %parallel_loop3A_1825 = arith.constant 0 : index
        %parallel_loop3A_1826 = tpu.vector_load %parallel_loop3A_1823[%parallel_loop3A_1824, %parallel_loop3A_1825] {strides = array<i32>} : memref<1600x16xf32, #tpu.memory_space<vmem>>, vector<1x16xf32>,
        %parallel_loop3A_1827 = vector.shape_cast %parallel_loop3A_1826 : vector<1x16xf32> to vector<16xf32>
        %parallel_loop3A_1828 = arith.addf %parallel_loop3A_1786, %parallel_loop3A_1827 : vector<16xf32>
        %parallel_loop3A_1829 = arith.constant 3 : i32
        %parallel_loop3A_1830 = arith.addi %parallel_loop3A_1795, %parallel_loop3A_1829 : i32
        %parallel_loop3A_1831 = arith.constant 0 : i32
        %parallel_loop3A_1832 = arith.constant 0 : i32
        %parallel_loop3A_1833 = tpu.memref_slice %arg8[%parallel_loop3A_1050, %parallel_loop3A_1831, %parallel_loop3A_1832] : memref<2x1600x16xf32, #tpu.memory_space<vmem>> -> memref<1x1600x16xf32, #tpu.memory_space<vmem>>
        %parallel_loop3A_1834 = tpu.memref_squeeze %parallel_loop3A_1833 : memref<1x1600x16xf32, #tpu.memory_space<vmem>> -> memref<1600x16xf32, #tpu.memory_space<vmem>>
        %parallel_loop3A_1835 = arith.index_cast %parallel_loop3A_1830 : i32 to index
        %parallel_loop3A_1836 = arith.constant 0 : index
        %parallel_loop3A_1837 = tpu.vector_load %parallel_loop3A_1834[%parallel_loop3A_1835, %parallel_loop3A_1836] {strides = array<i32>} : memref<1600x16xf32, #tpu.memory_space<vmem>>, vector<1x16xf32>,
        %parallel_loop3A_1838 = vector.shape_cast %parallel_loop3A_1837 : vector<1x16xf32> to vector<16xf32>
        %parallel_loop3A_1839 = arith.addf %parallel_loop3A_1787, %parallel_loop3A_1838 : vector<16xf32>
        %parallel_loop3A_1840 = arith.constant 4 : i32
        %parallel_loop3A_1841 = arith.addi %parallel_loop3A_1795, %parallel_loop3A_1840 : i32
        %parallel_loop3A_1842 = arith.constant 0 : i32
        %parallel_loop3A_1843 = arith.constant 0 : i32
        %parallel_loop3A_1844 = tpu.memref_slice %arg8[%parallel_loop3A_1050, %parallel_loop3A_1842, %parallel_loop3A_1843] : memref<2x1600x16xf32, #tpu.memory_space<vmem>> -> memref<1x1600x16xf32, #tpu.memory_space<vmem>>
        %parallel_loop3A_1845 = tpu.memref_squeeze %parallel_loop3A_1844 : memref<1x1600x16xf32, #tpu.memory_space<vmem>> -> memref<1600x16xf32, #tpu.memory_space<vmem>>
        %parallel_loop3A_1846 = arith.index_cast %parallel_loop3A_1841 : i32 to index
        %parallel_loop3A_1847 = arith.constant 0 : index
        %parallel_loop3A_1848 = tpu.vector_load %parallel_loop3A_1845[%parallel_loop3A_1846, %parallel_loop3A_1847] {strides = array<i32>} : memref<1600x16xf32, #tpu.memory_space<vmem>>, vector<1x16xf32>,
        %parallel_loop3A_1849 = vector.shape_cast %parallel_loop3A_1848 : vector<1x16xf32> to vector<16xf32>
        %parallel_loop3A_1850 = arith.addf %parallel_loop3A_1788, %parallel_loop3A_1849 : vector<16xf32>
        %parallel_loop3A_1851 = arith.constant 5 : i32
        %parallel_loop3A_1852 = arith.addi %parallel_loop3A_1795, %parallel_loop3A_1851 : i32
        %parallel_loop3A_1853 = arith.constant 0 : i32
        %parallel_loop3A_1854 = arith.constant 0 : i32
        %parallel_loop3A_1855 = tpu.memref_slice %arg8[%parallel_loop3A_1050, %parallel_loop3A_1853, %parallel_loop3A_1854] : memref<2x1600x16xf32, #tpu.memory_space<vmem>> -> memref<1x1600x16xf32, #tpu.memory_space<vmem>>
        %parallel_loop3A_1856 = tpu.memref_squeeze %parallel_loop3A_1855 : memref<1x1600x16xf32, #tpu.memory_space<vmem>> -> memref<1600x16xf32, #tpu.memory_space<vmem>>
        %parallel_loop3A_1857 = arith.index_cast %parallel_loop3A_1852 : i32 to index
        %parallel_loop3A_1858 = arith.constant 0 : index
        %parallel_loop3A_1859 = tpu.vector_load %parallel_loop3A_1856[%parallel_loop3A_1857, %parallel_loop3A_1858] {strides = array<i32>} : memref<1600x16xf32, #tpu.memory_space<vmem>>, vector<1x16xf32>,
        %parallel_loop3A_1860 = vector.shape_cast %parallel_loop3A_1859 : vector<1x16xf32> to vector<16xf32>
        %parallel_loop3A_1861 = arith.addf %parallel_loop3A_1789, %parallel_loop3A_1860 : vector<16xf32>
        %parallel_loop3A_1862 = arith.constant 6 : i32
        %parallel_loop3A_1863 = arith.addi %parallel_loop3A_1795, %parallel_loop3A_1862 : i32
        %parallel_loop3A_1864 = arith.constant 0 : i32
        %parallel_loop3A_1865 = arith.constant 0 : i32
        %parallel_loop3A_1866 = tpu.memref_slice %arg8[%parallel_loop3A_1050, %parallel_loop3A_1864, %parallel_loop3A_1865] : memref<2x1600x16xf32, #tpu.memory_space<vmem>> -> memref<1x1600x16xf32, #tpu.memory_space<vmem>>
        %parallel_loop3A_1867 = tpu.memref_squeeze %parallel_loop3A_1866 : memref<1x1600x16xf32, #tpu.memory_space<vmem>> -> memref<1600x16xf32, #tpu.memory_space<vmem>>
        %parallel_loop3A_1868 = arith.index_cast %parallel_loop3A_1863 : i32 to index
        %parallel_loop3A_1869 = arith.constant 0 : index
        %parallel_loop3A_1870 = tpu.vector_load %parallel_loop3A_1867[%parallel_loop3A_1868, %parallel_loop3A_1869] {strides = array<i32>} : memref<1600x16xf32, #tpu.memory_space<vmem>>, vector<1x16xf32>,
        %parallel_loop3A_1871 = vector.shape_cast %parallel_loop3A_1870 : vector<1x16xf32> to vector<16xf32>
        %parallel_loop3A_1872 = arith.addf %parallel_loop3A_1790, %parallel_loop3A_1871 : vector<16xf32>
        %parallel_loop3A_1873 = arith.constant 7 : i32
        %parallel_loop3A_1874 = arith.addi %parallel_loop3A_1795, %parallel_loop3A_1873 : i32
        %parallel_loop3A_1875 = arith.constant 0 : i32
        %parallel_loop3A_1876 = arith.constant 0 : i32
        %parallel_loop3A_1877 = tpu.memref_slice %arg8[%parallel_loop3A_1050, %parallel_loop3A_1875, %parallel_loop3A_1876] : memref<2x1600x16xf32, #tpu.memory_space<vmem>> -> memref<1x1600x16xf32, #tpu.memory_space<vmem>>
        %parallel_loop3A_1878 = tpu.memref_squeeze %parallel_loop3A_1877 : memref<1x1600x16xf32, #tpu.memory_space<vmem>> -> memref<1600x16xf32, #tpu.memory_space<vmem>>
        %parallel_loop3A_1879 = arith.index_cast %parallel_loop3A_1874 : i32 to index
        %parallel_loop3A_1880 = arith.constant 0 : index
        %parallel_loop3A_1881 = tpu.vector_load %parallel_loop3A_1878[%parallel_loop3A_1879, %parallel_loop3A_1880] {strides = array<i32>} : memref<1600x16xf32, #tpu.memory_space<vmem>>, vector<1x16xf32>,
        %parallel_loop3A_1882 = vector.shape_cast %parallel_loop3A_1881 : vector<1x16xf32> to vector<16xf32>
        %parallel_loop3A_1883 = arith.addf %parallel_loop3A_1791, %parallel_loop3A_1882 : vector<16xf32>
        scf.yield %parallel_loop3A_1806, %parallel_loop3A_1817, %parallel_loop3A_1828, %parallel_loop3A_1839, %parallel_loop3A_1850, %parallel_loop3A_1861, %parallel_loop3A_1872, %parallel_loop3A_1883 : vector<16xf32>, vector<16xf32>, vector<16xf32>, vector<16xf32>, vector<16xf32>, vector<16xf32>, vector<16xf32>, vector<16xf32>
      } {sc.loop_unroll_factor = 2 : i64, sc.parallel_access}
      %add3A_1052 = arith.addf %parallel_loop3A_1051#0, %parallel_loop3A_1051#1 : vector<16xf32>
      %add3A_1053 = arith.addf %parallel_loop3A_1051#2, %parallel_loop3A_1051#3 : vector<16xf32>
      %add3A_1054 = arith.addf %add3A_1052, %add3A_1053 : vector<16xf32>
      %add3A_1055 = arith.addf %parallel_loop3A_1051#4, %parallel_loop3A_1051#5 : vector<16xf32>
      %add3A_1056 = arith.addf %parallel_loop3A_1051#6, %parallel_loop3A_1051#7 : vector<16xf32>
      %add3A_1057 = arith.addf %add3A_1055, %add3A_1056 : vector<16xf32>
      %get3A_1058 = arith.index_cast %mul3A_984 : i32 to index
      %get3A_1059 = arith.constant 32 : index
      %get3A_1060 = tpu.vector_load %arg10[%get3A_1058, %get3A_1059] {strides = array<i32>} : memref<64x128xf32, #tpu.memory_space<vmem>>, vector<1x16xf32>,
      %get3A_1061 = vector.shape_cast %get3A_1060 : vector<1x16xf32> to vector<16xf32>
      %add3A_1062 = arith.addf %add3A_1054, %add3A_1057 : vector<16xf32>
      %mul3A_1063 = arith.mulf %add3A_1062, %get3A_1061 : vector<16xf32>
      %get3A_1064 = arith.constant 0 : index
      %get3A_1065 = tpu.vector_load %arg11[%get3A_1064] {strides = array<i32>} : memref<16xf32, #tpu.memory_space<vmem>>, vector<16xf32>,
      %get3A_1066 = vector.shape_cast %get3A_1065 : vector<16xf32> to vector<16xf32>
      %add3A_1067 = arith.addf %mul3A_1063, %get3A_1066 : vector<16xf32>
      %swap3A_1068 = arith.constant 2 : i32
      %swap3A_1069 = arith.index_cast %swap3A_1068 : i32 to index
      %swap3A_1070 = arith.constant 0 : index
      %swap3A_1071 = tpu.vector_load %arg9[%swap3A_1069, %swap3A_1070] {strides = array<i32>} : memref<8x16xf32, #tpu.memory_space<vmem>>, vector<1x16xf32>,
      %swap3A_1072 = vector.shape_cast %swap3A_1071 : vector<1x16xf32> to vector<16xf32>
      %swap3A_1073 = vector.shape_cast %add3A_1067 : vector<16xf32> to vector<1x16xf32>
      tpu.vector_store %arg9[%swap3A_1069, %swap3A_1070], %swap3A_1073 {strides = array<i32>} : memref<8x16xf32, #tpu.memory_space<vmem>>, vector<1x16xf32>,
      %broadcast_in_dim3A_1074 = arith.constant 0.000000e+00 : f32
      %broadcast_in_dim3A_1075 = vector.broadcast %broadcast_in_dim3A_1074 : f32 to vector<16xf32>
      %parallel_loop3A_1076 = arith.constant 0 : i32
      %parallel_loop3A_1077 = arith.constant 25 : i32
      %parallel_loop3A_1078 = arith.constant 1 : i32
      %parallel_loop3A_1079 = arith.constant 0 : i32
      %parallel_loop3A_1080:8 = scf.for %parallel_loop3A_1783 = %parallel_loop3A_1076 to %parallel_loop3A_1077 step %parallel_loop3A_1078 iter_args(%parallel_loop3A_1784 = %broadcast_in_dim3A_1075, %parallel_loop3A_1785 = %broadcast_in_dim3A_1075, %parallel_loop3A_1786 = %broadcast_in_dim3A_1075, %parallel_loop3A_1787 = %broadcast_in_dim3A_1075, %parallel_loop3A_1788 = %broadcast_in_dim3A_1075, %parallel_loop3A_1789 = %broadcast_in_dim3A_1075, %parallel_loop3A_1790 = %broadcast_in_dim3A_1075, %parallel_loop3A_1791 = %broadcast_in_dim3A_1075) -> (vector<16xf32>, vector<16xf32>, vector<16xf32>, vector<16xf32>, vector<16xf32>, vector<16xf32>, vector<16xf32>, vector<16xf32>)  : i32 {
        %parallel_loop3A_1792 = arith.constant 8 : i32
        %parallel_loop3A_1793 = arith.muli %parallel_loop3A_1783, %parallel_loop3A_1792 : i32
        %parallel_loop3A_1794 = arith.constant 600 : i32
        %parallel_loop3A_1795 = arith.addi %parallel_loop3A_1794, %parallel_loop3A_1793 : i32
        %parallel_loop3A_1796 = arith.constant 0 : i32
        %parallel_loop3A_1797 = arith.addi %parallel_loop3A_1795, %parallel_loop3A_1796 : i32
        %parallel_loop3A_1798 = arith.constant 0 : i32
        %parallel_loop3A_1799 = arith.constant 0 : i32
        %parallel_loop3A_1800 = tpu.memref_slice %arg8[%parallel_loop3A_1079, %parallel_loop3A_1798, %parallel_loop3A_1799] : memref<2x1600x16xf32, #tpu.memory_space<vmem>> -> memref<1x1600x16xf32, #tpu.memory_space<vmem>>
        %parallel_loop3A_1801 = tpu.memref_squeeze %parallel_loop3A_1800 : memref<1x1600x16xf32, #tpu.memory_space<vmem>> -> memref<1600x16xf32, #tpu.memory_space<vmem>>
        %parallel_loop3A_1802 = arith.index_cast %parallel_loop3A_1797 : i32 to index
        %parallel_loop3A_1803 = arith.constant 0 : index
        %parallel_loop3A_1804 = tpu.vector_load %parallel_loop3A_1801[%parallel_loop3A_1802, %parallel_loop3A_1803] {strides = array<i32>} : memref<1600x16xf32, #tpu.memory_space<vmem>>, vector<1x16xf32>,
        %parallel_loop3A_1805 = vector.shape_cast %parallel_loop3A_1804 : vector<1x16xf32> to vector<16xf32>
        %parallel_loop3A_1806 = arith.addf %parallel_loop3A_1784, %parallel_loop3A_1805 : vector<16xf32>
        %parallel_loop3A_1807 = arith.constant 1 : i32
        %parallel_loop3A_1808 = arith.addi %parallel_loop3A_1795, %parallel_loop3A_1807 : i32
        %parallel_loop3A_1809 = arith.constant 0 : i32
        %parallel_loop3A_1810 = arith.constant 0 : i32
        %parallel_loop3A_1811 = tpu.memref_slice %arg8[%parallel_loop3A_1079, %parallel_loop3A_1809, %parallel_loop3A_1810] : memref<2x1600x16xf32, #tpu.memory_space<vmem>> -> memref<1x1600x16xf32, #tpu.memory_space<vmem>>
        %parallel_loop3A_1812 = tpu.memref_squeeze %parallel_loop3A_1811 : memref<1x1600x16xf32, #tpu.memory_space<vmem>> -> memref<1600x16xf32, #tpu.memory_space<vmem>>
        %parallel_loop3A_1813 = arith.index_cast %parallel_loop3A_1808 : i32 to index
        %parallel_loop3A_1814 = arith.constant 0 : index
        %parallel_loop3A_1815 = tpu.vector_load %parallel_loop3A_1812[%parallel_loop3A_1813, %parallel_loop3A_1814] {strides = array<i32>} : memref<1600x16xf32, #tpu.memory_space<vmem>>, vector<1x16xf32>,
        %parallel_loop3A_1816 = vector.shape_cast %parallel_loop3A_1815 : vector<1x16xf32> to vector<16xf32>
        %parallel_loop3A_1817 = arith.addf %parallel_loop3A_1785, %parallel_loop3A_1816 : vector<16xf32>
        %parallel_loop3A_1818 = arith.constant 2 : i32
        %parallel_loop3A_1819 = arith.addi %parallel_loop3A_1795, %parallel_loop3A_1818 : i32
        %parallel_loop3A_1820 = arith.constant 0 : i32
        %parallel_loop3A_1821 = arith.constant 0 : i32
        %parallel_loop3A_1822 = tpu.memref_slice %arg8[%parallel_loop3A_1079, %parallel_loop3A_1820, %parallel_loop3A_1821] : memref<2x1600x16xf32, #tpu.memory_space<vmem>> -> memref<1x1600x16xf32, #tpu.memory_space<vmem>>
        %parallel_loop3A_1823 = tpu.memref_squeeze %parallel_loop3A_1822 : memref<1x1600x16xf32, #tpu.memory_space<vmem>> -> memref<1600x16xf32, #tpu.memory_space<vmem>>
        %parallel_loop3A_1824 = arith.index_cast %parallel_loop3A_1819 : i32 to index
        %parallel_loop3A_1825 = arith.constant 0 : index
        %parallel_loop3A_1826 = tpu.vector_load %parallel_loop3A_1823[%parallel_loop3A_1824, %parallel_loop3A_1825] {strides = array<i32>} : memref<1600x16xf32, #tpu.memory_space<vmem>>, vector<1x16xf32>,
        %parallel_loop3A_1827 = vector.shape_cast %parallel_loop3A_1826 : vector<1x16xf32> to vector<16xf32>
        %parallel_loop3A_1828 = arith.addf %parallel_loop3A_1786, %parallel_loop3A_1827 : vector<16xf32>
        %parallel_loop3A_1829 = arith.constant 3 : i32
        %parallel_loop3A_1830 = arith.addi %parallel_loop3A_1795, %parallel_loop3A_1829 : i32
        %parallel_loop3A_1831 = arith.constant 0 : i32
        %parallel_loop3A_1832 = arith.constant 0 : i32
        %parallel_loop3A_1833 = tpu.memref_slice %arg8[%parallel_loop3A_1079, %parallel_loop3A_1831, %parallel_loop3A_1832] : memref<2x1600x16xf32, #tpu.memory_space<vmem>> -> memref<1x1600x16xf32, #tpu.memory_space<vmem>>
        %parallel_loop3A_1834 = tpu.memref_squeeze %parallel_loop3A_1833 : memref<1x1600x16xf32, #tpu.memory_space<vmem>> -> memref<1600x16xf32, #tpu.memory_space<vmem>>
        %parallel_loop3A_1835 = arith.index_cast %parallel_loop3A_1830 : i32 to index
        %parallel_loop3A_1836 = arith.constant 0 : index
        %parallel_loop3A_1837 = tpu.vector_load %parallel_loop3A_1834[%parallel_loop3A_1835, %parallel_loop3A_1836] {strides = array<i32>} : memref<1600x16xf32, #tpu.memory_space<vmem>>, vector<1x16xf32>,
        %parallel_loop3A_1838 = vector.shape_cast %parallel_loop3A_1837 : vector<1x16xf32> to vector<16xf32>
        %parallel_loop3A_1839 = arith.addf %parallel_loop3A_1787, %parallel_loop3A_1838 : vector<16xf32>
        %parallel_loop3A_1840 = arith.constant 4 : i32
        %parallel_loop3A_1841 = arith.addi %parallel_loop3A_1795, %parallel_loop3A_1840 : i32
        %parallel_loop3A_1842 = arith.constant 0 : i32
        %parallel_loop3A_1843 = arith.constant 0 : i32
        %parallel_loop3A_1844 = tpu.memref_slice %arg8[%parallel_loop3A_1079, %parallel_loop3A_1842, %parallel_loop3A_1843] : memref<2x1600x16xf32, #tpu.memory_space<vmem>> -> memref<1x1600x16xf32, #tpu.memory_space<vmem>>
        %parallel_loop3A_1845 = tpu.memref_squeeze %parallel_loop3A_1844 : memref<1x1600x16xf32, #tpu.memory_space<vmem>> -> memref<1600x16xf32, #tpu.memory_space<vmem>>
        %parallel_loop3A_1846 = arith.index_cast %parallel_loop3A_1841 : i32 to index
        %parallel_loop3A_1847 = arith.constant 0 : index
        %parallel_loop3A_1848 = tpu.vector_load %parallel_loop3A_1845[%parallel_loop3A_1846, %parallel_loop3A_1847] {strides = array<i32>} : memref<1600x16xf32, #tpu.memory_space<vmem>>, vector<1x16xf32>,
        %parallel_loop3A_1849 = vector.shape_cast %parallel_loop3A_1848 : vector<1x16xf32> to vector<16xf32>
        %parallel_loop3A_1850 = arith.addf %parallel_loop3A_1788, %parallel_loop3A_1849 : vector<16xf32>
        %parallel_loop3A_1851 = arith.constant 5 : i32
        %parallel_loop3A_1852 = arith.addi %parallel_loop3A_1795, %parallel_loop3A_1851 : i32
        %parallel_loop3A_1853 = arith.constant 0 : i32
        %parallel_loop3A_1854 = arith.constant 0 : i32
        %parallel_loop3A_1855 = tpu.memref_slice %arg8[%parallel_loop3A_1079, %parallel_loop3A_1853, %parallel_loop3A_1854] : memref<2x1600x16xf32, #tpu.memory_space<vmem>> -> memref<1x1600x16xf32, #tpu.memory_space<vmem>>
        %parallel_loop3A_1856 = tpu.memref_squeeze %parallel_loop3A_1855 : memref<1x1600x16xf32, #tpu.memory_space<vmem>> -> memref<1600x16xf32, #tpu.memory_space<vmem>>
        %parallel_loop3A_1857 = arith.index_cast %parallel_loop3A_1852 : i32 to index
        %parallel_loop3A_1858 = arith.constant 0 : index
        %parallel_loop3A_1859 = tpu.vector_load %parallel_loop3A_1856[%parallel_loop3A_1857, %parallel_loop3A_1858] {strides = array<i32>} : memref<1600x16xf32, #tpu.memory_space<vmem>>, vector<1x16xf32>,
        %parallel_loop3A_1860 = vector.shape_cast %parallel_loop3A_1859 : vector<1x16xf32> to vector<16xf32>
        %parallel_loop3A_1861 = arith.addf %parallel_loop3A_1789, %parallel_loop3A_1860 : vector<16xf32>
        %parallel_loop3A_1862 = arith.constant 6 : i32
        %parallel_loop3A_1863 = arith.addi %parallel_loop3A_1795, %parallel_loop3A_1862 : i32
        %parallel_loop3A_1864 = arith.constant 0 : i32
        %parallel_loop3A_1865 = arith.constant 0 : i32
        %parallel_loop3A_1866 = tpu.memref_slice %arg8[%parallel_loop3A_1079, %parallel_loop3A_1864, %parallel_loop3A_1865] : memref<2x1600x16xf32, #tpu.memory_space<vmem>> -> memref<1x1600x16xf32, #tpu.memory_space<vmem>>
        %parallel_loop3A_1867 = tpu.memref_squeeze %parallel_loop3A_1866 : memref<1x1600x16xf32, #tpu.memory_space<vmem>> -> memref<1600x16xf32, #tpu.memory_space<vmem>>
        %parallel_loop3A_1868 = arith.index_cast %parallel_loop3A_1863 : i32 to index
        %parallel_loop3A_1869 = arith.constant 0 : index
        %parallel_loop3A_1870 = tpu.vector_load %parallel_loop3A_1867[%parallel_loop3A_1868, %parallel_loop3A_1869] {strides = array<i32>} : memref<1600x16xf32, #tpu.memory_space<vmem>>, vector<1x16xf32>,
        %parallel_loop3A_1871 = vector.shape_cast %parallel_loop3A_1870 : vector<1x16xf32> to vector<16xf32>
        %parallel_loop3A_1872 = arith.addf %parallel_loop3A_1790, %parallel_loop3A_1871 : vector<16xf32>
        %parallel_loop3A_1873 = arith.constant 7 : i32
        %parallel_loop3A_1874 = arith.addi %parallel_loop3A_1795, %parallel_loop3A_1873 : i32
        %parallel_loop3A_1875 = arith.constant 0 : i32
        %parallel_loop3A_1876 = arith.constant 0 : i32
        %parallel_loop3A_1877 = tpu.memref_slice %arg8[%parallel_loop3A_1079, %parallel_loop3A_1875, %parallel_loop3A_1876] : memref<2x1600x16xf32, #tpu.memory_space<vmem>> -> memref<1x1600x16xf32, #tpu.memory_space<vmem>>
        %parallel_loop3A_1878 = tpu.memref_squeeze %parallel_loop3A_1877 : memref<1x1600x16xf32, #tpu.memory_space<vmem>> -> memref<1600x16xf32, #tpu.memory_space<vmem>>
        %parallel_loop3A_1879 = arith.index_cast %parallel_loop3A_1874 : i32 to index
        %parallel_loop3A_1880 = arith.constant 0 : index
        %parallel_loop3A_1881 = tpu.vector_load %parallel_loop3A_1878[%parallel_loop3A_1879, %parallel_loop3A_1880] {strides = array<i32>} : memref<1600x16xf32, #tpu.memory_space<vmem>>, vector<1x16xf32>,
        %parallel_loop3A_1882 = vector.shape_cast %parallel_loop3A_1881 : vector<1x16xf32> to vector<16xf32>
        %parallel_loop3A_1883 = arith.addf %parallel_loop3A_1791, %parallel_loop3A_1882 : vector<16xf32>
        scf.yield %parallel_loop3A_1806, %parallel_loop3A_1817, %parallel_loop3A_1828, %parallel_loop3A_1839, %parallel_loop3A_1850, %parallel_loop3A_1861, %parallel_loop3A_1872, %parallel_loop3A_1883 : vector<16xf32>, vector<16xf32>, vector<16xf32>, vector<16xf32>, vector<16xf32>, vector<16xf32>, vector<16xf32>, vector<16xf32>
      } {sc.loop_unroll_factor = 2 : i64, sc.parallel_access}
      %add3A_1081 = arith.addf %parallel_loop3A_1080#0, %parallel_loop3A_1080#1 : vector<16xf32>
      %add3A_1082 = arith.addf %parallel_loop3A_1080#2, %parallel_loop3A_1080#3 : vector<16xf32>
      %add3A_1083 = arith.addf %add3A_1081, %add3A_1082 : vector<16xf32>
      %add3A_1084 = arith.addf %parallel_loop3A_1080#4, %parallel_loop3A_1080#5 : vector<16xf32>
      %add3A_1085 = arith.addf %parallel_loop3A_1080#6, %parallel_loop3A_1080#7 : vector<16xf32>
      %add3A_1086 = arith.addf %add3A_1084, %add3A_1085 : vector<16xf32>
      %get3A_1087 = arith.index_cast %mul3A_984 : i32 to index
      %get3A_1088 = arith.constant 48 : index
      %get3A_1089 = tpu.vector_load %arg10[%get3A_1087, %get3A_1088] {strides = array<i32>} : memref<64x128xf32, #tpu.memory_space<vmem>>, vector<1x16xf32>,
      %get3A_1090 = vector.shape_cast %get3A_1089 : vector<1x16xf32> to vector<16xf32>
      %add3A_1091 = arith.addf %add3A_1083, %add3A_1086 : vector<16xf32>
      %mul3A_1092 = arith.mulf %add3A_1091, %get3A_1090 : vector<16xf32>
      %get3A_1093 = arith.constant 0 : index
      %get3A_1094 = tpu.vector_load %arg11[%get3A_1093] {strides = array<i32>} : memref<16xf32, #tpu.memory_space<vmem>>, vector<16xf32>,
      %get3A_1095 = vector.shape_cast %get3A_1094 : vector<16xf32> to vector<16xf32>
      %add3A_1096 = arith.addf %mul3A_1092, %get3A_1095 : vector<16xf32>
      %swap3A_1097 = arith.constant 3 : i32
      %swap3A_1098 = arith.index_cast %swap3A_1097 : i32 to index
      %swap3A_1099 = arith.constant 0 : index
      %swap3A_1100 = tpu.vector_load %arg9[%swap3A_1098, %swap3A_1099] {strides = array<i32>} : memref<8x16xf32, #tpu.memory_space<vmem>>, vector<1x16xf32>,
      %swap3A_1101 = vector.shape_cast %swap3A_1100 : vector<1x16xf32> to vector<16xf32>
      %swap3A_1102 = vector.shape_cast %add3A_1096 : vector<16xf32> to vector<1x16xf32>
      tpu.vector_store %arg9[%swap3A_1098, %swap3A_1099], %swap3A_1102 {strides = array<i32>} : memref<8x16xf32, #tpu.memory_space<vmem>>, vector<1x16xf32>,
      %broadcast_in_dim3A_1103 = arith.constant 0.000000e+00 : f32
      %broadcast_in_dim3A_1104 = vector.broadcast %broadcast_in_dim3A_1103 : f32 to vector<16xf32>
      %parallel_loop3A_1105 = arith.constant 0 : i32
      %parallel_loop3A_1106 = arith.constant 25 : i32
      %parallel_loop3A_1107 = arith.constant 1 : i32
      %parallel_loop3A_1108 = arith.constant 0 : i32
      %parallel_loop3A_1109:8 = scf.for %parallel_loop3A_1783 = %parallel_loop3A_1105 to %parallel_loop3A_1106 step %parallel_loop3A_1107 iter_args(%parallel_loop3A_1784 = %broadcast_in_dim3A_1104, %parallel_loop3A_1785 = %broadcast_in_dim3A_1104, %parallel_loop3A_1786 = %broadcast_in_dim3A_1104, %parallel_loop3A_1787 = %broadcast_in_dim3A_1104, %parallel_loop3A_1788 = %broadcast_in_dim3A_1104, %parallel_loop3A_1789 = %broadcast_in_dim3A_1104, %parallel_loop3A_1790 = %broadcast_in_dim3A_1104, %parallel_loop3A_1791 = %broadcast_in_dim3A_1104) -> (vector<16xf32>, vector<16xf32>, vector<16xf32>, vector<16xf32>, vector<16xf32>, vector<16xf32>, vector<16xf32>, vector<16xf32>)  : i32 {
        %parallel_loop3A_1792 = arith.constant 8 : i32
        %parallel_loop3A_1793 = arith.muli %parallel_loop3A_1783, %parallel_loop3A_1792 : i32
        %parallel_loop3A_1794 = arith.constant 800 : i32
        %parallel_loop3A_1795 = arith.addi %parallel_loop3A_1794, %parallel_loop3A_1793 : i32
        %parallel_loop3A_1796 = arith.constant 0 : i32
        %parallel_loop3A_1797 = arith.addi %parallel_loop3A_1795, %parallel_loop3A_1796 : i32
        %parallel_loop3A_1798 = arith.constant 0 : i32
        %parallel_loop3A_1799 = arith.constant 0 : i32
        %parallel_loop3A_1800 = tpu.memref_slice %arg8[%parallel_loop3A_1108, %parallel_loop3A_1798, %parallel_loop3A_1799] : memref<2x1600x16xf32, #tpu.memory_space<vmem>> -> memref<1x1600x16xf32, #tpu.memory_space<vmem>>
        %parallel_loop3A_1801 = tpu.memref_squeeze %parallel_loop3A_1800 : memref<1x1600x16xf32, #tpu.memory_space<vmem>> -> memref<1600x16xf32, #tpu.memory_space<vmem>>
        %parallel_loop3A_1802 = arith.index_cast %parallel_loop3A_1797 : i32 to index
        %parallel_loop3A_1803 = arith.constant 0 : index
        %parallel_loop3A_1804 = tpu.vector_load %parallel_loop3A_1801[%parallel_loop3A_1802, %parallel_loop3A_1803] {strides = array<i32>} : memref<1600x16xf32, #tpu.memory_space<vmem>>, vector<1x16xf32>,
        %parallel_loop3A_1805 = vector.shape_cast %parallel_loop3A_1804 : vector<1x16xf32> to vector<16xf32>
        %parallel_loop3A_1806 = arith.addf %parallel_loop3A_1784, %parallel_loop3A_1805 : vector<16xf32>
        %parallel_loop3A_1807 = arith.constant 1 : i32
        %parallel_loop3A_1808 = arith.addi %parallel_loop3A_1795, %parallel_loop3A_1807 : i32
        %parallel_loop3A_1809 = arith.constant 0 : i32
        %parallel_loop3A_1810 = arith.constant 0 : i32
        %parallel_loop3A_1811 = tpu.memref_slice %arg8[%parallel_loop3A_1108, %parallel_loop3A_1809, %parallel_loop3A_1810] : memref<2x1600x16xf32, #tpu.memory_space<vmem>> -> memref<1x1600x16xf32, #tpu.memory_space<vmem>>
        %parallel_loop3A_1812 = tpu.memref_squeeze %parallel_loop3A_1811 : memref<1x1600x16xf32, #tpu.memory_space<vmem>> -> memref<1600x16xf32, #tpu.memory_space<vmem>>
        %parallel_loop3A_1813 = arith.index_cast %parallel_loop3A_1808 : i32 to index
        %parallel_loop3A_1814 = arith.constant 0 : index
        %parallel_loop3A_1815 = tpu.vector_load %parallel_loop3A_1812[%parallel_loop3A_1813, %parallel_loop3A_1814] {strides = array<i32>} : memref<1600x16xf32, #tpu.memory_space<vmem>>, vector<1x16xf32>,
        %parallel_loop3A_1816 = vector.shape_cast %parallel_loop3A_1815 : vector<1x16xf32> to vector<16xf32>
        %parallel_loop3A_1817 = arith.addf %parallel_loop3A_1785, %parallel_loop3A_1816 : vector<16xf32>
        %parallel_loop3A_1818 = arith.constant 2 : i32
        %parallel_loop3A_1819 = arith.addi %parallel_loop3A_1795, %parallel_loop3A_1818 : i32
        %parallel_loop3A_1820 = arith.constant 0 : i32
        %parallel_loop3A_1821 = arith.constant 0 : i32
        %parallel_loop3A_1822 = tpu.memref_slice %arg8[%parallel_loop3A_1108, %parallel_loop3A_1820, %parallel_loop3A_1821] : memref<2x1600x16xf32, #tpu.memory_space<vmem>> -> memref<1x1600x16xf32, #tpu.memory_space<vmem>>
        %parallel_loop3A_1823 = tpu.memref_squeeze %parallel_loop3A_1822 : memref<1x1600x16xf32, #tpu.memory_space<vmem>> -> memref<1600x16xf32, #tpu.memory_space<vmem>>
        %parallel_loop3A_1824 = arith.index_cast %parallel_loop3A_1819 : i32 to index
        %parallel_loop3A_1825 = arith.constant 0 : index
        %parallel_loop3A_1826 = tpu.vector_load %parallel_loop3A_1823[%parallel_loop3A_1824, %parallel_loop3A_1825] {strides = array<i32>} : memref<1600x16xf32, #tpu.memory_space<vmem>>, vector<1x16xf32>,
        %parallel_loop3A_1827 = vector.shape_cast %parallel_loop3A_1826 : vector<1x16xf32> to vector<16xf32>
        %parallel_loop3A_1828 = arith.addf %parallel_loop3A_1786, %parallel_loop3A_1827 : vector<16xf32>
        %parallel_loop3A_1829 = arith.constant 3 : i32
        %parallel_loop3A_1830 = arith.addi %parallel_loop3A_1795, %parallel_loop3A_1829 : i32
        %parallel_loop3A_1831 = arith.constant 0 : i32
        %parallel_loop3A_1832 = arith.constant 0 : i32
        %parallel_loop3A_1833 = tpu.memref_slice %arg8[%parallel_loop3A_1108, %parallel_loop3A_1831, %parallel_loop3A_1832] : memref<2x1600x16xf32, #tpu.memory_space<vmem>> -> memref<1x1600x16xf32, #tpu.memory_space<vmem>>
        %parallel_loop3A_1834 = tpu.memref_squeeze %parallel_loop3A_1833 : memref<1x1600x16xf32, #tpu.memory_space<vmem>> -> memref<1600x16xf32, #tpu.memory_space<vmem>>
        %parallel_loop3A_1835 = arith.index_cast %parallel_loop3A_1830 : i32 to index
        %parallel_loop3A_1836 = arith.constant 0 : index
        %parallel_loop3A_1837 = tpu.vector_load %parallel_loop3A_1834[%parallel_loop3A_1835, %parallel_loop3A_1836] {strides = array<i32>} : memref<1600x16xf32, #tpu.memory_space<vmem>>, vector<1x16xf32>,
        %parallel_loop3A_1838 = vector.shape_cast %parallel_loop3A_1837 : vector<1x16xf32> to vector<16xf32>
        %parallel_loop3A_1839 = arith.addf %parallel_loop3A_1787, %parallel_loop3A_1838 : vector<16xf32>
        %parallel_loop3A_1840 = arith.constant 4 : i32
        %parallel_loop3A_1841 = arith.addi %parallel_loop3A_1795, %parallel_loop3A_1840 : i32
        %parallel_loop3A_1842 = arith.constant 0 : i32
        %parallel_loop3A_1843 = arith.constant 0 : i32
        %parallel_loop3A_1844 = tpu.memref_slice %arg8[%parallel_loop3A_1108, %parallel_loop3A_1842, %parallel_loop3A_1843] : memref<2x1600x16xf32, #tpu.memory_space<vmem>> -> memref<1x1600x16xf32, #tpu.memory_space<vmem>>
        %parallel_loop3A_1845 = tpu.memref_squeeze %parallel_loop3A_1844 : memref<1x1600x16xf32, #tpu.memory_space<vmem>> -> memref<1600x16xf32, #tpu.memory_space<vmem>>
        %parallel_loop3A_1846 = arith.index_cast %parallel_loop3A_1841 : i32 to index
        %parallel_loop3A_1847 = arith.constant 0 : index
        %parallel_loop3A_1848 = tpu.vector_load %parallel_loop3A_1845[%parallel_loop3A_1846, %parallel_loop3A_1847] {strides = array<i32>} : memref<1600x16xf32, #tpu.memory_space<vmem>>, vector<1x16xf32>,
        %parallel_loop3A_1849 = vector.shape_cast %parallel_loop3A_1848 : vector<1x16xf32> to vector<16xf32>
        %parallel_loop3A_1850 = arith.addf %parallel_loop3A_1788, %parallel_loop3A_1849 : vector<16xf32>
        %parallel_loop3A_1851 = arith.constant 5 : i32
        %parallel_loop3A_1852 = arith.addi %parallel_loop3A_1795, %parallel_loop3A_1851 : i32
        %parallel_loop3A_1853 = arith.constant 0 : i32
        %parallel_loop3A_1854 = arith.constant 0 : i32
        %parallel_loop3A_1855 = tpu.memref_slice %arg8[%parallel_loop3A_1108, %parallel_loop3A_1853, %parallel_loop3A_1854] : memref<2x1600x16xf32, #tpu.memory_space<vmem>> -> memref<1x1600x16xf32, #tpu.memory_space<vmem>>
        %parallel_loop3A_1856 = tpu.memref_squeeze %parallel_loop3A_1855 : memref<1x1600x16xf32, #tpu.memory_space<vmem>> -> memref<1600x16xf32, #tpu.memory_space<vmem>>
        %parallel_loop3A_1857 = arith.index_cast %parallel_loop3A_1852 : i32 to index
        %parallel_loop3A_1858 = arith.constant 0 : index
        %parallel_loop3A_1859 = tpu.vector_load %parallel_loop3A_1856[%parallel_loop3A_1857, %parallel_loop3A_1858] {strides = array<i32>} : memref<1600x16xf32, #tpu.memory_space<vmem>>, vector<1x16xf32>,
        %parallel_loop3A_1860 = vector.shape_cast %parallel_loop3A_1859 : vector<1x16xf32> to vector<16xf32>
        %parallel_loop3A_1861 = arith.addf %parallel_loop3A_1789, %parallel_loop3A_1860 : vector<16xf32>
        %parallel_loop3A_1862 = arith.constant 6 : i32
        %parallel_loop3A_1863 = arith.addi %parallel_loop3A_1795, %parallel_loop3A_1862 : i32
        %parallel_loop3A_1864 = arith.constant 0 : i32
        %parallel_loop3A_1865 = arith.constant 0 : i32
        %parallel_loop3A_1866 = tpu.memref_slice %arg8[%parallel_loop3A_1108, %parallel_loop3A_1864, %parallel_loop3A_1865] : memref<2x1600x16xf32, #tpu.memory_space<vmem>> -> memref<1x1600x16xf32, #tpu.memory_space<vmem>>
        %parallel_loop3A_1867 = tpu.memref_squeeze %parallel_loop3A_1866 : memref<1x1600x16xf32, #tpu.memory_space<vmem>> -> memref<1600x16xf32, #tpu.memory_space<vmem>>
        %parallel_loop3A_1868 = arith.index_cast %parallel_loop3A_1863 : i32 to index
        %parallel_loop3A_1869 = arith.constant 0 : index
        %parallel_loop3A_1870 = tpu.vector_load %parallel_loop3A_1867[%parallel_loop3A_1868, %parallel_loop3A_1869] {strides = array<i32>} : memref<1600x16xf32, #tpu.memory_space<vmem>>, vector<1x16xf32>,
        %parallel_loop3A_1871 = vector.shape_cast %parallel_loop3A_1870 : vector<1x16xf32> to vector<16xf32>
        %parallel_loop3A_1872 = arith.addf %parallel_loop3A_1790, %parallel_loop3A_1871 : vector<16xf32>
        %parallel_loop3A_1873 = arith.constant 7 : i32
        %parallel_loop3A_1874 = arith.addi %parallel_loop3A_1795, %parallel_loop3A_1873 : i32
        %parallel_loop3A_1875 = arith.constant 0 : i32
        %parallel_loop3A_1876 = arith.constant 0 : i32
        %parallel_loop3A_1877 = tpu.memref_slice %arg8[%parallel_loop3A_1108, %parallel_loop3A_1875, %parallel_loop3A_1876] : memref<2x1600x16xf32, #tpu.memory_space<vmem>> -> memref<1x1600x16xf32, #tpu.memory_space<vmem>>
        %parallel_loop3A_1878 = tpu.memref_squeeze %parallel_loop3A_1877 : memref<1x1600x16xf32, #tpu.memory_space<vmem>> -> memref<1600x16xf32, #tpu.memory_space<vmem>>
        %parallel_loop3A_1879 = arith.index_cast %parallel_loop3A_1874 : i32 to index
        %parallel_loop3A_1880 = arith.constant 0 : index
        %parallel_loop3A_1881 = tpu.vector_load %parallel_loop3A_1878[%parallel_loop3A_1879, %parallel_loop3A_1880] {strides = array<i32>} : memref<1600x16xf32, #tpu.memory_space<vmem>>, vector<1x16xf32>,
        %parallel_loop3A_1882 = vector.shape_cast %parallel_loop3A_1881 : vector<1x16xf32> to vector<16xf32>
        %parallel_loop3A_1883 = arith.addf %parallel_loop3A_1791, %parallel_loop3A_1882 : vector<16xf32>
        scf.yield %parallel_loop3A_1806, %parallel_loop3A_1817, %parallel_loop3A_1828, %parallel_loop3A_1839, %parallel_loop3A_1850, %parallel_loop3A_1861, %parallel_loop3A_1872, %parallel_loop3A_1883 : vector<16xf32>, vector<16xf32>, vector<16xf32>, vector<16xf32>, vector<16xf32>, vector<16xf32>, vector<16xf32>, vector<16xf32>
      } {sc.loop_unroll_factor = 2 : i64, sc.parallel_access}
      %add3A_1110 = arith.addf %parallel_loop3A_1109#0, %parallel_loop3A_1109#1 : vector<16xf32>
      %add3A_1111 = arith.addf %parallel_loop3A_1109#2, %parallel_loop3A_1109#3 : vector<16xf32>
      %add3A_1112 = arith.addf %add3A_1110, %add3A_1111 : vector<16xf32>
      %add3A_1113 = arith.addf %parallel_loop3A_1109#4, %parallel_loop3A_1109#5 : vector<16xf32>
      %add3A_1114 = arith.addf %parallel_loop3A_1109#6, %parallel_loop3A_1109#7 : vector<16xf32>
      %add3A_1115 = arith.addf %add3A_1113, %add3A_1114 : vector<16xf32>
      %get3A_1116 = arith.index_cast %mul3A_984 : i32 to index
      %get3A_1117 = arith.constant 64 : index
      %get3A_1118 = tpu.vector_load %arg10[%get3A_1116, %get3A_1117] {strides = array<i32>} : memref<64x128xf32, #tpu.memory_space<vmem>>, vector<1x16xf32>,
      %get3A_1119 = vector.shape_cast %get3A_1118 : vector<1x16xf32> to vector<16xf32>
      %add3A_1120 = arith.addf %add3A_1112, %add3A_1115 : vector<16xf32>
      %mul3A_1121 = arith.mulf %add3A_1120, %get3A_1119 : vector<16xf32>
      %get3A_1122 = arith.constant 0 : index
      %get3A_1123 = tpu.vector_load %arg11[%get3A_1122] {strides = array<i32>} : memref<16xf32, #tpu.memory_space<vmem>>, vector<16xf32>,
      %get3A_1124 = vector.shape_cast %get3A_1123 : vector<16xf32> to vector<16xf32>
      %add3A_1125 = arith.addf %mul3A_1121, %get3A_1124 : vector<16xf32>
      %swap3A_1126 = arith.constant 4 : i32
      %swap3A_1127 = arith.index_cast %swap3A_1126 : i32 to index
      %swap3A_1128 = arith.constant 0 : index
      %swap3A_1129 = tpu.vector_load %arg9[%swap3A_1127, %swap3A_1128] {strides = array<i32>} : memref<8x16xf32, #tpu.memory_space<vmem>>, vector<1x16xf32>,
      %swap3A_1130 = vector.shape_cast %swap3A_1129 : vector<1x16xf32> to vector<16xf32>
      %swap3A_1131 = vector.shape_cast %add3A_1125 : vector<16xf32> to vector<1x16xf32>
      tpu.vector_store %arg9[%swap3A_1127, %swap3A_1128], %swap3A_1131 {strides = array<i32>} : memref<8x16xf32, #tpu.memory_space<vmem>>, vector<1x16xf32>,
      %broadcast_in_dim3A_1132 = arith.constant 0.000000e+00 : f32
      %broadcast_in_dim3A_1133 = vector.broadcast %broadcast_in_dim3A_1132 : f32 to vector<16xf32>
      %parallel_loop3A_1134 = arith.constant 0 : i32
      %parallel_loop3A_1135 = arith.constant 25 : i32
      %parallel_loop3A_1136 = arith.constant 1 : i32
      %parallel_loop3A_1137 = arith.constant 0 : i32
      %parallel_loop3A_1138:8 = scf.for %parallel_loop3A_1783 = %parallel_loop3A_1134 to %parallel_loop3A_1135 step %parallel_loop3A_1136 iter_args(%parallel_loop3A_1784 = %broadcast_in_dim3A_1133, %parallel_loop3A_1785 = %broadcast_in_dim3A_1133, %parallel_loop3A_1786 = %broadcast_in_dim3A_1133, %parallel_loop3A_1787 = %broadcast_in_dim3A_1133, %parallel_loop3A_1788 = %broadcast_in_dim3A_1133, %parallel_loop3A_1789 = %broadcast_in_dim3A_1133, %parallel_loop3A_1790 = %broadcast_in_dim3A_1133, %parallel_loop3A_1791 = %broadcast_in_dim3A_1133) -> (vector<16xf32>, vector<16xf32>, vector<16xf32>, vector<16xf32>, vector<16xf32>, vector<16xf32>, vector<16xf32>, vector<16xf32>)  : i32 {
        %parallel_loop3A_1792 = arith.constant 8 : i32
        %parallel_loop3A_1793 = arith.muli %parallel_loop3A_1783, %parallel_loop3A_1792 : i32
        %parallel_loop3A_1794 = arith.constant 1000 : i32
        %parallel_loop3A_1795 = arith.addi %parallel_loop3A_1794, %parallel_loop3A_1793 : i32
        %parallel_loop3A_1796 = arith.constant 0 : i32
        %parallel_loop3A_1797 = arith.addi %parallel_loop3A_1795, %parallel_loop3A_1796 : i32
        %parallel_loop3A_1798 = arith.constant 0 : i32
        %parallel_loop3A_1799 = arith.constant 0 : i32
        %parallel_loop3A_1800 = tpu.memref_slice %arg8[%parallel_loop3A_1137, %parallel_loop3A_1798, %parallel_loop3A_1799] : memref<2x1600x16xf32, #tpu.memory_space<vmem>> -> memref<1x1600x16xf32, #tpu.memory_space<vmem>>
        %parallel_loop3A_1801 = tpu.memref_squeeze %parallel_loop3A_1800 : memref<1x1600x16xf32, #tpu.memory_space<vmem>> -> memref<1600x16xf32, #tpu.memory_space<vmem>>
        %parallel_loop3A_1802 = arith.index_cast %parallel_loop3A_1797 : i32 to index
        %parallel_loop3A_1803 = arith.constant 0 : index
        %parallel_loop3A_1804 = tpu.vector_load %parallel_loop3A_1801[%parallel_loop3A_1802, %parallel_loop3A_1803] {strides = array<i32>} : memref<1600x16xf32, #tpu.memory_space<vmem>>, vector<1x16xf32>,
        %parallel_loop3A_1805 = vector.shape_cast %parallel_loop3A_1804 : vector<1x16xf32> to vector<16xf32>
        %parallel_loop3A_1806 = arith.addf %parallel_loop3A_1784, %parallel_loop3A_1805 : vector<16xf32>
        %parallel_loop3A_1807 = arith.constant 1 : i32
        %parallel_loop3A_1808 = arith.addi %parallel_loop3A_1795, %parallel_loop3A_1807 : i32
        %parallel_loop3A_1809 = arith.constant 0 : i32
        %parallel_loop3A_1810 = arith.constant 0 : i32
        %parallel_loop3A_1811 = tpu.memref_slice %arg8[%parallel_loop3A_1137, %parallel_loop3A_1809, %parallel_loop3A_1810] : memref<2x1600x16xf32, #tpu.memory_space<vmem>> -> memref<1x1600x16xf32, #tpu.memory_space<vmem>>
        %parallel_loop3A_1812 = tpu.memref_squeeze %parallel_loop3A_1811 : memref<1x1600x16xf32, #tpu.memory_space<vmem>> -> memref<1600x16xf32, #tpu.memory_space<vmem>>
        %parallel_loop3A_1813 = arith.index_cast %parallel_loop3A_1808 : i32 to index
        %parallel_loop3A_1814 = arith.constant 0 : index
        %parallel_loop3A_1815 = tpu.vector_load %parallel_loop3A_1812[%parallel_loop3A_1813, %parallel_loop3A_1814] {strides = array<i32>} : memref<1600x16xf32, #tpu.memory_space<vmem>>, vector<1x16xf32>,
        %parallel_loop3A_1816 = vector.shape_cast %parallel_loop3A_1815 : vector<1x16xf32> to vector<16xf32>
        %parallel_loop3A_1817 = arith.addf %parallel_loop3A_1785, %parallel_loop3A_1816 : vector<16xf32>
        %parallel_loop3A_1818 = arith.constant 2 : i32
        %parallel_loop3A_1819 = arith.addi %parallel_loop3A_1795, %parallel_loop3A_1818 : i32
        %parallel_loop3A_1820 = arith.constant 0 : i32
        %parallel_loop3A_1821 = arith.constant 0 : i32
        %parallel_loop3A_1822 = tpu.memref_slice %arg8[%parallel_loop3A_1137, %parallel_loop3A_1820, %parallel_loop3A_1821] : memref<2x1600x16xf32, #tpu.memory_space<vmem>> -> memref<1x1600x16xf32, #tpu.memory_space<vmem>>
        %parallel_loop3A_1823 = tpu.memref_squeeze %parallel_loop3A_1822 : memref<1x1600x16xf32, #tpu.memory_space<vmem>> -> memref<1600x16xf32, #tpu.memory_space<vmem>>
        %parallel_loop3A_1824 = arith.index_cast %parallel_loop3A_1819 : i32 to index
        %parallel_loop3A_1825 = arith.constant 0 : index
        %parallel_loop3A_1826 = tpu.vector_load %parallel_loop3A_1823[%parallel_loop3A_1824, %parallel_loop3A_1825] {strides = array<i32>} : memref<1600x16xf32, #tpu.memory_space<vmem>>, vector<1x16xf32>,
        %parallel_loop3A_1827 = vector.shape_cast %parallel_loop3A_1826 : vector<1x16xf32> to vector<16xf32>
        %parallel_loop3A_1828 = arith.addf %parallel_loop3A_1786, %parallel_loop3A_1827 : vector<16xf32>
        %parallel_loop3A_1829 = arith.constant 3 : i32
        %parallel_loop3A_1830 = arith.addi %parallel_loop3A_1795, %parallel_loop3A_1829 : i32
        %parallel_loop3A_1831 = arith.constant 0 : i32
        %parallel_loop3A_1832 = arith.constant 0 : i32
        %parallel_loop3A_1833 = tpu.memref_slice %arg8[%parallel_loop3A_1137, %parallel_loop3A_1831, %parallel_loop3A_1832] : memref<2x1600x16xf32, #tpu.memory_space<vmem>> -> memref<1x1600x16xf32, #tpu.memory_space<vmem>>
        %parallel_loop3A_1834 = tpu.memref_squeeze %parallel_loop3A_1833 : memref<1x1600x16xf32, #tpu.memory_space<vmem>> -> memref<1600x16xf32, #tpu.memory_space<vmem>>
        %parallel_loop3A_1835 = arith.index_cast %parallel_loop3A_1830 : i32 to index
        %parallel_loop3A_1836 = arith.constant 0 : index
        %parallel_loop3A_1837 = tpu.vector_load %parallel_loop3A_1834[%parallel_loop3A_1835, %parallel_loop3A_1836] {strides = array<i32>} : memref<1600x16xf32, #tpu.memory_space<vmem>>, vector<1x16xf32>,
        %parallel_loop3A_1838 = vector.shape_cast %parallel_loop3A_1837 : vector<1x16xf32> to vector<16xf32>
        %parallel_loop3A_1839 = arith.addf %parallel_loop3A_1787, %parallel_loop3A_1838 : vector<16xf32>
        %parallel_loop3A_1840 = arith.constant 4 : i32
        %parallel_loop3A_1841 = arith.addi %parallel_loop3A_1795, %parallel_loop3A_1840 : i32
        %parallel_loop3A_1842 = arith.constant 0 : i32
        %parallel_loop3A_1843 = arith.constant 0 : i32
        %parallel_loop3A_1844 = tpu.memref_slice %arg8[%parallel_loop3A_1137, %parallel_loop3A_1842, %parallel_loop3A_1843] : memref<2x1600x16xf32, #tpu.memory_space<vmem>> -> memref<1x1600x16xf32, #tpu.memory_space<vmem>>
        %parallel_loop3A_1845 = tpu.memref_squeeze %parallel_loop3A_1844 : memref<1x1600x16xf32, #tpu.memory_space<vmem>> -> memref<1600x16xf32, #tpu.memory_space<vmem>>
        %parallel_loop3A_1846 = arith.index_cast %parallel_loop3A_1841 : i32 to index
        %parallel_loop3A_1847 = arith.constant 0 : index
        %parallel_loop3A_1848 = tpu.vector_load %parallel_loop3A_1845[%parallel_loop3A_1846, %parallel_loop3A_1847] {strides = array<i32>} : memref<1600x16xf32, #tpu.memory_space<vmem>>, vector<1x16xf32>,
        %parallel_loop3A_1849 = vector.shape_cast %parallel_loop3A_1848 : vector<1x16xf32> to vector<16xf32>
        %parallel_loop3A_1850 = arith.addf %parallel_loop3A_1788, %parallel_loop3A_1849 : vector<16xf32>
        %parallel_loop3A_1851 = arith.constant 5 : i32
        %parallel_loop3A_1852 = arith.addi %parallel_loop3A_1795, %parallel_loop3A_1851 : i32
        %parallel_loop3A_1853 = arith.constant 0 : i32
        %parallel_loop3A_1854 = arith.constant 0 : i32
        %parallel_loop3A_1855 = tpu.memref_slice %arg8[%parallel_loop3A_1137, %parallel_loop3A_1853, %parallel_loop3A_1854] : memref<2x1600x16xf32, #tpu.memory_space<vmem>> -> memref<1x1600x16xf32, #tpu.memory_space<vmem>>
        %parallel_loop3A_1856 = tpu.memref_squeeze %parallel_loop3A_1855 : memref<1x1600x16xf32, #tpu.memory_space<vmem>> -> memref<1600x16xf32, #tpu.memory_space<vmem>>
        %parallel_loop3A_1857 = arith.index_cast %parallel_loop3A_1852 : i32 to index
        %parallel_loop3A_1858 = arith.constant 0 : index
        %parallel_loop3A_1859 = tpu.vector_load %parallel_loop3A_1856[%parallel_loop3A_1857, %parallel_loop3A_1858] {strides = array<i32>} : memref<1600x16xf32, #tpu.memory_space<vmem>>, vector<1x16xf32>,
        %parallel_loop3A_1860 = vector.shape_cast %parallel_loop3A_1859 : vector<1x16xf32> to vector<16xf32>
        %parallel_loop3A_1861 = arith.addf %parallel_loop3A_1789, %parallel_loop3A_1860 : vector<16xf32>
        %parallel_loop3A_1862 = arith.constant 6 : i32
        %parallel_loop3A_1863 = arith.addi %parallel_loop3A_1795, %parallel_loop3A_1862 : i32
        %parallel_loop3A_1864 = arith.constant 0 : i32
        %parallel_loop3A_1865 = arith.constant 0 : i32
        %parallel_loop3A_1866 = tpu.memref_slice %arg8[%parallel_loop3A_1137, %parallel_loop3A_1864, %parallel_loop3A_1865] : memref<2x1600x16xf32, #tpu.memory_space<vmem>> -> memref<1x1600x16xf32, #tpu.memory_space<vmem>>
        %parallel_loop3A_1867 = tpu.memref_squeeze %parallel_loop3A_1866 : memref<1x1600x16xf32, #tpu.memory_space<vmem>> -> memref<1600x16xf32, #tpu.memory_space<vmem>>
        %parallel_loop3A_1868 = arith.index_cast %parallel_loop3A_1863 : i32 to index
        %parallel_loop3A_1869 = arith.constant 0 : index
        %parallel_loop3A_1870 = tpu.vector_load %parallel_loop3A_1867[%parallel_loop3A_1868, %parallel_loop3A_1869] {strides = array<i32>} : memref<1600x16xf32, #tpu.memory_space<vmem>>, vector<1x16xf32>,
        %parallel_loop3A_1871 = vector.shape_cast %parallel_loop3A_1870 : vector<1x16xf32> to vector<16xf32>
        %parallel_loop3A_1872 = arith.addf %parallel_loop3A_1790, %parallel_loop3A_1871 : vector<16xf32>
        %parallel_loop3A_1873 = arith.constant 7 : i32
        %parallel_loop3A_1874 = arith.addi %parallel_loop3A_1795, %parallel_loop3A_1873 : i32
        %parallel_loop3A_1875 = arith.constant 0 : i32
        %parallel_loop3A_1876 = arith.constant 0 : i32
        %parallel_loop3A_1877 = tpu.memref_slice %arg8[%parallel_loop3A_1137, %parallel_loop3A_1875, %parallel_loop3A_1876] : memref<2x1600x16xf32, #tpu.memory_space<vmem>> -> memref<1x1600x16xf32, #tpu.memory_space<vmem>>
        %parallel_loop3A_1878 = tpu.memref_squeeze %parallel_loop3A_1877 : memref<1x1600x16xf32, #tpu.memory_space<vmem>> -> memref<1600x16xf32, #tpu.memory_space<vmem>>
        %parallel_loop3A_1879 = arith.index_cast %parallel_loop3A_1874 : i32 to index
        %parallel_loop3A_1880 = arith.constant 0 : index
        %parallel_loop3A_1881 = tpu.vector_load %parallel_loop3A_1878[%parallel_loop3A_1879, %parallel_loop3A_1880] {strides = array<i32>} : memref<1600x16xf32, #tpu.memory_space<vmem>>, vector<1x16xf32>,
        %parallel_loop3A_1882 = vector.shape_cast %parallel_loop3A_1881 : vector<1x16xf32> to vector<16xf32>
        %parallel_loop3A_1883 = arith.addf %parallel_loop3A_1791, %parallel_loop3A_1882 : vector<16xf32>
        scf.yield %parallel_loop3A_1806, %parallel_loop3A_1817, %parallel_loop3A_1828, %parallel_loop3A_1839, %parallel_loop3A_1850, %parallel_loop3A_1861, %parallel_loop3A_1872, %parallel_loop3A_1883 : vector<16xf32>, vector<16xf32>, vector<16xf32>, vector<16xf32>, vector<16xf32>, vector<16xf32>, vector<16xf32>, vector<16xf32>
      } {sc.loop_unroll_factor = 2 : i64, sc.parallel_access}
      %add3A_1139 = arith.addf %parallel_loop3A_1138#0, %parallel_loop3A_1138#1 : vector<16xf32>
      %add3A_1140 = arith.addf %parallel_loop3A_1138#2, %parallel_loop3A_1138#3 : vector<16xf32>
      %add3A_1141 = arith.addf %add3A_1139, %add3A_1140 : vector<16xf32>
      %add3A_1142 = arith.addf %parallel_loop3A_1138#4, %parallel_loop3A_1138#5 : vector<16xf32>
      %add3A_1143 = arith.addf %parallel_loop3A_1138#6, %parallel_loop3A_1138#7 : vector<16xf32>
      %add3A_1144 = arith.addf %add3A_1142, %add3A_1143 : vector<16xf32>
      %get3A_1145 = arith.index_cast %mul3A_984 : i32 to index
      %get3A_1146 = arith.constant 80 : index
      %get3A_1147 = tpu.vector_load %arg10[%get3A_1145, %get3A_1146] {strides = array<i32>} : memref<64x128xf32, #tpu.memory_space<vmem>>, vector<1x16xf32>,
      %get3A_1148 = vector.shape_cast %get3A_1147 : vector<1x16xf32> to vector<16xf32>
      %add3A_1149 = arith.addf %add3A_1141, %add3A_1144 : vector<16xf32>
      %mul3A_1150 = arith.mulf %add3A_1149, %get3A_1148 : vector<16xf32>
      %get3A_1151 = arith.constant 0 : index
      %get3A_1152 = tpu.vector_load %arg11[%get3A_1151] {strides = array<i32>} : memref<16xf32, #tpu.memory_space<vmem>>, vector<16xf32>,
      %get3A_1153 = vector.shape_cast %get3A_1152 : vector<16xf32> to vector<16xf32>
      %add3A_1154 = arith.addf %mul3A_1150, %get3A_1153 : vector<16xf32>
      %swap3A_1155 = arith.constant 5 : i32
      %swap3A_1156 = arith.index_cast %swap3A_1155 : i32 to index
      %swap3A_1157 = arith.constant 0 : index
      %swap3A_1158 = tpu.vector_load %arg9[%swap3A_1156, %swap3A_1157] {strides = array<i32>} : memref<8x16xf32, #tpu.memory_space<vmem>>, vector<1x16xf32>,
      %swap3A_1159 = vector.shape_cast %swap3A_1158 : vector<1x16xf32> to vector<16xf32>
      %swap3A_1160 = vector.shape_cast %add3A_1154 : vector<16xf32> to vector<1x16xf32>
      tpu.vector_store %arg9[%swap3A_1156, %swap3A_1157], %swap3A_1160 {strides = array<i32>} : memref<8x16xf32, #tpu.memory_space<vmem>>, vector<1x16xf32>,
      %broadcast_in_dim3A_1161 = arith.constant 0.000000e+00 : f32
      %broadcast_in_dim3A_1162 = vector.broadcast %broadcast_in_dim3A_1161 : f32 to vector<16xf32>
      %parallel_loop3A_1163 = arith.constant 0 : i32
      %parallel_loop3A_1164 = arith.constant 25 : i32
      %parallel_loop3A_1165 = arith.constant 1 : i32
      %parallel_loop3A_1166 = arith.constant 0 : i32
      %parallel_loop3A_1167:8 = scf.for %parallel_loop3A_1783 = %parallel_loop3A_1163 to %parallel_loop3A_1164 step %parallel_loop3A_1165 iter_args(%parallel_loop3A_1784 = %broadcast_in_dim3A_1162, %parallel_loop3A_1785 = %broadcast_in_dim3A_1162, %parallel_loop3A_1786 = %broadcast_in_dim3A_1162, %parallel_loop3A_1787 = %broadcast_in_dim3A_1162, %parallel_loop3A_1788 = %broadcast_in_dim3A_1162, %parallel_loop3A_1789 = %broadcast_in_dim3A_1162, %parallel_loop3A_1790 = %broadcast_in_dim3A_1162, %parallel_loop3A_1791 = %broadcast_in_dim3A_1162) -> (vector<16xf32>, vector<16xf32>, vector<16xf32>, vector<16xf32>, vector<16xf32>, vector<16xf32>, vector<16xf32>, vector<16xf32>)  : i32 {
        %parallel_loop3A_1792 = arith.constant 8 : i32
        %parallel_loop3A_1793 = arith.muli %parallel_loop3A_1783, %parallel_loop3A_1792 : i32
        %parallel_loop3A_1794 = arith.constant 1200 : i32
        %parallel_loop3A_1795 = arith.addi %parallel_loop3A_1794, %parallel_loop3A_1793 : i32
        %parallel_loop3A_1796 = arith.constant 0 : i32
        %parallel_loop3A_1797 = arith.addi %parallel_loop3A_1795, %parallel_loop3A_1796 : i32
        %parallel_loop3A_1798 = arith.constant 0 : i32
        %parallel_loop3A_1799 = arith.constant 0 : i32
        %parallel_loop3A_1800 = tpu.memref_slice %arg8[%parallel_loop3A_1166, %parallel_loop3A_1798, %parallel_loop3A_1799] : memref<2x1600x16xf32, #tpu.memory_space<vmem>> -> memref<1x1600x16xf32, #tpu.memory_space<vmem>>
        %parallel_loop3A_1801 = tpu.memref_squeeze %parallel_loop3A_1800 : memref<1x1600x16xf32, #tpu.memory_space<vmem>> -> memref<1600x16xf32, #tpu.memory_space<vmem>>
        %parallel_loop3A_1802 = arith.index_cast %parallel_loop3A_1797 : i32 to index
        %parallel_loop3A_1803 = arith.constant 0 : index
        %parallel_loop3A_1804 = tpu.vector_load %parallel_loop3A_1801[%parallel_loop3A_1802, %parallel_loop3A_1803] {strides = array<i32>} : memref<1600x16xf32, #tpu.memory_space<vmem>>, vector<1x16xf32>,
        %parallel_loop3A_1805 = vector.shape_cast %parallel_loop3A_1804 : vector<1x16xf32> to vector<16xf32>
        %parallel_loop3A_1806 = arith.addf %parallel_loop3A_1784, %parallel_loop3A_1805 : vector<16xf32>
        %parallel_loop3A_1807 = arith.constant 1 : i32
        %parallel_loop3A_1808 = arith.addi %parallel_loop3A_1795, %parallel_loop3A_1807 : i32
        %parallel_loop3A_1809 = arith.constant 0 : i32
        %parallel_loop3A_1810 = arith.constant 0 : i32
        %parallel_loop3A_1811 = tpu.memref_slice %arg8[%parallel_loop3A_1166, %parallel_loop3A_1809, %parallel_loop3A_1810] : memref<2x1600x16xf32, #tpu.memory_space<vmem>> -> memref<1x1600x16xf32, #tpu.memory_space<vmem>>
        %parallel_loop3A_1812 = tpu.memref_squeeze %parallel_loop3A_1811 : memref<1x1600x16xf32, #tpu.memory_space<vmem>> -> memref<1600x16xf32, #tpu.memory_space<vmem>>
        %parallel_loop3A_1813 = arith.index_cast %parallel_loop3A_1808 : i32 to index
        %parallel_loop3A_1814 = arith.constant 0 : index
        %parallel_loop3A_1815 = tpu.vector_load %parallel_loop3A_1812[%parallel_loop3A_1813, %parallel_loop3A_1814] {strides = array<i32>} : memref<1600x16xf32, #tpu.memory_space<vmem>>, vector<1x16xf32>,
        %parallel_loop3A_1816 = vector.shape_cast %parallel_loop3A_1815 : vector<1x16xf32> to vector<16xf32>
        %parallel_loop3A_1817 = arith.addf %parallel_loop3A_1785, %parallel_loop3A_1816 : vector<16xf32>
        %parallel_loop3A_1818 = arith.constant 2 : i32
        %parallel_loop3A_1819 = arith.addi %parallel_loop3A_1795, %parallel_loop3A_1818 : i32
        %parallel_loop3A_1820 = arith.constant 0 : i32
        %parallel_loop3A_1821 = arith.constant 0 : i32
        %parallel_loop3A_1822 = tpu.memref_slice %arg8[%parallel_loop3A_1166, %parallel_loop3A_1820, %parallel_loop3A_1821] : memref<2x1600x16xf32, #tpu.memory_space<vmem>> -> memref<1x1600x16xf32, #tpu.memory_space<vmem>>
        %parallel_loop3A_1823 = tpu.memref_squeeze %parallel_loop3A_1822 : memref<1x1600x16xf32, #tpu.memory_space<vmem>> -> memref<1600x16xf32, #tpu.memory_space<vmem>>
        %parallel_loop3A_1824 = arith.index_cast %parallel_loop3A_1819 : i32 to index
        %parallel_loop3A_1825 = arith.constant 0 : index
        %parallel_loop3A_1826 = tpu.vector_load %parallel_loop3A_1823[%parallel_loop3A_1824, %parallel_loop3A_1825] {strides = array<i32>} : memref<1600x16xf32, #tpu.memory_space<vmem>>, vector<1x16xf32>,
        %parallel_loop3A_1827 = vector.shape_cast %parallel_loop3A_1826 : vector<1x16xf32> to vector<16xf32>
        %parallel_loop3A_1828 = arith.addf %parallel_loop3A_1786, %parallel_loop3A_1827 : vector<16xf32>
        %parallel_loop3A_1829 = arith.constant 3 : i32
        %parallel_loop3A_1830 = arith.addi %parallel_loop3A_1795, %parallel_loop3A_1829 : i32
        %parallel_loop3A_1831 = arith.constant 0 : i32
        %parallel_loop3A_1832 = arith.constant 0 : i32
        %parallel_loop3A_1833 = tpu.memref_slice %arg8[%parallel_loop3A_1166, %parallel_loop3A_1831, %parallel_loop3A_1832] : memref<2x1600x16xf32, #tpu.memory_space<vmem>> -> memref<1x1600x16xf32, #tpu.memory_space<vmem>>
        %parallel_loop3A_1834 = tpu.memref_squeeze %parallel_loop3A_1833 : memref<1x1600x16xf32, #tpu.memory_space<vmem>> -> memref<1600x16xf32, #tpu.memory_space<vmem>>
        %parallel_loop3A_1835 = arith.index_cast %parallel_loop3A_1830 : i32 to index
        %parallel_loop3A_1836 = arith.constant 0 : index
        %parallel_loop3A_1837 = tpu.vector_load %parallel_loop3A_1834[%parallel_loop3A_1835, %parallel_loop3A_1836] {strides = array<i32>} : memref<1600x16xf32, #tpu.memory_space<vmem>>, vector<1x16xf32>,
        %parallel_loop3A_1838 = vector.shape_cast %parallel_loop3A_1837 : vector<1x16xf32> to vector<16xf32>
        %parallel_loop3A_1839 = arith.addf %parallel_loop3A_1787, %parallel_loop3A_1838 : vector<16xf32>
        %parallel_loop3A_1840 = arith.constant 4 : i32
        %parallel_loop3A_1841 = arith.addi %parallel_loop3A_1795, %parallel_loop3A_1840 : i32
        %parallel_loop3A_1842 = arith.constant 0 : i32
        %parallel_loop3A_1843 = arith.constant 0 : i32
        %parallel_loop3A_1844 = tpu.memref_slice %arg8[%parallel_loop3A_1166, %parallel_loop3A_1842, %parallel_loop3A_1843] : memref<2x1600x16xf32, #tpu.memory_space<vmem>> -> memref<1x1600x16xf32, #tpu.memory_space<vmem>>
        %parallel_loop3A_1845 = tpu.memref_squeeze %parallel_loop3A_1844 : memref<1x1600x16xf32, #tpu.memory_space<vmem>> -> memref<1600x16xf32, #tpu.memory_space<vmem>>
        %parallel_loop3A_1846 = arith.index_cast %parallel_loop3A_1841 : i32 to index
        %parallel_loop3A_1847 = arith.constant 0 : index
        %parallel_loop3A_1848 = tpu.vector_load %parallel_loop3A_1845[%parallel_loop3A_1846, %parallel_loop3A_1847] {strides = array<i32>} : memref<1600x16xf32, #tpu.memory_space<vmem>>, vector<1x16xf32>,
        %parallel_loop3A_1849 = vector.shape_cast %parallel_loop3A_1848 : vector<1x16xf32> to vector<16xf32>
        %parallel_loop3A_1850 = arith.addf %parallel_loop3A_1788, %parallel_loop3A_1849 : vector<16xf32>
        %parallel_loop3A_1851 = arith.constant 5 : i32
        %parallel_loop3A_1852 = arith.addi %parallel_loop3A_1795, %parallel_loop3A_1851 : i32
        %parallel_loop3A_1853 = arith.constant 0 : i32
        %parallel_loop3A_1854 = arith.constant 0 : i32
        %parallel_loop3A_1855 = tpu.memref_slice %arg8[%parallel_loop3A_1166, %parallel_loop3A_1853, %parallel_loop3A_1854] : memref<2x1600x16xf32, #tpu.memory_space<vmem>> -> memref<1x1600x16xf32, #tpu.memory_space<vmem>>
        %parallel_loop3A_1856 = tpu.memref_squeeze %parallel_loop3A_1855 : memref<1x1600x16xf32, #tpu.memory_space<vmem>> -> memref<1600x16xf32, #tpu.memory_space<vmem>>
        %parallel_loop3A_1857 = arith.index_cast %parallel_loop3A_1852 : i32 to index
        %parallel_loop3A_1858 = arith.constant 0 : index
        %parallel_loop3A_1859 = tpu.vector_load %parallel_loop3A_1856[%parallel_loop3A_1857, %parallel_loop3A_1858] {strides = array<i32>} : memref<1600x16xf32, #tpu.memory_space<vmem>>, vector<1x16xf32>,
        %parallel_loop3A_1860 = vector.shape_cast %parallel_loop3A_1859 : vector<1x16xf32> to vector<16xf32>
        %parallel_loop3A_1861 = arith.addf %parallel_loop3A_1789, %parallel_loop3A_1860 : vector<16xf32>
        %parallel_loop3A_1862 = arith.constant 6 : i32
        %parallel_loop3A_1863 = arith.addi %parallel_loop3A_1795, %parallel_loop3A_1862 : i32
        %parallel_loop3A_1864 = arith.constant 0 : i32
        %parallel_loop3A_1865 = arith.constant 0 : i32
        %parallel_loop3A_1866 = tpu.memref_slice %arg8[%parallel_loop3A_1166, %parallel_loop3A_1864, %parallel_loop3A_1865] : memref<2x1600x16xf32, #tpu.memory_space<vmem>> -> memref<1x1600x16xf32, #tpu.memory_space<vmem>>
        %parallel_loop3A_1867 = tpu.memref_squeeze %parallel_loop3A_1866 : memref<1x1600x16xf32, #tpu.memory_space<vmem>> -> memref<1600x16xf32, #tpu.memory_space<vmem>>
        %parallel_loop3A_1868 = arith.index_cast %parallel_loop3A_1863 : i32 to index
        %parallel_loop3A_1869 = arith.constant 0 : index
        %parallel_loop3A_1870 = tpu.vector_load %parallel_loop3A_1867[%parallel_loop3A_1868, %parallel_loop3A_1869] {strides = array<i32>} : memref<1600x16xf32, #tpu.memory_space<vmem>>, vector<1x16xf32>,
        %parallel_loop3A_1871 = vector.shape_cast %parallel_loop3A_1870 : vector<1x16xf32> to vector<16xf32>
        %parallel_loop3A_1872 = arith.addf %parallel_loop3A_1790, %parallel_loop3A_1871 : vector<16xf32>
        %parallel_loop3A_1873 = arith.constant 7 : i32
        %parallel_loop3A_1874 = arith.addi %parallel_loop3A_1795, %parallel_loop3A_1873 : i32
        %parallel_loop3A_1875 = arith.constant 0 : i32
        %parallel_loop3A_1876 = arith.constant 0 : i32
        %parallel_loop3A_1877 = tpu.memref_slice %arg8[%parallel_loop3A_1166, %parallel_loop3A_1875, %parallel_loop3A_1876] : memref<2x1600x16xf32, #tpu.memory_space<vmem>> -> memref<1x1600x16xf32, #tpu.memory_space<vmem>>
        %parallel_loop3A_1878 = tpu.memref_squeeze %parallel_loop3A_1877 : memref<1x1600x16xf32, #tpu.memory_space<vmem>> -> memref<1600x16xf32, #tpu.memory_space<vmem>>
        %parallel_loop3A_1879 = arith.index_cast %parallel_loop3A_1874 : i32 to index
        %parallel_loop3A_1880 = arith.constant 0 : index
        %parallel_loop3A_1881 = tpu.vector_load %parallel_loop3A_1878[%parallel_loop3A_1879, %parallel_loop3A_1880] {strides = array<i32>} : memref<1600x16xf32, #tpu.memory_space<vmem>>, vector<1x16xf32>,
        %parallel_loop3A_1882 = vector.shape_cast %parallel_loop3A_1881 : vector<1x16xf32> to vector<16xf32>
        %parallel_loop3A_1883 = arith.addf %parallel_loop3A_1791, %parallel_loop3A_1882 : vector<16xf32>
        scf.yield %parallel_loop3A_1806, %parallel_loop3A_1817, %parallel_loop3A_1828, %parallel_loop3A_1839, %parallel_loop3A_1850, %parallel_loop3A_1861, %parallel_loop3A_1872, %parallel_loop3A_1883 : vector<16xf32>, vector<16xf32>, vector<16xf32>, vector<16xf32>, vector<16xf32>, vector<16xf32>, vector<16xf32>, vector<16xf32>
      } {sc.loop_unroll_factor = 2 : i64, sc.parallel_access}
      %add3A_1168 = arith.addf %parallel_loop3A_1167#0, %parallel_loop3A_1167#1 : vector<16xf32>
      %add3A_1169 = arith.addf %parallel_loop3A_1167#2, %parallel_loop3A_1167#3 : vector<16xf32>
      %add3A_1170 = arith.addf %add3A_1168, %add3A_1169 : vector<16xf32>
      %add3A_1171 = arith.addf %parallel_loop3A_1167#4, %parallel_loop3A_1167#5 : vector<16xf32>
      %add3A_1172 = arith.addf %parallel_loop3A_1167#6, %parallel_loop3A_1167#7 : vector<16xf32>
      %add3A_1173 = arith.addf %add3A_1171, %add3A_1172 : vector<16xf32>
      %get3A_1174 = arith.index_cast %mul3A_984 : i32 to index
      %get3A_1175 = arith.constant 96 : index
      %get3A_1176 = tpu.vector_load %arg10[%get3A_1174, %get3A_1175] {strides = array<i32>} : memref<64x128xf32, #tpu.memory_space<vmem>>, vector<1x16xf32>,
      %get3A_1177 = vector.shape_cast %get3A_1176 : vector<1x16xf32> to vector<16xf32>
      %add3A_1178 = arith.addf %add3A_1170, %add3A_1173 : vector<16xf32>
      %mul3A_1179 = arith.mulf %add3A_1178, %get3A_1177 : vector<16xf32>
      %get3A_1180 = arith.constant 0 : index
      %get3A_1181 = tpu.vector_load %arg11[%get3A_1180] {strides = array<i32>} : memref<16xf32, #tpu.memory_space<vmem>>, vector<16xf32>,
      %get3A_1182 = vector.shape_cast %get3A_1181 : vector<16xf32> to vector<16xf32>
      %add3A_1183 = arith.addf %mul3A_1179, %get3A_1182 : vector<16xf32>
      %swap3A_1184 = arith.constant 6 : i32
      %swap3A_1185 = arith.index_cast %swap3A_1184 : i32 to index
      %swap3A_1186 = arith.constant 0 : index
      %swap3A_1187 = tpu.vector_load %arg9[%swap3A_1185, %swap3A_1186] {strides = array<i32>} : memref<8x16xf32, #tpu.memory_space<vmem>>, vector<1x16xf32>,
      %swap3A_1188 = vector.shape_cast %swap3A_1187 : vector<1x16xf32> to vector<16xf32>
      %swap3A_1189 = vector.shape_cast %add3A_1183 : vector<16xf32> to vector<1x16xf32>
      tpu.vector_store %arg9[%swap3A_1185, %swap3A_1186], %swap3A_1189 {strides = array<i32>} : memref<8x16xf32, #tpu.memory_space<vmem>>, vector<1x16xf32>,
      %broadcast_in_dim3A_1190 = arith.constant 0.000000e+00 : f32
      %broadcast_in_dim3A_1191 = vector.broadcast %broadcast_in_dim3A_1190 : f32 to vector<16xf32>
      %parallel_loop3A_1192 = arith.constant 0 : i32
      %parallel_loop3A_1193 = arith.constant 25 : i32
      %parallel_loop3A_1194 = arith.constant 1 : i32
      %parallel_loop3A_1195 = arith.constant 0 : i32
      %parallel_loop3A_1196:8 = scf.for %parallel_loop3A_1783 = %parallel_loop3A_1192 to %parallel_loop3A_1193 step %parallel_loop3A_1194 iter_args(%parallel_loop3A_1784 = %broadcast_in_dim3A_1191, %parallel_loop3A_1785 = %broadcast_in_dim3A_1191, %parallel_loop3A_1786 = %broadcast_in_dim3A_1191, %parallel_loop3A_1787 = %broadcast_in_dim3A_1191, %parallel_loop3A_1788 = %broadcast_in_dim3A_1191, %parallel_loop3A_1789 = %broadcast_in_dim3A_1191, %parallel_loop3A_1790 = %broadcast_in_dim3A_1191, %parallel_loop3A_1791 = %broadcast_in_dim3A_1191) -> (vector<16xf32>, vector<16xf32>, vector<16xf32>, vector<16xf32>, vector<16xf32>, vector<16xf32>, vector<16xf32>, vector<16xf32>)  : i32 {
        %parallel_loop3A_1792 = arith.constant 8 : i32
        %parallel_loop3A_1793 = arith.muli %parallel_loop3A_1783, %parallel_loop3A_1792 : i32
        %parallel_loop3A_1794 = arith.constant 1400 : i32
        %parallel_loop3A_1795 = arith.addi %parallel_loop3A_1794, %parallel_loop3A_1793 : i32
        %parallel_loop3A_1796 = arith.constant 0 : i32
        %parallel_loop3A_1797 = arith.addi %parallel_loop3A_1795, %parallel_loop3A_1796 : i32
        %parallel_loop3A_1798 = arith.constant 0 : i32
        %parallel_loop3A_1799 = arith.constant 0 : i32
        %parallel_loop3A_1800 = tpu.memref_slice %arg8[%parallel_loop3A_1195, %parallel_loop3A_1798, %parallel_loop3A_1799] : memref<2x1600x16xf32, #tpu.memory_space<vmem>> -> memref<1x1600x16xf32, #tpu.memory_space<vmem>>
        %parallel_loop3A_1801 = tpu.memref_squeeze %parallel_loop3A_1800 : memref<1x1600x16xf32, #tpu.memory_space<vmem>> -> memref<1600x16xf32, #tpu.memory_space<vmem>>
        %parallel_loop3A_1802 = arith.index_cast %parallel_loop3A_1797 : i32 to index
        %parallel_loop3A_1803 = arith.constant 0 : index
        %parallel_loop3A_1804 = tpu.vector_load %parallel_loop3A_1801[%parallel_loop3A_1802, %parallel_loop3A_1803] {strides = array<i32>} : memref<1600x16xf32, #tpu.memory_space<vmem>>, vector<1x16xf32>,
        %parallel_loop3A_1805 = vector.shape_cast %parallel_loop3A_1804 : vector<1x16xf32> to vector<16xf32>
        %parallel_loop3A_1806 = arith.addf %parallel_loop3A_1784, %parallel_loop3A_1805 : vector<16xf32>
        %parallel_loop3A_1807 = arith.constant 1 : i32
        %parallel_loop3A_1808 = arith.addi %parallel_loop3A_1795, %parallel_loop3A_1807 : i32
        %parallel_loop3A_1809 = arith.constant 0 : i32
        %parallel_loop3A_1810 = arith.constant 0 : i32
        %parallel_loop3A_1811 = tpu.memref_slice %arg8[%parallel_loop3A_1195, %parallel_loop3A_1809, %parallel_loop3A_1810] : memref<2x1600x16xf32, #tpu.memory_space<vmem>> -> memref<1x1600x16xf32, #tpu.memory_space<vmem>>
        %parallel_loop3A_1812 = tpu.memref_squeeze %parallel_loop3A_1811 : memref<1x1600x16xf32, #tpu.memory_space<vmem>> -> memref<1600x16xf32, #tpu.memory_space<vmem>>
        %parallel_loop3A_1813 = arith.index_cast %parallel_loop3A_1808 : i32 to index
        %parallel_loop3A_1814 = arith.constant 0 : index
        %parallel_loop3A_1815 = tpu.vector_load %parallel_loop3A_1812[%parallel_loop3A_1813, %parallel_loop3A_1814] {strides = array<i32>} : memref<1600x16xf32, #tpu.memory_space<vmem>>, vector<1x16xf32>,
        %parallel_loop3A_1816 = vector.shape_cast %parallel_loop3A_1815 : vector<1x16xf32> to vector<16xf32>
        %parallel_loop3A_1817 = arith.addf %parallel_loop3A_1785, %parallel_loop3A_1816 : vector<16xf32>
        %parallel_loop3A_1818 = arith.constant 2 : i32
        %parallel_loop3A_1819 = arith.addi %parallel_loop3A_1795, %parallel_loop3A_1818 : i32
        %parallel_loop3A_1820 = arith.constant 0 : i32
        %parallel_loop3A_1821 = arith.constant 0 : i32
        %parallel_loop3A_1822 = tpu.memref_slice %arg8[%parallel_loop3A_1195, %parallel_loop3A_1820, %parallel_loop3A_1821] : memref<2x1600x16xf32, #tpu.memory_space<vmem>> -> memref<1x1600x16xf32, #tpu.memory_space<vmem>>
        %parallel_loop3A_1823 = tpu.memref_squeeze %parallel_loop3A_1822 : memref<1x1600x16xf32, #tpu.memory_space<vmem>> -> memref<1600x16xf32, #tpu.memory_space<vmem>>
        %parallel_loop3A_1824 = arith.index_cast %parallel_loop3A_1819 : i32 to index
        %parallel_loop3A_1825 = arith.constant 0 : index
        %parallel_loop3A_1826 = tpu.vector_load %parallel_loop3A_1823[%parallel_loop3A_1824, %parallel_loop3A_1825] {strides = array<i32>} : memref<1600x16xf32, #tpu.memory_space<vmem>>, vector<1x16xf32>,
        %parallel_loop3A_1827 = vector.shape_cast %parallel_loop3A_1826 : vector<1x16xf32> to vector<16xf32>
        %parallel_loop3A_1828 = arith.addf %parallel_loop3A_1786, %parallel_loop3A_1827 : vector<16xf32>
        %parallel_loop3A_1829 = arith.constant 3 : i32
        %parallel_loop3A_1830 = arith.addi %parallel_loop3A_1795, %parallel_loop3A_1829 : i32
        %parallel_loop3A_1831 = arith.constant 0 : i32
        %parallel_loop3A_1832 = arith.constant 0 : i32
        %parallel_loop3A_1833 = tpu.memref_slice %arg8[%parallel_loop3A_1195, %parallel_loop3A_1831, %parallel_loop3A_1832] : memref<2x1600x16xf32, #tpu.memory_space<vmem>> -> memref<1x1600x16xf32, #tpu.memory_space<vmem>>
        %parallel_loop3A_1834 = tpu.memref_squeeze %parallel_loop3A_1833 : memref<1x1600x16xf32, #tpu.memory_space<vmem>> -> memref<1600x16xf32, #tpu.memory_space<vmem>>
        %parallel_loop3A_1835 = arith.index_cast %parallel_loop3A_1830 : i32 to index
        %parallel_loop3A_1836 = arith.constant 0 : index
        %parallel_loop3A_1837 = tpu.vector_load %parallel_loop3A_1834[%parallel_loop3A_1835, %parallel_loop3A_1836] {strides = array<i32>} : memref<1600x16xf32, #tpu.memory_space<vmem>>, vector<1x16xf32>,
        %parallel_loop3A_1838 = vector.shape_cast %parallel_loop3A_1837 : vector<1x16xf32> to vector<16xf32>
        %parallel_loop3A_1839 = arith.addf %parallel_loop3A_1787, %parallel_loop3A_1838 : vector<16xf32>
        %parallel_loop3A_1840 = arith.constant 4 : i32
        %parallel_loop3A_1841 = arith.addi %parallel_loop3A_1795, %parallel_loop3A_1840 : i32
        %parallel_loop3A_1842 = arith.constant 0 : i32
        %parallel_loop3A_1843 = arith.constant 0 : i32
        %parallel_loop3A_1844 = tpu.memref_slice %arg8[%parallel_loop3A_1195, %parallel_loop3A_1842, %parallel_loop3A_1843] : memref<2x1600x16xf32, #tpu.memory_space<vmem>> -> memref<1x1600x16xf32, #tpu.memory_space<vmem>>
        %parallel_loop3A_1845 = tpu.memref_squeeze %parallel_loop3A_1844 : memref<1x1600x16xf32, #tpu.memory_space<vmem>> -> memref<1600x16xf32, #tpu.memory_space<vmem>>
        %parallel_loop3A_1846 = arith.index_cast %parallel_loop3A_1841 : i32 to index
        %parallel_loop3A_1847 = arith.constant 0 : index
        %parallel_loop3A_1848 = tpu.vector_load %parallel_loop3A_1845[%parallel_loop3A_1846, %parallel_loop3A_1847] {strides = array<i32>} : memref<1600x16xf32, #tpu.memory_space<vmem>>, vector<1x16xf32>,
        %parallel_loop3A_1849 = vector.shape_cast %parallel_loop3A_1848 : vector<1x16xf32> to vector<16xf32>
        %parallel_loop3A_1850 = arith.addf %parallel_loop3A_1788, %parallel_loop3A_1849 : vector<16xf32>
        %parallel_loop3A_1851 = arith.constant 5 : i32
        %parallel_loop3A_1852 = arith.addi %parallel_loop3A_1795, %parallel_loop3A_1851 : i32
        %parallel_loop3A_1853 = arith.constant 0 : i32
        %parallel_loop3A_1854 = arith.constant 0 : i32
        %parallel_loop3A_1855 = tpu.memref_slice %arg8[%parallel_loop3A_1195, %parallel_loop3A_1853, %parallel_loop3A_1854] : memref<2x1600x16xf32, #tpu.memory_space<vmem>> -> memref<1x1600x16xf32, #tpu.memory_space<vmem>>
        %parallel_loop3A_1856 = tpu.memref_squeeze %parallel_loop3A_1855 : memref<1x1600x16xf32, #tpu.memory_space<vmem>> -> memref<1600x16xf32, #tpu.memory_space<vmem>>
        %parallel_loop3A_1857 = arith.index_cast %parallel_loop3A_1852 : i32 to index
        %parallel_loop3A_1858 = arith.constant 0 : index
        %parallel_loop3A_1859 = tpu.vector_load %parallel_loop3A_1856[%parallel_loop3A_1857, %parallel_loop3A_1858] {strides = array<i32>} : memref<1600x16xf32, #tpu.memory_space<vmem>>, vector<1x16xf32>,
        %parallel_loop3A_1860 = vector.shape_cast %parallel_loop3A_1859 : vector<1x16xf32> to vector<16xf32>
        %parallel_loop3A_1861 = arith.addf %parallel_loop3A_1789, %parallel_loop3A_1860 : vector<16xf32>
        %parallel_loop3A_1862 = arith.constant 6 : i32
        %parallel_loop3A_1863 = arith.addi %parallel_loop3A_1795, %parallel_loop3A_1862 : i32
        %parallel_loop3A_1864 = arith.constant 0 : i32
        %parallel_loop3A_1865 = arith.constant 0 : i32
        %parallel_loop3A_1866 = tpu.memref_slice %arg8[%parallel_loop3A_1195, %parallel_loop3A_1864, %parallel_loop3A_1865] : memref<2x1600x16xf32, #tpu.memory_space<vmem>> -> memref<1x1600x16xf32, #tpu.memory_space<vmem>>
        %parallel_loop3A_1867 = tpu.memref_squeeze %parallel_loop3A_1866 : memref<1x1600x16xf32, #tpu.memory_space<vmem>> -> memref<1600x16xf32, #tpu.memory_space<vmem>>
        %parallel_loop3A_1868 = arith.index_cast %parallel_loop3A_1863 : i32 to index
        %parallel_loop3A_1869 = arith.constant 0 : index
        %parallel_loop3A_1870 = tpu.vector_load %parallel_loop3A_1867[%parallel_loop3A_1868, %parallel_loop3A_1869] {strides = array<i32>} : memref<1600x16xf32, #tpu.memory_space<vmem>>, vector<1x16xf32>,
        %parallel_loop3A_1871 = vector.shape_cast %parallel_loop3A_1870 : vector<1x16xf32> to vector<16xf32>
        %parallel_loop3A_1872 = arith.addf %parallel_loop3A_1790, %parallel_loop3A_1871 : vector<16xf32>
        %parallel_loop3A_1873 = arith.constant 7 : i32
        %parallel_loop3A_1874 = arith.addi %parallel_loop3A_1795, %parallel_loop3A_1873 : i32
        %parallel_loop3A_1875 = arith.constant 0 : i32
        %parallel_loop3A_1876 = arith.constant 0 : i32
        %parallel_loop3A_1877 = tpu.memref_slice %arg8[%parallel_loop3A_1195, %parallel_loop3A_1875, %parallel_loop3A_1876] : memref<2x1600x16xf32, #tpu.memory_space<vmem>> -> memref<1x1600x16xf32, #tpu.memory_space<vmem>>
        %parallel_loop3A_1878 = tpu.memref_squeeze %parallel_loop3A_1877 : memref<1x1600x16xf32, #tpu.memory_space<vmem>> -> memref<1600x16xf32, #tpu.memory_space<vmem>>
        %parallel_loop3A_1879 = arith.index_cast %parallel_loop3A_1874 : i32 to index
        %parallel_loop3A_1880 = arith.constant 0 : index
        %parallel_loop3A_1881 = tpu.vector_load %parallel_loop3A_1878[%parallel_loop3A_1879, %parallel_loop3A_1880] {strides = array<i32>} : memref<1600x16xf32, #tpu.memory_space<vmem>>, vector<1x16xf32>,
        %parallel_loop3A_1882 = vector.shape_cast %parallel_loop3A_1881 : vector<1x16xf32> to vector<16xf32>
        %parallel_loop3A_1883 = arith.addf %parallel_loop3A_1791, %parallel_loop3A_1882 : vector<16xf32>
        scf.yield %parallel_loop3A_1806, %parallel_loop3A_1817, %parallel_loop3A_1828, %parallel_loop3A_1839, %parallel_loop3A_1850, %parallel_loop3A_1861, %parallel_loop3A_1872, %parallel_loop3A_1883 : vector<16xf32>, vector<16xf32>, vector<16xf32>, vector<16xf32>, vector<16xf32>, vector<16xf32>, vector<16xf32>, vector<16xf32>
      } {sc.loop_unroll_factor = 2 : i64, sc.parallel_access}
      %add3A_1197 = arith.addf %parallel_loop3A_1196#0, %parallel_loop3A_1196#1 : vector<16xf32>
      %add3A_1198 = arith.addf %parallel_loop3A_1196#2, %parallel_loop3A_1196#3 : vector<16xf32>
      %add3A_1199 = arith.addf %add3A_1197, %add3A_1198 : vector<16xf32>
      %add3A_1200 = arith.addf %parallel_loop3A_1196#4, %parallel_loop3A_1196#5 : vector<16xf32>
      %add3A_1201 = arith.addf %parallel_loop3A_1196#6, %parallel_loop3A_1196#7 : vector<16xf32>
      %add3A_1202 = arith.addf %add3A_1200, %add3A_1201 : vector<16xf32>
      %get3A_1203 = arith.index_cast %mul3A_984 : i32 to index
      %get3A_1204 = arith.constant 112 : index
      %get3A_1205 = tpu.vector_load %arg10[%get3A_1203, %get3A_1204] {strides = array<i32>} : memref<64x128xf32, #tpu.memory_space<vmem>>, vector<1x16xf32>,
      %get3A_1206 = vector.shape_cast %get3A_1205 : vector<1x16xf32> to vector<16xf32>
      %add3A_1207 = arith.addf %add3A_1199, %add3A_1202 : vector<16xf32>
      %mul3A_1208 = arith.mulf %add3A_1207, %get3A_1206 : vector<16xf32>
      %get3A_1209 = arith.constant 0 : index
      %get3A_1210 = tpu.vector_load %arg11[%get3A_1209] {strides = array<i32>} : memref<16xf32, #tpu.memory_space<vmem>>, vector<16xf32>,
      %get3A_1211 = vector.shape_cast %get3A_1210 : vector<16xf32> to vector<16xf32>
      %add3A_1212 = arith.addf %mul3A_1208, %get3A_1211 : vector<16xf32>
      %swap3A_1213 = arith.constant 7 : i32
      %swap3A_1214 = arith.index_cast %swap3A_1213 : i32 to index
      %swap3A_1215 = arith.constant 0 : index
      %swap3A_1216 = tpu.vector_load %arg9[%swap3A_1214, %swap3A_1215] {strides = array<i32>} : memref<8x16xf32, #tpu.memory_space<vmem>>, vector<1x16xf32>,
      %swap3A_1217 = vector.shape_cast %swap3A_1216 : vector<1x16xf32> to vector<16xf32>
      %swap3A_1218 = vector.shape_cast %add3A_1212 : vector<16xf32> to vector<1x16xf32>
      tpu.vector_store %arg9[%swap3A_1214, %swap3A_1215], %swap3A_1218 {strides = array<i32>} : memref<8x16xf32, #tpu.memory_space<vmem>>, vector<1x16xf32>,
      "tpu.region"() ({
        %run_scoped3A_1783 = tpu.sem_alloc : memref<!tpu.dma_semaphore, #tpu.memory_space<semaphore_mem>>
        %dma_start3A_1784 = arith.constant 0 : i32
        %dma_start3A_1785 = tpu.memref_slice %arg6[%multiple_of3A_990, %dma_start3A_1784] : memref<16384x16xf32, #tpu.memory_space<hbm>> -> memref<8x16xf32, #tpu.memory_space<hbm>>
        %dma_start3A_1786 = arith.constant 0 : i32
        %dma_start3A_1787 = tpu.memref_slice %arg6[%multiple_of3A_990, %dma_start3A_1786] : memref<16384x16xf32, #tpu.memory_space<hbm>> -> memref<8x16xf32, #tpu.memory_space<hbm>>
        tpu.enqueue_dma source(%arg9 : memref<8x16xf32, #tpu.memory_space<vmem>>) target(%dma_start3A_1787 : memref<8x16xf32, #tpu.memory_space<hbm>>) target_semaphore(%run_scoped3A_1783 : memref<!tpu.dma_semaphore, #tpu.memory_space<semaphore_mem>>)
        %dma_wait3A_1788 = arith.constant 0 : i32
        %dma_wait3A_1789 = tpu.memref_slice %arg6[%multiple_of3A_990, %dma_wait3A_1788] : memref<16384x16xf32, #tpu.memory_space<hbm>> -> memref<8x16xf32, #tpu.memory_space<hbm>>
        %dma_wait3A_1790 = arith.constant 0 : i32
        %dma_wait3A_1791 = tpu.memref_slice %arg6[%multiple_of3A_990, %dma_wait3A_1790] : memref<16384x16xf32, #tpu.memory_space<hbm>> -> memref<8x16xf32, #tpu.memory_space<hbm>>
        tpu.wait_dma2 semaphore(%run_scoped3A_1783 : memref<!tpu.dma_semaphore, #tpu.memory_space<semaphore_mem>>) src(%arg9 : memref<8x16xf32, #tpu.memory_space<vmem>>) dst(%dma_wait3A_1791 : memref<8x16xf32, #tpu.memory_space<hbm>>)
        tpu.yield
      }) : () -> ()
      %lt3A = arith.constant 31 : i32
      %lt3A_1219 = arith.cmpi slt, %scan3A_332, %lt3A : i32
      %convert_element_type3A = arith.extui %lt3A_1219 : i1 to i32
      %cond3A = arith.constant 0 : i32
      %cond3A_1220 = arith.cmpi ne, %convert_element_type3A, %cond3A : i32
      scf.if %cond3A_1220 {
        %mul3A_1783 = arith.constant 2 : i32
        %mul3A_1784 = arith.muli %mul3A_1783, %scan3A_332 : i32
        %add3A_1785 = arith.constant 2 : i32
        %add3A_1786 = arith.addi %mul3A_1784, %add3A_1785 : i32
        %mul3A_1787 = arith.constant 512 : i32
        %mul3A_1788 = arith.muli %add3A, %mul3A_1787 : i32
        %mul3A_1789 = arith.constant 8 : i32
        %mul3A_1790 = arith.muli %add3A_1786, %mul3A_1789 : i32
        %add3A_1791 = arith.addi %mul3A_1788, %mul3A_1790 : i32
        %multiple_of3A_1792 = tpu.assume_multiple %add3A_1791, 8 : i32
        %run_scoped3A_1793 = arith.constant 0 : i32
        "tpu.region"() ({
          %run_scoped3A_2114 = tpu.sem_alloc : memref<!tpu.dma_semaphore, #tpu.memory_space<semaphore_mem>>
          %dma_start3A_2115 = arith.constant 0 : i32
          %dma_start3A_2116 = arith.constant 0 : i32
          %dma_start3A_2117 = tpu.memref_slice %arg7[%run_scoped3A_1793, %dma_start3A_2115, %dma_start3A_2116] : memref<2x8x200xi32, #tpu.memory_space<vmem>> -> memref<1x8x200xi32, #tpu.memory_space<vmem>>
          %dma_start3A_2118 = tpu.memref_squeeze %dma_start3A_2117 : memref<1x8x200xi32, #tpu.memory_space<vmem>> -> memref<8x200xi32, #tpu.memory_space<vmem>>
          %dma_start3A_2119 = arith.constant 0 : i32
          %dma_start3A_2120 = tpu.memref_slice %arg3[%multiple_of3A_1792, %dma_start3A_2119] : memref<16384x200xi32, #tpu.memory_space<hbm>> -> memref<8x200xi32, #tpu.memory_space<hbm>>
          %dma_start3A_2121 = arith.constant 0 : i32
          %dma_start3A_2122 = arith.constant 0 : i32
          %dma_start3A_2123 = tpu.memref_slice %arg7[%run_scoped3A_1793, %dma_start3A_2121, %dma_start3A_2122] : memref<2x8x200xi32, #tpu.memory_space<vmem>> -> memref<1x8x200xi32, #tpu.memory_space<vmem>>
          %dma_start3A_2124 = tpu.memref_squeeze %dma_start3A_2123 : memref<1x8x200xi32, #tpu.memory_space<vmem>> -> memref<8x200xi32, #tpu.memory_space<vmem>>
          %dma_start3A_2125 = arith.constant 0 : i32
          %dma_start3A_2126 = tpu.memref_slice %arg3[%multiple_of3A_1792, %dma_start3A_2125] : memref<16384x200xi32, #tpu.memory_space<hbm>> -> memref<8x200xi32, #tpu.memory_space<hbm>>
          tpu.enqueue_dma source(%dma_start3A_2126 : memref<8x200xi32, #tpu.memory_space<hbm>>) target(%dma_start3A_2124 : memref<8x200xi32, #tpu.memory_space<vmem>>) target_semaphore(%run_scoped3A_2114 : memref<!tpu.dma_semaphore, #tpu.memory_space<semaphore_mem>>)
          %dma_wait3A_2127 = arith.constant 0 : i32
          %dma_wait3A_2128 = arith.constant 0 : i32
          %dma_wait3A_2129 = tpu.memref_slice %arg7[%run_scoped3A_1793, %dma_wait3A_2127, %dma_wait3A_2128] : memref<2x8x200xi32, #tpu.memory_space<vmem>> -> memref<1x8x200xi32, #tpu.memory_space<vmem>>
          %dma_wait3A_2130 = tpu.memref_squeeze %dma_wait3A_2129 : memref<1x8x200xi32, #tpu.memory_space<vmem>> -> memref<8x200xi32, #tpu.memory_space<vmem>>
          %dma_wait3A_2131 = arith.constant 0 : i32
          %dma_wait3A_2132 = tpu.memref_slice %arg3[%multiple_of3A_1792, %dma_wait3A_2131] : memref<16384x200xi32, #tpu.memory_space<hbm>> -> memref<8x200xi32, #tpu.memory_space<hbm>>
          %dma_wait3A_2133 = arith.constant 0 : i32
          %dma_wait3A_2134 = arith.constant 0 : i32
          %dma_wait3A_2135 = tpu.memref_slice %arg7[%run_scoped3A_1793, %dma_wait3A_2133, %dma_wait3A_2134] : memref<2x8x200xi32, #tpu.memory_space<vmem>> -> memref<1x8x200xi32, #tpu.memory_space<vmem>>
          %dma_wait3A_2136 = tpu.memref_squeeze %dma_wait3A_2135 : memref<1x8x200xi32, #tpu.memory_space<vmem>> -> memref<8x200xi32, #tpu.memory_space<vmem>>
          %dma_wait3A_2137 = arith.constant 0 : i32
          %dma_wait3A_2138 = tpu.memref_slice %arg3[%multiple_of3A_1792, %dma_wait3A_2137] : memref<16384x200xi32, #tpu.memory_space<hbm>> -> memref<8x200xi32, #tpu.memory_space<hbm>>
          tpu.wait_dma2 semaphore(%run_scoped3A_2114 : memref<!tpu.dma_semaphore, #tpu.memory_space<semaphore_mem>>) src(%dma_wait3A_2138 : memref<8x200xi32, #tpu.memory_space<hbm>>) dst(%dma_wait3A_2136 : memref<8x200xi32, #tpu.memory_space<vmem>>)
          tpu.yield
        }) : () -> ()
        %dma_start3A_1794 = arith.constant 0 : i32
        %dma_start3A_1795 = arith.constant 0 : i32
        %dma_start3A_1796 = arith.constant 0 : i32
        %dma_start3A_1797 = arith.constant 0 : i32
        %dma_start3A_1798 = arith.constant 0 : i32
        %dma_start3A_1799 = tpu.memref_slice %arg8[%dma_start3A_1796, %dma_start3A_1797, %dma_start3A_1798] : memref<2x1600x16xf32, #tpu.memory_space<vmem>> -> memref<1x1600x16xf32, #tpu.memory_space<vmem>>
        %dma_start3A_1800 = tpu.memref_squeeze %dma_start3A_1799 : memref<1x1600x16xf32, #tpu.memory_space<vmem>> -> memref<1600x16xf32, #tpu.memory_space<vmem>>
        %dma_start3A_1801 = arith.constant 0 : i32
        %dma_start3A_1802 = arith.constant 0 : i32
        %dma_start3A_1803 = tpu.memref_slice %dma_start3A_1800[%dma_start3A_1801, %dma_start3A_1802] : memref<1600x16xf32, #tpu.memory_space<vmem>> -> memref<104x16xf32, #tpu.memory_space<vmem>>
        %dma_start3A_1804 = arith.constant 0 : i32
        %dma_start3A_1805 = arith.constant 0 : i32
        %dma_start3A_1806 = tpu.memref_slice %arg7[%dma_start3A_1794, %dma_start3A_1804, %dma_start3A_1805] : memref<2x8x200xi32, #tpu.memory_space<vmem>> -> memref<1x8x200xi32, #tpu.memory_space<vmem>>
        %dma_start3A_1807 = tpu.memref_squeeze %dma_start3A_1806 : memref<1x8x200xi32, #tpu.memory_space<vmem>> -> memref<8x200xi32, #tpu.memory_space<vmem>>
        %dma_start3A_1808 = arith.constant 0 : i32
        %dma_start3A_1809 = tpu.memref_slice %dma_start3A_1807[%dma_start3A_1795, %dma_start3A_1808] : memref<8x200xi32, #tpu.memory_space<vmem>> -> memref<1x104xi32, #tpu.memory_space<vmem>>
        %dma_start3A_1810 = tpu.memref_squeeze %dma_start3A_1809 : memref<1x104xi32, #tpu.memory_space<vmem>> -> memref<104xi32, #tpu.memory_space<vmem>>
        %dma_start3A_1811 = arith.constant 0 : i32
        %dma_start3A_1812 = arith.constant 0 : i32
        %dma_start3A_1813 = tpu.memref_slice %arg2[%dma_start3A_1811, %dma_start3A_1812] : memref<1000000x16xf32, #tpu.memory_space<hbm>> -> memref<1000000x16xf32, #tpu.memory_space<hbm>>
        tpu.enqueue_indirect_dma source(%dma_start3A_1813 : memref<1000000x16xf32, #tpu.memory_space<hbm>>) target(%dma_start3A_1803 : memref<104x16xf32, #tpu.memory_space<vmem>>) offsets(%dma_start3A_1810 : memref<104xi32, #tpu.memory_space<vmem>>) semaphore(%arg12 : memref<!tpu.dma_semaphore, #tpu.memory_space<semaphore_mem>>)
        %dma_start3A_1814 = arith.constant 0 : i32
        %dma_start3A_1815 = arith.constant 0 : i32
        %dma_start3A_1816 = arith.constant 0 : i32
        %dma_start3A_1817 = arith.constant 0 : i32
        %dma_start3A_1818 = arith.constant 0 : i32
        %dma_start3A_1819 = tpu.memref_slice %arg8[%dma_start3A_1816, %dma_start3A_1817, %dma_start3A_1818] : memref<2x1600x16xf32, #tpu.memory_space<vmem>> -> memref<1x1600x16xf32, #tpu.memory_space<vmem>>
        %dma_start3A_1820 = tpu.memref_squeeze %dma_start3A_1819 : memref<1x1600x16xf32, #tpu.memory_space<vmem>> -> memref<1600x16xf32, #tpu.memory_space<vmem>>
        %dma_start3A_1821 = arith.constant 104 : i32
        %dma_start3A_1822 = arith.constant 0 : i32
        %dma_start3A_1823 = tpu.memref_slice %dma_start3A_1820[%dma_start3A_1821, %dma_start3A_1822] : memref<1600x16xf32, #tpu.memory_space<vmem>> -> memref<96x16xf32, #tpu.memory_space<vmem>>
        %dma_start3A_1824 = arith.constant 0 : i32
        %dma_start3A_1825 = arith.constant 0 : i32
        %dma_start3A_1826 = tpu.memref_slice %arg7[%dma_start3A_1814, %dma_start3A_1824, %dma_start3A_1825] : memref<2x8x200xi32, #tpu.memory_space<vmem>> -> memref<1x8x200xi32, #tpu.memory_space<vmem>>
        %dma_start3A_1827 = tpu.memref_squeeze %dma_start3A_1826 : memref<1x8x200xi32, #tpu.memory_space<vmem>> -> memref<8x200xi32, #tpu.memory_space<vmem>>
        %dma_start3A_1828 = arith.constant 104 : i32
        %dma_start3A_1829 = tpu.memref_slice %dma_start3A_1827[%dma_start3A_1815, %dma_start3A_1828] : memref<8x200xi32, #tpu.memory_space<vmem>> -> memref<1x96xi32, #tpu.memory_space<vmem>>
        %dma_start3A_1830 = tpu.memref_squeeze %dma_start3A_1829 : memref<1x96xi32, #tpu.memory_space<vmem>> -> memref<96xi32, #tpu.memory_space<vmem>>
        %dma_start3A_1831 = arith.constant 0 : i32
        %dma_start3A_1832 = arith.constant 0 : i32
        %dma_start3A_1833 = tpu.memref_slice %arg2[%dma_start3A_1831, %dma_start3A_1832] : memref<1000000x16xf32, #tpu.memory_space<hbm>> -> memref<1000000x16xf32, #tpu.memory_space<hbm>>
        tpu.enqueue_indirect_dma source(%dma_start3A_1833 : memref<1000000x16xf32, #tpu.memory_space<hbm>>) target(%dma_start3A_1823 : memref<96x16xf32, #tpu.memory_space<vmem>>) offsets(%dma_start3A_1830 : memref<96xi32, #tpu.memory_space<vmem>>) semaphore(%arg12 : memref<!tpu.dma_semaphore, #tpu.memory_space<semaphore_mem>>)
        %dma_start3A_1834 = arith.constant 0 : i32
        %dma_start3A_1835 = arith.constant 1 : i32
        %dma_start3A_1836 = arith.constant 0 : i32
        %dma_start3A_1837 = arith.constant 0 : i32
        %dma_start3A_1838 = arith.constant 0 : i32
        %dma_start3A_1839 = tpu.memref_slice %arg8[%dma_start3A_1836, %dma_start3A_1837, %dma_start3A_1838] : memref<2x1600x16xf32, #tpu.memory_space<vmem>> -> memref<1x1600x16xf32, #tpu.memory_space<vmem>>
        %dma_start3A_1840 = tpu.memref_squeeze %dma_start3A_1839 : memref<1x1600x16xf32, #tpu.memory_space<vmem>> -> memref<1600x16xf32, #tpu.memory_space<vmem>>
        %dma_start3A_1841 = arith.constant 200 : i32
        %dma_start3A_1842 = arith.constant 0 : i32
        %dma_start3A_1843 = tpu.memref_slice %dma_start3A_1840[%dma_start3A_1841, %dma_start3A_1842] : memref<1600x16xf32, #tpu.memory_space<vmem>> -> memref<104x16xf32, #tpu.memory_space<vmem>>
        %dma_start3A_1844 = arith.constant 0 : i32
        %dma_start3A_1845 = arith.constant 0 : i32
        %dma_start3A_1846 = tpu.memref_slice %arg7[%dma_start3A_1834, %dma_start3A_1844, %dma_start3A_1845] : memref<2x8x200xi32, #tpu.memory_space<vmem>> -> memref<1x8x200xi32, #tpu.memory_space<vmem>>
        %dma_start3A_1847 = tpu.memref_squeeze %dma_start3A_1846 : memref<1x8x200xi32, #tpu.memory_space<vmem>> -> memref<8x200xi32, #tpu.memory_space<vmem>>
        %dma_start3A_1848 = arith.constant 0 : i32
        %dma_start3A_1849 = tpu.memref_slice %dma_start3A_1847[%dma_start3A_1835, %dma_start3A_1848] : memref<8x200xi32, #tpu.memory_space<vmem>> -> memref<1x104xi32, #tpu.memory_space<vmem>>
        %dma_start3A_1850 = tpu.memref_squeeze %dma_start3A_1849 : memref<1x104xi32, #tpu.memory_space<vmem>> -> memref<104xi32, #tpu.memory_space<vmem>>
        %dma_start3A_1851 = arith.constant 0 : i32
        %dma_start3A_1852 = arith.constant 0 : i32
        %dma_start3A_1853 = tpu.memref_slice %arg2[%dma_start3A_1851, %dma_start3A_1852] : memref<1000000x16xf32, #tpu.memory_space<hbm>> -> memref<1000000x16xf32, #tpu.memory_space<hbm>>
        tpu.enqueue_indirect_dma source(%dma_start3A_1853 : memref<1000000x16xf32, #tpu.memory_space<hbm>>) target(%dma_start3A_1843 : memref<104x16xf32, #tpu.memory_space<vmem>>) offsets(%dma_start3A_1850 : memref<104xi32, #tpu.memory_space<vmem>>) semaphore(%arg12 : memref<!tpu.dma_semaphore, #tpu.memory_space<semaphore_mem>>)
        %dma_start3A_1854 = arith.constant 0 : i32
        %dma_start3A_1855 = arith.constant 1 : i32
        %dma_start3A_1856 = arith.constant 0 : i32
        %dma_start3A_1857 = arith.constant 0 : i32
        %dma_start3A_1858 = arith.constant 0 : i32
        %dma_start3A_1859 = tpu.memref_slice %arg8[%dma_start3A_1856, %dma_start3A_1857, %dma_start3A_1858] : memref<2x1600x16xf32, #tpu.memory_space<vmem>> -> memref<1x1600x16xf32, #tpu.memory_space<vmem>>
        %dma_start3A_1860 = tpu.memref_squeeze %dma_start3A_1859 : memref<1x1600x16xf32, #tpu.memory_space<vmem>> -> memref<1600x16xf32, #tpu.memory_space<vmem>>
        %dma_start3A_1861 = arith.constant 304 : i32
        %dma_start3A_1862 = arith.constant 0 : i32
        %dma_start3A_1863 = tpu.memref_slice %dma_start3A_1860[%dma_start3A_1861, %dma_start3A_1862] : memref<1600x16xf32, #tpu.memory_space<vmem>> -> memref<96x16xf32, #tpu.memory_space<vmem>>
        %dma_start3A_1864 = arith.constant 0 : i32
        %dma_start3A_1865 = arith.constant 0 : i32
        %dma_start3A_1866 = tpu.memref_slice %arg7[%dma_start3A_1854, %dma_start3A_1864, %dma_start3A_1865] : memref<2x8x200xi32, #tpu.memory_space<vmem>> -> memref<1x8x200xi32, #tpu.memory_space<vmem>>
        %dma_start3A_1867 = tpu.memref_squeeze %dma_start3A_1866 : memref<1x8x200xi32, #tpu.memory_space<vmem>> -> memref<8x200xi32, #tpu.memory_space<vmem>>
        %dma_start3A_1868 = arith.constant 104 : i32
        %dma_start3A_1869 = tpu.memref_slice %dma_start3A_1867[%dma_start3A_1855, %dma_start3A_1868] : memref<8x200xi32, #tpu.memory_space<vmem>> -> memref<1x96xi32, #tpu.memory_space<vmem>>
        %dma_start3A_1870 = tpu.memref_squeeze %dma_start3A_1869 : memref<1x96xi32, #tpu.memory_space<vmem>> -> memref<96xi32, #tpu.memory_space<vmem>>
        %dma_start3A_1871 = arith.constant 0 : i32
        %dma_start3A_1872 = arith.constant 0 : i32
        %dma_start3A_1873 = tpu.memref_slice %arg2[%dma_start3A_1871, %dma_start3A_1872] : memref<1000000x16xf32, #tpu.memory_space<hbm>> -> memref<1000000x16xf32, #tpu.memory_space<hbm>>
        tpu.enqueue_indirect_dma source(%dma_start3A_1873 : memref<1000000x16xf32, #tpu.memory_space<hbm>>) target(%dma_start3A_1863 : memref<96x16xf32, #tpu.memory_space<vmem>>) offsets(%dma_start3A_1870 : memref<96xi32, #tpu.memory_space<vmem>>) semaphore(%arg12 : memref<!tpu.dma_semaphore, #tpu.memory_space<semaphore_mem>>)
        %dma_start3A_1874 = arith.constant 0 : i32
        %dma_start3A_1875 = arith.constant 2 : i32
        %dma_start3A_1876 = arith.constant 0 : i32
        %dma_start3A_1877 = arith.constant 0 : i32
        %dma_start3A_1878 = arith.constant 0 : i32
        %dma_start3A_1879 = tpu.memref_slice %arg8[%dma_start3A_1876, %dma_start3A_1877, %dma_start3A_1878] : memref<2x1600x16xf32, #tpu.memory_space<vmem>> -> memref<1x1600x16xf32, #tpu.memory_space<vmem>>
        %dma_start3A_1880 = tpu.memref_squeeze %dma_start3A_1879 : memref<1x1600x16xf32, #tpu.memory_space<vmem>> -> memref<1600x16xf32, #tpu.memory_space<vmem>>
        %dma_start3A_1881 = arith.constant 400 : i32
        %dma_start3A_1882 = arith.constant 0 : i32
        %dma_start3A_1883 = tpu.memref_slice %dma_start3A_1880[%dma_start3A_1881, %dma_start3A_1882] : memref<1600x16xf32, #tpu.memory_space<vmem>> -> memref<104x16xf32, #tpu.memory_space<vmem>>
        %dma_start3A_1884 = arith.constant 0 : i32
        %dma_start3A_1885 = arith.constant 0 : i32
        %dma_start3A_1886 = tpu.memref_slice %arg7[%dma_start3A_1874, %dma_start3A_1884, %dma_start3A_1885] : memref<2x8x200xi32, #tpu.memory_space<vmem>> -> memref<1x8x200xi32, #tpu.memory_space<vmem>>
        %dma_start3A_1887 = tpu.memref_squeeze %dma_start3A_1886 : memref<1x8x200xi32, #tpu.memory_space<vmem>> -> memref<8x200xi32, #tpu.memory_space<vmem>>
        %dma_start3A_1888 = arith.constant 0 : i32
        %dma_start3A_1889 = tpu.memref_slice %dma_start3A_1887[%dma_start3A_1875, %dma_start3A_1888] : memref<8x200xi32, #tpu.memory_space<vmem>> -> memref<1x104xi32, #tpu.memory_space<vmem>>
        %dma_start3A_1890 = tpu.memref_squeeze %dma_start3A_1889 : memref<1x104xi32, #tpu.memory_space<vmem>> -> memref<104xi32, #tpu.memory_space<vmem>>
        %dma_start3A_1891 = arith.constant 0 : i32
        %dma_start3A_1892 = arith.constant 0 : i32
        %dma_start3A_1893 = tpu.memref_slice %arg2[%dma_start3A_1891, %dma_start3A_1892] : memref<1000000x16xf32, #tpu.memory_space<hbm>> -> memref<1000000x16xf32, #tpu.memory_space<hbm>>
        tpu.enqueue_indirect_dma source(%dma_start3A_1893 : memref<1000000x16xf32, #tpu.memory_space<hbm>>) target(%dma_start3A_1883 : memref<104x16xf32, #tpu.memory_space<vmem>>) offsets(%dma_start3A_1890 : memref<104xi32, #tpu.memory_space<vmem>>) semaphore(%arg12 : memref<!tpu.dma_semaphore, #tpu.memory_space<semaphore_mem>>)
        %dma_start3A_1894 = arith.constant 0 : i32
        %dma_start3A_1895 = arith.constant 2 : i32
        %dma_start3A_1896 = arith.constant 0 : i32
        %dma_start3A_1897 = arith.constant 0 : i32
        %dma_start3A_1898 = arith.constant 0 : i32
        %dma_start3A_1899 = tpu.memref_slice %arg8[%dma_start3A_1896, %dma_start3A_1897, %dma_start3A_1898] : memref<2x1600x16xf32, #tpu.memory_space<vmem>> -> memref<1x1600x16xf32, #tpu.memory_space<vmem>>
        %dma_start3A_1900 = tpu.memref_squeeze %dma_start3A_1899 : memref<1x1600x16xf32, #tpu.memory_space<vmem>> -> memref<1600x16xf32, #tpu.memory_space<vmem>>
        %dma_start3A_1901 = arith.constant 504 : i32
        %dma_start3A_1902 = arith.constant 0 : i32
        %dma_start3A_1903 = tpu.memref_slice %dma_start3A_1900[%dma_start3A_1901, %dma_start3A_1902] : memref<1600x16xf32, #tpu.memory_space<vmem>> -> memref<96x16xf32, #tpu.memory_space<vmem>>
        %dma_start3A_1904 = arith.constant 0 : i32
        %dma_start3A_1905 = arith.constant 0 : i32
        %dma_start3A_1906 = tpu.memref_slice %arg7[%dma_start3A_1894, %dma_start3A_1904, %dma_start3A_1905] : memref<2x8x200xi32, #tpu.memory_space<vmem>> -> memref<1x8x200xi32, #tpu.memory_space<vmem>>
        %dma_start3A_1907 = tpu.memref_squeeze %dma_start3A_1906 : memref<1x8x200xi32, #tpu.memory_space<vmem>> -> memref<8x200xi32, #tpu.memory_space<vmem>>
        %dma_start3A_1908 = arith.constant 104 : i32
        %dma_start3A_1909 = tpu.memref_slice %dma_start3A_1907[%dma_start3A_1895, %dma_start3A_1908] : memref<8x200xi32, #tpu.memory_space<vmem>> -> memref<1x96xi32, #tpu.memory_space<vmem>>
        %dma_start3A_1910 = tpu.memref_squeeze %dma_start3A_1909 : memref<1x96xi32, #tpu.memory_space<vmem>> -> memref<96xi32, #tpu.memory_space<vmem>>
        %dma_start3A_1911 = arith.constant 0 : i32
        %dma_start3A_1912 = arith.constant 0 : i32
        %dma_start3A_1913 = tpu.memref_slice %arg2[%dma_start3A_1911, %dma_start3A_1912] : memref<1000000x16xf32, #tpu.memory_space<hbm>> -> memref<1000000x16xf32, #tpu.memory_space<hbm>>
        tpu.enqueue_indirect_dma source(%dma_start3A_1913 : memref<1000000x16xf32, #tpu.memory_space<hbm>>) target(%dma_start3A_1903 : memref<96x16xf32, #tpu.memory_space<vmem>>) offsets(%dma_start3A_1910 : memref<96xi32, #tpu.memory_space<vmem>>) semaphore(%arg12 : memref<!tpu.dma_semaphore, #tpu.memory_space<semaphore_mem>>)
        %dma_start3A_1914 = arith.constant 0 : i32
        %dma_start3A_1915 = arith.constant 3 : i32
        %dma_start3A_1916 = arith.constant 0 : i32
        %dma_start3A_1917 = arith.constant 0 : i32
        %dma_start3A_1918 = arith.constant 0 : i32
        %dma_start3A_1919 = tpu.memref_slice %arg8[%dma_start3A_1916, %dma_start3A_1917, %dma_start3A_1918] : memref<2x1600x16xf32, #tpu.memory_space<vmem>> -> memref<1x1600x16xf32, #tpu.memory_space<vmem>>
        %dma_start3A_1920 = tpu.memref_squeeze %dma_start3A_1919 : memref<1x1600x16xf32, #tpu.memory_space<vmem>> -> memref<1600x16xf32, #tpu.memory_space<vmem>>
        %dma_start3A_1921 = arith.constant 600 : i32
        %dma_start3A_1922 = arith.constant 0 : i32
        %dma_start3A_1923 = tpu.memref_slice %dma_start3A_1920[%dma_start3A_1921, %dma_start3A_1922] : memref<1600x16xf32, #tpu.memory_space<vmem>> -> memref<104x16xf32, #tpu.memory_space<vmem>>
        %dma_start3A_1924 = arith.constant 0 : i32
        %dma_start3A_1925 = arith.constant 0 : i32
        %dma_start3A_1926 = tpu.memref_slice %arg7[%dma_start3A_1914, %dma_start3A_1924, %dma_start3A_1925] : memref<2x8x200xi32, #tpu.memory_space<vmem>> -> memref<1x8x200xi32, #tpu.memory_space<vmem>>
        %dma_start3A_1927 = tpu.memref_squeeze %dma_start3A_1926 : memref<1x8x200xi32, #tpu.memory_space<vmem>> -> memref<8x200xi32, #tpu.memory_space<vmem>>
        %dma_start3A_1928 = arith.constant 0 : i32
        %dma_start3A_1929 = tpu.memref_slice %dma_start3A_1927[%dma_start3A_1915, %dma_start3A_1928] : memref<8x200xi32, #tpu.memory_space<vmem>> -> memref<1x104xi32, #tpu.memory_space<vmem>>
        %dma_start3A_1930 = tpu.memref_squeeze %dma_start3A_1929 : memref<1x104xi32, #tpu.memory_space<vmem>> -> memref<104xi32, #tpu.memory_space<vmem>>
        %dma_start3A_1931 = arith.constant 0 : i32
        %dma_start3A_1932 = arith.constant 0 : i32
        %dma_start3A_1933 = tpu.memref_slice %arg2[%dma_start3A_1931, %dma_start3A_1932] : memref<1000000x16xf32, #tpu.memory_space<hbm>> -> memref<1000000x16xf32, #tpu.memory_space<hbm>>
        tpu.enqueue_indirect_dma source(%dma_start3A_1933 : memref<1000000x16xf32, #tpu.memory_space<hbm>>) target(%dma_start3A_1923 : memref<104x16xf32, #tpu.memory_space<vmem>>) offsets(%dma_start3A_1930 : memref<104xi32, #tpu.memory_space<vmem>>) semaphore(%arg12 : memref<!tpu.dma_semaphore, #tpu.memory_space<semaphore_mem>>)
        %dma_start3A_1934 = arith.constant 0 : i32
        %dma_start3A_1935 = arith.constant 3 : i32
        %dma_start3A_1936 = arith.constant 0 : i32
        %dma_start3A_1937 = arith.constant 0 : i32
        %dma_start3A_1938 = arith.constant 0 : i32
        %dma_start3A_1939 = tpu.memref_slice %arg8[%dma_start3A_1936, %dma_start3A_1937, %dma_start3A_1938] : memref<2x1600x16xf32, #tpu.memory_space<vmem>> -> memref<1x1600x16xf32, #tpu.memory_space<vmem>>
        %dma_start3A_1940 = tpu.memref_squeeze %dma_start3A_1939 : memref<1x1600x16xf32, #tpu.memory_space<vmem>> -> memref<1600x16xf32, #tpu.memory_space<vmem>>
        %dma_start3A_1941 = arith.constant 704 : i32
        %dma_start3A_1942 = arith.constant 0 : i32
        %dma_start3A_1943 = tpu.memref_slice %dma_start3A_1940[%dma_start3A_1941, %dma_start3A_1942] : memref<1600x16xf32, #tpu.memory_space<vmem>> -> memref<96x16xf32, #tpu.memory_space<vmem>>
        %dma_start3A_1944 = arith.constant 0 : i32
        %dma_start3A_1945 = arith.constant 0 : i32
        %dma_start3A_1946 = tpu.memref_slice %arg7[%dma_start3A_1934, %dma_start3A_1944, %dma_start3A_1945] : memref<2x8x200xi32, #tpu.memory_space<vmem>> -> memref<1x8x200xi32, #tpu.memory_space<vmem>>
        %dma_start3A_1947 = tpu.memref_squeeze %dma_start3A_1946 : memref<1x8x200xi32, #tpu.memory_space<vmem>> -> memref<8x200xi32, #tpu.memory_space<vmem>>
        %dma_start3A_1948 = arith.constant 104 : i32
        %dma_start3A_1949 = tpu.memref_slice %dma_start3A_1947[%dma_start3A_1935, %dma_start3A_1948] : memref<8x200xi32, #tpu.memory_space<vmem>> -> memref<1x96xi32, #tpu.memory_space<vmem>>
        %dma_start3A_1950 = tpu.memref_squeeze %dma_start3A_1949 : memref<1x96xi32, #tpu.memory_space<vmem>> -> memref<96xi32, #tpu.memory_space<vmem>>
        %dma_start3A_1951 = arith.constant 0 : i32
        %dma_start3A_1952 = arith.constant 0 : i32
        %dma_start3A_1953 = tpu.memref_slice %arg2[%dma_start3A_1951, %dma_start3A_1952] : memref<1000000x16xf32, #tpu.memory_space<hbm>> -> memref<1000000x16xf32, #tpu.memory_space<hbm>>
        tpu.enqueue_indirect_dma source(%dma_start3A_1953 : memref<1000000x16xf32, #tpu.memory_space<hbm>>) target(%dma_start3A_1943 : memref<96x16xf32, #tpu.memory_space<vmem>>) offsets(%dma_start3A_1950 : memref<96xi32, #tpu.memory_space<vmem>>) semaphore(%arg12 : memref<!tpu.dma_semaphore, #tpu.memory_space<semaphore_mem>>)
        %dma_start3A_1954 = arith.constant 0 : i32
        %dma_start3A_1955 = arith.constant 4 : i32
        %dma_start3A_1956 = arith.constant 0 : i32
        %dma_start3A_1957 = arith.constant 0 : i32
        %dma_start3A_1958 = arith.constant 0 : i32
        %dma_start3A_1959 = tpu.memref_slice %arg8[%dma_start3A_1956, %dma_start3A_1957, %dma_start3A_1958] : memref<2x1600x16xf32, #tpu.memory_space<vmem>> -> memref<1x1600x16xf32, #tpu.memory_space<vmem>>
        %dma_start3A_1960 = tpu.memref_squeeze %dma_start3A_1959 : memref<1x1600x16xf32, #tpu.memory_space<vmem>> -> memref<1600x16xf32, #tpu.memory_space<vmem>>
        %dma_start3A_1961 = arith.constant 800 : i32
        %dma_start3A_1962 = arith.constant 0 : i32
        %dma_start3A_1963 = tpu.memref_slice %dma_start3A_1960[%dma_start3A_1961, %dma_start3A_1962] : memref<1600x16xf32, #tpu.memory_space<vmem>> -> memref<104x16xf32, #tpu.memory_space<vmem>>
        %dma_start3A_1964 = arith.constant 0 : i32
        %dma_start3A_1965 = arith.constant 0 : i32
        %dma_start3A_1966 = tpu.memref_slice %arg7[%dma_start3A_1954, %dma_start3A_1964, %dma_start3A_1965] : memref<2x8x200xi32, #tpu.memory_space<vmem>> -> memref<1x8x200xi32, #tpu.memory_space<vmem>>
        %dma_start3A_1967 = tpu.memref_squeeze %dma_start3A_1966 : memref<1x8x200xi32, #tpu.memory_space<vmem>> -> memref<8x200xi32, #tpu.memory_space<vmem>>
        %dma_start3A_1968 = arith.constant 0 : i32
        %dma_start3A_1969 = tpu.memref_slice %dma_start3A_1967[%dma_start3A_1955, %dma_start3A_1968] : memref<8x200xi32, #tpu.memory_space<vmem>> -> memref<1x104xi32, #tpu.memory_space<vmem>>
        %dma_start3A_1970 = tpu.memref_squeeze %dma_start3A_1969 : memref<1x104xi32, #tpu.memory_space<vmem>> -> memref<104xi32, #tpu.memory_space<vmem>>
        %dma_start3A_1971 = arith.constant 0 : i32
        %dma_start3A_1972 = arith.constant 0 : i32
        %dma_start3A_1973 = tpu.memref_slice %arg2[%dma_start3A_1971, %dma_start3A_1972] : memref<1000000x16xf32, #tpu.memory_space<hbm>> -> memref<1000000x16xf32, #tpu.memory_space<hbm>>
        tpu.enqueue_indirect_dma source(%dma_start3A_1973 : memref<1000000x16xf32, #tpu.memory_space<hbm>>) target(%dma_start3A_1963 : memref<104x16xf32, #tpu.memory_space<vmem>>) offsets(%dma_start3A_1970 : memref<104xi32, #tpu.memory_space<vmem>>) semaphore(%arg12 : memref<!tpu.dma_semaphore, #tpu.memory_space<semaphore_mem>>)
        %dma_start3A_1974 = arith.constant 0 : i32
        %dma_start3A_1975 = arith.constant 4 : i32
        %dma_start3A_1976 = arith.constant 0 : i32
        %dma_start3A_1977 = arith.constant 0 : i32
        %dma_start3A_1978 = arith.constant 0 : i32
        %dma_start3A_1979 = tpu.memref_slice %arg8[%dma_start3A_1976, %dma_start3A_1977, %dma_start3A_1978] : memref<2x1600x16xf32, #tpu.memory_space<vmem>> -> memref<1x1600x16xf32, #tpu.memory_space<vmem>>
        %dma_start3A_1980 = tpu.memref_squeeze %dma_start3A_1979 : memref<1x1600x16xf32, #tpu.memory_space<vmem>> -> memref<1600x16xf32, #tpu.memory_space<vmem>>
        %dma_start3A_1981 = arith.constant 904 : i32
        %dma_start3A_1982 = arith.constant 0 : i32
        %dma_start3A_1983 = tpu.memref_slice %dma_start3A_1980[%dma_start3A_1981, %dma_start3A_1982] : memref<1600x16xf32, #tpu.memory_space<vmem>> -> memref<96x16xf32, #tpu.memory_space<vmem>>
        %dma_start3A_1984 = arith.constant 0 : i32
        %dma_start3A_1985 = arith.constant 0 : i32
        %dma_start3A_1986 = tpu.memref_slice %arg7[%dma_start3A_1974, %dma_start3A_1984, %dma_start3A_1985] : memref<2x8x200xi32, #tpu.memory_space<vmem>> -> memref<1x8x200xi32, #tpu.memory_space<vmem>>
        %dma_start3A_1987 = tpu.memref_squeeze %dma_start3A_1986 : memref<1x8x200xi32, #tpu.memory_space<vmem>> -> memref<8x200xi32, #tpu.memory_space<vmem>>
        %dma_start3A_1988 = arith.constant 104 : i32
        %dma_start3A_1989 = tpu.memref_slice %dma_start3A_1987[%dma_start3A_1975, %dma_start3A_1988] : memref<8x200xi32, #tpu.memory_space<vmem>> -> memref<1x96xi32, #tpu.memory_space<vmem>>
        %dma_start3A_1990 = tpu.memref_squeeze %dma_start3A_1989 : memref<1x96xi32, #tpu.memory_space<vmem>> -> memref<96xi32, #tpu.memory_space<vmem>>
        %dma_start3A_1991 = arith.constant 0 : i32
        %dma_start3A_1992 = arith.constant 0 : i32
        %dma_start3A_1993 = tpu.memref_slice %arg2[%dma_start3A_1991, %dma_start3A_1992] : memref<1000000x16xf32, #tpu.memory_space<hbm>> -> memref<1000000x16xf32, #tpu.memory_space<hbm>>
        tpu.enqueue_indirect_dma source(%dma_start3A_1993 : memref<1000000x16xf32, #tpu.memory_space<hbm>>) target(%dma_start3A_1983 : memref<96x16xf32, #tpu.memory_space<vmem>>) offsets(%dma_start3A_1990 : memref<96xi32, #tpu.memory_space<vmem>>) semaphore(%arg12 : memref<!tpu.dma_semaphore, #tpu.memory_space<semaphore_mem>>)
        %dma_start3A_1994 = arith.constant 0 : i32
        %dma_start3A_1995 = arith.constant 5 : i32
        %dma_start3A_1996 = arith.constant 0 : i32
        %dma_start3A_1997 = arith.constant 0 : i32
        %dma_start3A_1998 = arith.constant 0 : i32
        %dma_start3A_1999 = tpu.memref_slice %arg8[%dma_start3A_1996, %dma_start3A_1997, %dma_start3A_1998] : memref<2x1600x16xf32, #tpu.memory_space<vmem>> -> memref<1x1600x16xf32, #tpu.memory_space<vmem>>
        %dma_start3A_2000 = tpu.memref_squeeze %dma_start3A_1999 : memref<1x1600x16xf32, #tpu.memory_space<vmem>> -> memref<1600x16xf32, #tpu.memory_space<vmem>>
        %dma_start3A_2001 = arith.constant 1000 : i32
        %dma_start3A_2002 = arith.constant 0 : i32
        %dma_start3A_2003 = tpu.memref_slice %dma_start3A_2000[%dma_start3A_2001, %dma_start3A_2002] : memref<1600x16xf32, #tpu.memory_space<vmem>> -> memref<104x16xf32, #tpu.memory_space<vmem>>
        %dma_start3A_2004 = arith.constant 0 : i32
        %dma_start3A_2005 = arith.constant 0 : i32
        %dma_start3A_2006 = tpu.memref_slice %arg7[%dma_start3A_1994, %dma_start3A_2004, %dma_start3A_2005] : memref<2x8x200xi32, #tpu.memory_space<vmem>> -> memref<1x8x200xi32, #tpu.memory_space<vmem>>
        %dma_start3A_2007 = tpu.memref_squeeze %dma_start3A_2006 : memref<1x8x200xi32, #tpu.memory_space<vmem>> -> memref<8x200xi32, #tpu.memory_space<vmem>>
        %dma_start3A_2008 = arith.constant 0 : i32
        %dma_start3A_2009 = tpu.memref_slice %dma_start3A_2007[%dma_start3A_1995, %dma_start3A_2008] : memref<8x200xi32, #tpu.memory_space<vmem>> -> memref<1x104xi32, #tpu.memory_space<vmem>>
        %dma_start3A_2010 = tpu.memref_squeeze %dma_start3A_2009 : memref<1x104xi32, #tpu.memory_space<vmem>> -> memref<104xi32, #tpu.memory_space<vmem>>
        %dma_start3A_2011 = arith.constant 0 : i32
        %dma_start3A_2012 = arith.constant 0 : i32
        %dma_start3A_2013 = tpu.memref_slice %arg2[%dma_start3A_2011, %dma_start3A_2012] : memref<1000000x16xf32, #tpu.memory_space<hbm>> -> memref<1000000x16xf32, #tpu.memory_space<hbm>>
        tpu.enqueue_indirect_dma source(%dma_start3A_2013 : memref<1000000x16xf32, #tpu.memory_space<hbm>>) target(%dma_start3A_2003 : memref<104x16xf32, #tpu.memory_space<vmem>>) offsets(%dma_start3A_2010 : memref<104xi32, #tpu.memory_space<vmem>>) semaphore(%arg12 : memref<!tpu.dma_semaphore, #tpu.memory_space<semaphore_mem>>)
        %dma_start3A_2014 = arith.constant 0 : i32
        %dma_start3A_2015 = arith.constant 5 : i32
        %dma_start3A_2016 = arith.constant 0 : i32
        %dma_start3A_2017 = arith.constant 0 : i32
        %dma_start3A_2018 = arith.constant 0 : i32
        %dma_start3A_2019 = tpu.memref_slice %arg8[%dma_start3A_2016, %dma_start3A_2017, %dma_start3A_2018] : memref<2x1600x16xf32, #tpu.memory_space<vmem>> -> memref<1x1600x16xf32, #tpu.memory_space<vmem>>
        %dma_start3A_2020 = tpu.memref_squeeze %dma_start3A_2019 : memref<1x1600x16xf32, #tpu.memory_space<vmem>> -> memref<1600x16xf32, #tpu.memory_space<vmem>>
        %dma_start3A_2021 = arith.constant 1104 : i32
        %dma_start3A_2022 = arith.constant 0 : i32
        %dma_start3A_2023 = tpu.memref_slice %dma_start3A_2020[%dma_start3A_2021, %dma_start3A_2022] : memref<1600x16xf32, #tpu.memory_space<vmem>> -> memref<96x16xf32, #tpu.memory_space<vmem>>
        %dma_start3A_2024 = arith.constant 0 : i32
        %dma_start3A_2025 = arith.constant 0 : i32
        %dma_start3A_2026 = tpu.memref_slice %arg7[%dma_start3A_2014, %dma_start3A_2024, %dma_start3A_2025] : memref<2x8x200xi32, #tpu.memory_space<vmem>> -> memref<1x8x200xi32, #tpu.memory_space<vmem>>
        %dma_start3A_2027 = tpu.memref_squeeze %dma_start3A_2026 : memref<1x8x200xi32, #tpu.memory_space<vmem>> -> memref<8x200xi32, #tpu.memory_space<vmem>>
        %dma_start3A_2028 = arith.constant 104 : i32
        %dma_start3A_2029 = tpu.memref_slice %dma_start3A_2027[%dma_start3A_2015, %dma_start3A_2028] : memref<8x200xi32, #tpu.memory_space<vmem>> -> memref<1x96xi32, #tpu.memory_space<vmem>>
        %dma_start3A_2030 = tpu.memref_squeeze %dma_start3A_2029 : memref<1x96xi32, #tpu.memory_space<vmem>> -> memref<96xi32, #tpu.memory_space<vmem>>
        %dma_start3A_2031 = arith.constant 0 : i32
        %dma_start3A_2032 = arith.constant 0 : i32
        %dma_start3A_2033 = tpu.memref_slice %arg2[%dma_start3A_2031, %dma_start3A_2032] : memref<1000000x16xf32, #tpu.memory_space<hbm>> -> memref<1000000x16xf32, #tpu.memory_space<hbm>>
        tpu.enqueue_indirect_dma source(%dma_start3A_2033 : memref<1000000x16xf32, #tpu.memory_space<hbm>>) target(%dma_start3A_2023 : memref<96x16xf32, #tpu.memory_space<vmem>>) offsets(%dma_start3A_2030 : memref<96xi32, #tpu.memory_space<vmem>>) semaphore(%arg12 : memref<!tpu.dma_semaphore, #tpu.memory_space<semaphore_mem>>)
        %dma_start3A_2034 = arith.constant 0 : i32
        %dma_start3A_2035 = arith.constant 6 : i32
        %dma_start3A_2036 = arith.constant 0 : i32
        %dma_start3A_2037 = arith.constant 0 : i32
        %dma_start3A_2038 = arith.constant 0 : i32
        %dma_start3A_2039 = tpu.memref_slice %arg8[%dma_start3A_2036, %dma_start3A_2037, %dma_start3A_2038] : memref<2x1600x16xf32, #tpu.memory_space<vmem>> -> memref<1x1600x16xf32, #tpu.memory_space<vmem>>
        %dma_start3A_2040 = tpu.memref_squeeze %dma_start3A_2039 : memref<1x1600x16xf32, #tpu.memory_space<vmem>> -> memref<1600x16xf32, #tpu.memory_space<vmem>>
        %dma_start3A_2041 = arith.constant 1200 : i32
        %dma_start3A_2042 = arith.constant 0 : i32
        %dma_start3A_2043 = tpu.memref_slice %dma_start3A_2040[%dma_start3A_2041, %dma_start3A_2042] : memref<1600x16xf32, #tpu.memory_space<vmem>> -> memref<104x16xf32, #tpu.memory_space<vmem>>
        %dma_start3A_2044 = arith.constant 0 : i32
        %dma_start3A_2045 = arith.constant 0 : i32
        %dma_start3A_2046 = tpu.memref_slice %arg7[%dma_start3A_2034, %dma_start3A_2044, %dma_start3A_2045] : memref<2x8x200xi32, #tpu.memory_space<vmem>> -> memref<1x8x200xi32, #tpu.memory_space<vmem>>
        %dma_start3A_2047 = tpu.memref_squeeze %dma_start3A_2046 : memref<1x8x200xi32, #tpu.memory_space<vmem>> -> memref<8x200xi32, #tpu.memory_space<vmem>>
        %dma_start3A_2048 = arith.constant 0 : i32
        %dma_start3A_2049 = tpu.memref_slice %dma_start3A_2047[%dma_start3A_2035, %dma_start3A_2048] : memref<8x200xi32, #tpu.memory_space<vmem>> -> memref<1x104xi32, #tpu.memory_space<vmem>>
        %dma_start3A_2050 = tpu.memref_squeeze %dma_start3A_2049 : memref<1x104xi32, #tpu.memory_space<vmem>> -> memref<104xi32, #tpu.memory_space<vmem>>
        %dma_start3A_2051 = arith.constant 0 : i32
        %dma_start3A_2052 = arith.constant 0 : i32
        %dma_start3A_2053 = tpu.memref_slice %arg2[%dma_start3A_2051, %dma_start3A_2052] : memref<1000000x16xf32, #tpu.memory_space<hbm>> -> memref<1000000x16xf32, #tpu.memory_space<hbm>>
        tpu.enqueue_indirect_dma source(%dma_start3A_2053 : memref<1000000x16xf32, #tpu.memory_space<hbm>>) target(%dma_start3A_2043 : memref<104x16xf32, #tpu.memory_space<vmem>>) offsets(%dma_start3A_2050 : memref<104xi32, #tpu.memory_space<vmem>>) semaphore(%arg12 : memref<!tpu.dma_semaphore, #tpu.memory_space<semaphore_mem>>)
        %dma_start3A_2054 = arith.constant 0 : i32
        %dma_start3A_2055 = arith.constant 6 : i32
        %dma_start3A_2056 = arith.constant 0 : i32
        %dma_start3A_2057 = arith.constant 0 : i32
        %dma_start3A_2058 = arith.constant 0 : i32
        %dma_start3A_2059 = tpu.memref_slice %arg8[%dma_start3A_2056, %dma_start3A_2057, %dma_start3A_2058] : memref<2x1600x16xf32, #tpu.memory_space<vmem>> -> memref<1x1600x16xf32, #tpu.memory_space<vmem>>
        %dma_start3A_2060 = tpu.memref_squeeze %dma_start3A_2059 : memref<1x1600x16xf32, #tpu.memory_space<vmem>> -> memref<1600x16xf32, #tpu.memory_space<vmem>>
        %dma_start3A_2061 = arith.constant 1304 : i32
        %dma_start3A_2062 = arith.constant 0 : i32
        %dma_start3A_2063 = tpu.memref_slice %dma_start3A_2060[%dma_start3A_2061, %dma_start3A_2062] : memref<1600x16xf32, #tpu.memory_space<vmem>> -> memref<96x16xf32, #tpu.memory_space<vmem>>
        %dma_start3A_2064 = arith.constant 0 : i32
        %dma_start3A_2065 = arith.constant 0 : i32
        %dma_start3A_2066 = tpu.memref_slice %arg7[%dma_start3A_2054, %dma_start3A_2064, %dma_start3A_2065] : memref<2x8x200xi32, #tpu.memory_space<vmem>> -> memref<1x8x200xi32, #tpu.memory_space<vmem>>
        %dma_start3A_2067 = tpu.memref_squeeze %dma_start3A_2066 : memref<1x8x200xi32, #tpu.memory_space<vmem>> -> memref<8x200xi32, #tpu.memory_space<vmem>>
        %dma_start3A_2068 = arith.constant 104 : i32
        %dma_start3A_2069 = tpu.memref_slice %dma_start3A_2067[%dma_start3A_2055, %dma_start3A_2068] : memref<8x200xi32, #tpu.memory_space<vmem>> -> memref<1x96xi32, #tpu.memory_space<vmem>>
        %dma_start3A_2070 = tpu.memref_squeeze %dma_start3A_2069 : memref<1x96xi32, #tpu.memory_space<vmem>> -> memref<96xi32, #tpu.memory_space<vmem>>
        %dma_start3A_2071 = arith.constant 0 : i32
        %dma_start3A_2072 = arith.constant 0 : i32
        %dma_start3A_2073 = tpu.memref_slice %arg2[%dma_start3A_2071, %dma_start3A_2072] : memref<1000000x16xf32, #tpu.memory_space<hbm>> -> memref<1000000x16xf32, #tpu.memory_space<hbm>>
        tpu.enqueue_indirect_dma source(%dma_start3A_2073 : memref<1000000x16xf32, #tpu.memory_space<hbm>>) target(%dma_start3A_2063 : memref<96x16xf32, #tpu.memory_space<vmem>>) offsets(%dma_start3A_2070 : memref<96xi32, #tpu.memory_space<vmem>>) semaphore(%arg12 : memref<!tpu.dma_semaphore, #tpu.memory_space<semaphore_mem>>)
        %dma_start3A_2074 = arith.constant 0 : i32
        %dma_start3A_2075 = arith.constant 7 : i32
        %dma_start3A_2076 = arith.constant 0 : i32
        %dma_start3A_2077 = arith.constant 0 : i32
        %dma_start3A_2078 = arith.constant 0 : i32
        %dma_start3A_2079 = tpu.memref_slice %arg8[%dma_start3A_2076, %dma_start3A_2077, %dma_start3A_2078] : memref<2x1600x16xf32, #tpu.memory_space<vmem>> -> memref<1x1600x16xf32, #tpu.memory_space<vmem>>
        %dma_start3A_2080 = tpu.memref_squeeze %dma_start3A_2079 : memref<1x1600x16xf32, #tpu.memory_space<vmem>> -> memref<1600x16xf32, #tpu.memory_space<vmem>>
        %dma_start3A_2081 = arith.constant 1400 : i32
        %dma_start3A_2082 = arith.constant 0 : i32
        %dma_start3A_2083 = tpu.memref_slice %dma_start3A_2080[%dma_start3A_2081, %dma_start3A_2082] : memref<1600x16xf32, #tpu.memory_space<vmem>> -> memref<104x16xf32, #tpu.memory_space<vmem>>
        %dma_start3A_2084 = arith.constant 0 : i32
        %dma_start3A_2085 = arith.constant 0 : i32
        %dma_start3A_2086 = tpu.memref_slice %arg7[%dma_start3A_2074, %dma_start3A_2084, %dma_start3A_2085] : memref<2x8x200xi32, #tpu.memory_space<vmem>> -> memref<1x8x200xi32, #tpu.memory_space<vmem>>
        %dma_start3A_2087 = tpu.memref_squeeze %dma_start3A_2086 : memref<1x8x200xi32, #tpu.memory_space<vmem>> -> memref<8x200xi32, #tpu.memory_space<vmem>>
        %dma_start3A_2088 = arith.constant 0 : i32
        %dma_start3A_2089 = tpu.memref_slice %dma_start3A_2087[%dma_start3A_2075, %dma_start3A_2088] : memref<8x200xi32, #tpu.memory_space<vmem>> -> memref<1x104xi32, #tpu.memory_space<vmem>>
        %dma_start3A_2090 = tpu.memref_squeeze %dma_start3A_2089 : memref<1x104xi32, #tpu.memory_space<vmem>> -> memref<104xi32, #tpu.memory_space<vmem>>
        %dma_start3A_2091 = arith.constant 0 : i32
        %dma_start3A_2092 = arith.constant 0 : i32
        %dma_start3A_2093 = tpu.memref_slice %arg2[%dma_start3A_2091, %dma_start3A_2092] : memref<1000000x16xf32, #tpu.memory_space<hbm>> -> memref<1000000x16xf32, #tpu.memory_space<hbm>>
        tpu.enqueue_indirect_dma source(%dma_start3A_2093 : memref<1000000x16xf32, #tpu.memory_space<hbm>>) target(%dma_start3A_2083 : memref<104x16xf32, #tpu.memory_space<vmem>>) offsets(%dma_start3A_2090 : memref<104xi32, #tpu.memory_space<vmem>>) semaphore(%arg12 : memref<!tpu.dma_semaphore, #tpu.memory_space<semaphore_mem>>)
        %dma_start3A_2094 = arith.constant 0 : i32
        %dma_start3A_2095 = arith.constant 7 : i32
        %dma_start3A_2096 = arith.constant 0 : i32
        %dma_start3A_2097 = arith.constant 0 : i32
        %dma_start3A_2098 = arith.constant 0 : i32
        %dma_start3A_2099 = tpu.memref_slice %arg8[%dma_start3A_2096, %dma_start3A_2097, %dma_start3A_2098] : memref<2x1600x16xf32, #tpu.memory_space<vmem>> -> memref<1x1600x16xf32, #tpu.memory_space<vmem>>
        %dma_start3A_2100 = tpu.memref_squeeze %dma_start3A_2099 : memref<1x1600x16xf32, #tpu.memory_space<vmem>> -> memref<1600x16xf32, #tpu.memory_space<vmem>>
        %dma_start3A_2101 = arith.constant 1504 : i32
        %dma_start3A_2102 = arith.constant 0 : i32
        %dma_start3A_2103 = tpu.memref_slice %dma_start3A_2100[%dma_start3A_2101, %dma_start3A_2102] : memref<1600x16xf32, #tpu.memory_space<vmem>> -> memref<96x16xf32, #tpu.memory_space<vmem>>
        %dma_start3A_2104 = arith.constant 0 : i32
        %dma_start3A_2105 = arith.constant 0 : i32
        %dma_start3A_2106 = tpu.memref_slice %arg7[%dma_start3A_2094, %dma_start3A_2104, %dma_start3A_2105] : memref<2x8x200xi32, #tpu.memory_space<vmem>> -> memref<1x8x200xi32, #tpu.memory_space<vmem>>
        %dma_start3A_2107 = tpu.memref_squeeze %dma_start3A_2106 : memref<1x8x200xi32, #tpu.memory_space<vmem>> -> memref<8x200xi32, #tpu.memory_space<vmem>>
        %dma_start3A_2108 = arith.constant 104 : i32
        %dma_start3A_2109 = tpu.memref_slice %dma_start3A_2107[%dma_start3A_2095, %dma_start3A_2108] : memref<8x200xi32, #tpu.memory_space<vmem>> -> memref<1x96xi32, #tpu.memory_space<vmem>>
        %dma_start3A_2110 = tpu.memref_squeeze %dma_start3A_2109 : memref<1x96xi32, #tpu.memory_space<vmem>> -> memref<96xi32, #tpu.memory_space<vmem>>
        %dma_start3A_2111 = arith.constant 0 : i32
        %dma_start3A_2112 = arith.constant 0 : i32
        %dma_start3A_2113 = tpu.memref_slice %arg2[%dma_start3A_2111, %dma_start3A_2112] : memref<1000000x16xf32, #tpu.memory_space<hbm>> -> memref<1000000x16xf32, #tpu.memory_space<hbm>>
        tpu.enqueue_indirect_dma source(%dma_start3A_2113 : memref<1000000x16xf32, #tpu.memory_space<hbm>>) target(%dma_start3A_2103 : memref<96x16xf32, #tpu.memory_space<vmem>>) offsets(%dma_start3A_2110 : memref<96xi32, #tpu.memory_space<vmem>>) semaphore(%arg12 : memref<!tpu.dma_semaphore, #tpu.memory_space<semaphore_mem>>)
      } else {
      }
      %dma_wait3A_1221 = arith.constant 1 : i32
      %dma_wait3A_1222 = arith.constant 0 : i32
      %dma_wait3A_1223 = arith.constant 1 : i32
      %dma_wait3A_1224 = arith.constant 0 : i32
      %dma_wait3A_1225 = arith.constant 0 : i32
      %dma_wait3A_1226 = tpu.memref_slice %arg8[%dma_wait3A_1223, %dma_wait3A_1224, %dma_wait3A_1225] : memref<2x1600x16xf32, #tpu.memory_space<vmem>> -> memref<1x1600x16xf32, #tpu.memory_space<vmem>>
      %dma_wait3A_1227 = tpu.memref_squeeze %dma_wait3A_1226 : memref<1x1600x16xf32, #tpu.memory_space<vmem>> -> memref<1600x16xf32, #tpu.memory_space<vmem>>
      %dma_wait3A_1228 = arith.constant 0 : i32
      %dma_wait3A_1229 = arith.constant 0 : i32
      %dma_wait3A_1230 = tpu.memref_slice %dma_wait3A_1227[%dma_wait3A_1228, %dma_wait3A_1229] : memref<1600x16xf32, #tpu.memory_space<vmem>> -> memref<104x16xf32, #tpu.memory_space<vmem>>
      %dma_wait3A_1231 = arith.constant 0 : i32
      %dma_wait3A_1232 = arith.constant 0 : i32
      %dma_wait3A_1233 = tpu.memref_slice %arg7[%dma_wait3A_1221, %dma_wait3A_1231, %dma_wait3A_1232] : memref<2x8x200xi32, #tpu.memory_space<vmem>> -> memref<1x8x200xi32, #tpu.memory_space<vmem>>
      %dma_wait3A_1234 = tpu.memref_squeeze %dma_wait3A_1233 : memref<1x8x200xi32, #tpu.memory_space<vmem>> -> memref<8x200xi32, #tpu.memory_space<vmem>>
      %dma_wait3A_1235 = arith.constant 0 : i32
      %dma_wait3A_1236 = tpu.memref_slice %dma_wait3A_1234[%dma_wait3A_1222, %dma_wait3A_1235] : memref<8x200xi32, #tpu.memory_space<vmem>> -> memref<1x104xi32, #tpu.memory_space<vmem>>
      %dma_wait3A_1237 = tpu.memref_squeeze %dma_wait3A_1236 : memref<1x104xi32, #tpu.memory_space<vmem>> -> memref<104xi32, #tpu.memory_space<vmem>>
      %dma_wait3A_1238 = arith.constant 0 : i32
      %dma_wait3A_1239 = arith.constant 0 : i32
      %dma_wait3A_1240 = tpu.memref_slice %arg2[%dma_wait3A_1238, %dma_wait3A_1239] : memref<1000000x16xf32, #tpu.memory_space<hbm>> -> memref<1000000x16xf32, #tpu.memory_space<hbm>>
      tpu.wait_indirect_dma semaphore(%arg13 : memref<!tpu.dma_semaphore, #tpu.memory_space<semaphore_mem>>) src(%dma_wait3A_1240 : memref<1000000x16xf32, #tpu.memory_space<hbm>>) dst(%dma_wait3A_1230 : memref<104x16xf32, #tpu.memory_space<vmem>>)
      %dma_wait3A_1241 = arith.constant 1 : i32
      %dma_wait3A_1242 = arith.constant 0 : i32
      %dma_wait3A_1243 = arith.constant 1 : i32
      %dma_wait3A_1244 = arith.constant 0 : i32
      %dma_wait3A_1245 = arith.constant 0 : i32
      %dma_wait3A_1246 = tpu.memref_slice %arg8[%dma_wait3A_1243, %dma_wait3A_1244, %dma_wait3A_1245] : memref<2x1600x16xf32, #tpu.memory_space<vmem>> -> memref<1x1600x16xf32, #tpu.memory_space<vmem>>
      %dma_wait3A_1247 = tpu.memref_squeeze %dma_wait3A_1246 : memref<1x1600x16xf32, #tpu.memory_space<vmem>> -> memref<1600x16xf32, #tpu.memory_space<vmem>>
      %dma_wait3A_1248 = arith.constant 104 : i32
      %dma_wait3A_1249 = arith.constant 0 : i32
      %dma_wait3A_1250 = tpu.memref_slice %dma_wait3A_1247[%dma_wait3A_1248, %dma_wait3A_1249] : memref<1600x16xf32, #tpu.memory_space<vmem>> -> memref<96x16xf32, #tpu.memory_space<vmem>>
      %dma_wait3A_1251 = arith.constant 0 : i32
      %dma_wait3A_1252 = arith.constant 0 : i32
      %dma_wait3A_1253 = tpu.memref_slice %arg7[%dma_wait3A_1241, %dma_wait3A_1251, %dma_wait3A_1252] : memref<2x8x200xi32, #tpu.memory_space<vmem>> -> memref<1x8x200xi32, #tpu.memory_space<vmem>>
      %dma_wait3A_1254 = tpu.memref_squeeze %dma_wait3A_1253 : memref<1x8x200xi32, #tpu.memory_space<vmem>> -> memref<8x200xi32, #tpu.memory_space<vmem>>
      %dma_wait3A_1255 = arith.constant 104 : i32
      %dma_wait3A_1256 = tpu.memref_slice %dma_wait3A_1254[%dma_wait3A_1242, %dma_wait3A_1255] : memref<8x200xi32, #tpu.memory_space<vmem>> -> memref<1x96xi32, #tpu.memory_space<vmem>>
      %dma_wait3A_1257 = tpu.memref_squeeze %dma_wait3A_1256 : memref<1x96xi32, #tpu.memory_space<vmem>> -> memref<96xi32, #tpu.memory_space<vmem>>
      %dma_wait3A_1258 = arith.constant 0 : i32
      %dma_wait3A_1259 = arith.constant 0 : i32
      %dma_wait3A_1260 = tpu.memref_slice %arg2[%dma_wait3A_1258, %dma_wait3A_1259] : memref<1000000x16xf32, #tpu.memory_space<hbm>> -> memref<1000000x16xf32, #tpu.memory_space<hbm>>
      tpu.wait_indirect_dma semaphore(%arg13 : memref<!tpu.dma_semaphore, #tpu.memory_space<semaphore_mem>>) src(%dma_wait3A_1260 : memref<1000000x16xf32, #tpu.memory_space<hbm>>) dst(%dma_wait3A_1250 : memref<96x16xf32, #tpu.memory_space<vmem>>)
      %dma_wait3A_1261 = arith.constant 1 : i32
      %dma_wait3A_1262 = arith.constant 1 : i32
      %dma_wait3A_1263 = arith.constant 1 : i32
      %dma_wait3A_1264 = arith.constant 0 : i32
      %dma_wait3A_1265 = arith.constant 0 : i32
      %dma_wait3A_1266 = tpu.memref_slice %arg8[%dma_wait3A_1263, %dma_wait3A_1264, %dma_wait3A_1265] : memref<2x1600x16xf32, #tpu.memory_space<vmem>> -> memref<1x1600x16xf32, #tpu.memory_space<vmem>>
      %dma_wait3A_1267 = tpu.memref_squeeze %dma_wait3A_1266 : memref<1x1600x16xf32, #tpu.memory_space<vmem>> -> memref<1600x16xf32, #tpu.memory_space<vmem>>
      %dma_wait3A_1268 = arith.constant 200 : i32
      %dma_wait3A_1269 = arith.constant 0 : i32
      %dma_wait3A_1270 = tpu.memref_slice %dma_wait3A_1267[%dma_wait3A_1268, %dma_wait3A_1269] : memref<1600x16xf32, #tpu.memory_space<vmem>> -> memref<104x16xf32, #tpu.memory_space<vmem>>
      %dma_wait3A_1271 = arith.constant 0 : i32
      %dma_wait3A_1272 = arith.constant 0 : i32
      %dma_wait3A_1273 = tpu.memref_slice %arg7[%dma_wait3A_1261, %dma_wait3A_1271, %dma_wait3A_1272] : memref<2x8x200xi32, #tpu.memory_space<vmem>> -> memref<1x8x200xi32, #tpu.memory_space<vmem>>
      %dma_wait3A_1274 = tpu.memref_squeeze %dma_wait3A_1273 : memref<1x8x200xi32, #tpu.memory_space<vmem>> -> memref<8x200xi32, #tpu.memory_space<vmem>>
      %dma_wait3A_1275 = arith.constant 0 : i32
      %dma_wait3A_1276 = tpu.memref_slice %dma_wait3A_1274[%dma_wait3A_1262, %dma_wait3A_1275] : memref<8x200xi32, #tpu.memory_space<vmem>> -> memref<1x104xi32, #tpu.memory_space<vmem>>
      %dma_wait3A_1277 = tpu.memref_squeeze %dma_wait3A_1276 : memref<1x104xi32, #tpu.memory_space<vmem>> -> memref<104xi32, #tpu.memory_space<vmem>>
      %dma_wait3A_1278 = arith.constant 0 : i32
      %dma_wait3A_1279 = arith.constant 0 : i32
      %dma_wait3A_1280 = tpu.memref_slice %arg2[%dma_wait3A_1278, %dma_wait3A_1279] : memref<1000000x16xf32, #tpu.memory_space<hbm>> -> memref<1000000x16xf32, #tpu.memory_space<hbm>>
      tpu.wait_indirect_dma semaphore(%arg13 : memref<!tpu.dma_semaphore, #tpu.memory_space<semaphore_mem>>) src(%dma_wait3A_1280 : memref<1000000x16xf32, #tpu.memory_space<hbm>>) dst(%dma_wait3A_1270 : memref<104x16xf32, #tpu.memory_space<vmem>>)
      %dma_wait3A_1281 = arith.constant 1 : i32
      %dma_wait3A_1282 = arith.constant 1 : i32
      %dma_wait3A_1283 = arith.constant 1 : i32
      %dma_wait3A_1284 = arith.constant 0 : i32
      %dma_wait3A_1285 = arith.constant 0 : i32
      %dma_wait3A_1286 = tpu.memref_slice %arg8[%dma_wait3A_1283, %dma_wait3A_1284, %dma_wait3A_1285] : memref<2x1600x16xf32, #tpu.memory_space<vmem>> -> memref<1x1600x16xf32, #tpu.memory_space<vmem>>
      %dma_wait3A_1287 = tpu.memref_squeeze %dma_wait3A_1286 : memref<1x1600x16xf32, #tpu.memory_space<vmem>> -> memref<1600x16xf32, #tpu.memory_space<vmem>>
      %dma_wait3A_1288 = arith.constant 304 : i32
      %dma_wait3A_1289 = arith.constant 0 : i32
      %dma_wait3A_1290 = tpu.memref_slice %dma_wait3A_1287[%dma_wait3A_1288, %dma_wait3A_1289] : memref<1600x16xf32, #tpu.memory_space<vmem>> -> memref<96x16xf32, #tpu.memory_space<vmem>>
      %dma_wait3A_1291 = arith.constant 0 : i32
      %dma_wait3A_1292 = arith.constant 0 : i32
      %dma_wait3A_1293 = tpu.memref_slice %arg7[%dma_wait3A_1281, %dma_wait3A_1291, %dma_wait3A_1292] : memref<2x8x200xi32, #tpu.memory_space<vmem>> -> memref<1x8x200xi32, #tpu.memory_space<vmem>>
      %dma_wait3A_1294 = tpu.memref_squeeze %dma_wait3A_1293 : memref<1x8x200xi32, #tpu.memory_space<vmem>> -> memref<8x200xi32, #tpu.memory_space<vmem>>
      %dma_wait3A_1295 = arith.constant 104 : i32
      %dma_wait3A_1296 = tpu.memref_slice %dma_wait3A_1294[%dma_wait3A_1282, %dma_wait3A_1295] : memref<8x200xi32, #tpu.memory_space<vmem>> -> memref<1x96xi32, #tpu.memory_space<vmem>>
      %dma_wait3A_1297 = tpu.memref_squeeze %dma_wait3A_1296 : memref<1x96xi32, #tpu.memory_space<vmem>> -> memref<96xi32, #tpu.memory_space<vmem>>
      %dma_wait3A_1298 = arith.constant 0 : i32
      %dma_wait3A_1299 = arith.constant 0 : i32
      %dma_wait3A_1300 = tpu.memref_slice %arg2[%dma_wait3A_1298, %dma_wait3A_1299] : memref<1000000x16xf32, #tpu.memory_space<hbm>> -> memref<1000000x16xf32, #tpu.memory_space<hbm>>
      tpu.wait_indirect_dma semaphore(%arg13 : memref<!tpu.dma_semaphore, #tpu.memory_space<semaphore_mem>>) src(%dma_wait3A_1300 : memref<1000000x16xf32, #tpu.memory_space<hbm>>) dst(%dma_wait3A_1290 : memref<96x16xf32, #tpu.memory_space<vmem>>)
      %dma_wait3A_1301 = arith.constant 1 : i32
      %dma_wait3A_1302 = arith.constant 2 : i32
      %dma_wait3A_1303 = arith.constant 1 : i32
      %dma_wait3A_1304 = arith.constant 0 : i32
      %dma_wait3A_1305 = arith.constant 0 : i32
      %dma_wait3A_1306 = tpu.memref_slice %arg8[%dma_wait3A_1303, %dma_wait3A_1304, %dma_wait3A_1305] : memref<2x1600x16xf32, #tpu.memory_space<vmem>> -> memref<1x1600x16xf32, #tpu.memory_space<vmem>>
      %dma_wait3A_1307 = tpu.memref_squeeze %dma_wait3A_1306 : memref<1x1600x16xf32, #tpu.memory_space<vmem>> -> memref<1600x16xf32, #tpu.memory_space<vmem>>
      %dma_wait3A_1308 = arith.constant 400 : i32
      %dma_wait3A_1309 = arith.constant 0 : i32
      %dma_wait3A_1310 = tpu.memref_slice %dma_wait3A_1307[%dma_wait3A_1308, %dma_wait3A_1309] : memref<1600x16xf32, #tpu.memory_space<vmem>> -> memref<104x16xf32, #tpu.memory_space<vmem>>
      %dma_wait3A_1311 = arith.constant 0 : i32
      %dma_wait3A_1312 = arith.constant 0 : i32
      %dma_wait3A_1313 = tpu.memref_slice %arg7[%dma_wait3A_1301, %dma_wait3A_1311, %dma_wait3A_1312] : memref<2x8x200xi32, #tpu.memory_space<vmem>> -> memref<1x8x200xi32, #tpu.memory_space<vmem>>
      %dma_wait3A_1314 = tpu.memref_squeeze %dma_wait3A_1313 : memref<1x8x200xi32, #tpu.memory_space<vmem>> -> memref<8x200xi32, #tpu.memory_space<vmem>>
      %dma_wait3A_1315 = arith.constant 0 : i32
      %dma_wait3A_1316 = tpu.memref_slice %dma_wait3A_1314[%dma_wait3A_1302, %dma_wait3A_1315] : memref<8x200xi32, #tpu.memory_space<vmem>> -> memref<1x104xi32, #tpu.memory_space<vmem>>
      %dma_wait3A_1317 = tpu.memref_squeeze %dma_wait3A_1316 : memref<1x104xi32, #tpu.memory_space<vmem>> -> memref<104xi32, #tpu.memory_space<vmem>>
      %dma_wait3A_1318 = arith.constant 0 : i32
      %dma_wait3A_1319 = arith.constant 0 : i32
      %dma_wait3A_1320 = tpu.memref_slice %arg2[%dma_wait3A_1318, %dma_wait3A_1319] : memref<1000000x16xf32, #tpu.memory_space<hbm>> -> memref<1000000x16xf32, #tpu.memory_space<hbm>>
      tpu.wait_indirect_dma semaphore(%arg13 : memref<!tpu.dma_semaphore, #tpu.memory_space<semaphore_mem>>) src(%dma_wait3A_1320 : memref<1000000x16xf32, #tpu.memory_space<hbm>>) dst(%dma_wait3A_1310 : memref<104x16xf32, #tpu.memory_space<vmem>>)
      %dma_wait3A_1321 = arith.constant 1 : i32
      %dma_wait3A_1322 = arith.constant 2 : i32
      %dma_wait3A_1323 = arith.constant 1 : i32
      %dma_wait3A_1324 = arith.constant 0 : i32
      %dma_wait3A_1325 = arith.constant 0 : i32
      %dma_wait3A_1326 = tpu.memref_slice %arg8[%dma_wait3A_1323, %dma_wait3A_1324, %dma_wait3A_1325] : memref<2x1600x16xf32, #tpu.memory_space<vmem>> -> memref<1x1600x16xf32, #tpu.memory_space<vmem>>
      %dma_wait3A_1327 = tpu.memref_squeeze %dma_wait3A_1326 : memref<1x1600x16xf32, #tpu.memory_space<vmem>> -> memref<1600x16xf32, #tpu.memory_space<vmem>>
      %dma_wait3A_1328 = arith.constant 504 : i32
      %dma_wait3A_1329 = arith.constant 0 : i32
      %dma_wait3A_1330 = tpu.memref_slice %dma_wait3A_1327[%dma_wait3A_1328, %dma_wait3A_1329] : memref<1600x16xf32, #tpu.memory_space<vmem>> -> memref<96x16xf32, #tpu.memory_space<vmem>>
      %dma_wait3A_1331 = arith.constant 0 : i32
      %dma_wait3A_1332 = arith.constant 0 : i32
      %dma_wait3A_1333 = tpu.memref_slice %arg7[%dma_wait3A_1321, %dma_wait3A_1331, %dma_wait3A_1332] : memref<2x8x200xi32, #tpu.memory_space<vmem>> -> memref<1x8x200xi32, #tpu.memory_space<vmem>>
      %dma_wait3A_1334 = tpu.memref_squeeze %dma_wait3A_1333 : memref<1x8x200xi32, #tpu.memory_space<vmem>> -> memref<8x200xi32, #tpu.memory_space<vmem>>
      %dma_wait3A_1335 = arith.constant 104 : i32
      %dma_wait3A_1336 = tpu.memref_slice %dma_wait3A_1334[%dma_wait3A_1322, %dma_wait3A_1335] : memref<8x200xi32, #tpu.memory_space<vmem>> -> memref<1x96xi32, #tpu.memory_space<vmem>>
      %dma_wait3A_1337 = tpu.memref_squeeze %dma_wait3A_1336 : memref<1x96xi32, #tpu.memory_space<vmem>> -> memref<96xi32, #tpu.memory_space<vmem>>
      %dma_wait3A_1338 = arith.constant 0 : i32
      %dma_wait3A_1339 = arith.constant 0 : i32
      %dma_wait3A_1340 = tpu.memref_slice %arg2[%dma_wait3A_1338, %dma_wait3A_1339] : memref<1000000x16xf32, #tpu.memory_space<hbm>> -> memref<1000000x16xf32, #tpu.memory_space<hbm>>
      tpu.wait_indirect_dma semaphore(%arg13 : memref<!tpu.dma_semaphore, #tpu.memory_space<semaphore_mem>>) src(%dma_wait3A_1340 : memref<1000000x16xf32, #tpu.memory_space<hbm>>) dst(%dma_wait3A_1330 : memref<96x16xf32, #tpu.memory_space<vmem>>)
      %dma_wait3A_1341 = arith.constant 1 : i32
      %dma_wait3A_1342 = arith.constant 3 : i32
      %dma_wait3A_1343 = arith.constant 1 : i32
      %dma_wait3A_1344 = arith.constant 0 : i32
      %dma_wait3A_1345 = arith.constant 0 : i32
      %dma_wait3A_1346 = tpu.memref_slice %arg8[%dma_wait3A_1343, %dma_wait3A_1344, %dma_wait3A_1345] : memref<2x1600x16xf32, #tpu.memory_space<vmem>> -> memref<1x1600x16xf32, #tpu.memory_space<vmem>>
      %dma_wait3A_1347 = tpu.memref_squeeze %dma_wait3A_1346 : memref<1x1600x16xf32, #tpu.memory_space<vmem>> -> memref<1600x16xf32, #tpu.memory_space<vmem>>
      %dma_wait3A_1348 = arith.constant 600 : i32
      %dma_wait3A_1349 = arith.constant 0 : i32
      %dma_wait3A_1350 = tpu.memref_slice %dma_wait3A_1347[%dma_wait3A_1348, %dma_wait3A_1349] : memref<1600x16xf32, #tpu.memory_space<vmem>> -> memref<104x16xf32, #tpu.memory_space<vmem>>
      %dma_wait3A_1351 = arith.constant 0 : i32
      %dma_wait3A_1352 = arith.constant 0 : i32
      %dma_wait3A_1353 = tpu.memref_slice %arg7[%dma_wait3A_1341, %dma_wait3A_1351, %dma_wait3A_1352] : memref<2x8x200xi32, #tpu.memory_space<vmem>> -> memref<1x8x200xi32, #tpu.memory_space<vmem>>
      %dma_wait3A_1354 = tpu.memref_squeeze %dma_wait3A_1353 : memref<1x8x200xi32, #tpu.memory_space<vmem>> -> memref<8x200xi32, #tpu.memory_space<vmem>>
      %dma_wait3A_1355 = arith.constant 0 : i32
      %dma_wait3A_1356 = tpu.memref_slice %dma_wait3A_1354[%dma_wait3A_1342, %dma_wait3A_1355] : memref<8x200xi32, #tpu.memory_space<vmem>> -> memref<1x104xi32, #tpu.memory_space<vmem>>
      %dma_wait3A_1357 = tpu.memref_squeeze %dma_wait3A_1356 : memref<1x104xi32, #tpu.memory_space<vmem>> -> memref<104xi32, #tpu.memory_space<vmem>>
      %dma_wait3A_1358 = arith.constant 0 : i32
      %dma_wait3A_1359 = arith.constant 0 : i32
      %dma_wait3A_1360 = tpu.memref_slice %arg2[%dma_wait3A_1358, %dma_wait3A_1359] : memref<1000000x16xf32, #tpu.memory_space<hbm>> -> memref<1000000x16xf32, #tpu.memory_space<hbm>>
      tpu.wait_indirect_dma semaphore(%arg13 : memref<!tpu.dma_semaphore, #tpu.memory_space<semaphore_mem>>) src(%dma_wait3A_1360 : memref<1000000x16xf32, #tpu.memory_space<hbm>>) dst(%dma_wait3A_1350 : memref<104x16xf32, #tpu.memory_space<vmem>>)
      %dma_wait3A_1361 = arith.constant 1 : i32
      %dma_wait3A_1362 = arith.constant 3 : i32
      %dma_wait3A_1363 = arith.constant 1 : i32
      %dma_wait3A_1364 = arith.constant 0 : i32
      %dma_wait3A_1365 = arith.constant 0 : i32
      %dma_wait3A_1366 = tpu.memref_slice %arg8[%dma_wait3A_1363, %dma_wait3A_1364, %dma_wait3A_1365] : memref<2x1600x16xf32, #tpu.memory_space<vmem>> -> memref<1x1600x16xf32, #tpu.memory_space<vmem>>
      %dma_wait3A_1367 = tpu.memref_squeeze %dma_wait3A_1366 : memref<1x1600x16xf32, #tpu.memory_space<vmem>> -> memref<1600x16xf32, #tpu.memory_space<vmem>>
      %dma_wait3A_1368 = arith.constant 704 : i32
      %dma_wait3A_1369 = arith.constant 0 : i32
      %dma_wait3A_1370 = tpu.memref_slice %dma_wait3A_1367[%dma_wait3A_1368, %dma_wait3A_1369] : memref<1600x16xf32, #tpu.memory_space<vmem>> -> memref<96x16xf32, #tpu.memory_space<vmem>>
      %dma_wait3A_1371 = arith.constant 0 : i32
      %dma_wait3A_1372 = arith.constant 0 : i32
      %dma_wait3A_1373 = tpu.memref_slice %arg7[%dma_wait3A_1361, %dma_wait3A_1371, %dma_wait3A_1372] : memref<2x8x200xi32, #tpu.memory_space<vmem>> -> memref<1x8x200xi32, #tpu.memory_space<vmem>>
      %dma_wait3A_1374 = tpu.memref_squeeze %dma_wait3A_1373 : memref<1x8x200xi32, #tpu.memory_space<vmem>> -> memref<8x200xi32, #tpu.memory_space<vmem>>
      %dma_wait3A_1375 = arith.constant 104 : i32
      %dma_wait3A_1376 = tpu.memref_slice %dma_wait3A_1374[%dma_wait3A_1362, %dma_wait3A_1375] : memref<8x200xi32, #tpu.memory_space<vmem>> -> memref<1x96xi32, #tpu.memory_space<vmem>>
      %dma_wait3A_1377 = tpu.memref_squeeze %dma_wait3A_1376 : memref<1x96xi32, #tpu.memory_space<vmem>> -> memref<96xi32, #tpu.memory_space<vmem>>
      %dma_wait3A_1378 = arith.constant 0 : i32
      %dma_wait3A_1379 = arith.constant 0 : i32
      %dma_wait3A_1380 = tpu.memref_slice %arg2[%dma_wait3A_1378, %dma_wait3A_1379] : memref<1000000x16xf32, #tpu.memory_space<hbm>> -> memref<1000000x16xf32, #tpu.memory_space<hbm>>
      tpu.wait_indirect_dma semaphore(%arg13 : memref<!tpu.dma_semaphore, #tpu.memory_space<semaphore_mem>>) src(%dma_wait3A_1380 : memref<1000000x16xf32, #tpu.memory_space<hbm>>) dst(%dma_wait3A_1370 : memref<96x16xf32, #tpu.memory_space<vmem>>)
      %dma_wait3A_1381 = arith.constant 1 : i32
      %dma_wait3A_1382 = arith.constant 4 : i32
      %dma_wait3A_1383 = arith.constant 1 : i32
      %dma_wait3A_1384 = arith.constant 0 : i32
      %dma_wait3A_1385 = arith.constant 0 : i32
      %dma_wait3A_1386 = tpu.memref_slice %arg8[%dma_wait3A_1383, %dma_wait3A_1384, %dma_wait3A_1385] : memref<2x1600x16xf32, #tpu.memory_space<vmem>> -> memref<1x1600x16xf32, #tpu.memory_space<vmem>>
      %dma_wait3A_1387 = tpu.memref_squeeze %dma_wait3A_1386 : memref<1x1600x16xf32, #tpu.memory_space<vmem>> -> memref<1600x16xf32, #tpu.memory_space<vmem>>
      %dma_wait3A_1388 = arith.constant 800 : i32
      %dma_wait3A_1389 = arith.constant 0 : i32
      %dma_wait3A_1390 = tpu.memref_slice %dma_wait3A_1387[%dma_wait3A_1388, %dma_wait3A_1389] : memref<1600x16xf32, #tpu.memory_space<vmem>> -> memref<104x16xf32, #tpu.memory_space<vmem>>
      %dma_wait3A_1391 = arith.constant 0 : i32
      %dma_wait3A_1392 = arith.constant 0 : i32
      %dma_wait3A_1393 = tpu.memref_slice %arg7[%dma_wait3A_1381, %dma_wait3A_1391, %dma_wait3A_1392] : memref<2x8x200xi32, #tpu.memory_space<vmem>> -> memref<1x8x200xi32, #tpu.memory_space<vmem>>
      %dma_wait3A_1394 = tpu.memref_squeeze %dma_wait3A_1393 : memref<1x8x200xi32, #tpu.memory_space<vmem>> -> memref<8x200xi32, #tpu.memory_space<vmem>>
      %dma_wait3A_1395 = arith.constant 0 : i32
      %dma_wait3A_1396 = tpu.memref_slice %dma_wait3A_1394[%dma_wait3A_1382, %dma_wait3A_1395] : memref<8x200xi32, #tpu.memory_space<vmem>> -> memref<1x104xi32, #tpu.memory_space<vmem>>
      %dma_wait3A_1397 = tpu.memref_squeeze %dma_wait3A_1396 : memref<1x104xi32, #tpu.memory_space<vmem>> -> memref<104xi32, #tpu.memory_space<vmem>>
      %dma_wait3A_1398 = arith.constant 0 : i32
      %dma_wait3A_1399 = arith.constant 0 : i32
      %dma_wait3A_1400 = tpu.memref_slice %arg2[%dma_wait3A_1398, %dma_wait3A_1399] : memref<1000000x16xf32, #tpu.memory_space<hbm>> -> memref<1000000x16xf32, #tpu.memory_space<hbm>>
      tpu.wait_indirect_dma semaphore(%arg13 : memref<!tpu.dma_semaphore, #tpu.memory_space<semaphore_mem>>) src(%dma_wait3A_1400 : memref<1000000x16xf32, #tpu.memory_space<hbm>>) dst(%dma_wait3A_1390 : memref<104x16xf32, #tpu.memory_space<vmem>>)
      %dma_wait3A_1401 = arith.constant 1 : i32
      %dma_wait3A_1402 = arith.constant 4 : i32
      %dma_wait3A_1403 = arith.constant 1 : i32
      %dma_wait3A_1404 = arith.constant 0 : i32
      %dma_wait3A_1405 = arith.constant 0 : i32
      %dma_wait3A_1406 = tpu.memref_slice %arg8[%dma_wait3A_1403, %dma_wait3A_1404, %dma_wait3A_1405] : memref<2x1600x16xf32, #tpu.memory_space<vmem>> -> memref<1x1600x16xf32, #tpu.memory_space<vmem>>
      %dma_wait3A_1407 = tpu.memref_squeeze %dma_wait3A_1406 : memref<1x1600x16xf32, #tpu.memory_space<vmem>> -> memref<1600x16xf32, #tpu.memory_space<vmem>>
      %dma_wait3A_1408 = arith.constant 904 : i32
      %dma_wait3A_1409 = arith.constant 0 : i32
      %dma_wait3A_1410 = tpu.memref_slice %dma_wait3A_1407[%dma_wait3A_1408, %dma_wait3A_1409] : memref<1600x16xf32, #tpu.memory_space<vmem>> -> memref<96x16xf32, #tpu.memory_space<vmem>>
      %dma_wait3A_1411 = arith.constant 0 : i32
      %dma_wait3A_1412 = arith.constant 0 : i32
      %dma_wait3A_1413 = tpu.memref_slice %arg7[%dma_wait3A_1401, %dma_wait3A_1411, %dma_wait3A_1412] : memref<2x8x200xi32, #tpu.memory_space<vmem>> -> memref<1x8x200xi32, #tpu.memory_space<vmem>>
      %dma_wait3A_1414 = tpu.memref_squeeze %dma_wait3A_1413 : memref<1x8x200xi32, #tpu.memory_space<vmem>> -> memref<8x200xi32, #tpu.memory_space<vmem>>
      %dma_wait3A_1415 = arith.constant 104 : i32
      %dma_wait3A_1416 = tpu.memref_slice %dma_wait3A_1414[%dma_wait3A_1402, %dma_wait3A_1415] : memref<8x200xi32, #tpu.memory_space<vmem>> -> memref<1x96xi32, #tpu.memory_space<vmem>>
      %dma_wait3A_1417 = tpu.memref_squeeze %dma_wait3A_1416 : memref<1x96xi32, #tpu.memory_space<vmem>> -> memref<96xi32, #tpu.memory_space<vmem>>
      %dma_wait3A_1418 = arith.constant 0 : i32
      %dma_wait3A_1419 = arith.constant 0 : i32
      %dma_wait3A_1420 = tpu.memref_slice %arg2[%dma_wait3A_1418, %dma_wait3A_1419] : memref<1000000x16xf32, #tpu.memory_space<hbm>> -> memref<1000000x16xf32, #tpu.memory_space<hbm>>
      tpu.wait_indirect_dma semaphore(%arg13 : memref<!tpu.dma_semaphore, #tpu.memory_space<semaphore_mem>>) src(%dma_wait3A_1420 : memref<1000000x16xf32, #tpu.memory_space<hbm>>) dst(%dma_wait3A_1410 : memref<96x16xf32, #tpu.memory_space<vmem>>)
      %dma_wait3A_1421 = arith.constant 1 : i32
      %dma_wait3A_1422 = arith.constant 5 : i32
      %dma_wait3A_1423 = arith.constant 1 : i32
      %dma_wait3A_1424 = arith.constant 0 : i32
      %dma_wait3A_1425 = arith.constant 0 : i32
      %dma_wait3A_1426 = tpu.memref_slice %arg8[%dma_wait3A_1423, %dma_wait3A_1424, %dma_wait3A_1425] : memref<2x1600x16xf32, #tpu.memory_space<vmem>> -> memref<1x1600x16xf32, #tpu.memory_space<vmem>>
      %dma_wait3A_1427 = tpu.memref_squeeze %dma_wait3A_1426 : memref<1x1600x16xf32, #tpu.memory_space<vmem>> -> memref<1600x16xf32, #tpu.memory_space<vmem>>
      %dma_wait3A_1428 = arith.constant 1000 : i32
      %dma_wait3A_1429 = arith.constant 0 : i32
      %dma_wait3A_1430 = tpu.memref_slice %dma_wait3A_1427[%dma_wait3A_1428, %dma_wait3A_1429] : memref<1600x16xf32, #tpu.memory_space<vmem>> -> memref<104x16xf32, #tpu.memory_space<vmem>>
      %dma_wait3A_1431 = arith.constant 0 : i32
      %dma_wait3A_1432 = arith.constant 0 : i32
      %dma_wait3A_1433 = tpu.memref_slice %arg7[%dma_wait3A_1421, %dma_wait3A_1431, %dma_wait3A_1432] : memref<2x8x200xi32, #tpu.memory_space<vmem>> -> memref<1x8x200xi32, #tpu.memory_space<vmem>>
      %dma_wait3A_1434 = tpu.memref_squeeze %dma_wait3A_1433 : memref<1x8x200xi32, #tpu.memory_space<vmem>> -> memref<8x200xi32, #tpu.memory_space<vmem>>
      %dma_wait3A_1435 = arith.constant 0 : i32
      %dma_wait3A_1436 = tpu.memref_slice %dma_wait3A_1434[%dma_wait3A_1422, %dma_wait3A_1435] : memref<8x200xi32, #tpu.memory_space<vmem>> -> memref<1x104xi32, #tpu.memory_space<vmem>>
      %dma_wait3A_1437 = tpu.memref_squeeze %dma_wait3A_1436 : memref<1x104xi32, #tpu.memory_space<vmem>> -> memref<104xi32, #tpu.memory_space<vmem>>
      %dma_wait3A_1438 = arith.constant 0 : i32
      %dma_wait3A_1439 = arith.constant 0 : i32
      %dma_wait3A_1440 = tpu.memref_slice %arg2[%dma_wait3A_1438, %dma_wait3A_1439] : memref<1000000x16xf32, #tpu.memory_space<hbm>> -> memref<1000000x16xf32, #tpu.memory_space<hbm>>
      tpu.wait_indirect_dma semaphore(%arg13 : memref<!tpu.dma_semaphore, #tpu.memory_space<semaphore_mem>>) src(%dma_wait3A_1440 : memref<1000000x16xf32, #tpu.memory_space<hbm>>) dst(%dma_wait3A_1430 : memref<104x16xf32, #tpu.memory_space<vmem>>)
      %dma_wait3A_1441 = arith.constant 1 : i32
      %dma_wait3A_1442 = arith.constant 5 : i32
      %dma_wait3A_1443 = arith.constant 1 : i32
      %dma_wait3A_1444 = arith.constant 0 : i32
      %dma_wait3A_1445 = arith.constant 0 : i32
      %dma_wait3A_1446 = tpu.memref_slice %arg8[%dma_wait3A_1443, %dma_wait3A_1444, %dma_wait3A_1445] : memref<2x1600x16xf32, #tpu.memory_space<vmem>> -> memref<1x1600x16xf32, #tpu.memory_space<vmem>>
      %dma_wait3A_1447 = tpu.memref_squeeze %dma_wait3A_1446 : memref<1x1600x16xf32, #tpu.memory_space<vmem>> -> memref<1600x16xf32, #tpu.memory_space<vmem>>
      %dma_wait3A_1448 = arith.constant 1104 : i32
      %dma_wait3A_1449 = arith.constant 0 : i32
      %dma_wait3A_1450 = tpu.memref_slice %dma_wait3A_1447[%dma_wait3A_1448, %dma_wait3A_1449] : memref<1600x16xf32, #tpu.memory_space<vmem>> -> memref<96x16xf32, #tpu.memory_space<vmem>>
      %dma_wait3A_1451 = arith.constant 0 : i32
      %dma_wait3A_1452 = arith.constant 0 : i32
      %dma_wait3A_1453 = tpu.memref_slice %arg7[%dma_wait3A_1441, %dma_wait3A_1451, %dma_wait3A_1452] : memref<2x8x200xi32, #tpu.memory_space<vmem>> -> memref<1x8x200xi32, #tpu.memory_space<vmem>>
      %dma_wait3A_1454 = tpu.memref_squeeze %dma_wait3A_1453 : memref<1x8x200xi32, #tpu.memory_space<vmem>> -> memref<8x200xi32, #tpu.memory_space<vmem>>
      %dma_wait3A_1455 = arith.constant 104 : i32
      %dma_wait3A_1456 = tpu.memref_slice %dma_wait3A_1454[%dma_wait3A_1442, %dma_wait3A_1455] : memref<8x200xi32, #tpu.memory_space<vmem>> -> memref<1x96xi32, #tpu.memory_space<vmem>>
      %dma_wait3A_1457 = tpu.memref_squeeze %dma_wait3A_1456 : memref<1x96xi32, #tpu.memory_space<vmem>> -> memref<96xi32, #tpu.memory_space<vmem>>
      %dma_wait3A_1458 = arith.constant 0 : i32
      %dma_wait3A_1459 = arith.constant 0 : i32
      %dma_wait3A_1460 = tpu.memref_slice %arg2[%dma_wait3A_1458, %dma_wait3A_1459] : memref<1000000x16xf32, #tpu.memory_space<hbm>> -> memref<1000000x16xf32, #tpu.memory_space<hbm>>
      tpu.wait_indirect_dma semaphore(%arg13 : memref<!tpu.dma_semaphore, #tpu.memory_space<semaphore_mem>>) src(%dma_wait3A_1460 : memref<1000000x16xf32, #tpu.memory_space<hbm>>) dst(%dma_wait3A_1450 : memref<96x16xf32, #tpu.memory_space<vmem>>)
      %dma_wait3A_1461 = arith.constant 1 : i32
      %dma_wait3A_1462 = arith.constant 6 : i32
      %dma_wait3A_1463 = arith.constant 1 : i32
      %dma_wait3A_1464 = arith.constant 0 : i32
      %dma_wait3A_1465 = arith.constant 0 : i32
      %dma_wait3A_1466 = tpu.memref_slice %arg8[%dma_wait3A_1463, %dma_wait3A_1464, %dma_wait3A_1465] : memref<2x1600x16xf32, #tpu.memory_space<vmem>> -> memref<1x1600x16xf32, #tpu.memory_space<vmem>>
      %dma_wait3A_1467 = tpu.memref_squeeze %dma_wait3A_1466 : memref<1x1600x16xf32, #tpu.memory_space<vmem>> -> memref<1600x16xf32, #tpu.memory_space<vmem>>
      %dma_wait3A_1468 = arith.constant 1200 : i32
      %dma_wait3A_1469 = arith.constant 0 : i32
      %dma_wait3A_1470 = tpu.memref_slice %dma_wait3A_1467[%dma_wait3A_1468, %dma_wait3A_1469] : memref<1600x16xf32, #tpu.memory_space<vmem>> -> memref<104x16xf32, #tpu.memory_space<vmem>>
      %dma_wait3A_1471 = arith.constant 0 : i32
      %dma_wait3A_1472 = arith.constant 0 : i32
      %dma_wait3A_1473 = tpu.memref_slice %arg7[%dma_wait3A_1461, %dma_wait3A_1471, %dma_wait3A_1472] : memref<2x8x200xi32, #tpu.memory_space<vmem>> -> memref<1x8x200xi32, #tpu.memory_space<vmem>>
      %dma_wait3A_1474 = tpu.memref_squeeze %dma_wait3A_1473 : memref<1x8x200xi32, #tpu.memory_space<vmem>> -> memref<8x200xi32, #tpu.memory_space<vmem>>
      %dma_wait3A_1475 = arith.constant 0 : i32
      %dma_wait3A_1476 = tpu.memref_slice %dma_wait3A_1474[%dma_wait3A_1462, %dma_wait3A_1475] : memref<8x200xi32, #tpu.memory_space<vmem>> -> memref<1x104xi32, #tpu.memory_space<vmem>>
      %dma_wait3A_1477 = tpu.memref_squeeze %dma_wait3A_1476 : memref<1x104xi32, #tpu.memory_space<vmem>> -> memref<104xi32, #tpu.memory_space<vmem>>
      %dma_wait3A_1478 = arith.constant 0 : i32
      %dma_wait3A_1479 = arith.constant 0 : i32
      %dma_wait3A_1480 = tpu.memref_slice %arg2[%dma_wait3A_1478, %dma_wait3A_1479] : memref<1000000x16xf32, #tpu.memory_space<hbm>> -> memref<1000000x16xf32, #tpu.memory_space<hbm>>
      tpu.wait_indirect_dma semaphore(%arg13 : memref<!tpu.dma_semaphore, #tpu.memory_space<semaphore_mem>>) src(%dma_wait3A_1480 : memref<1000000x16xf32, #tpu.memory_space<hbm>>) dst(%dma_wait3A_1470 : memref<104x16xf32, #tpu.memory_space<vmem>>)
      %dma_wait3A_1481 = arith.constant 1 : i32
      %dma_wait3A_1482 = arith.constant 6 : i32
      %dma_wait3A_1483 = arith.constant 1 : i32
      %dma_wait3A_1484 = arith.constant 0 : i32
      %dma_wait3A_1485 = arith.constant 0 : i32
      %dma_wait3A_1486 = tpu.memref_slice %arg8[%dma_wait3A_1483, %dma_wait3A_1484, %dma_wait3A_1485] : memref<2x1600x16xf32, #tpu.memory_space<vmem>> -> memref<1x1600x16xf32, #tpu.memory_space<vmem>>
      %dma_wait3A_1487 = tpu.memref_squeeze %dma_wait3A_1486 : memref<1x1600x16xf32, #tpu.memory_space<vmem>> -> memref<1600x16xf32, #tpu.memory_space<vmem>>
      %dma_wait3A_1488 = arith.constant 1304 : i32
      %dma_wait3A_1489 = arith.constant 0 : i32
      %dma_wait3A_1490 = tpu.memref_slice %dma_wait3A_1487[%dma_wait3A_1488, %dma_wait3A_1489] : memref<1600x16xf32, #tpu.memory_space<vmem>> -> memref<96x16xf32, #tpu.memory_space<vmem>>
      %dma_wait3A_1491 = arith.constant 0 : i32
      %dma_wait3A_1492 = arith.constant 0 : i32
      %dma_wait3A_1493 = tpu.memref_slice %arg7[%dma_wait3A_1481, %dma_wait3A_1491, %dma_wait3A_1492] : memref<2x8x200xi32, #tpu.memory_space<vmem>> -> memref<1x8x200xi32, #tpu.memory_space<vmem>>
      %dma_wait3A_1494 = tpu.memref_squeeze %dma_wait3A_1493 : memref<1x8x200xi32, #tpu.memory_space<vmem>> -> memref<8x200xi32, #tpu.memory_space<vmem>>
      %dma_wait3A_1495 = arith.constant 104 : i32
      %dma_wait3A_1496 = tpu.memref_slice %dma_wait3A_1494[%dma_wait3A_1482, %dma_wait3A_1495] : memref<8x200xi32, #tpu.memory_space<vmem>> -> memref<1x96xi32, #tpu.memory_space<vmem>>
      %dma_wait3A_1497 = tpu.memref_squeeze %dma_wait3A_1496 : memref<1x96xi32, #tpu.memory_space<vmem>> -> memref<96xi32, #tpu.memory_space<vmem>>
      %dma_wait3A_1498 = arith.constant 0 : i32
      %dma_wait3A_1499 = arith.constant 0 : i32
      %dma_wait3A_1500 = tpu.memref_slice %arg2[%dma_wait3A_1498, %dma_wait3A_1499] : memref<1000000x16xf32, #tpu.memory_space<hbm>> -> memref<1000000x16xf32, #tpu.memory_space<hbm>>
      tpu.wait_indirect_dma semaphore(%arg13 : memref<!tpu.dma_semaphore, #tpu.memory_space<semaphore_mem>>) src(%dma_wait3A_1500 : memref<1000000x16xf32, #tpu.memory_space<hbm>>) dst(%dma_wait3A_1490 : memref<96x16xf32, #tpu.memory_space<vmem>>)
      %dma_wait3A_1501 = arith.constant 1 : i32
      %dma_wait3A_1502 = arith.constant 7 : i32
      %dma_wait3A_1503 = arith.constant 1 : i32
      %dma_wait3A_1504 = arith.constant 0 : i32
      %dma_wait3A_1505 = arith.constant 0 : i32
      %dma_wait3A_1506 = tpu.memref_slice %arg8[%dma_wait3A_1503, %dma_wait3A_1504, %dma_wait3A_1505] : memref<2x1600x16xf32, #tpu.memory_space<vmem>> -> memref<1x1600x16xf32, #tpu.memory_space<vmem>>
      %dma_wait3A_1507 = tpu.memref_squeeze %dma_wait3A_1506 : memref<1x1600x16xf32, #tpu.memory_space<vmem>> -> memref<1600x16xf32, #tpu.memory_space<vmem>>
      %dma_wait3A_1508 = arith.constant 1400 : i32
      %dma_wait3A_1509 = arith.constant 0 : i32
      %dma_wait3A_1510 = tpu.memref_slice %dma_wait3A_1507[%dma_wait3A_1508, %dma_wait3A_1509] : memref<1600x16xf32, #tpu.memory_space<vmem>> -> memref<104x16xf32, #tpu.memory_space<vmem>>
      %dma_wait3A_1511 = arith.constant 0 : i32
      %dma_wait3A_1512 = arith.constant 0 : i32
      %dma_wait3A_1513 = tpu.memref_slice %arg7[%dma_wait3A_1501, %dma_wait3A_1511, %dma_wait3A_1512] : memref<2x8x200xi32, #tpu.memory_space<vmem>> -> memref<1x8x200xi32, #tpu.memory_space<vmem>>
      %dma_wait3A_1514 = tpu.memref_squeeze %dma_wait3A_1513 : memref<1x8x200xi32, #tpu.memory_space<vmem>> -> memref<8x200xi32, #tpu.memory_space<vmem>>
      %dma_wait3A_1515 = arith.constant 0 : i32
      %dma_wait3A_1516 = tpu.memref_slice %dma_wait3A_1514[%dma_wait3A_1502, %dma_wait3A_1515] : memref<8x200xi32, #tpu.memory_space<vmem>> -> memref<1x104xi32, #tpu.memory_space<vmem>>
      %dma_wait3A_1517 = tpu.memref_squeeze %dma_wait3A_1516 : memref<1x104xi32, #tpu.memory_space<vmem>> -> memref<104xi32, #tpu.memory_space<vmem>>
      %dma_wait3A_1518 = arith.constant 0 : i32
      %dma_wait3A_1519 = arith.constant 0 : i32
      %dma_wait3A_1520 = tpu.memref_slice %arg2[%dma_wait3A_1518, %dma_wait3A_1519] : memref<1000000x16xf32, #tpu.memory_space<hbm>> -> memref<1000000x16xf32, #tpu.memory_space<hbm>>
      tpu.wait_indirect_dma semaphore(%arg13 : memref<!tpu.dma_semaphore, #tpu.memory_space<semaphore_mem>>) src(%dma_wait3A_1520 : memref<1000000x16xf32, #tpu.memory_space<hbm>>) dst(%dma_wait3A_1510 : memref<104x16xf32, #tpu.memory_space<vmem>>)
      %dma_wait3A_1521 = arith.constant 1 : i32
      %dma_wait3A_1522 = arith.constant 7 : i32
      %dma_wait3A_1523 = arith.constant 1 : i32
      %dma_wait3A_1524 = arith.constant 0 : i32
      %dma_wait3A_1525 = arith.constant 0 : i32
      %dma_wait3A_1526 = tpu.memref_slice %arg8[%dma_wait3A_1523, %dma_wait3A_1524, %dma_wait3A_1525] : memref<2x1600x16xf32, #tpu.memory_space<vmem>> -> memref<1x1600x16xf32, #tpu.memory_space<vmem>>
      %dma_wait3A_1527 = tpu.memref_squeeze %dma_wait3A_1526 : memref<1x1600x16xf32, #tpu.memory_space<vmem>> -> memref<1600x16xf32, #tpu.memory_space<vmem>>
      %dma_wait3A_1528 = arith.constant 1504 : i32
      %dma_wait3A_1529 = arith.constant 0 : i32
      %dma_wait3A_1530 = tpu.memref_slice %dma_wait3A_1527[%dma_wait3A_1528, %dma_wait3A_1529] : memref<1600x16xf32, #tpu.memory_space<vmem>> -> memref<96x16xf32, #tpu.memory_space<vmem>>
      %dma_wait3A_1531 = arith.constant 0 : i32
      %dma_wait3A_1532 = arith.constant 0 : i32
      %dma_wait3A_1533 = tpu.memref_slice %arg7[%dma_wait3A_1521, %dma_wait3A_1531, %dma_wait3A_1532] : memref<2x8x200xi32, #tpu.memory_space<vmem>> -> memref<1x8x200xi32, #tpu.memory_space<vmem>>
      %dma_wait3A_1534 = tpu.memref_squeeze %dma_wait3A_1533 : memref<1x8x200xi32, #tpu.memory_space<vmem>> -> memref<8x200xi32, #tpu.memory_space<vmem>>
      %dma_wait3A_1535 = arith.constant 104 : i32
      %dma_wait3A_1536 = tpu.memref_slice %dma_wait3A_1534[%dma_wait3A_1522, %dma_wait3A_1535] : memref<8x200xi32, #tpu.memory_space<vmem>> -> memref<1x96xi32, #tpu.memory_space<vmem>>
      %dma_wait3A_1537 = tpu.memref_squeeze %dma_wait3A_1536 : memref<1x96xi32, #tpu.memory_space<vmem>> -> memref<96xi32, #tpu.memory_space<vmem>>
      %dma_wait3A_1538 = arith.constant 0 : i32
      %dma_wait3A_1539 = arith.constant 0 : i32
      %dma_wait3A_1540 = tpu.memref_slice %arg2[%dma_wait3A_1538, %dma_wait3A_1539] : memref<1000000x16xf32, #tpu.memory_space<hbm>> -> memref<1000000x16xf32, #tpu.memory_space<hbm>>
      tpu.wait_indirect_dma semaphore(%arg13 : memref<!tpu.dma_semaphore, #tpu.memory_space<semaphore_mem>>) src(%dma_wait3A_1540 : memref<1000000x16xf32, #tpu.memory_space<hbm>>) dst(%dma_wait3A_1530 : memref<96x16xf32, #tpu.memory_space<vmem>>)
      %mul3A_1541 = arith.constant 2 : i32
      %mul3A_1542 = arith.muli %mul3A_1541, %scan3A_332 : i32
      %add3A_1543 = arith.constant 1 : i32
      %add3A_1544 = arith.addi %mul3A_1542, %add3A_1543 : i32
      %mul3A_1545 = arith.constant 512 : i32
      %mul3A_1546 = arith.muli %add3A, %mul3A_1545 : i32
      %mul3A_1547 = arith.constant 8 : i32
      %mul3A_1548 = arith.muli %add3A_1544, %mul3A_1547 : i32
      %add3A_1549 = arith.addi %mul3A_1546, %mul3A_1548 : i32
      %multiple_of3A_1550 = tpu.assume_multiple %add3A_1549, 8 : i32
      %broadcast_in_dim3A_1551 = arith.constant 0.000000e+00 : f32
      %broadcast_in_dim3A_1552 = vector.broadcast %broadcast_in_dim3A_1551 : f32 to vector<16xf32>
      %parallel_loop3A_1553 = arith.constant 0 : i32
      %parallel_loop3A_1554 = arith.constant 25 : i32
      %parallel_loop3A_1555 = arith.constant 1 : i32
      %parallel_loop3A_1556 = arith.constant 1 : i32
      %parallel_loop3A_1557:8 = scf.for %parallel_loop3A_1783 = %parallel_loop3A_1553 to %parallel_loop3A_1554 step %parallel_loop3A_1555 iter_args(%parallel_loop3A_1784 = %broadcast_in_dim3A_1552, %parallel_loop3A_1785 = %broadcast_in_dim3A_1552, %parallel_loop3A_1786 = %broadcast_in_dim3A_1552, %parallel_loop3A_1787 = %broadcast_in_dim3A_1552, %parallel_loop3A_1788 = %broadcast_in_dim3A_1552, %parallel_loop3A_1789 = %broadcast_in_dim3A_1552, %parallel_loop3A_1790 = %broadcast_in_dim3A_1552, %parallel_loop3A_1791 = %broadcast_in_dim3A_1552) -> (vector<16xf32>, vector<16xf32>, vector<16xf32>, vector<16xf32>, vector<16xf32>, vector<16xf32>, vector<16xf32>, vector<16xf32>)  : i32 {
        %parallel_loop3A_1792 = arith.constant 8 : i32
        %parallel_loop3A_1793 = arith.muli %parallel_loop3A_1783, %parallel_loop3A_1792 : i32
        %parallel_loop3A_1794 = arith.constant 0 : i32
        %parallel_loop3A_1795 = arith.addi %parallel_loop3A_1794, %parallel_loop3A_1793 : i32
        %parallel_loop3A_1796 = arith.constant 0 : i32
        %parallel_loop3A_1797 = arith.addi %parallel_loop3A_1795, %parallel_loop3A_1796 : i32
        %parallel_loop3A_1798 = arith.constant 0 : i32
        %parallel_loop3A_1799 = arith.constant 0 : i32
        %parallel_loop3A_1800 = tpu.memref_slice %arg8[%parallel_loop3A_1556, %parallel_loop3A_1798, %parallel_loop3A_1799] : memref<2x1600x16xf32, #tpu.memory_space<vmem>> -> memref<1x1600x16xf32, #tpu.memory_space<vmem>>
        %parallel_loop3A_1801 = tpu.memref_squeeze %parallel_loop3A_1800 : memref<1x1600x16xf32, #tpu.memory_space<vmem>> -> memref<1600x16xf32, #tpu.memory_space<vmem>>
        %parallel_loop3A_1802 = arith.index_cast %parallel_loop3A_1797 : i32 to index
        %parallel_loop3A_1803 = arith.constant 0 : index
        %parallel_loop3A_1804 = tpu.vector_load %parallel_loop3A_1801[%parallel_loop3A_1802, %parallel_loop3A_1803] {strides = array<i32>} : memref<1600x16xf32, #tpu.memory_space<vmem>>, vector<1x16xf32>,
        %parallel_loop3A_1805 = vector.shape_cast %parallel_loop3A_1804 : vector<1x16xf32> to vector<16xf32>
        %parallel_loop3A_1806 = arith.addf %parallel_loop3A_1784, %parallel_loop3A_1805 : vector<16xf32>
        %parallel_loop3A_1807 = arith.constant 1 : i32
        %parallel_loop3A_1808 = arith.addi %parallel_loop3A_1795, %parallel_loop3A_1807 : i32
        %parallel_loop3A_1809 = arith.constant 0 : i32
        %parallel_loop3A_1810 = arith.constant 0 : i32
        %parallel_loop3A_1811 = tpu.memref_slice %arg8[%parallel_loop3A_1556, %parallel_loop3A_1809, %parallel_loop3A_1810] : memref<2x1600x16xf32, #tpu.memory_space<vmem>> -> memref<1x1600x16xf32, #tpu.memory_space<vmem>>
        %parallel_loop3A_1812 = tpu.memref_squeeze %parallel_loop3A_1811 : memref<1x1600x16xf32, #tpu.memory_space<vmem>> -> memref<1600x16xf32, #tpu.memory_space<vmem>>
        %parallel_loop3A_1813 = arith.index_cast %parallel_loop3A_1808 : i32 to index
        %parallel_loop3A_1814 = arith.constant 0 : index
        %parallel_loop3A_1815 = tpu.vector_load %parallel_loop3A_1812[%parallel_loop3A_1813, %parallel_loop3A_1814] {strides = array<i32>} : memref<1600x16xf32, #tpu.memory_space<vmem>>, vector<1x16xf32>,
        %parallel_loop3A_1816 = vector.shape_cast %parallel_loop3A_1815 : vector<1x16xf32> to vector<16xf32>
        %parallel_loop3A_1817 = arith.addf %parallel_loop3A_1785, %parallel_loop3A_1816 : vector<16xf32>
        %parallel_loop3A_1818 = arith.constant 2 : i32
        %parallel_loop3A_1819 = arith.addi %parallel_loop3A_1795, %parallel_loop3A_1818 : i32
        %parallel_loop3A_1820 = arith.constant 0 : i32
        %parallel_loop3A_1821 = arith.constant 0 : i32
        %parallel_loop3A_1822 = tpu.memref_slice %arg8[%parallel_loop3A_1556, %parallel_loop3A_1820, %parallel_loop3A_1821] : memref<2x1600x16xf32, #tpu.memory_space<vmem>> -> memref<1x1600x16xf32, #tpu.memory_space<vmem>>
        %parallel_loop3A_1823 = tpu.memref_squeeze %parallel_loop3A_1822 : memref<1x1600x16xf32, #tpu.memory_space<vmem>> -> memref<1600x16xf32, #tpu.memory_space<vmem>>
        %parallel_loop3A_1824 = arith.index_cast %parallel_loop3A_1819 : i32 to index
        %parallel_loop3A_1825 = arith.constant 0 : index
        %parallel_loop3A_1826 = tpu.vector_load %parallel_loop3A_1823[%parallel_loop3A_1824, %parallel_loop3A_1825] {strides = array<i32>} : memref<1600x16xf32, #tpu.memory_space<vmem>>, vector<1x16xf32>,
        %parallel_loop3A_1827 = vector.shape_cast %parallel_loop3A_1826 : vector<1x16xf32> to vector<16xf32>
        %parallel_loop3A_1828 = arith.addf %parallel_loop3A_1786, %parallel_loop3A_1827 : vector<16xf32>
        %parallel_loop3A_1829 = arith.constant 3 : i32
        %parallel_loop3A_1830 = arith.addi %parallel_loop3A_1795, %parallel_loop3A_1829 : i32
        %parallel_loop3A_1831 = arith.constant 0 : i32
        %parallel_loop3A_1832 = arith.constant 0 : i32
        %parallel_loop3A_1833 = tpu.memref_slice %arg8[%parallel_loop3A_1556, %parallel_loop3A_1831, %parallel_loop3A_1832] : memref<2x1600x16xf32, #tpu.memory_space<vmem>> -> memref<1x1600x16xf32, #tpu.memory_space<vmem>>
        %parallel_loop3A_1834 = tpu.memref_squeeze %parallel_loop3A_1833 : memref<1x1600x16xf32, #tpu.memory_space<vmem>> -> memref<1600x16xf32, #tpu.memory_space<vmem>>
        %parallel_loop3A_1835 = arith.index_cast %parallel_loop3A_1830 : i32 to index
        %parallel_loop3A_1836 = arith.constant 0 : index
        %parallel_loop3A_1837 = tpu.vector_load %parallel_loop3A_1834[%parallel_loop3A_1835, %parallel_loop3A_1836] {strides = array<i32>} : memref<1600x16xf32, #tpu.memory_space<vmem>>, vector<1x16xf32>,
        %parallel_loop3A_1838 = vector.shape_cast %parallel_loop3A_1837 : vector<1x16xf32> to vector<16xf32>
        %parallel_loop3A_1839 = arith.addf %parallel_loop3A_1787, %parallel_loop3A_1838 : vector<16xf32>
        %parallel_loop3A_1840 = arith.constant 4 : i32
        %parallel_loop3A_1841 = arith.addi %parallel_loop3A_1795, %parallel_loop3A_1840 : i32
        %parallel_loop3A_1842 = arith.constant 0 : i32
        %parallel_loop3A_1843 = arith.constant 0 : i32
        %parallel_loop3A_1844 = tpu.memref_slice %arg8[%parallel_loop3A_1556, %parallel_loop3A_1842, %parallel_loop3A_1843] : memref<2x1600x16xf32, #tpu.memory_space<vmem>> -> memref<1x1600x16xf32, #tpu.memory_space<vmem>>
        %parallel_loop3A_1845 = tpu.memref_squeeze %parallel_loop3A_1844 : memref<1x1600x16xf32, #tpu.memory_space<vmem>> -> memref<1600x16xf32, #tpu.memory_space<vmem>>
        %parallel_loop3A_1846 = arith.index_cast %parallel_loop3A_1841 : i32 to index
        %parallel_loop3A_1847 = arith.constant 0 : index
        %parallel_loop3A_1848 = tpu.vector_load %parallel_loop3A_1845[%parallel_loop3A_1846, %parallel_loop3A_1847] {strides = array<i32>} : memref<1600x16xf32, #tpu.memory_space<vmem>>, vector<1x16xf32>,
        %parallel_loop3A_1849 = vector.shape_cast %parallel_loop3A_1848 : vector<1x16xf32> to vector<16xf32>
        %parallel_loop3A_1850 = arith.addf %parallel_loop3A_1788, %parallel_loop3A_1849 : vector<16xf32>
        %parallel_loop3A_1851 = arith.constant 5 : i32
        %parallel_loop3A_1852 = arith.addi %parallel_loop3A_1795, %parallel_loop3A_1851 : i32
        %parallel_loop3A_1853 = arith.constant 0 : i32
        %parallel_loop3A_1854 = arith.constant 0 : i32
        %parallel_loop3A_1855 = tpu.memref_slice %arg8[%parallel_loop3A_1556, %parallel_loop3A_1853, %parallel_loop3A_1854] : memref<2x1600x16xf32, #tpu.memory_space<vmem>> -> memref<1x1600x16xf32, #tpu.memory_space<vmem>>
        %parallel_loop3A_1856 = tpu.memref_squeeze %parallel_loop3A_1855 : memref<1x1600x16xf32, #tpu.memory_space<vmem>> -> memref<1600x16xf32, #tpu.memory_space<vmem>>
        %parallel_loop3A_1857 = arith.index_cast %parallel_loop3A_1852 : i32 to index
        %parallel_loop3A_1858 = arith.constant 0 : index
        %parallel_loop3A_1859 = tpu.vector_load %parallel_loop3A_1856[%parallel_loop3A_1857, %parallel_loop3A_1858] {strides = array<i32>} : memref<1600x16xf32, #tpu.memory_space<vmem>>, vector<1x16xf32>,
        %parallel_loop3A_1860 = vector.shape_cast %parallel_loop3A_1859 : vector<1x16xf32> to vector<16xf32>
        %parallel_loop3A_1861 = arith.addf %parallel_loop3A_1789, %parallel_loop3A_1860 : vector<16xf32>
        %parallel_loop3A_1862 = arith.constant 6 : i32
        %parallel_loop3A_1863 = arith.addi %parallel_loop3A_1795, %parallel_loop3A_1862 : i32
        %parallel_loop3A_1864 = arith.constant 0 : i32
        %parallel_loop3A_1865 = arith.constant 0 : i32
        %parallel_loop3A_1866 = tpu.memref_slice %arg8[%parallel_loop3A_1556, %parallel_loop3A_1864, %parallel_loop3A_1865] : memref<2x1600x16xf32, #tpu.memory_space<vmem>> -> memref<1x1600x16xf32, #tpu.memory_space<vmem>>
        %parallel_loop3A_1867 = tpu.memref_squeeze %parallel_loop3A_1866 : memref<1x1600x16xf32, #tpu.memory_space<vmem>> -> memref<1600x16xf32, #tpu.memory_space<vmem>>
        %parallel_loop3A_1868 = arith.index_cast %parallel_loop3A_1863 : i32 to index
        %parallel_loop3A_1869 = arith.constant 0 : index
        %parallel_loop3A_1870 = tpu.vector_load %parallel_loop3A_1867[%parallel_loop3A_1868, %parallel_loop3A_1869] {strides = array<i32>} : memref<1600x16xf32, #tpu.memory_space<vmem>>, vector<1x16xf32>,
        %parallel_loop3A_1871 = vector.shape_cast %parallel_loop3A_1870 : vector<1x16xf32> to vector<16xf32>
        %parallel_loop3A_1872 = arith.addf %parallel_loop3A_1790, %parallel_loop3A_1871 : vector<16xf32>
        %parallel_loop3A_1873 = arith.constant 7 : i32
        %parallel_loop3A_1874 = arith.addi %parallel_loop3A_1795, %parallel_loop3A_1873 : i32
        %parallel_loop3A_1875 = arith.constant 0 : i32
        %parallel_loop3A_1876 = arith.constant 0 : i32
        %parallel_loop3A_1877 = tpu.memref_slice %arg8[%parallel_loop3A_1556, %parallel_loop3A_1875, %parallel_loop3A_1876] : memref<2x1600x16xf32, #tpu.memory_space<vmem>> -> memref<1x1600x16xf32, #tpu.memory_space<vmem>>
        %parallel_loop3A_1878 = tpu.memref_squeeze %parallel_loop3A_1877 : memref<1x1600x16xf32, #tpu.memory_space<vmem>> -> memref<1600x16xf32, #tpu.memory_space<vmem>>
        %parallel_loop3A_1879 = arith.index_cast %parallel_loop3A_1874 : i32 to index
        %parallel_loop3A_1880 = arith.constant 0 : index
        %parallel_loop3A_1881 = tpu.vector_load %parallel_loop3A_1878[%parallel_loop3A_1879, %parallel_loop3A_1880] {strides = array<i32>} : memref<1600x16xf32, #tpu.memory_space<vmem>>, vector<1x16xf32>,
        %parallel_loop3A_1882 = vector.shape_cast %parallel_loop3A_1881 : vector<1x16xf32> to vector<16xf32>
        %parallel_loop3A_1883 = arith.addf %parallel_loop3A_1791, %parallel_loop3A_1882 : vector<16xf32>
        scf.yield %parallel_loop3A_1806, %parallel_loop3A_1817, %parallel_loop3A_1828, %parallel_loop3A_1839, %parallel_loop3A_1850, %parallel_loop3A_1861, %parallel_loop3A_1872, %parallel_loop3A_1883 : vector<16xf32>, vector<16xf32>, vector<16xf32>, vector<16xf32>, vector<16xf32>, vector<16xf32>, vector<16xf32>, vector<16xf32>
      } {sc.loop_unroll_factor = 2 : i64, sc.parallel_access}
      %add3A_1558 = arith.addf %parallel_loop3A_1557#0, %parallel_loop3A_1557#1 : vector<16xf32>
      %add3A_1559 = arith.addf %parallel_loop3A_1557#2, %parallel_loop3A_1557#3 : vector<16xf32>
      %add3A_1560 = arith.addf %add3A_1558, %add3A_1559 : vector<16xf32>
      %add3A_1561 = arith.addf %parallel_loop3A_1557#4, %parallel_loop3A_1557#5 : vector<16xf32>
      %add3A_1562 = arith.addf %parallel_loop3A_1557#6, %parallel_loop3A_1557#7 : vector<16xf32>
      %add3A_1563 = arith.addf %add3A_1561, %add3A_1562 : vector<16xf32>
      %get3A_1564 = arith.index_cast %add3A_1544 : i32 to index
      %get3A_1565 = arith.constant 0 : index
      %get3A_1566 = tpu.vector_load %arg10[%get3A_1564, %get3A_1565] {strides = array<i32>} : memref<64x128xf32, #tpu.memory_space<vmem>>, vector<1x16xf32>,
      %get3A_1567 = vector.shape_cast %get3A_1566 : vector<1x16xf32> to vector<16xf32>
      %add3A_1568 = arith.addf %add3A_1560, %add3A_1563 : vector<16xf32>
      %mul3A_1569 = arith.mulf %add3A_1568, %get3A_1567 : vector<16xf32>
      %get3A_1570 = arith.constant 0 : index
      %get3A_1571 = tpu.vector_load %arg11[%get3A_1570] {strides = array<i32>} : memref<16xf32, #tpu.memory_space<vmem>>, vector<16xf32>,
      %get3A_1572 = vector.shape_cast %get3A_1571 : vector<16xf32> to vector<16xf32>
      %add3A_1573 = arith.addf %mul3A_1569, %get3A_1572 : vector<16xf32>
      %swap3A_1574 = arith.constant 0 : i32
      %swap3A_1575 = arith.index_cast %swap3A_1574 : i32 to index
      %swap3A_1576 = arith.constant 0 : index
      %swap3A_1577 = tpu.vector_load %arg9[%swap3A_1575, %swap3A_1576] {strides = array<i32>} : memref<8x16xf32, #tpu.memory_space<vmem>>, vector<1x16xf32>,
      %swap3A_1578 = vector.shape_cast %swap3A_1577 : vector<1x16xf32> to vector<16xf32>
      %swap3A_1579 = vector.shape_cast %add3A_1573 : vector<16xf32> to vector<1x16xf32>
      tpu.vector_store %arg9[%swap3A_1575, %swap3A_1576], %swap3A_1579 {strides = array<i32>} : memref<8x16xf32, #tpu.memory_space<vmem>>, vector<1x16xf32>,
      %broadcast_in_dim3A_1580 = arith.constant 0.000000e+00 : f32
      %broadcast_in_dim3A_1581 = vector.broadcast %broadcast_in_dim3A_1580 : f32 to vector<16xf32>
      %parallel_loop3A_1582 = arith.constant 0 : i32
      %parallel_loop3A_1583 = arith.constant 25 : i32
      %parallel_loop3A_1584 = arith.constant 1 : i32
      %parallel_loop3A_1585 = arith.constant 1 : i32
      %parallel_loop3A_1586:8 = scf.for %parallel_loop3A_1783 = %parallel_loop3A_1582 to %parallel_loop3A_1583 step %parallel_loop3A_1584 iter_args(%parallel_loop3A_1784 = %broadcast_in_dim3A_1581, %parallel_loop3A_1785 = %broadcast_in_dim3A_1581, %parallel_loop3A_1786 = %broadcast_in_dim3A_1581, %parallel_loop3A_1787 = %broadcast_in_dim3A_1581, %parallel_loop3A_1788 = %broadcast_in_dim3A_1581, %parallel_loop3A_1789 = %broadcast_in_dim3A_1581, %parallel_loop3A_1790 = %broadcast_in_dim3A_1581, %parallel_loop3A_1791 = %broadcast_in_dim3A_1581) -> (vector<16xf32>, vector<16xf32>, vector<16xf32>, vector<16xf32>, vector<16xf32>, vector<16xf32>, vector<16xf32>, vector<16xf32>)  : i32 {
        %parallel_loop3A_1792 = arith.constant 8 : i32
        %parallel_loop3A_1793 = arith.muli %parallel_loop3A_1783, %parallel_loop3A_1792 : i32
        %parallel_loop3A_1794 = arith.constant 200 : i32
        %parallel_loop3A_1795 = arith.addi %parallel_loop3A_1794, %parallel_loop3A_1793 : i32
        %parallel_loop3A_1796 = arith.constant 0 : i32
        %parallel_loop3A_1797 = arith.addi %parallel_loop3A_1795, %parallel_loop3A_1796 : i32
        %parallel_loop3A_1798 = arith.constant 0 : i32
        %parallel_loop3A_1799 = arith.constant 0 : i32
        %parallel_loop3A_1800 = tpu.memref_slice %arg8[%parallel_loop3A_1585, %parallel_loop3A_1798, %parallel_loop3A_1799] : memref<2x1600x16xf32, #tpu.memory_space<vmem>> -> memref<1x1600x16xf32, #tpu.memory_space<vmem>>
        %parallel_loop3A_1801 = tpu.memref_squeeze %parallel_loop3A_1800 : memref<1x1600x16xf32, #tpu.memory_space<vmem>> -> memref<1600x16xf32, #tpu.memory_space<vmem>>
        %parallel_loop3A_1802 = arith.index_cast %parallel_loop3A_1797 : i32 to index
        %parallel_loop3A_1803 = arith.constant 0 : index
        %parallel_loop3A_1804 = tpu.vector_load %parallel_loop3A_1801[%parallel_loop3A_1802, %parallel_loop3A_1803] {strides = array<i32>} : memref<1600x16xf32, #tpu.memory_space<vmem>>, vector<1x16xf32>,
        %parallel_loop3A_1805 = vector.shape_cast %parallel_loop3A_1804 : vector<1x16xf32> to vector<16xf32>
        %parallel_loop3A_1806 = arith.addf %parallel_loop3A_1784, %parallel_loop3A_1805 : vector<16xf32>
        %parallel_loop3A_1807 = arith.constant 1 : i32
        %parallel_loop3A_1808 = arith.addi %parallel_loop3A_1795, %parallel_loop3A_1807 : i32
        %parallel_loop3A_1809 = arith.constant 0 : i32
        %parallel_loop3A_1810 = arith.constant 0 : i32
        %parallel_loop3A_1811 = tpu.memref_slice %arg8[%parallel_loop3A_1585, %parallel_loop3A_1809, %parallel_loop3A_1810] : memref<2x1600x16xf32, #tpu.memory_space<vmem>> -> memref<1x1600x16xf32, #tpu.memory_space<vmem>>
        %parallel_loop3A_1812 = tpu.memref_squeeze %parallel_loop3A_1811 : memref<1x1600x16xf32, #tpu.memory_space<vmem>> -> memref<1600x16xf32, #tpu.memory_space<vmem>>
        %parallel_loop3A_1813 = arith.index_cast %parallel_loop3A_1808 : i32 to index
        %parallel_loop3A_1814 = arith.constant 0 : index
        %parallel_loop3A_1815 = tpu.vector_load %parallel_loop3A_1812[%parallel_loop3A_1813, %parallel_loop3A_1814] {strides = array<i32>} : memref<1600x16xf32, #tpu.memory_space<vmem>>, vector<1x16xf32>,
        %parallel_loop3A_1816 = vector.shape_cast %parallel_loop3A_1815 : vector<1x16xf32> to vector<16xf32>
        %parallel_loop3A_1817 = arith.addf %parallel_loop3A_1785, %parallel_loop3A_1816 : vector<16xf32>
        %parallel_loop3A_1818 = arith.constant 2 : i32
        %parallel_loop3A_1819 = arith.addi %parallel_loop3A_1795, %parallel_loop3A_1818 : i32
        %parallel_loop3A_1820 = arith.constant 0 : i32
        %parallel_loop3A_1821 = arith.constant 0 : i32
        %parallel_loop3A_1822 = tpu.memref_slice %arg8[%parallel_loop3A_1585, %parallel_loop3A_1820, %parallel_loop3A_1821] : memref<2x1600x16xf32, #tpu.memory_space<vmem>> -> memref<1x1600x16xf32, #tpu.memory_space<vmem>>
        %parallel_loop3A_1823 = tpu.memref_squeeze %parallel_loop3A_1822 : memref<1x1600x16xf32, #tpu.memory_space<vmem>> -> memref<1600x16xf32, #tpu.memory_space<vmem>>
        %parallel_loop3A_1824 = arith.index_cast %parallel_loop3A_1819 : i32 to index
        %parallel_loop3A_1825 = arith.constant 0 : index
        %parallel_loop3A_1826 = tpu.vector_load %parallel_loop3A_1823[%parallel_loop3A_1824, %parallel_loop3A_1825] {strides = array<i32>} : memref<1600x16xf32, #tpu.memory_space<vmem>>, vector<1x16xf32>,
        %parallel_loop3A_1827 = vector.shape_cast %parallel_loop3A_1826 : vector<1x16xf32> to vector<16xf32>
        %parallel_loop3A_1828 = arith.addf %parallel_loop3A_1786, %parallel_loop3A_1827 : vector<16xf32>
        %parallel_loop3A_1829 = arith.constant 3 : i32
        %parallel_loop3A_1830 = arith.addi %parallel_loop3A_1795, %parallel_loop3A_1829 : i32
        %parallel_loop3A_1831 = arith.constant 0 : i32
        %parallel_loop3A_1832 = arith.constant 0 : i32
        %parallel_loop3A_1833 = tpu.memref_slice %arg8[%parallel_loop3A_1585, %parallel_loop3A_1831, %parallel_loop3A_1832] : memref<2x1600x16xf32, #tpu.memory_space<vmem>> -> memref<1x1600x16xf32, #tpu.memory_space<vmem>>
        %parallel_loop3A_1834 = tpu.memref_squeeze %parallel_loop3A_1833 : memref<1x1600x16xf32, #tpu.memory_space<vmem>> -> memref<1600x16xf32, #tpu.memory_space<vmem>>
        %parallel_loop3A_1835 = arith.index_cast %parallel_loop3A_1830 : i32 to index
        %parallel_loop3A_1836 = arith.constant 0 : index
        %parallel_loop3A_1837 = tpu.vector_load %parallel_loop3A_1834[%parallel_loop3A_1835, %parallel_loop3A_1836] {strides = array<i32>} : memref<1600x16xf32, #tpu.memory_space<vmem>>, vector<1x16xf32>,
        %parallel_loop3A_1838 = vector.shape_cast %parallel_loop3A_1837 : vector<1x16xf32> to vector<16xf32>
        %parallel_loop3A_1839 = arith.addf %parallel_loop3A_1787, %parallel_loop3A_1838 : vector<16xf32>
        %parallel_loop3A_1840 = arith.constant 4 : i32
        %parallel_loop3A_1841 = arith.addi %parallel_loop3A_1795, %parallel_loop3A_1840 : i32
        %parallel_loop3A_1842 = arith.constant 0 : i32
        %parallel_loop3A_1843 = arith.constant 0 : i32
        %parallel_loop3A_1844 = tpu.memref_slice %arg8[%parallel_loop3A_1585, %parallel_loop3A_1842, %parallel_loop3A_1843] : memref<2x1600x16xf32, #tpu.memory_space<vmem>> -> memref<1x1600x16xf32, #tpu.memory_space<vmem>>
        %parallel_loop3A_1845 = tpu.memref_squeeze %parallel_loop3A_1844 : memref<1x1600x16xf32, #tpu.memory_space<vmem>> -> memref<1600x16xf32, #tpu.memory_space<vmem>>
        %parallel_loop3A_1846 = arith.index_cast %parallel_loop3A_1841 : i32 to index
        %parallel_loop3A_1847 = arith.constant 0 : index
        %parallel_loop3A_1848 = tpu.vector_load %parallel_loop3A_1845[%parallel_loop3A_1846, %parallel_loop3A_1847] {strides = array<i32>} : memref<1600x16xf32, #tpu.memory_space<vmem>>, vector<1x16xf32>,
        %parallel_loop3A_1849 = vector.shape_cast %parallel_loop3A_1848 : vector<1x16xf32> to vector<16xf32>
        %parallel_loop3A_1850 = arith.addf %parallel_loop3A_1788, %parallel_loop3A_1849 : vector<16xf32>
        %parallel_loop3A_1851 = arith.constant 5 : i32
        %parallel_loop3A_1852 = arith.addi %parallel_loop3A_1795, %parallel_loop3A_1851 : i32
        %parallel_loop3A_1853 = arith.constant 0 : i32
        %parallel_loop3A_1854 = arith.constant 0 : i32
        %parallel_loop3A_1855 = tpu.memref_slice %arg8[%parallel_loop3A_1585, %parallel_loop3A_1853, %parallel_loop3A_1854] : memref<2x1600x16xf32, #tpu.memory_space<vmem>> -> memref<1x1600x16xf32, #tpu.memory_space<vmem>>
        %parallel_loop3A_1856 = tpu.memref_squeeze %parallel_loop3A_1855 : memref<1x1600x16xf32, #tpu.memory_space<vmem>> -> memref<1600x16xf32, #tpu.memory_space<vmem>>
        %parallel_loop3A_1857 = arith.index_cast %parallel_loop3A_1852 : i32 to index
        %parallel_loop3A_1858 = arith.constant 0 : index
        %parallel_loop3A_1859 = tpu.vector_load %parallel_loop3A_1856[%parallel_loop3A_1857, %parallel_loop3A_1858] {strides = array<i32>} : memref<1600x16xf32, #tpu.memory_space<vmem>>, vector<1x16xf32>,
        %parallel_loop3A_1860 = vector.shape_cast %parallel_loop3A_1859 : vector<1x16xf32> to vector<16xf32>
        %parallel_loop3A_1861 = arith.addf %parallel_loop3A_1789, %parallel_loop3A_1860 : vector<16xf32>
        %parallel_loop3A_1862 = arith.constant 6 : i32
        %parallel_loop3A_1863 = arith.addi %parallel_loop3A_1795, %parallel_loop3A_1862 : i32
        %parallel_loop3A_1864 = arith.constant 0 : i32
        %parallel_loop3A_1865 = arith.constant 0 : i32
        %parallel_loop3A_1866 = tpu.memref_slice %arg8[%parallel_loop3A_1585, %parallel_loop3A_1864, %parallel_loop3A_1865] : memref<2x1600x16xf32, #tpu.memory_space<vmem>> -> memref<1x1600x16xf32, #tpu.memory_space<vmem>>
        %parallel_loop3A_1867 = tpu.memref_squeeze %parallel_loop3A_1866 : memref<1x1600x16xf32, #tpu.memory_space<vmem>> -> memref<1600x16xf32, #tpu.memory_space<vmem>>
        %parallel_loop3A_1868 = arith.index_cast %parallel_loop3A_1863 : i32 to index
        %parallel_loop3A_1869 = arith.constant 0 : index
        %parallel_loop3A_1870 = tpu.vector_load %parallel_loop3A_1867[%parallel_loop3A_1868, %parallel_loop3A_1869] {strides = array<i32>} : memref<1600x16xf32, #tpu.memory_space<vmem>>, vector<1x16xf32>,
        %parallel_loop3A_1871 = vector.shape_cast %parallel_loop3A_1870 : vector<1x16xf32> to vector<16xf32>
        %parallel_loop3A_1872 = arith.addf %parallel_loop3A_1790, %parallel_loop3A_1871 : vector<16xf32>
        %parallel_loop3A_1873 = arith.constant 7 : i32
        %parallel_loop3A_1874 = arith.addi %parallel_loop3A_1795, %parallel_loop3A_1873 : i32
        %parallel_loop3A_1875 = arith.constant 0 : i32
        %parallel_loop3A_1876 = arith.constant 0 : i32
        %parallel_loop3A_1877 = tpu.memref_slice %arg8[%parallel_loop3A_1585, %parallel_loop3A_1875, %parallel_loop3A_1876] : memref<2x1600x16xf32, #tpu.memory_space<vmem>> -> memref<1x1600x16xf32, #tpu.memory_space<vmem>>
        %parallel_loop3A_1878 = tpu.memref_squeeze %parallel_loop3A_1877 : memref<1x1600x16xf32, #tpu.memory_space<vmem>> -> memref<1600x16xf32, #tpu.memory_space<vmem>>
        %parallel_loop3A_1879 = arith.index_cast %parallel_loop3A_1874 : i32 to index
        %parallel_loop3A_1880 = arith.constant 0 : index
        %parallel_loop3A_1881 = tpu.vector_load %parallel_loop3A_1878[%parallel_loop3A_1879, %parallel_loop3A_1880] {strides = array<i32>} : memref<1600x16xf32, #tpu.memory_space<vmem>>, vector<1x16xf32>,
        %parallel_loop3A_1882 = vector.shape_cast %parallel_loop3A_1881 : vector<1x16xf32> to vector<16xf32>
        %parallel_loop3A_1883 = arith.addf %parallel_loop3A_1791, %parallel_loop3A_1882 : vector<16xf32>
        scf.yield %parallel_loop3A_1806, %parallel_loop3A_1817, %parallel_loop3A_1828, %parallel_loop3A_1839, %parallel_loop3A_1850, %parallel_loop3A_1861, %parallel_loop3A_1872, %parallel_loop3A_1883 : vector<16xf32>, vector<16xf32>, vector<16xf32>, vector<16xf32>, vector<16xf32>, vector<16xf32>, vector<16xf32>, vector<16xf32>
      } {sc.loop_unroll_factor = 2 : i64, sc.parallel_access}
      %add3A_1587 = arith.addf %parallel_loop3A_1586#0, %parallel_loop3A_1586#1 : vector<16xf32>
      %add3A_1588 = arith.addf %parallel_loop3A_1586#2, %parallel_loop3A_1586#3 : vector<16xf32>
      %add3A_1589 = arith.addf %add3A_1587, %add3A_1588 : vector<16xf32>
      %add3A_1590 = arith.addf %parallel_loop3A_1586#4, %parallel_loop3A_1586#5 : vector<16xf32>
      %add3A_1591 = arith.addf %parallel_loop3A_1586#6, %parallel_loop3A_1586#7 : vector<16xf32>
      %add3A_1592 = arith.addf %add3A_1590, %add3A_1591 : vector<16xf32>
      %get3A_1593 = arith.index_cast %add3A_1544 : i32 to index
      %get3A_1594 = arith.constant 16 : index
      %get3A_1595 = tpu.vector_load %arg10[%get3A_1593, %get3A_1594] {strides = array<i32>} : memref<64x128xf32, #tpu.memory_space<vmem>>, vector<1x16xf32>,
      %get3A_1596 = vector.shape_cast %get3A_1595 : vector<1x16xf32> to vector<16xf32>
      %add3A_1597 = arith.addf %add3A_1589, %add3A_1592 : vector<16xf32>
      %mul3A_1598 = arith.mulf %add3A_1597, %get3A_1596 : vector<16xf32>
      %get3A_1599 = arith.constant 0 : index
      %get3A_1600 = tpu.vector_load %arg11[%get3A_1599] {strides = array<i32>} : memref<16xf32, #tpu.memory_space<vmem>>, vector<16xf32>,
      %get3A_1601 = vector.shape_cast %get3A_1600 : vector<16xf32> to vector<16xf32>
      %add3A_1602 = arith.addf %mul3A_1598, %get3A_1601 : vector<16xf32>
      %swap3A_1603 = arith.constant 1 : i32
      %swap3A_1604 = arith.index_cast %swap3A_1603 : i32 to index
      %swap3A_1605 = arith.constant 0 : index
      %swap3A_1606 = tpu.vector_load %arg9[%swap3A_1604, %swap3A_1605] {strides = array<i32>} : memref<8x16xf32, #tpu.memory_space<vmem>>, vector<1x16xf32>,
      %swap3A_1607 = vector.shape_cast %swap3A_1606 : vector<1x16xf32> to vector<16xf32>
      %swap3A_1608 = vector.shape_cast %add3A_1602 : vector<16xf32> to vector<1x16xf32>
      tpu.vector_store %arg9[%swap3A_1604, %swap3A_1605], %swap3A_1608 {strides = array<i32>} : memref<8x16xf32, #tpu.memory_space<vmem>>, vector<1x16xf32>,
      %broadcast_in_dim3A_1609 = arith.constant 0.000000e+00 : f32
      %broadcast_in_dim3A_1610 = vector.broadcast %broadcast_in_dim3A_1609 : f32 to vector<16xf32>
      %parallel_loop3A_1611 = arith.constant 0 : i32
      %parallel_loop3A_1612 = arith.constant 25 : i32
      %parallel_loop3A_1613 = arith.constant 1 : i32
      %parallel_loop3A_1614 = arith.constant 1 : i32
      %parallel_loop3A_1615:8 = scf.for %parallel_loop3A_1783 = %parallel_loop3A_1611 to %parallel_loop3A_1612 step %parallel_loop3A_1613 iter_args(%parallel_loop3A_1784 = %broadcast_in_dim3A_1610, %parallel_loop3A_1785 = %broadcast_in_dim3A_1610, %parallel_loop3A_1786 = %broadcast_in_dim3A_1610, %parallel_loop3A_1787 = %broadcast_in_dim3A_1610, %parallel_loop3A_1788 = %broadcast_in_dim3A_1610, %parallel_loop3A_1789 = %broadcast_in_dim3A_1610, %parallel_loop3A_1790 = %broadcast_in_dim3A_1610, %parallel_loop3A_1791 = %broadcast_in_dim3A_1610) -> (vector<16xf32>, vector<16xf32>, vector<16xf32>, vector<16xf32>, vector<16xf32>, vector<16xf32>, vector<16xf32>, vector<16xf32>)  : i32 {
        %parallel_loop3A_1792 = arith.constant 8 : i32
        %parallel_loop3A_1793 = arith.muli %parallel_loop3A_1783, %parallel_loop3A_1792 : i32
        %parallel_loop3A_1794 = arith.constant 400 : i32
        %parallel_loop3A_1795 = arith.addi %parallel_loop3A_1794, %parallel_loop3A_1793 : i32
        %parallel_loop3A_1796 = arith.constant 0 : i32
        %parallel_loop3A_1797 = arith.addi %parallel_loop3A_1795, %parallel_loop3A_1796 : i32
        %parallel_loop3A_1798 = arith.constant 0 : i32
        %parallel_loop3A_1799 = arith.constant 0 : i32
        %parallel_loop3A_1800 = tpu.memref_slice %arg8[%parallel_loop3A_1614, %parallel_loop3A_1798, %parallel_loop3A_1799] : memref<2x1600x16xf32, #tpu.memory_space<vmem>> -> memref<1x1600x16xf32, #tpu.memory_space<vmem>>
        %parallel_loop3A_1801 = tpu.memref_squeeze %parallel_loop3A_1800 : memref<1x1600x16xf32, #tpu.memory_space<vmem>> -> memref<1600x16xf32, #tpu.memory_space<vmem>>
        %parallel_loop3A_1802 = arith.index_cast %parallel_loop3A_1797 : i32 to index
        %parallel_loop3A_1803 = arith.constant 0 : index
        %parallel_loop3A_1804 = tpu.vector_load %parallel_loop3A_1801[%parallel_loop3A_1802, %parallel_loop3A_1803] {strides = array<i32>} : memref<1600x16xf32, #tpu.memory_space<vmem>>, vector<1x16xf32>,
        %parallel_loop3A_1805 = vector.shape_cast %parallel_loop3A_1804 : vector<1x16xf32> to vector<16xf32>
        %parallel_loop3A_1806 = arith.addf %parallel_loop3A_1784, %parallel_loop3A_1805 : vector<16xf32>
        %parallel_loop3A_1807 = arith.constant 1 : i32
        %parallel_loop3A_1808 = arith.addi %parallel_loop3A_1795, %parallel_loop3A_1807 : i32
        %parallel_loop3A_1809 = arith.constant 0 : i32
        %parallel_loop3A_1810 = arith.constant 0 : i32
        %parallel_loop3A_1811 = tpu.memref_slice %arg8[%parallel_loop3A_1614, %parallel_loop3A_1809, %parallel_loop3A_1810] : memref<2x1600x16xf32, #tpu.memory_space<vmem>> -> memref<1x1600x16xf32, #tpu.memory_space<vmem>>
        %parallel_loop3A_1812 = tpu.memref_squeeze %parallel_loop3A_1811 : memref<1x1600x16xf32, #tpu.memory_space<vmem>> -> memref<1600x16xf32, #tpu.memory_space<vmem>>
        %parallel_loop3A_1813 = arith.index_cast %parallel_loop3A_1808 : i32 to index
        %parallel_loop3A_1814 = arith.constant 0 : index
        %parallel_loop3A_1815 = tpu.vector_load %parallel_loop3A_1812[%parallel_loop3A_1813, %parallel_loop3A_1814] {strides = array<i32>} : memref<1600x16xf32, #tpu.memory_space<vmem>>, vector<1x16xf32>,
        %parallel_loop3A_1816 = vector.shape_cast %parallel_loop3A_1815 : vector<1x16xf32> to vector<16xf32>
        %parallel_loop3A_1817 = arith.addf %parallel_loop3A_1785, %parallel_loop3A_1816 : vector<16xf32>
        %parallel_loop3A_1818 = arith.constant 2 : i32
        %parallel_loop3A_1819 = arith.addi %parallel_loop3A_1795, %parallel_loop3A_1818 : i32
        %parallel_loop3A_1820 = arith.constant 0 : i32
        %parallel_loop3A_1821 = arith.constant 0 : i32
        %parallel_loop3A_1822 = tpu.memref_slice %arg8[%parallel_loop3A_1614, %parallel_loop3A_1820, %parallel_loop3A_1821] : memref<2x1600x16xf32, #tpu.memory_space<vmem>> -> memref<1x1600x16xf32, #tpu.memory_space<vmem>>
        %parallel_loop3A_1823 = tpu.memref_squeeze %parallel_loop3A_1822 : memref<1x1600x16xf32, #tpu.memory_space<vmem>> -> memref<1600x16xf32, #tpu.memory_space<vmem>>
        %parallel_loop3A_1824 = arith.index_cast %parallel_loop3A_1819 : i32 to index
        %parallel_loop3A_1825 = arith.constant 0 : index
        %parallel_loop3A_1826 = tpu.vector_load %parallel_loop3A_1823[%parallel_loop3A_1824, %parallel_loop3A_1825] {strides = array<i32>} : memref<1600x16xf32, #tpu.memory_space<vmem>>, vector<1x16xf32>,
        %parallel_loop3A_1827 = vector.shape_cast %parallel_loop3A_1826 : vector<1x16xf32> to vector<16xf32>
        %parallel_loop3A_1828 = arith.addf %parallel_loop3A_1786, %parallel_loop3A_1827 : vector<16xf32>
        %parallel_loop3A_1829 = arith.constant 3 : i32
        %parallel_loop3A_1830 = arith.addi %parallel_loop3A_1795, %parallel_loop3A_1829 : i32
        %parallel_loop3A_1831 = arith.constant 0 : i32
        %parallel_loop3A_1832 = arith.constant 0 : i32
        %parallel_loop3A_1833 = tpu.memref_slice %arg8[%parallel_loop3A_1614, %parallel_loop3A_1831, %parallel_loop3A_1832] : memref<2x1600x16xf32, #tpu.memory_space<vmem>> -> memref<1x1600x16xf32, #tpu.memory_space<vmem>>
        %parallel_loop3A_1834 = tpu.memref_squeeze %parallel_loop3A_1833 : memref<1x1600x16xf32, #tpu.memory_space<vmem>> -> memref<1600x16xf32, #tpu.memory_space<vmem>>
        %parallel_loop3A_1835 = arith.index_cast %parallel_loop3A_1830 : i32 to index
        %parallel_loop3A_1836 = arith.constant 0 : index
        %parallel_loop3A_1837 = tpu.vector_load %parallel_loop3A_1834[%parallel_loop3A_1835, %parallel_loop3A_1836] {strides = array<i32>} : memref<1600x16xf32, #tpu.memory_space<vmem>>, vector<1x16xf32>,
        %parallel_loop3A_1838 = vector.shape_cast %parallel_loop3A_1837 : vector<1x16xf32> to vector<16xf32>
        %parallel_loop3A_1839 = arith.addf %parallel_loop3A_1787, %parallel_loop3A_1838 : vector<16xf32>
        %parallel_loop3A_1840 = arith.constant 4 : i32
        %parallel_loop3A_1841 = arith.addi %parallel_loop3A_1795, %parallel_loop3A_1840 : i32
        %parallel_loop3A_1842 = arith.constant 0 : i32
        %parallel_loop3A_1843 = arith.constant 0 : i32
        %parallel_loop3A_1844 = tpu.memref_slice %arg8[%parallel_loop3A_1614, %parallel_loop3A_1842, %parallel_loop3A_1843] : memref<2x1600x16xf32, #tpu.memory_space<vmem>> -> memref<1x1600x16xf32, #tpu.memory_space<vmem>>
        %parallel_loop3A_1845 = tpu.memref_squeeze %parallel_loop3A_1844 : memref<1x1600x16xf32, #tpu.memory_space<vmem>> -> memref<1600x16xf32, #tpu.memory_space<vmem>>
        %parallel_loop3A_1846 = arith.index_cast %parallel_loop3A_1841 : i32 to index
        %parallel_loop3A_1847 = arith.constant 0 : index
        %parallel_loop3A_1848 = tpu.vector_load %parallel_loop3A_1845[%parallel_loop3A_1846, %parallel_loop3A_1847] {strides = array<i32>} : memref<1600x16xf32, #tpu.memory_space<vmem>>, vector<1x16xf32>,
        %parallel_loop3A_1849 = vector.shape_cast %parallel_loop3A_1848 : vector<1x16xf32> to vector<16xf32>
        %parallel_loop3A_1850 = arith.addf %parallel_loop3A_1788, %parallel_loop3A_1849 : vector<16xf32>
        %parallel_loop3A_1851 = arith.constant 5 : i32
        %parallel_loop3A_1852 = arith.addi %parallel_loop3A_1795, %parallel_loop3A_1851 : i32
        %parallel_loop3A_1853 = arith.constant 0 : i32
        %parallel_loop3A_1854 = arith.constant 0 : i32
        %parallel_loop3A_1855 = tpu.memref_slice %arg8[%parallel_loop3A_1614, %parallel_loop3A_1853, %parallel_loop3A_1854] : memref<2x1600x16xf32, #tpu.memory_space<vmem>> -> memref<1x1600x16xf32, #tpu.memory_space<vmem>>
        %parallel_loop3A_1856 = tpu.memref_squeeze %parallel_loop3A_1855 : memref<1x1600x16xf32, #tpu.memory_space<vmem>> -> memref<1600x16xf32, #tpu.memory_space<vmem>>
        %parallel_loop3A_1857 = arith.index_cast %parallel_loop3A_1852 : i32 to index
        %parallel_loop3A_1858 = arith.constant 0 : index
        %parallel_loop3A_1859 = tpu.vector_load %parallel_loop3A_1856[%parallel_loop3A_1857, %parallel_loop3A_1858] {strides = array<i32>} : memref<1600x16xf32, #tpu.memory_space<vmem>>, vector<1x16xf32>,
        %parallel_loop3A_1860 = vector.shape_cast %parallel_loop3A_1859 : vector<1x16xf32> to vector<16xf32>
        %parallel_loop3A_1861 = arith.addf %parallel_loop3A_1789, %parallel_loop3A_1860 : vector<16xf32>
        %parallel_loop3A_1862 = arith.constant 6 : i32
        %parallel_loop3A_1863 = arith.addi %parallel_loop3A_1795, %parallel_loop3A_1862 : i32
        %parallel_loop3A_1864 = arith.constant 0 : i32
        %parallel_loop3A_1865 = arith.constant 0 : i32
        %parallel_loop3A_1866 = tpu.memref_slice %arg8[%parallel_loop3A_1614, %parallel_loop3A_1864, %parallel_loop3A_1865] : memref<2x1600x16xf32, #tpu.memory_space<vmem>> -> memref<1x1600x16xf32, #tpu.memory_space<vmem>>
        %parallel_loop3A_1867 = tpu.memref_squeeze %parallel_loop3A_1866 : memref<1x1600x16xf32, #tpu.memory_space<vmem>> -> memref<1600x16xf32, #tpu.memory_space<vmem>>
        %parallel_loop3A_1868 = arith.index_cast %parallel_loop3A_1863 : i32 to index
        %parallel_loop3A_1869 = arith.constant 0 : index
        %parallel_loop3A_1870 = tpu.vector_load %parallel_loop3A_1867[%parallel_loop3A_1868, %parallel_loop3A_1869] {strides = array<i32>} : memref<1600x16xf32, #tpu.memory_space<vmem>>, vector<1x16xf32>,
        %parallel_loop3A_1871 = vector.shape_cast %parallel_loop3A_1870 : vector<1x16xf32> to vector<16xf32>
        %parallel_loop3A_1872 = arith.addf %parallel_loop3A_1790, %parallel_loop3A_1871 : vector<16xf32>
        %parallel_loop3A_1873 = arith.constant 7 : i32
        %parallel_loop3A_1874 = arith.addi %parallel_loop3A_1795, %parallel_loop3A_1873 : i32
        %parallel_loop3A_1875 = arith.constant 0 : i32
        %parallel_loop3A_1876 = arith.constant 0 : i32
        %parallel_loop3A_1877 = tpu.memref_slice %arg8[%parallel_loop3A_1614, %parallel_loop3A_1875, %parallel_loop3A_1876] : memref<2x1600x16xf32, #tpu.memory_space<vmem>> -> memref<1x1600x16xf32, #tpu.memory_space<vmem>>
        %parallel_loop3A_1878 = tpu.memref_squeeze %parallel_loop3A_1877 : memref<1x1600x16xf32, #tpu.memory_space<vmem>> -> memref<1600x16xf32, #tpu.memory_space<vmem>>
        %parallel_loop3A_1879 = arith.index_cast %parallel_loop3A_1874 : i32 to index
        %parallel_loop3A_1880 = arith.constant 0 : index
        %parallel_loop3A_1881 = tpu.vector_load %parallel_loop3A_1878[%parallel_loop3A_1879, %parallel_loop3A_1880] {strides = array<i32>} : memref<1600x16xf32, #tpu.memory_space<vmem>>, vector<1x16xf32>,
        %parallel_loop3A_1882 = vector.shape_cast %parallel_loop3A_1881 : vector<1x16xf32> to vector<16xf32>
        %parallel_loop3A_1883 = arith.addf %parallel_loop3A_1791, %parallel_loop3A_1882 : vector<16xf32>
        scf.yield %parallel_loop3A_1806, %parallel_loop3A_1817, %parallel_loop3A_1828, %parallel_loop3A_1839, %parallel_loop3A_1850, %parallel_loop3A_1861, %parallel_loop3A_1872, %parallel_loop3A_1883 : vector<16xf32>, vector<16xf32>, vector<16xf32>, vector<16xf32>, vector<16xf32>, vector<16xf32>, vector<16xf32>, vector<16xf32>
      } {sc.loop_unroll_factor = 2 : i64, sc.parallel_access}
      %add3A_1616 = arith.addf %parallel_loop3A_1615#0, %parallel_loop3A_1615#1 : vector<16xf32>
      %add3A_1617 = arith.addf %parallel_loop3A_1615#2, %parallel_loop3A_1615#3 : vector<16xf32>
      %add3A_1618 = arith.addf %add3A_1616, %add3A_1617 : vector<16xf32>
      %add3A_1619 = arith.addf %parallel_loop3A_1615#4, %parallel_loop3A_1615#5 : vector<16xf32>
      %add3A_1620 = arith.addf %parallel_loop3A_1615#6, %parallel_loop3A_1615#7 : vector<16xf32>
      %add3A_1621 = arith.addf %add3A_1619, %add3A_1620 : vector<16xf32>
      %get3A_1622 = arith.index_cast %add3A_1544 : i32 to index
      %get3A_1623 = arith.constant 32 : index
      %get3A_1624 = tpu.vector_load %arg10[%get3A_1622, %get3A_1623] {strides = array<i32>} : memref<64x128xf32, #tpu.memory_space<vmem>>, vector<1x16xf32>,
      %get3A_1625 = vector.shape_cast %get3A_1624 : vector<1x16xf32> to vector<16xf32>
      %add3A_1626 = arith.addf %add3A_1618, %add3A_1621 : vector<16xf32>
      %mul3A_1627 = arith.mulf %add3A_1626, %get3A_1625 : vector<16xf32>
      %get3A_1628 = arith.constant 0 : index
      %get3A_1629 = tpu.vector_load %arg11[%get3A_1628] {strides = array<i32>} : memref<16xf32, #tpu.memory_space<vmem>>, vector<16xf32>,
      %get3A_1630 = vector.shape_cast %get3A_1629 : vector<16xf32> to vector<16xf32>
      %add3A_1631 = arith.addf %mul3A_1627, %get3A_1630 : vector<16xf32>
      %swap3A_1632 = arith.constant 2 : i32
      %swap3A_1633 = arith.index_cast %swap3A_1632 : i32 to index
      %swap3A_1634 = arith.constant 0 : index
      %swap3A_1635 = tpu.vector_load %arg9[%swap3A_1633, %swap3A_1634] {strides = array<i32>} : memref<8x16xf32, #tpu.memory_space<vmem>>, vector<1x16xf32>,
      %swap3A_1636 = vector.shape_cast %swap3A_1635 : vector<1x16xf32> to vector<16xf32>
      %swap3A_1637 = vector.shape_cast %add3A_1631 : vector<16xf32> to vector<1x16xf32>
      tpu.vector_store %arg9[%swap3A_1633, %swap3A_1634], %swap3A_1637 {strides = array<i32>} : memref<8x16xf32, #tpu.memory_space<vmem>>, vector<1x16xf32>,
      %broadcast_in_dim3A_1638 = arith.constant 0.000000e+00 : f32
      %broadcast_in_dim3A_1639 = vector.broadcast %broadcast_in_dim3A_1638 : f32 to vector<16xf32>
      %parallel_loop3A_1640 = arith.constant 0 : i32
      %parallel_loop3A_1641 = arith.constant 25 : i32
      %parallel_loop3A_1642 = arith.constant 1 : i32
      %parallel_loop3A_1643 = arith.constant 1 : i32
      %parallel_loop3A_1644:8 = scf.for %parallel_loop3A_1783 = %parallel_loop3A_1640 to %parallel_loop3A_1641 step %parallel_loop3A_1642 iter_args(%parallel_loop3A_1784 = %broadcast_in_dim3A_1639, %parallel_loop3A_1785 = %broadcast_in_dim3A_1639, %parallel_loop3A_1786 = %broadcast_in_dim3A_1639, %parallel_loop3A_1787 = %broadcast_in_dim3A_1639, %parallel_loop3A_1788 = %broadcast_in_dim3A_1639, %parallel_loop3A_1789 = %broadcast_in_dim3A_1639, %parallel_loop3A_1790 = %broadcast_in_dim3A_1639, %parallel_loop3A_1791 = %broadcast_in_dim3A_1639) -> (vector<16xf32>, vector<16xf32>, vector<16xf32>, vector<16xf32>, vector<16xf32>, vector<16xf32>, vector<16xf32>, vector<16xf32>)  : i32 {
        %parallel_loop3A_1792 = arith.constant 8 : i32
        %parallel_loop3A_1793 = arith.muli %parallel_loop3A_1783, %parallel_loop3A_1792 : i32
        %parallel_loop3A_1794 = arith.constant 600 : i32
        %parallel_loop3A_1795 = arith.addi %parallel_loop3A_1794, %parallel_loop3A_1793 : i32
        %parallel_loop3A_1796 = arith.constant 0 : i32
        %parallel_loop3A_1797 = arith.addi %parallel_loop3A_1795, %parallel_loop3A_1796 : i32
        %parallel_loop3A_1798 = arith.constant 0 : i32
        %parallel_loop3A_1799 = arith.constant 0 : i32
        %parallel_loop3A_1800 = tpu.memref_slice %arg8[%parallel_loop3A_1643, %parallel_loop3A_1798, %parallel_loop3A_1799] : memref<2x1600x16xf32, #tpu.memory_space<vmem>> -> memref<1x1600x16xf32, #tpu.memory_space<vmem>>
        %parallel_loop3A_1801 = tpu.memref_squeeze %parallel_loop3A_1800 : memref<1x1600x16xf32, #tpu.memory_space<vmem>> -> memref<1600x16xf32, #tpu.memory_space<vmem>>
        %parallel_loop3A_1802 = arith.index_cast %parallel_loop3A_1797 : i32 to index
        %parallel_loop3A_1803 = arith.constant 0 : index
        %parallel_loop3A_1804 = tpu.vector_load %parallel_loop3A_1801[%parallel_loop3A_1802, %parallel_loop3A_1803] {strides = array<i32>} : memref<1600x16xf32, #tpu.memory_space<vmem>>, vector<1x16xf32>,
        %parallel_loop3A_1805 = vector.shape_cast %parallel_loop3A_1804 : vector<1x16xf32> to vector<16xf32>
        %parallel_loop3A_1806 = arith.addf %parallel_loop3A_1784, %parallel_loop3A_1805 : vector<16xf32>
        %parallel_loop3A_1807 = arith.constant 1 : i32
        %parallel_loop3A_1808 = arith.addi %parallel_loop3A_1795, %parallel_loop3A_1807 : i32
        %parallel_loop3A_1809 = arith.constant 0 : i32
        %parallel_loop3A_1810 = arith.constant 0 : i32
        %parallel_loop3A_1811 = tpu.memref_slice %arg8[%parallel_loop3A_1643, %parallel_loop3A_1809, %parallel_loop3A_1810] : memref<2x1600x16xf32, #tpu.memory_space<vmem>> -> memref<1x1600x16xf32, #tpu.memory_space<vmem>>
        %parallel_loop3A_1812 = tpu.memref_squeeze %parallel_loop3A_1811 : memref<1x1600x16xf32, #tpu.memory_space<vmem>> -> memref<1600x16xf32, #tpu.memory_space<vmem>>
        %parallel_loop3A_1813 = arith.index_cast %parallel_loop3A_1808 : i32 to index
        %parallel_loop3A_1814 = arith.constant 0 : index
        %parallel_loop3A_1815 = tpu.vector_load %parallel_loop3A_1812[%parallel_loop3A_1813, %parallel_loop3A_1814] {strides = array<i32>} : memref<1600x16xf32, #tpu.memory_space<vmem>>, vector<1x16xf32>,
        %parallel_loop3A_1816 = vector.shape_cast %parallel_loop3A_1815 : vector<1x16xf32> to vector<16xf32>
        %parallel_loop3A_1817 = arith.addf %parallel_loop3A_1785, %parallel_loop3A_1816 : vector<16xf32>
        %parallel_loop3A_1818 = arith.constant 2 : i32
        %parallel_loop3A_1819 = arith.addi %parallel_loop3A_1795, %parallel_loop3A_1818 : i32
        %parallel_loop3A_1820 = arith.constant 0 : i32
        %parallel_loop3A_1821 = arith.constant 0 : i32
        %parallel_loop3A_1822 = tpu.memref_slice %arg8[%parallel_loop3A_1643, %parallel_loop3A_1820, %parallel_loop3A_1821] : memref<2x1600x16xf32, #tpu.memory_space<vmem>> -> memref<1x1600x16xf32, #tpu.memory_space<vmem>>
        %parallel_loop3A_1823 = tpu.memref_squeeze %parallel_loop3A_1822 : memref<1x1600x16xf32, #tpu.memory_space<vmem>> -> memref<1600x16xf32, #tpu.memory_space<vmem>>
        %parallel_loop3A_1824 = arith.index_cast %parallel_loop3A_1819 : i32 to index
        %parallel_loop3A_1825 = arith.constant 0 : index
        %parallel_loop3A_1826 = tpu.vector_load %parallel_loop3A_1823[%parallel_loop3A_1824, %parallel_loop3A_1825] {strides = array<i32>} : memref<1600x16xf32, #tpu.memory_space<vmem>>, vector<1x16xf32>,
        %parallel_loop3A_1827 = vector.shape_cast %parallel_loop3A_1826 : vector<1x16xf32> to vector<16xf32>
        %parallel_loop3A_1828 = arith.addf %parallel_loop3A_1786, %parallel_loop3A_1827 : vector<16xf32>
        %parallel_loop3A_1829 = arith.constant 3 : i32
        %parallel_loop3A_1830 = arith.addi %parallel_loop3A_1795, %parallel_loop3A_1829 : i32
        %parallel_loop3A_1831 = arith.constant 0 : i32
        %parallel_loop3A_1832 = arith.constant 0 : i32
        %parallel_loop3A_1833 = tpu.memref_slice %arg8[%parallel_loop3A_1643, %parallel_loop3A_1831, %parallel_loop3A_1832] : memref<2x1600x16xf32, #tpu.memory_space<vmem>> -> memref<1x1600x16xf32, #tpu.memory_space<vmem>>
        %parallel_loop3A_1834 = tpu.memref_squeeze %parallel_loop3A_1833 : memref<1x1600x16xf32, #tpu.memory_space<vmem>> -> memref<1600x16xf32, #tpu.memory_space<vmem>>
        %parallel_loop3A_1835 = arith.index_cast %parallel_loop3A_1830 : i32 to index
        %parallel_loop3A_1836 = arith.constant 0 : index
        %parallel_loop3A_1837 = tpu.vector_load %parallel_loop3A_1834[%parallel_loop3A_1835, %parallel_loop3A_1836] {strides = array<i32>} : memref<1600x16xf32, #tpu.memory_space<vmem>>, vector<1x16xf32>,
        %parallel_loop3A_1838 = vector.shape_cast %parallel_loop3A_1837 : vector<1x16xf32> to vector<16xf32>
        %parallel_loop3A_1839 = arith.addf %parallel_loop3A_1787, %parallel_loop3A_1838 : vector<16xf32>
        %parallel_loop3A_1840 = arith.constant 4 : i32
        %parallel_loop3A_1841 = arith.addi %parallel_loop3A_1795, %parallel_loop3A_1840 : i32
        %parallel_loop3A_1842 = arith.constant 0 : i32
        %parallel_loop3A_1843 = arith.constant 0 : i32
        %parallel_loop3A_1844 = tpu.memref_slice %arg8[%parallel_loop3A_1643, %parallel_loop3A_1842, %parallel_loop3A_1843] : memref<2x1600x16xf32, #tpu.memory_space<vmem>> -> memref<1x1600x16xf32, #tpu.memory_space<vmem>>
        %parallel_loop3A_1845 = tpu.memref_squeeze %parallel_loop3A_1844 : memref<1x1600x16xf32, #tpu.memory_space<vmem>> -> memref<1600x16xf32, #tpu.memory_space<vmem>>
        %parallel_loop3A_1846 = arith.index_cast %parallel_loop3A_1841 : i32 to index
        %parallel_loop3A_1847 = arith.constant 0 : index
        %parallel_loop3A_1848 = tpu.vector_load %parallel_loop3A_1845[%parallel_loop3A_1846, %parallel_loop3A_1847] {strides = array<i32>} : memref<1600x16xf32, #tpu.memory_space<vmem>>, vector<1x16xf32>,
        %parallel_loop3A_1849 = vector.shape_cast %parallel_loop3A_1848 : vector<1x16xf32> to vector<16xf32>
        %parallel_loop3A_1850 = arith.addf %parallel_loop3A_1788, %parallel_loop3A_1849 : vector<16xf32>
        %parallel_loop3A_1851 = arith.constant 5 : i32
        %parallel_loop3A_1852 = arith.addi %parallel_loop3A_1795, %parallel_loop3A_1851 : i32
        %parallel_loop3A_1853 = arith.constant 0 : i32
        %parallel_loop3A_1854 = arith.constant 0 : i32
        %parallel_loop3A_1855 = tpu.memref_slice %arg8[%parallel_loop3A_1643, %parallel_loop3A_1853, %parallel_loop3A_1854] : memref<2x1600x16xf32, #tpu.memory_space<vmem>> -> memref<1x1600x16xf32, #tpu.memory_space<vmem>>
        %parallel_loop3A_1856 = tpu.memref_squeeze %parallel_loop3A_1855 : memref<1x1600x16xf32, #tpu.memory_space<vmem>> -> memref<1600x16xf32, #tpu.memory_space<vmem>>
        %parallel_loop3A_1857 = arith.index_cast %parallel_loop3A_1852 : i32 to index
        %parallel_loop3A_1858 = arith.constant 0 : index
        %parallel_loop3A_1859 = tpu.vector_load %parallel_loop3A_1856[%parallel_loop3A_1857, %parallel_loop3A_1858] {strides = array<i32>} : memref<1600x16xf32, #tpu.memory_space<vmem>>, vector<1x16xf32>,
        %parallel_loop3A_1860 = vector.shape_cast %parallel_loop3A_1859 : vector<1x16xf32> to vector<16xf32>
        %parallel_loop3A_1861 = arith.addf %parallel_loop3A_1789, %parallel_loop3A_1860 : vector<16xf32>
        %parallel_loop3A_1862 = arith.constant 6 : i32
        %parallel_loop3A_1863 = arith.addi %parallel_loop3A_1795, %parallel_loop3A_1862 : i32
        %parallel_loop3A_1864 = arith.constant 0 : i32
        %parallel_loop3A_1865 = arith.constant 0 : i32
        %parallel_loop3A_1866 = tpu.memref_slice %arg8[%parallel_loop3A_1643, %parallel_loop3A_1864, %parallel_loop3A_1865] : memref<2x1600x16xf32, #tpu.memory_space<vmem>> -> memref<1x1600x16xf32, #tpu.memory_space<vmem>>
        %parallel_loop3A_1867 = tpu.memref_squeeze %parallel_loop3A_1866 : memref<1x1600x16xf32, #tpu.memory_space<vmem>> -> memref<1600x16xf32, #tpu.memory_space<vmem>>
        %parallel_loop3A_1868 = arith.index_cast %parallel_loop3A_1863 : i32 to index
        %parallel_loop3A_1869 = arith.constant 0 : index
        %parallel_loop3A_1870 = tpu.vector_load %parallel_loop3A_1867[%parallel_loop3A_1868, %parallel_loop3A_1869] {strides = array<i32>} : memref<1600x16xf32, #tpu.memory_space<vmem>>, vector<1x16xf32>,
        %parallel_loop3A_1871 = vector.shape_cast %parallel_loop3A_1870 : vector<1x16xf32> to vector<16xf32>
        %parallel_loop3A_1872 = arith.addf %parallel_loop3A_1790, %parallel_loop3A_1871 : vector<16xf32>
        %parallel_loop3A_1873 = arith.constant 7 : i32
        %parallel_loop3A_1874 = arith.addi %parallel_loop3A_1795, %parallel_loop3A_1873 : i32
        %parallel_loop3A_1875 = arith.constant 0 : i32
        %parallel_loop3A_1876 = arith.constant 0 : i32
        %parallel_loop3A_1877 = tpu.memref_slice %arg8[%parallel_loop3A_1643, %parallel_loop3A_1875, %parallel_loop3A_1876] : memref<2x1600x16xf32, #tpu.memory_space<vmem>> -> memref<1x1600x16xf32, #tpu.memory_space<vmem>>
        %parallel_loop3A_1878 = tpu.memref_squeeze %parallel_loop3A_1877 : memref<1x1600x16xf32, #tpu.memory_space<vmem>> -> memref<1600x16xf32, #tpu.memory_space<vmem>>
        %parallel_loop3A_1879 = arith.index_cast %parallel_loop3A_1874 : i32 to index
        %parallel_loop3A_1880 = arith.constant 0 : index
        %parallel_loop3A_1881 = tpu.vector_load %parallel_loop3A_1878[%parallel_loop3A_1879, %parallel_loop3A_1880] {strides = array<i32>} : memref<1600x16xf32, #tpu.memory_space<vmem>>, vector<1x16xf32>,
        %parallel_loop3A_1882 = vector.shape_cast %parallel_loop3A_1881 : vector<1x16xf32> to vector<16xf32>
        %parallel_loop3A_1883 = arith.addf %parallel_loop3A_1791, %parallel_loop3A_1882 : vector<16xf32>
        scf.yield %parallel_loop3A_1806, %parallel_loop3A_1817, %parallel_loop3A_1828, %parallel_loop3A_1839, %parallel_loop3A_1850, %parallel_loop3A_1861, %parallel_loop3A_1872, %parallel_loop3A_1883 : vector<16xf32>, vector<16xf32>, vector<16xf32>, vector<16xf32>, vector<16xf32>, vector<16xf32>, vector<16xf32>, vector<16xf32>
      } {sc.loop_unroll_factor = 2 : i64, sc.parallel_access}
      %add3A_1645 = arith.addf %parallel_loop3A_1644#0, %parallel_loop3A_1644#1 : vector<16xf32>
      %add3A_1646 = arith.addf %parallel_loop3A_1644#2, %parallel_loop3A_1644#3 : vector<16xf32>
      %add3A_1647 = arith.addf %add3A_1645, %add3A_1646 : vector<16xf32>
      %add3A_1648 = arith.addf %parallel_loop3A_1644#4, %parallel_loop3A_1644#5 : vector<16xf32>
      %add3A_1649 = arith.addf %parallel_loop3A_1644#6, %parallel_loop3A_1644#7 : vector<16xf32>
      %add3A_1650 = arith.addf %add3A_1648, %add3A_1649 : vector<16xf32>
      %get3A_1651 = arith.index_cast %add3A_1544 : i32 to index
      %get3A_1652 = arith.constant 48 : index
      %get3A_1653 = tpu.vector_load %arg10[%get3A_1651, %get3A_1652] {strides = array<i32>} : memref<64x128xf32, #tpu.memory_space<vmem>>, vector<1x16xf32>,
      %get3A_1654 = vector.shape_cast %get3A_1653 : vector<1x16xf32> to vector<16xf32>
      %add3A_1655 = arith.addf %add3A_1647, %add3A_1650 : vector<16xf32>
      %mul3A_1656 = arith.mulf %add3A_1655, %get3A_1654 : vector<16xf32>
      %get3A_1657 = arith.constant 0 : index
      %get3A_1658 = tpu.vector_load %arg11[%get3A_1657] {strides = array<i32>} : memref<16xf32, #tpu.memory_space<vmem>>, vector<16xf32>,
      %get3A_1659 = vector.shape_cast %get3A_1658 : vector<16xf32> to vector<16xf32>
      %add3A_1660 = arith.addf %mul3A_1656, %get3A_1659 : vector<16xf32>
      %swap3A_1661 = arith.constant 3 : i32
      %swap3A_1662 = arith.index_cast %swap3A_1661 : i32 to index
      %swap3A_1663 = arith.constant 0 : index
      %swap3A_1664 = tpu.vector_load %arg9[%swap3A_1662, %swap3A_1663] {strides = array<i32>} : memref<8x16xf32, #tpu.memory_space<vmem>>, vector<1x16xf32>,
      %swap3A_1665 = vector.shape_cast %swap3A_1664 : vector<1x16xf32> to vector<16xf32>
      %swap3A_1666 = vector.shape_cast %add3A_1660 : vector<16xf32> to vector<1x16xf32>
      tpu.vector_store %arg9[%swap3A_1662, %swap3A_1663], %swap3A_1666 {strides = array<i32>} : memref<8x16xf32, #tpu.memory_space<vmem>>, vector<1x16xf32>,
      %broadcast_in_dim3A_1667 = arith.constant 0.000000e+00 : f32
      %broadcast_in_dim3A_1668 = vector.broadcast %broadcast_in_dim3A_1667 : f32 to vector<16xf32>
      %parallel_loop3A_1669 = arith.constant 0 : i32
      %parallel_loop3A_1670 = arith.constant 25 : i32
      %parallel_loop3A_1671 = arith.constant 1 : i32
      %parallel_loop3A_1672 = arith.constant 1 : i32
      %parallel_loop3A_1673:8 = scf.for %parallel_loop3A_1783 = %parallel_loop3A_1669 to %parallel_loop3A_1670 step %parallel_loop3A_1671 iter_args(%parallel_loop3A_1784 = %broadcast_in_dim3A_1668, %parallel_loop3A_1785 = %broadcast_in_dim3A_1668, %parallel_loop3A_1786 = %broadcast_in_dim3A_1668, %parallel_loop3A_1787 = %broadcast_in_dim3A_1668, %parallel_loop3A_1788 = %broadcast_in_dim3A_1668, %parallel_loop3A_1789 = %broadcast_in_dim3A_1668, %parallel_loop3A_1790 = %broadcast_in_dim3A_1668, %parallel_loop3A_1791 = %broadcast_in_dim3A_1668) -> (vector<16xf32>, vector<16xf32>, vector<16xf32>, vector<16xf32>, vector<16xf32>, vector<16xf32>, vector<16xf32>, vector<16xf32>)  : i32 {
        %parallel_loop3A_1792 = arith.constant 8 : i32
        %parallel_loop3A_1793 = arith.muli %parallel_loop3A_1783, %parallel_loop3A_1792 : i32
        %parallel_loop3A_1794 = arith.constant 800 : i32
        %parallel_loop3A_1795 = arith.addi %parallel_loop3A_1794, %parallel_loop3A_1793 : i32
        %parallel_loop3A_1796 = arith.constant 0 : i32
        %parallel_loop3A_1797 = arith.addi %parallel_loop3A_1795, %parallel_loop3A_1796 : i32
        %parallel_loop3A_1798 = arith.constant 0 : i32
        %parallel_loop3A_1799 = arith.constant 0 : i32
        %parallel_loop3A_1800 = tpu.memref_slice %arg8[%parallel_loop3A_1672, %parallel_loop3A_1798, %parallel_loop3A_1799] : memref<2x1600x16xf32, #tpu.memory_space<vmem>> -> memref<1x1600x16xf32, #tpu.memory_space<vmem>>
        %parallel_loop3A_1801 = tpu.memref_squeeze %parallel_loop3A_1800 : memref<1x1600x16xf32, #tpu.memory_space<vmem>> -> memref<1600x16xf32, #tpu.memory_space<vmem>>
        %parallel_loop3A_1802 = arith.index_cast %parallel_loop3A_1797 : i32 to index
        %parallel_loop3A_1803 = arith.constant 0 : index
        %parallel_loop3A_1804 = tpu.vector_load %parallel_loop3A_1801[%parallel_loop3A_1802, %parallel_loop3A_1803] {strides = array<i32>} : memref<1600x16xf32, #tpu.memory_space<vmem>>, vector<1x16xf32>,
        %parallel_loop3A_1805 = vector.shape_cast %parallel_loop3A_1804 : vector<1x16xf32> to vector<16xf32>
        %parallel_loop3A_1806 = arith.addf %parallel_loop3A_1784, %parallel_loop3A_1805 : vector<16xf32>
        %parallel_loop3A_1807 = arith.constant 1 : i32
        %parallel_loop3A_1808 = arith.addi %parallel_loop3A_1795, %parallel_loop3A_1807 : i32
        %parallel_loop3A_1809 = arith.constant 0 : i32
        %parallel_loop3A_1810 = arith.constant 0 : i32
        %parallel_loop3A_1811 = tpu.memref_slice %arg8[%parallel_loop3A_1672, %parallel_loop3A_1809, %parallel_loop3A_1810] : memref<2x1600x16xf32, #tpu.memory_space<vmem>> -> memref<1x1600x16xf32, #tpu.memory_space<vmem>>
        %parallel_loop3A_1812 = tpu.memref_squeeze %parallel_loop3A_1811 : memref<1x1600x16xf32, #tpu.memory_space<vmem>> -> memref<1600x16xf32, #tpu.memory_space<vmem>>
        %parallel_loop3A_1813 = arith.index_cast %parallel_loop3A_1808 : i32 to index
        %parallel_loop3A_1814 = arith.constant 0 : index
        %parallel_loop3A_1815 = tpu.vector_load %parallel_loop3A_1812[%parallel_loop3A_1813, %parallel_loop3A_1814] {strides = array<i32>} : memref<1600x16xf32, #tpu.memory_space<vmem>>, vector<1x16xf32>,
        %parallel_loop3A_1816 = vector.shape_cast %parallel_loop3A_1815 : vector<1x16xf32> to vector<16xf32>
        %parallel_loop3A_1817 = arith.addf %parallel_loop3A_1785, %parallel_loop3A_1816 : vector<16xf32>
        %parallel_loop3A_1818 = arith.constant 2 : i32
        %parallel_loop3A_1819 = arith.addi %parallel_loop3A_1795, %parallel_loop3A_1818 : i32
        %parallel_loop3A_1820 = arith.constant 0 : i32
        %parallel_loop3A_1821 = arith.constant 0 : i32
        %parallel_loop3A_1822 = tpu.memref_slice %arg8[%parallel_loop3A_1672, %parallel_loop3A_1820, %parallel_loop3A_1821] : memref<2x1600x16xf32, #tpu.memory_space<vmem>> -> memref<1x1600x16xf32, #tpu.memory_space<vmem>>
        %parallel_loop3A_1823 = tpu.memref_squeeze %parallel_loop3A_1822 : memref<1x1600x16xf32, #tpu.memory_space<vmem>> -> memref<1600x16xf32, #tpu.memory_space<vmem>>
        %parallel_loop3A_1824 = arith.index_cast %parallel_loop3A_1819 : i32 to index
        %parallel_loop3A_1825 = arith.constant 0 : index
        %parallel_loop3A_1826 = tpu.vector_load %parallel_loop3A_1823[%parallel_loop3A_1824, %parallel_loop3A_1825] {strides = array<i32>} : memref<1600x16xf32, #tpu.memory_space<vmem>>, vector<1x16xf32>,
        %parallel_loop3A_1827 = vector.shape_cast %parallel_loop3A_1826 : vector<1x16xf32> to vector<16xf32>
        %parallel_loop3A_1828 = arith.addf %parallel_loop3A_1786, %parallel_loop3A_1827 : vector<16xf32>
        %parallel_loop3A_1829 = arith.constant 3 : i32
        %parallel_loop3A_1830 = arith.addi %parallel_loop3A_1795, %parallel_loop3A_1829 : i32
        %parallel_loop3A_1831 = arith.constant 0 : i32
        %parallel_loop3A_1832 = arith.constant 0 : i32
        %parallel_loop3A_1833 = tpu.memref_slice %arg8[%parallel_loop3A_1672, %parallel_loop3A_1831, %parallel_loop3A_1832] : memref<2x1600x16xf32, #tpu.memory_space<vmem>> -> memref<1x1600x16xf32, #tpu.memory_space<vmem>>
        %parallel_loop3A_1834 = tpu.memref_squeeze %parallel_loop3A_1833 : memref<1x1600x16xf32, #tpu.memory_space<vmem>> -> memref<1600x16xf32, #tpu.memory_space<vmem>>
        %parallel_loop3A_1835 = arith.index_cast %parallel_loop3A_1830 : i32 to index
        %parallel_loop3A_1836 = arith.constant 0 : index
        %parallel_loop3A_1837 = tpu.vector_load %parallel_loop3A_1834[%parallel_loop3A_1835, %parallel_loop3A_1836] {strides = array<i32>} : memref<1600x16xf32, #tpu.memory_space<vmem>>, vector<1x16xf32>,
        %parallel_loop3A_1838 = vector.shape_cast %parallel_loop3A_1837 : vector<1x16xf32> to vector<16xf32>
        %parallel_loop3A_1839 = arith.addf %parallel_loop3A_1787, %parallel_loop3A_1838 : vector<16xf32>
        %parallel_loop3A_1840 = arith.constant 4 : i32
        %parallel_loop3A_1841 = arith.addi %parallel_loop3A_1795, %parallel_loop3A_1840 : i32
        %parallel_loop3A_1842 = arith.constant 0 : i32
        %parallel_loop3A_1843 = arith.constant 0 : i32
        %parallel_loop3A_1844 = tpu.memref_slice %arg8[%parallel_loop3A_1672, %parallel_loop3A_1842, %parallel_loop3A_1843] : memref<2x1600x16xf32, #tpu.memory_space<vmem>> -> memref<1x1600x16xf32, #tpu.memory_space<vmem>>
        %parallel_loop3A_1845 = tpu.memref_squeeze %parallel_loop3A_1844 : memref<1x1600x16xf32, #tpu.memory_space<vmem>> -> memref<1600x16xf32, #tpu.memory_space<vmem>>
        %parallel_loop3A_1846 = arith.index_cast %parallel_loop3A_1841 : i32 to index
        %parallel_loop3A_1847 = arith.constant 0 : index
        %parallel_loop3A_1848 = tpu.vector_load %parallel_loop3A_1845[%parallel_loop3A_1846, %parallel_loop3A_1847] {strides = array<i32>} : memref<1600x16xf32, #tpu.memory_space<vmem>>, vector<1x16xf32>,
        %parallel_loop3A_1849 = vector.shape_cast %parallel_loop3A_1848 : vector<1x16xf32> to vector<16xf32>
        %parallel_loop3A_1850 = arith.addf %parallel_loop3A_1788, %parallel_loop3A_1849 : vector<16xf32>
        %parallel_loop3A_1851 = arith.constant 5 : i32
        %parallel_loop3A_1852 = arith.addi %parallel_loop3A_1795, %parallel_loop3A_1851 : i32
        %parallel_loop3A_1853 = arith.constant 0 : i32
        %parallel_loop3A_1854 = arith.constant 0 : i32
        %parallel_loop3A_1855 = tpu.memref_slice %arg8[%parallel_loop3A_1672, %parallel_loop3A_1853, %parallel_loop3A_1854] : memref<2x1600x16xf32, #tpu.memory_space<vmem>> -> memref<1x1600x16xf32, #tpu.memory_space<vmem>>
        %parallel_loop3A_1856 = tpu.memref_squeeze %parallel_loop3A_1855 : memref<1x1600x16xf32, #tpu.memory_space<vmem>> -> memref<1600x16xf32, #tpu.memory_space<vmem>>
        %parallel_loop3A_1857 = arith.index_cast %parallel_loop3A_1852 : i32 to index
        %parallel_loop3A_1858 = arith.constant 0 : index
        %parallel_loop3A_1859 = tpu.vector_load %parallel_loop3A_1856[%parallel_loop3A_1857, %parallel_loop3A_1858] {strides = array<i32>} : memref<1600x16xf32, #tpu.memory_space<vmem>>, vector<1x16xf32>,
        %parallel_loop3A_1860 = vector.shape_cast %parallel_loop3A_1859 : vector<1x16xf32> to vector<16xf32>
        %parallel_loop3A_1861 = arith.addf %parallel_loop3A_1789, %parallel_loop3A_1860 : vector<16xf32>
        %parallel_loop3A_1862 = arith.constant 6 : i32
        %parallel_loop3A_1863 = arith.addi %parallel_loop3A_1795, %parallel_loop3A_1862 : i32
        %parallel_loop3A_1864 = arith.constant 0 : i32
        %parallel_loop3A_1865 = arith.constant 0 : i32
        %parallel_loop3A_1866 = tpu.memref_slice %arg8[%parallel_loop3A_1672, %parallel_loop3A_1864, %parallel_loop3A_1865] : memref<2x1600x16xf32, #tpu.memory_space<vmem>> -> memref<1x1600x16xf32, #tpu.memory_space<vmem>>
        %parallel_loop3A_1867 = tpu.memref_squeeze %parallel_loop3A_1866 : memref<1x1600x16xf32, #tpu.memory_space<vmem>> -> memref<1600x16xf32, #tpu.memory_space<vmem>>
        %parallel_loop3A_1868 = arith.index_cast %parallel_loop3A_1863 : i32 to index
        %parallel_loop3A_1869 = arith.constant 0 : index
        %parallel_loop3A_1870 = tpu.vector_load %parallel_loop3A_1867[%parallel_loop3A_1868, %parallel_loop3A_1869] {strides = array<i32>} : memref<1600x16xf32, #tpu.memory_space<vmem>>, vector<1x16xf32>,
        %parallel_loop3A_1871 = vector.shape_cast %parallel_loop3A_1870 : vector<1x16xf32> to vector<16xf32>
        %parallel_loop3A_1872 = arith.addf %parallel_loop3A_1790, %parallel_loop3A_1871 : vector<16xf32>
        %parallel_loop3A_1873 = arith.constant 7 : i32
        %parallel_loop3A_1874 = arith.addi %parallel_loop3A_1795, %parallel_loop3A_1873 : i32
        %parallel_loop3A_1875 = arith.constant 0 : i32
        %parallel_loop3A_1876 = arith.constant 0 : i32
        %parallel_loop3A_1877 = tpu.memref_slice %arg8[%parallel_loop3A_1672, %parallel_loop3A_1875, %parallel_loop3A_1876] : memref<2x1600x16xf32, #tpu.memory_space<vmem>> -> memref<1x1600x16xf32, #tpu.memory_space<vmem>>
        %parallel_loop3A_1878 = tpu.memref_squeeze %parallel_loop3A_1877 : memref<1x1600x16xf32, #tpu.memory_space<vmem>> -> memref<1600x16xf32, #tpu.memory_space<vmem>>
        %parallel_loop3A_1879 = arith.index_cast %parallel_loop3A_1874 : i32 to index
        %parallel_loop3A_1880 = arith.constant 0 : index
        %parallel_loop3A_1881 = tpu.vector_load %parallel_loop3A_1878[%parallel_loop3A_1879, %parallel_loop3A_1880] {strides = array<i32>} : memref<1600x16xf32, #tpu.memory_space<vmem>>, vector<1x16xf32>,
        %parallel_loop3A_1882 = vector.shape_cast %parallel_loop3A_1881 : vector<1x16xf32> to vector<16xf32>
        %parallel_loop3A_1883 = arith.addf %parallel_loop3A_1791, %parallel_loop3A_1882 : vector<16xf32>
        scf.yield %parallel_loop3A_1806, %parallel_loop3A_1817, %parallel_loop3A_1828, %parallel_loop3A_1839, %parallel_loop3A_1850, %parallel_loop3A_1861, %parallel_loop3A_1872, %parallel_loop3A_1883 : vector<16xf32>, vector<16xf32>, vector<16xf32>, vector<16xf32>, vector<16xf32>, vector<16xf32>, vector<16xf32>, vector<16xf32>
      } {sc.loop_unroll_factor = 2 : i64, sc.parallel_access}
      %add3A_1674 = arith.addf %parallel_loop3A_1673#0, %parallel_loop3A_1673#1 : vector<16xf32>
      %add3A_1675 = arith.addf %parallel_loop3A_1673#2, %parallel_loop3A_1673#3 : vector<16xf32>
      %add3A_1676 = arith.addf %add3A_1674, %add3A_1675 : vector<16xf32>
      %add3A_1677 = arith.addf %parallel_loop3A_1673#4, %parallel_loop3A_1673#5 : vector<16xf32>
      %add3A_1678 = arith.addf %parallel_loop3A_1673#6, %parallel_loop3A_1673#7 : vector<16xf32>
      %add3A_1679 = arith.addf %add3A_1677, %add3A_1678 : vector<16xf32>
      %get3A_1680 = arith.index_cast %add3A_1544 : i32 to index
      %get3A_1681 = arith.constant 64 : index
      %get3A_1682 = tpu.vector_load %arg10[%get3A_1680, %get3A_1681] {strides = array<i32>} : memref<64x128xf32, #tpu.memory_space<vmem>>, vector<1x16xf32>,
      %get3A_1683 = vector.shape_cast %get3A_1682 : vector<1x16xf32> to vector<16xf32>
      %add3A_1684 = arith.addf %add3A_1676, %add3A_1679 : vector<16xf32>
      %mul3A_1685 = arith.mulf %add3A_1684, %get3A_1683 : vector<16xf32>
      %get3A_1686 = arith.constant 0 : index
      %get3A_1687 = tpu.vector_load %arg11[%get3A_1686] {strides = array<i32>} : memref<16xf32, #tpu.memory_space<vmem>>, vector<16xf32>,
      %get3A_1688 = vector.shape_cast %get3A_1687 : vector<16xf32> to vector<16xf32>
      %add3A_1689 = arith.addf %mul3A_1685, %get3A_1688 : vector<16xf32>
      %swap3A_1690 = arith.constant 4 : i32
      %swap3A_1691 = arith.index_cast %swap3A_1690 : i32 to index
      %swap3A_1692 = arith.constant 0 : index
      %swap3A_1693 = tpu.vector_load %arg9[%swap3A_1691, %swap3A_1692] {strides = array<i32>} : memref<8x16xf32, #tpu.memory_space<vmem>>, vector<1x16xf32>,
      %swap3A_1694 = vector.shape_cast %swap3A_1693 : vector<1x16xf32> to vector<16xf32>
      %swap3A_1695 = vector.shape_cast %add3A_1689 : vector<16xf32> to vector<1x16xf32>
      tpu.vector_store %arg9[%swap3A_1691, %swap3A_1692], %swap3A_1695 {strides = array<i32>} : memref<8x16xf32, #tpu.memory_space<vmem>>, vector<1x16xf32>,
      %broadcast_in_dim3A_1696 = arith.constant 0.000000e+00 : f32
      %broadcast_in_dim3A_1697 = vector.broadcast %broadcast_in_dim3A_1696 : f32 to vector<16xf32>
      %parallel_loop3A_1698 = arith.constant 0 : i32
      %parallel_loop3A_1699 = arith.constant 25 : i32
      %parallel_loop3A_1700 = arith.constant 1 : i32
      %parallel_loop3A_1701 = arith.constant 1 : i32
      %parallel_loop3A_1702:8 = scf.for %parallel_loop3A_1783 = %parallel_loop3A_1698 to %parallel_loop3A_1699 step %parallel_loop3A_1700 iter_args(%parallel_loop3A_1784 = %broadcast_in_dim3A_1697, %parallel_loop3A_1785 = %broadcast_in_dim3A_1697, %parallel_loop3A_1786 = %broadcast_in_dim3A_1697, %parallel_loop3A_1787 = %broadcast_in_dim3A_1697, %parallel_loop3A_1788 = %broadcast_in_dim3A_1697, %parallel_loop3A_1789 = %broadcast_in_dim3A_1697, %parallel_loop3A_1790 = %broadcast_in_dim3A_1697, %parallel_loop3A_1791 = %broadcast_in_dim3A_1697) -> (vector<16xf32>, vector<16xf32>, vector<16xf32>, vector<16xf32>, vector<16xf32>, vector<16xf32>, vector<16xf32>, vector<16xf32>)  : i32 {
        %parallel_loop3A_1792 = arith.constant 8 : i32
        %parallel_loop3A_1793 = arith.muli %parallel_loop3A_1783, %parallel_loop3A_1792 : i32
        %parallel_loop3A_1794 = arith.constant 1000 : i32
        %parallel_loop3A_1795 = arith.addi %parallel_loop3A_1794, %parallel_loop3A_1793 : i32
        %parallel_loop3A_1796 = arith.constant 0 : i32
        %parallel_loop3A_1797 = arith.addi %parallel_loop3A_1795, %parallel_loop3A_1796 : i32
        %parallel_loop3A_1798 = arith.constant 0 : i32
        %parallel_loop3A_1799 = arith.constant 0 : i32
        %parallel_loop3A_1800 = tpu.memref_slice %arg8[%parallel_loop3A_1701, %parallel_loop3A_1798, %parallel_loop3A_1799] : memref<2x1600x16xf32, #tpu.memory_space<vmem>> -> memref<1x1600x16xf32, #tpu.memory_space<vmem>>
        %parallel_loop3A_1801 = tpu.memref_squeeze %parallel_loop3A_1800 : memref<1x1600x16xf32, #tpu.memory_space<vmem>> -> memref<1600x16xf32, #tpu.memory_space<vmem>>
        %parallel_loop3A_1802 = arith.index_cast %parallel_loop3A_1797 : i32 to index
        %parallel_loop3A_1803 = arith.constant 0 : index
        %parallel_loop3A_1804 = tpu.vector_load %parallel_loop3A_1801[%parallel_loop3A_1802, %parallel_loop3A_1803] {strides = array<i32>} : memref<1600x16xf32, #tpu.memory_space<vmem>>, vector<1x16xf32>,
        %parallel_loop3A_1805 = vector.shape_cast %parallel_loop3A_1804 : vector<1x16xf32> to vector<16xf32>
        %parallel_loop3A_1806 = arith.addf %parallel_loop3A_1784, %parallel_loop3A_1805 : vector<16xf32>
        %parallel_loop3A_1807 = arith.constant 1 : i32
        %parallel_loop3A_1808 = arith.addi %parallel_loop3A_1795, %parallel_loop3A_1807 : i32
        %parallel_loop3A_1809 = arith.constant 0 : i32
        %parallel_loop3A_1810 = arith.constant 0 : i32
        %parallel_loop3A_1811 = tpu.memref_slice %arg8[%parallel_loop3A_1701, %parallel_loop3A_1809, %parallel_loop3A_1810] : memref<2x1600x16xf32, #tpu.memory_space<vmem>> -> memref<1x1600x16xf32, #tpu.memory_space<vmem>>
        %parallel_loop3A_1812 = tpu.memref_squeeze %parallel_loop3A_1811 : memref<1x1600x16xf32, #tpu.memory_space<vmem>> -> memref<1600x16xf32, #tpu.memory_space<vmem>>
        %parallel_loop3A_1813 = arith.index_cast %parallel_loop3A_1808 : i32 to index
        %parallel_loop3A_1814 = arith.constant 0 : index
        %parallel_loop3A_1815 = tpu.vector_load %parallel_loop3A_1812[%parallel_loop3A_1813, %parallel_loop3A_1814] {strides = array<i32>} : memref<1600x16xf32, #tpu.memory_space<vmem>>, vector<1x16xf32>,
        %parallel_loop3A_1816 = vector.shape_cast %parallel_loop3A_1815 : vector<1x16xf32> to vector<16xf32>
        %parallel_loop3A_1817 = arith.addf %parallel_loop3A_1785, %parallel_loop3A_1816 : vector<16xf32>
        %parallel_loop3A_1818 = arith.constant 2 : i32
        %parallel_loop3A_1819 = arith.addi %parallel_loop3A_1795, %parallel_loop3A_1818 : i32
        %parallel_loop3A_1820 = arith.constant 0 : i32
        %parallel_loop3A_1821 = arith.constant 0 : i32
        %parallel_loop3A_1822 = tpu.memref_slice %arg8[%parallel_loop3A_1701, %parallel_loop3A_1820, %parallel_loop3A_1821] : memref<2x1600x16xf32, #tpu.memory_space<vmem>> -> memref<1x1600x16xf32, #tpu.memory_space<vmem>>
        %parallel_loop3A_1823 = tpu.memref_squeeze %parallel_loop3A_1822 : memref<1x1600x16xf32, #tpu.memory_space<vmem>> -> memref<1600x16xf32, #tpu.memory_space<vmem>>
        %parallel_loop3A_1824 = arith.index_cast %parallel_loop3A_1819 : i32 to index
        %parallel_loop3A_1825 = arith.constant 0 : index
        %parallel_loop3A_1826 = tpu.vector_load %parallel_loop3A_1823[%parallel_loop3A_1824, %parallel_loop3A_1825] {strides = array<i32>} : memref<1600x16xf32, #tpu.memory_space<vmem>>, vector<1x16xf32>,
        %parallel_loop3A_1827 = vector.shape_cast %parallel_loop3A_1826 : vector<1x16xf32> to vector<16xf32>
        %parallel_loop3A_1828 = arith.addf %parallel_loop3A_1786, %parallel_loop3A_1827 : vector<16xf32>
        %parallel_loop3A_1829 = arith.constant 3 : i32
        %parallel_loop3A_1830 = arith.addi %parallel_loop3A_1795, %parallel_loop3A_1829 : i32
        %parallel_loop3A_1831 = arith.constant 0 : i32
        %parallel_loop3A_1832 = arith.constant 0 : i32
        %parallel_loop3A_1833 = tpu.memref_slice %arg8[%parallel_loop3A_1701, %parallel_loop3A_1831, %parallel_loop3A_1832] : memref<2x1600x16xf32, #tpu.memory_space<vmem>> -> memref<1x1600x16xf32, #tpu.memory_space<vmem>>
        %parallel_loop3A_1834 = tpu.memref_squeeze %parallel_loop3A_1833 : memref<1x1600x16xf32, #tpu.memory_space<vmem>> -> memref<1600x16xf32, #tpu.memory_space<vmem>>
        %parallel_loop3A_1835 = arith.index_cast %parallel_loop3A_1830 : i32 to index
        %parallel_loop3A_1836 = arith.constant 0 : index
        %parallel_loop3A_1837 = tpu.vector_load %parallel_loop3A_1834[%parallel_loop3A_1835, %parallel_loop3A_1836] {strides = array<i32>} : memref<1600x16xf32, #tpu.memory_space<vmem>>, vector<1x16xf32>,
        %parallel_loop3A_1838 = vector.shape_cast %parallel_loop3A_1837 : vector<1x16xf32> to vector<16xf32>
        %parallel_loop3A_1839 = arith.addf %parallel_loop3A_1787, %parallel_loop3A_1838 : vector<16xf32>
        %parallel_loop3A_1840 = arith.constant 4 : i32
        %parallel_loop3A_1841 = arith.addi %parallel_loop3A_1795, %parallel_loop3A_1840 : i32
        %parallel_loop3A_1842 = arith.constant 0 : i32
        %parallel_loop3A_1843 = arith.constant 0 : i32
        %parallel_loop3A_1844 = tpu.memref_slice %arg8[%parallel_loop3A_1701, %parallel_loop3A_1842, %parallel_loop3A_1843] : memref<2x1600x16xf32, #tpu.memory_space<vmem>> -> memref<1x1600x16xf32, #tpu.memory_space<vmem>>
        %parallel_loop3A_1845 = tpu.memref_squeeze %parallel_loop3A_1844 : memref<1x1600x16xf32, #tpu.memory_space<vmem>> -> memref<1600x16xf32, #tpu.memory_space<vmem>>
        %parallel_loop3A_1846 = arith.index_cast %parallel_loop3A_1841 : i32 to index
        %parallel_loop3A_1847 = arith.constant 0 : index
        %parallel_loop3A_1848 = tpu.vector_load %parallel_loop3A_1845[%parallel_loop3A_1846, %parallel_loop3A_1847] {strides = array<i32>} : memref<1600x16xf32, #tpu.memory_space<vmem>>, vector<1x16xf32>,
        %parallel_loop3A_1849 = vector.shape_cast %parallel_loop3A_1848 : vector<1x16xf32> to vector<16xf32>
        %parallel_loop3A_1850 = arith.addf %parallel_loop3A_1788, %parallel_loop3A_1849 : vector<16xf32>
        %parallel_loop3A_1851 = arith.constant 5 : i32
        %parallel_loop3A_1852 = arith.addi %parallel_loop3A_1795, %parallel_loop3A_1851 : i32
        %parallel_loop3A_1853 = arith.constant 0 : i32
        %parallel_loop3A_1854 = arith.constant 0 : i32
        %parallel_loop3A_1855 = tpu.memref_slice %arg8[%parallel_loop3A_1701, %parallel_loop3A_1853, %parallel_loop3A_1854] : memref<2x1600x16xf32, #tpu.memory_space<vmem>> -> memref<1x1600x16xf32, #tpu.memory_space<vmem>>
        %parallel_loop3A_1856 = tpu.memref_squeeze %parallel_loop3A_1855 : memref<1x1600x16xf32, #tpu.memory_space<vmem>> -> memref<1600x16xf32, #tpu.memory_space<vmem>>
        %parallel_loop3A_1857 = arith.index_cast %parallel_loop3A_1852 : i32 to index
        %parallel_loop3A_1858 = arith.constant 0 : index
        %parallel_loop3A_1859 = tpu.vector_load %parallel_loop3A_1856[%parallel_loop3A_1857, %parallel_loop3A_1858] {strides = array<i32>} : memref<1600x16xf32, #tpu.memory_space<vmem>>, vector<1x16xf32>,
        %parallel_loop3A_1860 = vector.shape_cast %parallel_loop3A_1859 : vector<1x16xf32> to vector<16xf32>
        %parallel_loop3A_1861 = arith.addf %parallel_loop3A_1789, %parallel_loop3A_1860 : vector<16xf32>
        %parallel_loop3A_1862 = arith.constant 6 : i32
        %parallel_loop3A_1863 = arith.addi %parallel_loop3A_1795, %parallel_loop3A_1862 : i32
        %parallel_loop3A_1864 = arith.constant 0 : i32
        %parallel_loop3A_1865 = arith.constant 0 : i32
        %parallel_loop3A_1866 = tpu.memref_slice %arg8[%parallel_loop3A_1701, %parallel_loop3A_1864, %parallel_loop3A_1865] : memref<2x1600x16xf32, #tpu.memory_space<vmem>> -> memref<1x1600x16xf32, #tpu.memory_space<vmem>>
        %parallel_loop3A_1867 = tpu.memref_squeeze %parallel_loop3A_1866 : memref<1x1600x16xf32, #tpu.memory_space<vmem>> -> memref<1600x16xf32, #tpu.memory_space<vmem>>
        %parallel_loop3A_1868 = arith.index_cast %parallel_loop3A_1863 : i32 to index
        %parallel_loop3A_1869 = arith.constant 0 : index
        %parallel_loop3A_1870 = tpu.vector_load %parallel_loop3A_1867[%parallel_loop3A_1868, %parallel_loop3A_1869] {strides = array<i32>} : memref<1600x16xf32, #tpu.memory_space<vmem>>, vector<1x16xf32>,
        %parallel_loop3A_1871 = vector.shape_cast %parallel_loop3A_1870 : vector<1x16xf32> to vector<16xf32>
        %parallel_loop3A_1872 = arith.addf %parallel_loop3A_1790, %parallel_loop3A_1871 : vector<16xf32>
        %parallel_loop3A_1873 = arith.constant 7 : i32
        %parallel_loop3A_1874 = arith.addi %parallel_loop3A_1795, %parallel_loop3A_1873 : i32
        %parallel_loop3A_1875 = arith.constant 0 : i32
        %parallel_loop3A_1876 = arith.constant 0 : i32
        %parallel_loop3A_1877 = tpu.memref_slice %arg8[%parallel_loop3A_1701, %parallel_loop3A_1875, %parallel_loop3A_1876] : memref<2x1600x16xf32, #tpu.memory_space<vmem>> -> memref<1x1600x16xf32, #tpu.memory_space<vmem>>
        %parallel_loop3A_1878 = tpu.memref_squeeze %parallel_loop3A_1877 : memref<1x1600x16xf32, #tpu.memory_space<vmem>> -> memref<1600x16xf32, #tpu.memory_space<vmem>>
        %parallel_loop3A_1879 = arith.index_cast %parallel_loop3A_1874 : i32 to index
        %parallel_loop3A_1880 = arith.constant 0 : index
        %parallel_loop3A_1881 = tpu.vector_load %parallel_loop3A_1878[%parallel_loop3A_1879, %parallel_loop3A_1880] {strides = array<i32>} : memref<1600x16xf32, #tpu.memory_space<vmem>>, vector<1x16xf32>,
        %parallel_loop3A_1882 = vector.shape_cast %parallel_loop3A_1881 : vector<1x16xf32> to vector<16xf32>
        %parallel_loop3A_1883 = arith.addf %parallel_loop3A_1791, %parallel_loop3A_1882 : vector<16xf32>
        scf.yield %parallel_loop3A_1806, %parallel_loop3A_1817, %parallel_loop3A_1828, %parallel_loop3A_1839, %parallel_loop3A_1850, %parallel_loop3A_1861, %parallel_loop3A_1872, %parallel_loop3A_1883 : vector<16xf32>, vector<16xf32>, vector<16xf32>, vector<16xf32>, vector<16xf32>, vector<16xf32>, vector<16xf32>, vector<16xf32>
      } {sc.loop_unroll_factor = 2 : i64, sc.parallel_access}
      %add3A_1703 = arith.addf %parallel_loop3A_1702#0, %parallel_loop3A_1702#1 : vector<16xf32>
      %add3A_1704 = arith.addf %parallel_loop3A_1702#2, %parallel_loop3A_1702#3 : vector<16xf32>
      %add3A_1705 = arith.addf %add3A_1703, %add3A_1704 : vector<16xf32>
      %add3A_1706 = arith.addf %parallel_loop3A_1702#4, %parallel_loop3A_1702#5 : vector<16xf32>
      %add3A_1707 = arith.addf %parallel_loop3A_1702#6, %parallel_loop3A_1702#7 : vector<16xf32>
      %add3A_1708 = arith.addf %add3A_1706, %add3A_1707 : vector<16xf32>
      %get3A_1709 = arith.index_cast %add3A_1544 : i32 to index
      %get3A_1710 = arith.constant 80 : index
      %get3A_1711 = tpu.vector_load %arg10[%get3A_1709, %get3A_1710] {strides = array<i32>} : memref<64x128xf32, #tpu.memory_space<vmem>>, vector<1x16xf32>,
      %get3A_1712 = vector.shape_cast %get3A_1711 : vector<1x16xf32> to vector<16xf32>
      %add3A_1713 = arith.addf %add3A_1705, %add3A_1708 : vector<16xf32>
      %mul3A_1714 = arith.mulf %add3A_1713, %get3A_1712 : vector<16xf32>
      %get3A_1715 = arith.constant 0 : index
      %get3A_1716 = tpu.vector_load %arg11[%get3A_1715] {strides = array<i32>} : memref<16xf32, #tpu.memory_space<vmem>>, vector<16xf32>,
      %get3A_1717 = vector.shape_cast %get3A_1716 : vector<16xf32> to vector<16xf32>
      %add3A_1718 = arith.addf %mul3A_1714, %get3A_1717 : vector<16xf32>
      %swap3A_1719 = arith.constant 5 : i32
      %swap3A_1720 = arith.index_cast %swap3A_1719 : i32 to index
      %swap3A_1721 = arith.constant 0 : index
      %swap3A_1722 = tpu.vector_load %arg9[%swap3A_1720, %swap3A_1721] {strides = array<i32>} : memref<8x16xf32, #tpu.memory_space<vmem>>, vector<1x16xf32>,
      %swap3A_1723 = vector.shape_cast %swap3A_1722 : vector<1x16xf32> to vector<16xf32>
      %swap3A_1724 = vector.shape_cast %add3A_1718 : vector<16xf32> to vector<1x16xf32>
      tpu.vector_store %arg9[%swap3A_1720, %swap3A_1721], %swap3A_1724 {strides = array<i32>} : memref<8x16xf32, #tpu.memory_space<vmem>>, vector<1x16xf32>,
      %broadcast_in_dim3A_1725 = arith.constant 0.000000e+00 : f32
      %broadcast_in_dim3A_1726 = vector.broadcast %broadcast_in_dim3A_1725 : f32 to vector<16xf32>
      %parallel_loop3A_1727 = arith.constant 0 : i32
      %parallel_loop3A_1728 = arith.constant 25 : i32
      %parallel_loop3A_1729 = arith.constant 1 : i32
      %parallel_loop3A_1730 = arith.constant 1 : i32
      %parallel_loop3A_1731:8 = scf.for %parallel_loop3A_1783 = %parallel_loop3A_1727 to %parallel_loop3A_1728 step %parallel_loop3A_1729 iter_args(%parallel_loop3A_1784 = %broadcast_in_dim3A_1726, %parallel_loop3A_1785 = %broadcast_in_dim3A_1726, %parallel_loop3A_1786 = %broadcast_in_dim3A_1726, %parallel_loop3A_1787 = %broadcast_in_dim3A_1726, %parallel_loop3A_1788 = %broadcast_in_dim3A_1726, %parallel_loop3A_1789 = %broadcast_in_dim3A_1726, %parallel_loop3A_1790 = %broadcast_in_dim3A_1726, %parallel_loop3A_1791 = %broadcast_in_dim3A_1726) -> (vector<16xf32>, vector<16xf32>, vector<16xf32>, vector<16xf32>, vector<16xf32>, vector<16xf32>, vector<16xf32>, vector<16xf32>)  : i32 {
        %parallel_loop3A_1792 = arith.constant 8 : i32
        %parallel_loop3A_1793 = arith.muli %parallel_loop3A_1783, %parallel_loop3A_1792 : i32
        %parallel_loop3A_1794 = arith.constant 1200 : i32
        %parallel_loop3A_1795 = arith.addi %parallel_loop3A_1794, %parallel_loop3A_1793 : i32
        %parallel_loop3A_1796 = arith.constant 0 : i32
        %parallel_loop3A_1797 = arith.addi %parallel_loop3A_1795, %parallel_loop3A_1796 : i32
        %parallel_loop3A_1798 = arith.constant 0 : i32
        %parallel_loop3A_1799 = arith.constant 0 : i32
        %parallel_loop3A_1800 = tpu.memref_slice %arg8[%parallel_loop3A_1730, %parallel_loop3A_1798, %parallel_loop3A_1799] : memref<2x1600x16xf32, #tpu.memory_space<vmem>> -> memref<1x1600x16xf32, #tpu.memory_space<vmem>>
        %parallel_loop3A_1801 = tpu.memref_squeeze %parallel_loop3A_1800 : memref<1x1600x16xf32, #tpu.memory_space<vmem>> -> memref<1600x16xf32, #tpu.memory_space<vmem>>
        %parallel_loop3A_1802 = arith.index_cast %parallel_loop3A_1797 : i32 to index
        %parallel_loop3A_1803 = arith.constant 0 : index
        %parallel_loop3A_1804 = tpu.vector_load %parallel_loop3A_1801[%parallel_loop3A_1802, %parallel_loop3A_1803] {strides = array<i32>} : memref<1600x16xf32, #tpu.memory_space<vmem>>, vector<1x16xf32>,
        %parallel_loop3A_1805 = vector.shape_cast %parallel_loop3A_1804 : vector<1x16xf32> to vector<16xf32>
        %parallel_loop3A_1806 = arith.addf %parallel_loop3A_1784, %parallel_loop3A_1805 : vector<16xf32>
        %parallel_loop3A_1807 = arith.constant 1 : i32
        %parallel_loop3A_1808 = arith.addi %parallel_loop3A_1795, %parallel_loop3A_1807 : i32
        %parallel_loop3A_1809 = arith.constant 0 : i32
        %parallel_loop3A_1810 = arith.constant 0 : i32
        %parallel_loop3A_1811 = tpu.memref_slice %arg8[%parallel_loop3A_1730, %parallel_loop3A_1809, %parallel_loop3A_1810] : memref<2x1600x16xf32, #tpu.memory_space<vmem>> -> memref<1x1600x16xf32, #tpu.memory_space<vmem>>
        %parallel_loop3A_1812 = tpu.memref_squeeze %parallel_loop3A_1811 : memref<1x1600x16xf32, #tpu.memory_space<vmem>> -> memref<1600x16xf32, #tpu.memory_space<vmem>>
        %parallel_loop3A_1813 = arith.index_cast %parallel_loop3A_1808 : i32 to index
        %parallel_loop3A_1814 = arith.constant 0 : index
        %parallel_loop3A_1815 = tpu.vector_load %parallel_loop3A_1812[%parallel_loop3A_1813, %parallel_loop3A_1814] {strides = array<i32>} : memref<1600x16xf32, #tpu.memory_space<vmem>>, vector<1x16xf32>,
        %parallel_loop3A_1816 = vector.shape_cast %parallel_loop3A_1815 : vector<1x16xf32> to vector<16xf32>
        %parallel_loop3A_1817 = arith.addf %parallel_loop3A_1785, %parallel_loop3A_1816 : vector<16xf32>
        %parallel_loop3A_1818 = arith.constant 2 : i32
        %parallel_loop3A_1819 = arith.addi %parallel_loop3A_1795, %parallel_loop3A_1818 : i32
        %parallel_loop3A_1820 = arith.constant 0 : i32
        %parallel_loop3A_1821 = arith.constant 0 : i32
        %parallel_loop3A_1822 = tpu.memref_slice %arg8[%parallel_loop3A_1730, %parallel_loop3A_1820, %parallel_loop3A_1821] : memref<2x1600x16xf32, #tpu.memory_space<vmem>> -> memref<1x1600x16xf32, #tpu.memory_space<vmem>>
        %parallel_loop3A_1823 = tpu.memref_squeeze %parallel_loop3A_1822 : memref<1x1600x16xf32, #tpu.memory_space<vmem>> -> memref<1600x16xf32, #tpu.memory_space<vmem>>
        %parallel_loop3A_1824 = arith.index_cast %parallel_loop3A_1819 : i32 to index
        %parallel_loop3A_1825 = arith.constant 0 : index
        %parallel_loop3A_1826 = tpu.vector_load %parallel_loop3A_1823[%parallel_loop3A_1824, %parallel_loop3A_1825] {strides = array<i32>} : memref<1600x16xf32, #tpu.memory_space<vmem>>, vector<1x16xf32>,
        %parallel_loop3A_1827 = vector.shape_cast %parallel_loop3A_1826 : vector<1x16xf32> to vector<16xf32>
        %parallel_loop3A_1828 = arith.addf %parallel_loop3A_1786, %parallel_loop3A_1827 : vector<16xf32>
        %parallel_loop3A_1829 = arith.constant 3 : i32
        %parallel_loop3A_1830 = arith.addi %parallel_loop3A_1795, %parallel_loop3A_1829 : i32
        %parallel_loop3A_1831 = arith.constant 0 : i32
        %parallel_loop3A_1832 = arith.constant 0 : i32
        %parallel_loop3A_1833 = tpu.memref_slice %arg8[%parallel_loop3A_1730, %parallel_loop3A_1831, %parallel_loop3A_1832] : memref<2x1600x16xf32, #tpu.memory_space<vmem>> -> memref<1x1600x16xf32, #tpu.memory_space<vmem>>
        %parallel_loop3A_1834 = tpu.memref_squeeze %parallel_loop3A_1833 : memref<1x1600x16xf32, #tpu.memory_space<vmem>> -> memref<1600x16xf32, #tpu.memory_space<vmem>>
        %parallel_loop3A_1835 = arith.index_cast %parallel_loop3A_1830 : i32 to index
        %parallel_loop3A_1836 = arith.constant 0 : index
        %parallel_loop3A_1837 = tpu.vector_load %parallel_loop3A_1834[%parallel_loop3A_1835, %parallel_loop3A_1836] {strides = array<i32>} : memref<1600x16xf32, #tpu.memory_space<vmem>>, vector<1x16xf32>,
        %parallel_loop3A_1838 = vector.shape_cast %parallel_loop3A_1837 : vector<1x16xf32> to vector<16xf32>
        %parallel_loop3A_1839 = arith.addf %parallel_loop3A_1787, %parallel_loop3A_1838 : vector<16xf32>
        %parallel_loop3A_1840 = arith.constant 4 : i32
        %parallel_loop3A_1841 = arith.addi %parallel_loop3A_1795, %parallel_loop3A_1840 : i32
        %parallel_loop3A_1842 = arith.constant 0 : i32
        %parallel_loop3A_1843 = arith.constant 0 : i32
        %parallel_loop3A_1844 = tpu.memref_slice %arg8[%parallel_loop3A_1730, %parallel_loop3A_1842, %parallel_loop3A_1843] : memref<2x1600x16xf32, #tpu.memory_space<vmem>> -> memref<1x1600x16xf32, #tpu.memory_space<vmem>>
        %parallel_loop3A_1845 = tpu.memref_squeeze %parallel_loop3A_1844 : memref<1x1600x16xf32, #tpu.memory_space<vmem>> -> memref<1600x16xf32, #tpu.memory_space<vmem>>
        %parallel_loop3A_1846 = arith.index_cast %parallel_loop3A_1841 : i32 to index
        %parallel_loop3A_1847 = arith.constant 0 : index
        %parallel_loop3A_1848 = tpu.vector_load %parallel_loop3A_1845[%parallel_loop3A_1846, %parallel_loop3A_1847] {strides = array<i32>} : memref<1600x16xf32, #tpu.memory_space<vmem>>, vector<1x16xf32>,
        %parallel_loop3A_1849 = vector.shape_cast %parallel_loop3A_1848 : vector<1x16xf32> to vector<16xf32>
        %parallel_loop3A_1850 = arith.addf %parallel_loop3A_1788, %parallel_loop3A_1849 : vector<16xf32>
        %parallel_loop3A_1851 = arith.constant 5 : i32
        %parallel_loop3A_1852 = arith.addi %parallel_loop3A_1795, %parallel_loop3A_1851 : i32
        %parallel_loop3A_1853 = arith.constant 0 : i32
        %parallel_loop3A_1854 = arith.constant 0 : i32
        %parallel_loop3A_1855 = tpu.memref_slice %arg8[%parallel_loop3A_1730, %parallel_loop3A_1853, %parallel_loop3A_1854] : memref<2x1600x16xf32, #tpu.memory_space<vmem>> -> memref<1x1600x16xf32, #tpu.memory_space<vmem>>
        %parallel_loop3A_1856 = tpu.memref_squeeze %parallel_loop3A_1855 : memref<1x1600x16xf32, #tpu.memory_space<vmem>> -> memref<1600x16xf32, #tpu.memory_space<vmem>>
        %parallel_loop3A_1857 = arith.index_cast %parallel_loop3A_1852 : i32 to index
        %parallel_loop3A_1858 = arith.constant 0 : index
        %parallel_loop3A_1859 = tpu.vector_load %parallel_loop3A_1856[%parallel_loop3A_1857, %parallel_loop3A_1858] {strides = array<i32>} : memref<1600x16xf32, #tpu.memory_space<vmem>>, vector<1x16xf32>,
        %parallel_loop3A_1860 = vector.shape_cast %parallel_loop3A_1859 : vector<1x16xf32> to vector<16xf32>
        %parallel_loop3A_1861 = arith.addf %parallel_loop3A_1789, %parallel_loop3A_1860 : vector<16xf32>
        %parallel_loop3A_1862 = arith.constant 6 : i32
        %parallel_loop3A_1863 = arith.addi %parallel_loop3A_1795, %parallel_loop3A_1862 : i32
        %parallel_loop3A_1864 = arith.constant 0 : i32
        %parallel_loop3A_1865 = arith.constant 0 : i32
        %parallel_loop3A_1866 = tpu.memref_slice %arg8[%parallel_loop3A_1730, %parallel_loop3A_1864, %parallel_loop3A_1865] : memref<2x1600x16xf32, #tpu.memory_space<vmem>> -> memref<1x1600x16xf32, #tpu.memory_space<vmem>>
        %parallel_loop3A_1867 = tpu.memref_squeeze %parallel_loop3A_1866 : memref<1x1600x16xf32, #tpu.memory_space<vmem>> -> memref<1600x16xf32, #tpu.memory_space<vmem>>
        %parallel_loop3A_1868 = arith.index_cast %parallel_loop3A_1863 : i32 to index
        %parallel_loop3A_1869 = arith.constant 0 : index
        %parallel_loop3A_1870 = tpu.vector_load %parallel_loop3A_1867[%parallel_loop3A_1868, %parallel_loop3A_1869] {strides = array<i32>} : memref<1600x16xf32, #tpu.memory_space<vmem>>, vector<1x16xf32>,
        %parallel_loop3A_1871 = vector.shape_cast %parallel_loop3A_1870 : vector<1x16xf32> to vector<16xf32>
        %parallel_loop3A_1872 = arith.addf %parallel_loop3A_1790, %parallel_loop3A_1871 : vector<16xf32>
        %parallel_loop3A_1873 = arith.constant 7 : i32
        %parallel_loop3A_1874 = arith.addi %parallel_loop3A_1795, %parallel_loop3A_1873 : i32
        %parallel_loop3A_1875 = arith.constant 0 : i32
        %parallel_loop3A_1876 = arith.constant 0 : i32
        %parallel_loop3A_1877 = tpu.memref_slice %arg8[%parallel_loop3A_1730, %parallel_loop3A_1875, %parallel_loop3A_1876] : memref<2x1600x16xf32, #tpu.memory_space<vmem>> -> memref<1x1600x16xf32, #tpu.memory_space<vmem>>
        %parallel_loop3A_1878 = tpu.memref_squeeze %parallel_loop3A_1877 : memref<1x1600x16xf32, #tpu.memory_space<vmem>> -> memref<1600x16xf32, #tpu.memory_space<vmem>>
        %parallel_loop3A_1879 = arith.index_cast %parallel_loop3A_1874 : i32 to index
        %parallel_loop3A_1880 = arith.constant 0 : index
        %parallel_loop3A_1881 = tpu.vector_load %parallel_loop3A_1878[%parallel_loop3A_1879, %parallel_loop3A_1880] {strides = array<i32>} : memref<1600x16xf32, #tpu.memory_space<vmem>>, vector<1x16xf32>,
        %parallel_loop3A_1882 = vector.shape_cast %parallel_loop3A_1881 : vector<1x16xf32> to vector<16xf32>
        %parallel_loop3A_1883 = arith.addf %parallel_loop3A_1791, %parallel_loop3A_1882 : vector<16xf32>
        scf.yield %parallel_loop3A_1806, %parallel_loop3A_1817, %parallel_loop3A_1828, %parallel_loop3A_1839, %parallel_loop3A_1850, %parallel_loop3A_1861, %parallel_loop3A_1872, %parallel_loop3A_1883 : vector<16xf32>, vector<16xf32>, vector<16xf32>, vector<16xf32>, vector<16xf32>, vector<16xf32>, vector<16xf32>, vector<16xf32>
      } {sc.loop_unroll_factor = 2 : i64, sc.parallel_access}
      %add3A_1732 = arith.addf %parallel_loop3A_1731#0, %parallel_loop3A_1731#1 : vector<16xf32>
      %add3A_1733 = arith.addf %parallel_loop3A_1731#2, %parallel_loop3A_1731#3 : vector<16xf32>
      %add3A_1734 = arith.addf %add3A_1732, %add3A_1733 : vector<16xf32>
      %add3A_1735 = arith.addf %parallel_loop3A_1731#4, %parallel_loop3A_1731#5 : vector<16xf32>
      %add3A_1736 = arith.addf %parallel_loop3A_1731#6, %parallel_loop3A_1731#7 : vector<16xf32>
      %add3A_1737 = arith.addf %add3A_1735, %add3A_1736 : vector<16xf32>
      %get3A_1738 = arith.index_cast %add3A_1544 : i32 to index
      %get3A_1739 = arith.constant 96 : index
      %get3A_1740 = tpu.vector_load %arg10[%get3A_1738, %get3A_1739] {strides = array<i32>} : memref<64x128xf32, #tpu.memory_space<vmem>>, vector<1x16xf32>,
      %get3A_1741 = vector.shape_cast %get3A_1740 : vector<1x16xf32> to vector<16xf32>
      %add3A_1742 = arith.addf %add3A_1734, %add3A_1737 : vector<16xf32>
      %mul3A_1743 = arith.mulf %add3A_1742, %get3A_1741 : vector<16xf32>
      %get3A_1744 = arith.constant 0 : index
      %get3A_1745 = tpu.vector_load %arg11[%get3A_1744] {strides = array<i32>} : memref<16xf32, #tpu.memory_space<vmem>>, vector<16xf32>,
      %get3A_1746 = vector.shape_cast %get3A_1745 : vector<16xf32> to vector<16xf32>
      %add3A_1747 = arith.addf %mul3A_1743, %get3A_1746 : vector<16xf32>
      %swap3A_1748 = arith.constant 6 : i32
      %swap3A_1749 = arith.index_cast %swap3A_1748 : i32 to index
      %swap3A_1750 = arith.constant 0 : index
      %swap3A_1751 = tpu.vector_load %arg9[%swap3A_1749, %swap3A_1750] {strides = array<i32>} : memref<8x16xf32, #tpu.memory_space<vmem>>, vector<1x16xf32>,
      %swap3A_1752 = vector.shape_cast %swap3A_1751 : vector<1x16xf32> to vector<16xf32>
      %swap3A_1753 = vector.shape_cast %add3A_1747 : vector<16xf32> to vector<1x16xf32>
      tpu.vector_store %arg9[%swap3A_1749, %swap3A_1750], %swap3A_1753 {strides = array<i32>} : memref<8x16xf32, #tpu.memory_space<vmem>>, vector<1x16xf32>,
      %broadcast_in_dim3A_1754 = arith.constant 0.000000e+00 : f32
      %broadcast_in_dim3A_1755 = vector.broadcast %broadcast_in_dim3A_1754 : f32 to vector<16xf32>
      %parallel_loop3A_1756 = arith.constant 0 : i32
      %parallel_loop3A_1757 = arith.constant 25 : i32
      %parallel_loop3A_1758 = arith.constant 1 : i32
      %parallel_loop3A_1759 = arith.constant 1 : i32
      %parallel_loop3A_1760:8 = scf.for %parallel_loop3A_1783 = %parallel_loop3A_1756 to %parallel_loop3A_1757 step %parallel_loop3A_1758 iter_args(%parallel_loop3A_1784 = %broadcast_in_dim3A_1755, %parallel_loop3A_1785 = %broadcast_in_dim3A_1755, %parallel_loop3A_1786 = %broadcast_in_dim3A_1755, %parallel_loop3A_1787 = %broadcast_in_dim3A_1755, %parallel_loop3A_1788 = %broadcast_in_dim3A_1755, %parallel_loop3A_1789 = %broadcast_in_dim3A_1755, %parallel_loop3A_1790 = %broadcast_in_dim3A_1755, %parallel_loop3A_1791 = %broadcast_in_dim3A_1755) -> (vector<16xf32>, vector<16xf32>, vector<16xf32>, vector<16xf32>, vector<16xf32>, vector<16xf32>, vector<16xf32>, vector<16xf32>)  : i32 {
        %parallel_loop3A_1792 = arith.constant 8 : i32
        %parallel_loop3A_1793 = arith.muli %parallel_loop3A_1783, %parallel_loop3A_1792 : i32
        %parallel_loop3A_1794 = arith.constant 1400 : i32
        %parallel_loop3A_1795 = arith.addi %parallel_loop3A_1794, %parallel_loop3A_1793 : i32
        %parallel_loop3A_1796 = arith.constant 0 : i32
        %parallel_loop3A_1797 = arith.addi %parallel_loop3A_1795, %parallel_loop3A_1796 : i32
        %parallel_loop3A_1798 = arith.constant 0 : i32
        %parallel_loop3A_1799 = arith.constant 0 : i32
        %parallel_loop3A_1800 = tpu.memref_slice %arg8[%parallel_loop3A_1759, %parallel_loop3A_1798, %parallel_loop3A_1799] : memref<2x1600x16xf32, #tpu.memory_space<vmem>> -> memref<1x1600x16xf32, #tpu.memory_space<vmem>>
        %parallel_loop3A_1801 = tpu.memref_squeeze %parallel_loop3A_1800 : memref<1x1600x16xf32, #tpu.memory_space<vmem>> -> memref<1600x16xf32, #tpu.memory_space<vmem>>
        %parallel_loop3A_1802 = arith.index_cast %parallel_loop3A_1797 : i32 to index
        %parallel_loop3A_1803 = arith.constant 0 : index
        %parallel_loop3A_1804 = tpu.vector_load %parallel_loop3A_1801[%parallel_loop3A_1802, %parallel_loop3A_1803] {strides = array<i32>} : memref<1600x16xf32, #tpu.memory_space<vmem>>, vector<1x16xf32>,
        %parallel_loop3A_1805 = vector.shape_cast %parallel_loop3A_1804 : vector<1x16xf32> to vector<16xf32>
        %parallel_loop3A_1806 = arith.addf %parallel_loop3A_1784, %parallel_loop3A_1805 : vector<16xf32>
        %parallel_loop3A_1807 = arith.constant 1 : i32
        %parallel_loop3A_1808 = arith.addi %parallel_loop3A_1795, %parallel_loop3A_1807 : i32
        %parallel_loop3A_1809 = arith.constant 0 : i32
        %parallel_loop3A_1810 = arith.constant 0 : i32
        %parallel_loop3A_1811 = tpu.memref_slice %arg8[%parallel_loop3A_1759, %parallel_loop3A_1809, %parallel_loop3A_1810] : memref<2x1600x16xf32, #tpu.memory_space<vmem>> -> memref<1x1600x16xf32, #tpu.memory_space<vmem>>
        %parallel_loop3A_1812 = tpu.memref_squeeze %parallel_loop3A_1811 : memref<1x1600x16xf32, #tpu.memory_space<vmem>> -> memref<1600x16xf32, #tpu.memory_space<vmem>>
        %parallel_loop3A_1813 = arith.index_cast %parallel_loop3A_1808 : i32 to index
        %parallel_loop3A_1814 = arith.constant 0 : index
        %parallel_loop3A_1815 = tpu.vector_load %parallel_loop3A_1812[%parallel_loop3A_1813, %parallel_loop3A_1814] {strides = array<i32>} : memref<1600x16xf32, #tpu.memory_space<vmem>>, vector<1x16xf32>,
        %parallel_loop3A_1816 = vector.shape_cast %parallel_loop3A_1815 : vector<1x16xf32> to vector<16xf32>
        %parallel_loop3A_1817 = arith.addf %parallel_loop3A_1785, %parallel_loop3A_1816 : vector<16xf32>
        %parallel_loop3A_1818 = arith.constant 2 : i32
        %parallel_loop3A_1819 = arith.addi %parallel_loop3A_1795, %parallel_loop3A_1818 : i32
        %parallel_loop3A_1820 = arith.constant 0 : i32
        %parallel_loop3A_1821 = arith.constant 0 : i32
        %parallel_loop3A_1822 = tpu.memref_slice %arg8[%parallel_loop3A_1759, %parallel_loop3A_1820, %parallel_loop3A_1821] : memref<2x1600x16xf32, #tpu.memory_space<vmem>> -> memref<1x1600x16xf32, #tpu.memory_space<vmem>>
        %parallel_loop3A_1823 = tpu.memref_squeeze %parallel_loop3A_1822 : memref<1x1600x16xf32, #tpu.memory_space<vmem>> -> memref<1600x16xf32, #tpu.memory_space<vmem>>
        %parallel_loop3A_1824 = arith.index_cast %parallel_loop3A_1819 : i32 to index
        %parallel_loop3A_1825 = arith.constant 0 : index
        %parallel_loop3A_1826 = tpu.vector_load %parallel_loop3A_1823[%parallel_loop3A_1824, %parallel_loop3A_1825] {strides = array<i32>} : memref<1600x16xf32, #tpu.memory_space<vmem>>, vector<1x16xf32>,
        %parallel_loop3A_1827 = vector.shape_cast %parallel_loop3A_1826 : vector<1x16xf32> to vector<16xf32>
        %parallel_loop3A_1828 = arith.addf %parallel_loop3A_1786, %parallel_loop3A_1827 : vector<16xf32>
        %parallel_loop3A_1829 = arith.constant 3 : i32
        %parallel_loop3A_1830 = arith.addi %parallel_loop3A_1795, %parallel_loop3A_1829 : i32
        %parallel_loop3A_1831 = arith.constant 0 : i32
        %parallel_loop3A_1832 = arith.constant 0 : i32
        %parallel_loop3A_1833 = tpu.memref_slice %arg8[%parallel_loop3A_1759, %parallel_loop3A_1831, %parallel_loop3A_1832] : memref<2x1600x16xf32, #tpu.memory_space<vmem>> -> memref<1x1600x16xf32, #tpu.memory_space<vmem>>
        %parallel_loop3A_1834 = tpu.memref_squeeze %parallel_loop3A_1833 : memref<1x1600x16xf32, #tpu.memory_space<vmem>> -> memref<1600x16xf32, #tpu.memory_space<vmem>>
        %parallel_loop3A_1835 = arith.index_cast %parallel_loop3A_1830 : i32 to index
        %parallel_loop3A_1836 = arith.constant 0 : index
        %parallel_loop3A_1837 = tpu.vector_load %parallel_loop3A_1834[%parallel_loop3A_1835, %parallel_loop3A_1836] {strides = array<i32>} : memref<1600x16xf32, #tpu.memory_space<vmem>>, vector<1x16xf32>,
        %parallel_loop3A_1838 = vector.shape_cast %parallel_loop3A_1837 : vector<1x16xf32> to vector<16xf32>
        %parallel_loop3A_1839 = arith.addf %parallel_loop3A_1787, %parallel_loop3A_1838 : vector<16xf32>
        %parallel_loop3A_1840 = arith.constant 4 : i32
        %parallel_loop3A_1841 = arith.addi %parallel_loop3A_1795, %parallel_loop3A_1840 : i32
        %parallel_loop3A_1842 = arith.constant 0 : i32
        %parallel_loop3A_1843 = arith.constant 0 : i32
        %parallel_loop3A_1844 = tpu.memref_slice %arg8[%parallel_loop3A_1759, %parallel_loop3A_1842, %parallel_loop3A_1843] : memref<2x1600x16xf32, #tpu.memory_space<vmem>> -> memref<1x1600x16xf32, #tpu.memory_space<vmem>>
        %parallel_loop3A_1845 = tpu.memref_squeeze %parallel_loop3A_1844 : memref<1x1600x16xf32, #tpu.memory_space<vmem>> -> memref<1600x16xf32, #tpu.memory_space<vmem>>
        %parallel_loop3A_1846 = arith.index_cast %parallel_loop3A_1841 : i32 to index
        %parallel_loop3A_1847 = arith.constant 0 : index
        %parallel_loop3A_1848 = tpu.vector_load %parallel_loop3A_1845[%parallel_loop3A_1846, %parallel_loop3A_1847] {strides = array<i32>} : memref<1600x16xf32, #tpu.memory_space<vmem>>, vector<1x16xf32>,
        %parallel_loop3A_1849 = vector.shape_cast %parallel_loop3A_1848 : vector<1x16xf32> to vector<16xf32>
        %parallel_loop3A_1850 = arith.addf %parallel_loop3A_1788, %parallel_loop3A_1849 : vector<16xf32>
        %parallel_loop3A_1851 = arith.constant 5 : i32
        %parallel_loop3A_1852 = arith.addi %parallel_loop3A_1795, %parallel_loop3A_1851 : i32
        %parallel_loop3A_1853 = arith.constant 0 : i32
        %parallel_loop3A_1854 = arith.constant 0 : i32
        %parallel_loop3A_1855 = tpu.memref_slice %arg8[%parallel_loop3A_1759, %parallel_loop3A_1853, %parallel_loop3A_1854] : memref<2x1600x16xf32, #tpu.memory_space<vmem>> -> memref<1x1600x16xf32, #tpu.memory_space<vmem>>
        %parallel_loop3A_1856 = tpu.memref_squeeze %parallel_loop3A_1855 : memref<1x1600x16xf32, #tpu.memory_space<vmem>> -> memref<1600x16xf32, #tpu.memory_space<vmem>>
        %parallel_loop3A_1857 = arith.index_cast %parallel_loop3A_1852 : i32 to index
        %parallel_loop3A_1858 = arith.constant 0 : index
        %parallel_loop3A_1859 = tpu.vector_load %parallel_loop3A_1856[%parallel_loop3A_1857, %parallel_loop3A_1858] {strides = array<i32>} : memref<1600x16xf32, #tpu.memory_space<vmem>>, vector<1x16xf32>,
        %parallel_loop3A_1860 = vector.shape_cast %parallel_loop3A_1859 : vector<1x16xf32> to vector<16xf32>
        %parallel_loop3A_1861 = arith.addf %parallel_loop3A_1789, %parallel_loop3A_1860 : vector<16xf32>
        %parallel_loop3A_1862 = arith.constant 6 : i32
        %parallel_loop3A_1863 = arith.addi %parallel_loop3A_1795, %parallel_loop3A_1862 : i32
        %parallel_loop3A_1864 = arith.constant 0 : i32
        %parallel_loop3A_1865 = arith.constant 0 : i32
        %parallel_loop3A_1866 = tpu.memref_slice %arg8[%parallel_loop3A_1759, %parallel_loop3A_1864, %parallel_loop3A_1865] : memref<2x1600x16xf32, #tpu.memory_space<vmem>> -> memref<1x1600x16xf32, #tpu.memory_space<vmem>>
        %parallel_loop3A_1867 = tpu.memref_squeeze %parallel_loop3A_1866 : memref<1x1600x16xf32, #tpu.memory_space<vmem>> -> memref<1600x16xf32, #tpu.memory_space<vmem>>
        %parallel_loop3A_1868 = arith.index_cast %parallel_loop3A_1863 : i32 to index
        %parallel_loop3A_1869 = arith.constant 0 : index
        %parallel_loop3A_1870 = tpu.vector_load %parallel_loop3A_1867[%parallel_loop3A_1868, %parallel_loop3A_1869] {strides = array<i32>} : memref<1600x16xf32, #tpu.memory_space<vmem>>, vector<1x16xf32>,
        %parallel_loop3A_1871 = vector.shape_cast %parallel_loop3A_1870 : vector<1x16xf32> to vector<16xf32>
        %parallel_loop3A_1872 = arith.addf %parallel_loop3A_1790, %parallel_loop3A_1871 : vector<16xf32>
        %parallel_loop3A_1873 = arith.constant 7 : i32
        %parallel_loop3A_1874 = arith.addi %parallel_loop3A_1795, %parallel_loop3A_1873 : i32
        %parallel_loop3A_1875 = arith.constant 0 : i32
        %parallel_loop3A_1876 = arith.constant 0 : i32
        %parallel_loop3A_1877 = tpu.memref_slice %arg8[%parallel_loop3A_1759, %parallel_loop3A_1875, %parallel_loop3A_1876] : memref<2x1600x16xf32, #tpu.memory_space<vmem>> -> memref<1x1600x16xf32, #tpu.memory_space<vmem>>
        %parallel_loop3A_1878 = tpu.memref_squeeze %parallel_loop3A_1877 : memref<1x1600x16xf32, #tpu.memory_space<vmem>> -> memref<1600x16xf32, #tpu.memory_space<vmem>>
        %parallel_loop3A_1879 = arith.index_cast %parallel_loop3A_1874 : i32 to index
        %parallel_loop3A_1880 = arith.constant 0 : index
        %parallel_loop3A_1881 = tpu.vector_load %parallel_loop3A_1878[%parallel_loop3A_1879, %parallel_loop3A_1880] {strides = array<i32>} : memref<1600x16xf32, #tpu.memory_space<vmem>>, vector<1x16xf32>,
        %parallel_loop3A_1882 = vector.shape_cast %parallel_loop3A_1881 : vector<1x16xf32> to vector<16xf32>
        %parallel_loop3A_1883 = arith.addf %parallel_loop3A_1791, %parallel_loop3A_1882 : vector<16xf32>
        scf.yield %parallel_loop3A_1806, %parallel_loop3A_1817, %parallel_loop3A_1828, %parallel_loop3A_1839, %parallel_loop3A_1850, %parallel_loop3A_1861, %parallel_loop3A_1872, %parallel_loop3A_1883 : vector<16xf32>, vector<16xf32>, vector<16xf32>, vector<16xf32>, vector<16xf32>, vector<16xf32>, vector<16xf32>, vector<16xf32>
      } {sc.loop_unroll_factor = 2 : i64, sc.parallel_access}
      %add3A_1761 = arith.addf %parallel_loop3A_1760#0, %parallel_loop3A_1760#1 : vector<16xf32>
      %add3A_1762 = arith.addf %parallel_loop3A_1760#2, %parallel_loop3A_1760#3 : vector<16xf32>
      %add3A_1763 = arith.addf %add3A_1761, %add3A_1762 : vector<16xf32>
      %add3A_1764 = arith.addf %parallel_loop3A_1760#4, %parallel_loop3A_1760#5 : vector<16xf32>
      %add3A_1765 = arith.addf %parallel_loop3A_1760#6, %parallel_loop3A_1760#7 : vector<16xf32>
      %add3A_1766 = arith.addf %add3A_1764, %add3A_1765 : vector<16xf32>
      %get3A_1767 = arith.index_cast %add3A_1544 : i32 to index
      %get3A_1768 = arith.constant 112 : index
      %get3A_1769 = tpu.vector_load %arg10[%get3A_1767, %get3A_1768] {strides = array<i32>} : memref<64x128xf32, #tpu.memory_space<vmem>>, vector<1x16xf32>,
      %get3A_1770 = vector.shape_cast %get3A_1769 : vector<1x16xf32> to vector<16xf32>
      %add3A_1771 = arith.addf %add3A_1763, %add3A_1766 : vector<16xf32>
      %mul3A_1772 = arith.mulf %add3A_1771, %get3A_1770 : vector<16xf32>
      %get3A_1773 = arith.constant 0 : index
      %get3A_1774 = tpu.vector_load %arg11[%get3A_1773] {strides = array<i32>} : memref<16xf32, #tpu.memory_space<vmem>>, vector<16xf32>,
      %get3A_1775 = vector.shape_cast %get3A_1774 : vector<16xf32> to vector<16xf32>
      %add3A_1776 = arith.addf %mul3A_1772, %get3A_1775 : vector<16xf32>
      %swap3A_1777 = arith.constant 7 : i32
      %swap3A_1778 = arith.index_cast %swap3A_1777 : i32 to index
      %swap3A_1779 = arith.constant 0 : index
      %swap3A_1780 = tpu.vector_load %arg9[%swap3A_1778, %swap3A_1779] {strides = array<i32>} : memref<8x16xf32, #tpu.memory_space<vmem>>, vector<1x16xf32>,
      %swap3A_1781 = vector.shape_cast %swap3A_1780 : vector<1x16xf32> to vector<16xf32>
      %swap3A_1782 = vector.shape_cast %add3A_1776 : vector<16xf32> to vector<1x16xf32>
      tpu.vector_store %arg9[%swap3A_1778, %swap3A_1779], %swap3A_1782 {strides = array<i32>} : memref<8x16xf32, #tpu.memory_space<vmem>>, vector<1x16xf32>,
      "tpu.region"() ({
        %run_scoped3A_1783 = tpu.sem_alloc : memref<!tpu.dma_semaphore, #tpu.memory_space<semaphore_mem>>
        %dma_start3A_1784 = arith.constant 0 : i32
        %dma_start3A_1785 = tpu.memref_slice %arg6[%multiple_of3A_1550, %dma_start3A_1784] : memref<16384x16xf32, #tpu.memory_space<hbm>> -> memref<8x16xf32, #tpu.memory_space<hbm>>
        %dma_start3A_1786 = arith.constant 0 : i32
        %dma_start3A_1787 = tpu.memref_slice %arg6[%multiple_of3A_1550, %dma_start3A_1786] : memref<16384x16xf32, #tpu.memory_space<hbm>> -> memref<8x16xf32, #tpu.memory_space<hbm>>
        tpu.enqueue_dma source(%arg9 : memref<8x16xf32, #tpu.memory_space<vmem>>) target(%dma_start3A_1787 : memref<8x16xf32, #tpu.memory_space<hbm>>) target_semaphore(%run_scoped3A_1783 : memref<!tpu.dma_semaphore, #tpu.memory_space<semaphore_mem>>)
        %dma_wait3A_1788 = arith.constant 0 : i32
        %dma_wait3A_1789 = tpu.memref_slice %arg6[%multiple_of3A_1550, %dma_wait3A_1788] : memref<16384x16xf32, #tpu.memory_space<hbm>> -> memref<8x16xf32, #tpu.memory_space<hbm>>
        %dma_wait3A_1790 = arith.constant 0 : i32
        %dma_wait3A_1791 = tpu.memref_slice %arg6[%multiple_of3A_1550, %dma_wait3A_1790] : memref<16384x16xf32, #tpu.memory_space<hbm>> -> memref<8x16xf32, #tpu.memory_space<hbm>>
        tpu.wait_dma2 semaphore(%run_scoped3A_1783 : memref<!tpu.dma_semaphore, #tpu.memory_space<semaphore_mem>>) src(%arg9 : memref<8x16xf32, #tpu.memory_space<vmem>>) dst(%dma_wait3A_1791 : memref<8x16xf32, #tpu.memory_space<hbm>>)
        tpu.yield
      }) : () -> ()
    }
    %scan3A_331 = arith.constant 32 : i32
    return
  }
}

module attributes {stable_mosaic.version = 14 : i64} {
  func.func @_invb_body(%arg0: memref<2048x8xf32, #tpu.memory_space<vmem>>, %arg1: memref<8x128xf32, #tpu.memory_space<vmem>>, %arg2: memref<2048x128xf32, #tpu.memory_space<vmem>>) attributes {dimension_semantics = [], scalar_prefetch = 0 : i64, scratch_operands = 0 : i64, tpu.core_type = #tpu.core_type<tc>} {
    %get3A = arith.constant 0 : index
    %get3A_0 = arith.constant 0 : index
    %get3A_1 = vector.load %arg0[%get3A, %get3A_0] : memref<2048x8xf32, #tpu.memory_space<vmem>>, vector<2048x8xf32>
    %div3A = arith.constant 1.000000e+00 : f32
    %div3A_2 = vector.broadcast %div3A : f32 to vector<2048x8xf32>
    %div3A_3 = arith.divf %div3A_2, %get3A_1 : vector<2048x8xf32>
    %get3A_4 = arith.constant 0 : index
    %get3A_5 = arith.constant 0 : index
    %get3A_6 = vector.load %arg1[%get3A_4, %get3A_5] : memref<8x128xf32, #tpu.memory_space<vmem>>, vector<8x128xf32>
    %dot_general3A = arith.constant dense<0.000000e+00> : vector<2048x128xf32>
    %dot_general3A_7 = tpu.matmul %div3A_3, %get3A_6, %dot_general3A {dimension_numbers = #tpu.dot_dimension_numbers<[1], [0], [0], [1], [0, 0, 1, 1], [], []>, transpose_lhs_hint = false} : vector<2048x8xf32>, vector<8x128xf32>, vector<2048x128xf32> -> vector<2048x128xf32>
    %swap3A = arith.constant 0 : index
    %swap3A_8 = arith.constant 0 : index
    %swap3A_9 = vector.load %arg2[%swap3A, %swap3A_8] : memref<2048x128xf32, #tpu.memory_space<vmem>>, vector<2048x128xf32>
    tpu.vector_store %arg2[%swap3A, %swap3A_8], %dot_general3A_7 {strides = array<i32>} : memref<2048x128xf32, #tpu.memory_space<vmem>>, vector<2048x128xf32>,
    return
  }
}

module attributes {stable_mosaic.version = 14 : i64} {
  func.func @_proj_body(%arg0: i32, %arg1: memref<64x32768xf32, #tpu.memory_space<vmem>>, %arg2: memref<64x128xf32, #tpu.memory_space<vmem>>, %arg3: memref<8x128xf32, #tpu.memory_space<vmem>>, %arg4: memref<4096x128xf32, #tpu.memory_space<vmem>>) attributes {dimension_semantics = [#tpu.dimension_semantics<parallel>], iteration_bounds = array<i64: 31>, scalar_prefetch = 0 : i64, scratch_operands = 0 : i64, tpu.core_type = #tpu.core_type<tc>, window_params = [{transform_indices = @transform_0, window_bounds = array<i64: 64, 32768>}, {pipeline_mode = #tpu.pipeline_mode<synchronous>, transform_indices = @transform_1, window_bounds = array<i64: 64, 128>}, {pipeline_mode = #tpu.pipeline_mode<synchronous>, transform_indices = @transform_2, window_bounds = array<i64: 8, 128>}, {transform_indices = @transform_3, window_bounds = array<i64: 4096, 128>}]} {
    %get3A = arith.constant 0 : index
    %get3A_0 = arith.constant 0 : index
    %get3A_1 = vector.load %arg1[%get3A, %get3A_0] : memref<64x32768xf32, #tpu.memory_space<vmem>>, vector<64x32768xf32>
    %get3A_2 = arith.constant 0 : index
    %get3A_3 = arith.constant 0 : index
    %get3A_4 = vector.load %arg2[%get3A_2, %get3A_3] : memref<64x128xf32, #tpu.memory_space<vmem>>, vector<64x128xf32>
    %dot_general3A = arith.constant dense<0.000000e+00> : vector<32768x128xf32>
    %dot_general3A_5 = tpu.matmul %get3A_1, %get3A_4, %dot_general3A {dimension_numbers = #tpu.dot_dimension_numbers<[0], [0], [1], [1], [0, 1, 1, 1], [], []>, transpose_lhs_hint = false} : vector<64x32768xf32>, vector<64x128xf32>, vector<32768x128xf32> -> vector<32768x128xf32>
    %reshape3A = vector.shape_cast %dot_general3A_5 : vector<32768x128xf32> to vector<4096x8x128xf32>
    %slice3A = vector.extract_strided_slice %reshape3A {offsets = [0, 0, 0], sizes = [4096, 1, 16], strides = [1, 1, 1]} : vector<4096x8x128xf32> to vector<4096x1x16xf32>
    %squeeze3A = vector.shape_cast %slice3A : vector<4096x1x16xf32> to vector<4096x16xf32>
    %swap3A = arith.constant 0 : index
    %swap3A_6 = arith.constant 0 : index
    %swap3A_7 = vector.load %arg4[%swap3A, %swap3A_6] : memref<4096x128xf32, #tpu.memory_space<vmem>>, vector<4096x16xf32>
    tpu.vector_store %arg4[%swap3A, %swap3A_6], %squeeze3A {strides = array<i32>} : memref<4096x128xf32, #tpu.memory_space<vmem>>, vector<4096x16xf32>,
    %slice3A_8 = vector.extract_strided_slice %reshape3A {offsets = [0, 1, 16], sizes = [4096, 1, 16], strides = [1, 1, 1]} : vector<4096x8x128xf32> to vector<4096x1x16xf32>
    %squeeze3A_9 = vector.shape_cast %slice3A_8 : vector<4096x1x16xf32> to vector<4096x16xf32>
    %swap3A_10 = arith.constant 0 : index
    %swap3A_11 = arith.constant 16 : index
    %swap3A_12 = vector.load %arg4[%swap3A_10, %swap3A_11] : memref<4096x128xf32, #tpu.memory_space<vmem>>, vector<4096x16xf32>
    tpu.vector_store %arg4[%swap3A_10, %swap3A_11], %squeeze3A_9 {strides = array<i32>} : memref<4096x128xf32, #tpu.memory_space<vmem>>, vector<4096x16xf32>,
    %slice3A_13 = vector.extract_strided_slice %reshape3A {offsets = [0, 2, 32], sizes = [4096, 1, 16], strides = [1, 1, 1]} : vector<4096x8x128xf32> to vector<4096x1x16xf32>
    %squeeze3A_14 = vector.shape_cast %slice3A_13 : vector<4096x1x16xf32> to vector<4096x16xf32>
    %swap3A_15 = arith.constant 0 : index
    %swap3A_16 = arith.constant 32 : index
    %swap3A_17 = vector.load %arg4[%swap3A_15, %swap3A_16] : memref<4096x128xf32, #tpu.memory_space<vmem>>, vector<4096x16xf32>
    tpu.vector_store %arg4[%swap3A_15, %swap3A_16], %squeeze3A_14 {strides = array<i32>} : memref<4096x128xf32, #tpu.memory_space<vmem>>, vector<4096x16xf32>,
    %slice3A_18 = vector.extract_strided_slice %reshape3A {offsets = [0, 3, 48], sizes = [4096, 1, 16], strides = [1, 1, 1]} : vector<4096x8x128xf32> to vector<4096x1x16xf32>
    %squeeze3A_19 = vector.shape_cast %slice3A_18 : vector<4096x1x16xf32> to vector<4096x16xf32>
    %swap3A_20 = arith.constant 0 : index
    %swap3A_21 = arith.constant 48 : index
    %swap3A_22 = vector.load %arg4[%swap3A_20, %swap3A_21] : memref<4096x128xf32, #tpu.memory_space<vmem>>, vector<4096x16xf32>
    tpu.vector_store %arg4[%swap3A_20, %swap3A_21], %squeeze3A_19 {strides = array<i32>} : memref<4096x128xf32, #tpu.memory_space<vmem>>, vector<4096x16xf32>,
    %slice3A_23 = vector.extract_strided_slice %reshape3A {offsets = [0, 4, 64], sizes = [4096, 1, 16], strides = [1, 1, 1]} : vector<4096x8x128xf32> to vector<4096x1x16xf32>
    %squeeze3A_24 = vector.shape_cast %slice3A_23 : vector<4096x1x16xf32> to vector<4096x16xf32>
    %swap3A_25 = arith.constant 0 : index
    %swap3A_26 = arith.constant 64 : index
    %swap3A_27 = vector.load %arg4[%swap3A_25, %swap3A_26] : memref<4096x128xf32, #tpu.memory_space<vmem>>, vector<4096x16xf32>
    tpu.vector_store %arg4[%swap3A_25, %swap3A_26], %squeeze3A_24 {strides = array<i32>} : memref<4096x128xf32, #tpu.memory_space<vmem>>, vector<4096x16xf32>,
    %slice3A_28 = vector.extract_strided_slice %reshape3A {offsets = [0, 5, 80], sizes = [4096, 1, 16], strides = [1, 1, 1]} : vector<4096x8x128xf32> to vector<4096x1x16xf32>
    %squeeze3A_29 = vector.shape_cast %slice3A_28 : vector<4096x1x16xf32> to vector<4096x16xf32>
    %swap3A_30 = arith.constant 0 : index
    %swap3A_31 = arith.constant 80 : index
    %swap3A_32 = vector.load %arg4[%swap3A_30, %swap3A_31] : memref<4096x128xf32, #tpu.memory_space<vmem>>, vector<4096x16xf32>
    tpu.vector_store %arg4[%swap3A_30, %swap3A_31], %squeeze3A_29 {strides = array<i32>} : memref<4096x128xf32, #tpu.memory_space<vmem>>, vector<4096x16xf32>,
    %slice3A_33 = vector.extract_strided_slice %reshape3A {offsets = [0, 6, 96], sizes = [4096, 1, 16], strides = [1, 1, 1]} : vector<4096x8x128xf32> to vector<4096x1x16xf32>
    %squeeze3A_34 = vector.shape_cast %slice3A_33 : vector<4096x1x16xf32> to vector<4096x16xf32>
    %swap3A_35 = arith.constant 0 : index
    %swap3A_36 = arith.constant 96 : index
    %swap3A_37 = vector.load %arg4[%swap3A_35, %swap3A_36] : memref<4096x128xf32, #tpu.memory_space<vmem>>, vector<4096x16xf32>
    tpu.vector_store %arg4[%swap3A_35, %swap3A_36], %squeeze3A_34 {strides = array<i32>} : memref<4096x128xf32, #tpu.memory_space<vmem>>, vector<4096x16xf32>,
    %slice3A_38 = vector.extract_strided_slice %reshape3A {offsets = [0, 7, 112], sizes = [4096, 1, 16], strides = [1, 1, 1]} : vector<4096x8x128xf32> to vector<4096x1x16xf32>
    %squeeze3A_39 = vector.shape_cast %slice3A_38 : vector<4096x1x16xf32> to vector<4096x16xf32>
    %swap3A_40 = arith.constant 0 : index
    %swap3A_41 = arith.constant 112 : index
    %swap3A_42 = vector.load %arg4[%swap3A_40, %swap3A_41] : memref<4096x128xf32, #tpu.memory_space<vmem>>, vector<4096x16xf32>
    tpu.vector_store %arg4[%swap3A_40, %swap3A_41], %squeeze3A_39 {strides = array<i32>} : memref<4096x128xf32, #tpu.memory_space<vmem>>, vector<4096x16xf32>,
    return
  }
  func.func @transform_0(%arg0: i32) -> (i32, i32) {
    %c0_i32 = arith.constant 0 : i32
    %c0_i32_0 = arith.constant 0 : i32
    return %c0_i32, %arg0 : i32, i32
  }
  func.func @transform_1(%arg0: i32) -> (i32, i32) {
    %c0_i32 = arith.constant 0 : i32
    %c0_i32_0 = arith.constant 0 : i32
    %c0_i32_1 = arith.constant 0 : i32
    return %c0_i32, %c0_i32_0 : i32, i32
  }
  func.func @transform_2(%arg0: i32) -> (i32, i32) {
    %c0_i32 = arith.constant 0 : i32
    %c0_i32_0 = arith.constant 0 : i32
    %c0_i32_1 = arith.constant 0 : i32
    return %c0_i32, %c0_i32_0 : i32, i32
  }
  func.func @transform_3(%arg0: i32) -> (i32, i32) {
    %c0_i32 = arith.constant 0 : i32
    %c0_i32_0 = arith.constant 0 : i32
    return %arg0, %c0_i32 : i32, i32
  }
}

</mosaic_0001>

<sc_bundles>
// kernel: kernel.5.cloned.1.call-start
scs
__scs_entry_jumppad:
0x0: {  	(pc) =	sbr.rel $0x88, $3  }
0x1: {  	(tag) =	ssettag $0x0;
	lr =	simm.s32 $0x1  }
0x2: {  	[smem:$0x3F9C] =	sst lr;
	_ =	strace $0xD0000000  }
0x3: {  	_ = 	snop  }
0x4: {  	_ = 	snop  }
0x5: {  	_ = 	snop  }
0x6: {  	_ = 	snop  }
0x7: {  	_ = 	snop  }
__scs_overlays_trampoline_lowered:
0x8: {  	[smem:$0x3FAB] =	sst s0  }
0x9: {  	[smem:$0x3FAC] =	sst s1  }
0xa: {  	[smem:$0x3FAD] =	sst s2  }
0xb: {  	[smem:$0x3FAE] =	sst s3  }
0xc: {  	[smem:$0x3FAF] =	sst s4  }
0xd: {  	[smem:$0x3FB0] =	sst s5  }
0xe: {  	[smem:$0x3FB1] =	sst s6  }
0xf: {  	[smem:$0x3FB2] =	sst s7  }
0x10: {  	[smem:$0x3FB3] =	sst s8  }
0x11: {  	[smem:$0x3FB4] =	sst s9;
	s0 =	simm.s32 @!p0 $0x0  }
0x12: {  	s1 =	sld [smem:$0x3F9A];
	s0 =	simm.s32 @p0 $0x1  }
0x13: {  	[smem:$0x3FB5] =	sst s0;
	s0 =	simm.s32 @!p1 $0x0  }
0x14: {  	s2 =	sld [smem:$0x3F99];
	s0 =	simm.s32 @p1 $0x1  }
0x15: {  	[smem:$0x3FB6] =	sst s0;
	s0 =	simm.s32 @!p2 $0x0  }
0x16: {  	s3 =	sld [smem:$0x3FDB];
	s0 =	simm.s32 @p2 $0x1  }
0x17: {  	s4 =	simm.s32 $0x1BF5;
	[smem:$0x3FB8] =	sst s0  }
0x18: {  	s0 =	sld [smem:$0x3F9B];
	_ =	swait.ge [sflag:s4], $0x0  }
0x19: {  	s7 =	sld [smem:$0x3F9C]  }
0x1a: {  	s8 =	sadd.s32 $0xFFFFE003, lr  }
0x1b: {  	s9 =	sadd.s32 $0xFFFFFEF7, lr;
	s5 =	simm.s32 $0xFFFFFFFF;
	p2 =	slt.u32 s8, $0xFFFFF086  }
0x1c: {  	p1 =	slt.u32 s9, $0xF7A;
	s5 =	simm.s32 @!p2 $0x0  }
0x1d: {  	s5 =	simm.s32 @p1 $0x1;
	p0 =	seq.s32 s7, s2  }
0x1e: {  	s7 =	smul.u32 @!p0 $0xF7A, s2;
	p2 =	seq.s32 @!p0 s5, $0x0  }
0x1f: {  	s9 =	smul.u32 $0xF7A, s1;
	s8 =	simm.s32 @!p0 $0x1BF5;
	p2 =	por !p2, p0  }
0x20: {  	[sflag:s8] =	ssyncset.s32 @!p0 $0xFFFFF086;
	s6 =	sadd.s32 @!p0 s3, s7;
	s7 =	simm.s32 @!p0 $0x108  }
0x21: {  	s3 =	sadd.s32 s3, s9;
	s6 =	sadd.s32 @!p0 $0x88, s6;
	s7 =	simm.s32 @p2 $0x1082  }
0x22: {  	[simem:s7], [sflag:s8] =	dma.local @!p0 [hbm:s6], $0xF7A  }
0x23: {  	s9 =	sor.u32 $0xD0000000, s2;
	s6 =	simm.s32 $0x108;
	_ =	swait.ge @!p0 [sflag:s8], $0x0  }
0x24: {  	s3 =	sadd.s32 $0x88, s3;
	s6 =	simm.s32 @!p1 $0x1082;
	[sflag:s4] =	ssyncset.s32 $0xFFFFF086  }
0x25: {  	[simem:s6], [sflag:s4] =	dma.local [hbm:s3], $0xF7A  }
0x26: {  	[smem:$0x3F9C] =	sst s1;
	(tag) =	ssettag s2;
	_ =	strace s9  }
0x27: {  	s1 =	sld [smem:$0x3FAC]  }
0x28: {  	s2 =	sld [smem:$0x3FAD]  }
0x29: {  	s4 =	sld [smem:$0x3FAF]  }
0x2a: {  	p0 =	seq.s32 s5, $0x0;
	s5 =	sld [smem:$0x3FB0]  }
0x2b: {  	s6 =	sld [smem:$0x3FB1]  }
0x2c: {  	s7 =	sld [smem:$0x3FB2]  }
0x2d: {  	s3 =	simm.s32 $0x108;
	s8 =	sld [smem:$0x3FB3]  }
0x2e: {  	s3 =	simm.s32 @!p0 $0x1082;
	s9 =	sld [smem:$0x3FB4]  }
0x2f: {  	lr =	sadd.s32 s0, s3;
	s0 =	sld [smem:$0x3FAB]  }
0x30: {  	s3 =	sld [smem:$0x3FAE]  }
0x31: {  	[smem:$0x3FB7] =	sst s10  }
0x32: {  	s10 =	sld [smem:$0x3FB5];
	_ =	sdelay $0x3  }
0x33: {  	p0 =	seq.s32 s10, $0x1;
	s10 =	sld [smem:$0x3FB7];
	_ =	sdelay $0x3  }
0x34: {  	[smem:$0x3FB7] =	sst s10  }
0x35: {  	s10 =	sld [smem:$0x3FB6];
	_ =	sdelay $0x3  }
0x36: {  	p1 =	seq.s32 s10, $0x1;
	s10 =	sld [smem:$0x3FB7];
	_ =	sdelay $0x3  }
0x37: {  	[smem:$0x3FB7] =	sst s10  }
0x38: {  	s10 =	sld [smem:$0x3FB8]  }
0x39: {  	_ = 	snop;
	(pc) =	sbr.ind lr, $3  }
0x3a: {  	_ = 	snop  }
0x3b: {  	_ = 	snop  }
0x3c: {  	p2 =	seq.s32 s10, $0x1;
	s10 =	sld [smem:$0x3FB7]  }
0x3d: {  	_ =	shalt  }
0x3e: {  	_ =	shalt  }
0x3f: {  	_ =	shalt  }
0x40: {  	_ =	shalt  }
0x41: {  	_ =	shalt  }
0x42: {  	_ =	shalt  }
0x43: {  	_ =	shalt  }
0x44: {  	_ =	shalt  }
0x45: {  	_ =	shalt  }
0x46: {  	_ =	shalt  }
0x47: {  	_ =	shalt  }
0x48: {  	_ =	shalt  }
0x49: {  	_ =	shalt  }
0x4a: {  	_ =	shalt  }
0x4b: {  	_ =	shalt  }
0x4c: {  	_ =	shalt  }
0x4d: {  	_ =	shalt  }
0x4e: {  	_ =	shalt  }
0x4f: {  	_ =	shalt  }
0x50: {  	_ =	shalt  }
0x51: {  	_ =	shalt  }
0x52: {  	_ =	shalt  }
0x53: {  	_ =	shalt  }
0x54: {  	_ =	shalt  }
0x55: {  	_ =	shalt  }
0x56: {  	_ =	shalt  }
0x57: {  	_ =	shalt  }
0x58: {  	_ =	shalt  }
0x59: {  	_ =	shalt  }
0x5a: {  	_ =	shalt  }
0x5b: {  	_ =	shalt  }
0x5c: {  	_ =	shalt  }
0x5d: {  	_ =	shalt  }
0x5e: {  	_ =	shalt  }
0x5f: {  	_ =	shalt  }
0x60: {  	_ =	shalt  }
0x61: {  	_ =	shalt  }
0x62: {  	_ =	shalt  }
0x63: {  	_ =	shalt  }
0x64: {  	_ =	shalt  }
0x65: {  	_ =	shalt  }
0x66: {  	_ =	shalt  }
0x67: {  	_ =	shalt  }
0x68: {  	_ =	shalt  }
0x69: {  	_ =	shalt  }
0x6a: {  	_ =	shalt  }
0x6b: {  	_ =	shalt  }
0x6c: {  	_ =	shalt  }
0x6d: {  	_ =	shalt  }
0x6e: {  	_ =	shalt  }
0x6f: {  	_ =	shalt  }
0x70: {  	_ =	shalt  }
0x71: {  	_ =	shalt  }
0x72: {  	_ =	shalt  }
0x73: {  	_ =	shalt  }
0x74: {  	_ =	shalt  }
0x75: {  	_ =	shalt  }
0x76: {  	_ =	shalt  }
0x77: {  	_ =	shalt  }
0x78: {  	_ =	shalt  }
0x79: {  	_ =	shalt  }
0x7a: {  	_ =	shalt  }
0x7b: {  	_ =	shalt  }
0x7c: {  	_ =	shalt  }
0x7d: {  	_ =	shalt  }
0x7e: {  	_ =	shalt  }
0x7f: {  	_ =	shalt  }
0x80: {  	_ =	shalt  }
0x81: {  	_ =	shalt  }
0x82: {  	_ =	shalt  }
0x83: {  	_ =	shalt  }
0x84: {  	_ =	shalt  }
0x85: {  	_ =	shalt  }
0x86: {  	_ =	shalt  }
0x87: {  	_ =	shalt  }
.Lfunc_end0:
.L_simem_size_0:
called_computation_lowered:
.L_overlay_start_0:
0x88: {  	s2 =	sld [smem:$0x3FD9]  }
0x89: {  	s3 =	sld [smem:$0x3FFE];
	_ =	sdelay $0x1  }
0x8a: {  	s1 =	srdreg.scid  }
0x8b: {  	s0 =	sand.u32 $0x1, s1  }
0x8c: {  	s17 =	sshll.u32 s0, $0xA;
	s2 =	sadd.s32 s3, s2  }
0x8d: {  	s2 =	sadd.s32 s2, s17  }
0x8e: {  	[smem:$0x3FC3] =	sst s2  }
0x8f: {  	_ = 	snop  }
0x90: {  	s2 =	sld [smem:$0x3FD0];
	(tm) =	ssettm $0x1  }
0x91: {  	s18 =	sld [smem:$0x3FFB];
	_ =	sdelay $0x3  }
0x92: {  	_ =	strace s18  }
0x93: {  	s3 =	sld [smem:$0x3FFC];
	_ =	sdelay $0x3  }
0x94: {  	_ =	strace s3  }
0x95: {  	s3 =	sld [smem:$0x3FFD];
	_ =	sdelay $0x3  }
0x96: {  	_ =	strace s3  }
0x97: {  	_ =	strace $0x8FFFFFFF  }
0x98: {  	s19 =	sld [smem:$0x3FDB];
	_ =	sdelay $0x1  }
0x99: {  	s4 =	simm.s32 $_scs_section_size  }
0x9a: {  	s5 =	simm.s32 $_size__tile_overlayer_lowered;
	s6 =	simm.s32 $_tile_overlayer_lowered  }
0x9b: {  	s22 =	simm.s32 $0x1BFF;
	s21 =	sshll.u32 s6, $0x1;
	s3 =	sadd.s32 s4, s19  }
0x9c: {  	s7 =	simm.s32 $0x0;
	s20 =	sshll.u32 s5, $0x1;
	s5 =	sadd.s32 s21, s3  }
0x9d: {  	[timem:s7], [sflag:s22] =	dma.local [hbm:s5], s20  }
0x9e: {  	_ =	swait.ge [sflag:s22], s20  }
0x9f: {  	s4 =	ssub.s32 $0x0, s20;
	[sflag:s22] =	ssyncset.done $0x0  }
0xa0: {  	[sflag:s22] =	ssyncadd.s32 s4;
	_ =	sdelay $0x1  }
0xa1: {  	s23 =	simm.s32 $0x1B8B  }
0xa2: {  	_ =	swait.ge [sflag:s23], $0x1  }
0xa3: {  	[sflag:s23] =	ssyncset.done $0x0  }
0xa4: {  	s25 =	simm.s32 $0x1B8E;
	s24 =	sld [smem:$0x3FFE];
	[sflag:s23] =	ssyncadd.s32 $0xFFFFFFFF  }
0xa5: {  	s26 =	simm.s32 $execute0_lowered;
	[smem:$0x3FD2] =	sst s25  }
0xa6: {  	s5 =	sshll.u32 s26, $0x1;
	_ =	strace $0x80000046;
	[dreg:$0x1] =	wrdreg $0xFFFFFFFF  }
0xa7: {  	s28 =	simm.s32 $_size_execute0_lowered;
	s3 =	sadd.s32 s3, s5;
	[dreg:$0x0] =	wrdreg $0x0  }
0xa8: {  	s5 =	sshll.u32 s28, $0x1;
	[dreg:$0x2] =	wrdreg s3  }
0xa9: {  	[dreg:$0x3] =	wrdreg s5  }
0xaa: {  	[dreg:$0x4] =	wrdreg $0xC0  }
0xab: {  	_ =	task [dreg:s7], $0x5FFFF  }
0xac: {  	[dreg:$0x1] =	wrdreg $0xFFFFFFFF  }
0xad: {  	[dreg:$0x0] =	wrdreg $0x60  }
0xae: {  	[dreg:$0x2] =	wrdreg s24  }
0xaf: {  	[dreg:$0x3] =	wrdreg s2  }
0xb0: {  	[dreg:$0x4] =	wrdreg $0x9  }
0xb1: {  	_ =	task.clear_ibuf [dreg:s7], $0x5FFFF;
	_ =	strace $0x90000046  }
0xb2: {  	s29 =	simm.s32 $0x9;
	_ =	strace $0x80000048  }
0xb3: {  	_ =	swait.ge [sflag:s29], $0x1  }
0xb4: {  	[sflag:s29] =	ssyncadd.s32 $0xFFFFFFFF  }
0xb5: {  	_ =	strace $0x90000048  }
0xb6: {  	_ =	sfence  }
0xb7: {  	s30 =	sld [smem:$0x0];
	_ =	sdelay $0x2  }
0xb8: {  	s31 =	sshll.u32 s1, $0xD;
	s1 =	sshrl.u32 s1, $0x2  }
0xb9: {  	s3 =	sand.u32 $0x4000, s31;
	s1 =	sadd.s32 s1, s30  }
0xba: {  	s0 =	sor.u32 s3, s0;
	s1 =	sshll.u32 s1, $0x11  }
0xbb: {  	s0 =	sor.u32 s1, s0  }
0xbc: {  	s0 =	sadd.s32 $0x8F2B, s0  }
0xbd: {  	[sflag:s0] =	ssyncadd.remote.s32 $0x1  }
0xbe: {  	_ =	sfence.sel $0xFFFF  }
0xbf: {  	[dreg:$0x0] =	wrdreg $0xFFFFFFFF;
	(pc) =	sbr.abs _section_cstart, $3  }
0xc0: {  	[dreg:$0x1] =	wrdreg $0xFFFFFFFF  }
0xc1: {  	_ =	task.clear_ibuf [dreg:s7], $0x2FFFF;
	_ =	strace $0x9FFFFFFF  }
0xc2: {  	(tm) =	ssettm $0x7FFFFFFF  }
0xc3: {  	_ =	shalt  }
tec
execute0_lowered:
.L_overlay_start_1:
0x0: {  	(tag) =	ssettag $0x1  }
0x1: {  	s0 =	rddreg [dreg:$0x0]  }
0x2: {  	s1 =	srdreg.scid;
	s2 =	stileid.u32  }
0x3: {  	s3 =	simm.s32 $0x0;
	s14 =	simm.s32 $0x3;
	s16 =	simm.s32 $0x68  }
0x4: {  	s18 =	simm.s32 $0x60;
	s31 =	simm.s32 $0x640;
	s13 =	simm.s32 $0xAF0  }
0x5: {  	s15 =	simm.s32 $0xBB80;
	s17 =	simm.s32 $0xB58;
	s19 =	simm.s32 $0xC200  }
0x6: {  	s20 =	simm.s32 $0xBB8;
	s21 =	simm.s32 $0xC800;
	s22 =	simm.s32 $0xC20  }
0x7: {  	s23 =	simm.s32 $0xCE80;
	s24 =	simm.s32 $0x1;
	s25 =	simm.s32 $0xD480  }
0x8: {  	s26 =	simm.s32 $0x2;
	s1 =	sand.u32 $0x1, s1;
	s2 =	sshll.u32 s2, $0x1  }
0x9: {  	[smem:$0x7FF] =	sst s3;
	s4 =	sadd.s32 $0x6C200, s0;
	s5 =	sadd.s32 $0x200, s0  }
0xa: {  	s6 =	sadd.s32 $0x254800, s0;
	s2 =	sor.u32 s1, s2;
	s1 =	ssub.s32 $0x2, s1  }
0xb: {  	_ =	strace $0x80000047;
	s7 =	sshll.u32 s2, $0xA;
	s28 =	sshrl.u32 s1, $0x1  }
0xc: {  	s9 =	smul.u32 $0x3200, s2;
	s8 =	sadd.s32 s7, s0;
	s0 =	ssub.s32 s1, s28  }
0xd: {  	s10 =	sadd.s32 s6, s7;
	s1 =	simm.s32 $0xA90;
	s29 =	sadd.s32 $0x64200, s8  }
0xe: {  	s7 =	simm.s32 $0x0;
	s30 =	sadd.s32 s5, s9;
	[dreg:$0x3] =	wrdreg s29  }
0xf: {  	s8 =	sshll.u32 s2, $0x9;
	s0 =	smax.u32 s0, $0x1;
	[dreg:$0x4] =	wrdreg s30  }
0x10: {  	s2 =	simm.s32 $0xB580;
	s11 =	sor.u32 $0x10, s8;
	[dreg:$0x5] =	wrdreg s0  }
.LBB2_1:
0x11: {  	[dreg:$0x6] =	wrdreg s7  }
0x12: {  	s0 =	rddreg [dreg:$0x3];
	s30 =	simm.s32 $0xD500  }
0x13: {  	[tilespmem:s30], [sflag:$0x3] =	stream.linear.gather [hbm4b:s0+s3], $0x2000, $0x38;
	[tilespmem:$0xF510] =	vst v63  }
0x14: {  	_ =	swait.ge [sflag:s14], $0x2000  }
0x15: {  	[sflag:s14] =	ssyncset.done $0x0  }
0x16: {  	[sflag:s14] =	ssyncadd.s32 $0xFFFFE000  }
0x17: {  	s12 =	simm.s32 $0xF500;
	s9 =	rddreg [dreg:$0x1]  }
0x18: {  	[tilespmem:s12], [sflag:$0x3] =	stream.linear.gather [hbm4b:s9+s3], $0x10, $0x38;
	[tilespmem:$0xF510] =	vst v63  }
0x19: {  	_ =	swait.ge [sflag:s14], $0x10  }
0x1a: {  	[sflag:s14] =	ssyncset.done $0x0  }
0x1b: {  	s29 =	rddreg [dreg:$0x4];
	[sflag:s14] =	ssyncadd.s32 $0xFFFFFFF0  }
0x1c: {  	[tilespmem:s3], [sflag:$0x3] =	stream.linear.gather [hbm4b:s29+s3], $0x640, $0x38;
	[tilespmem:$0xF510] =	vst v63  }
0x1d: {  	_ =	swait.ge [sflag:s14], $0x640  }
0x1e: {  	[sflag:s14] =	ssyncset.done $0x0  }
0x1f: {  	s30 =	simm.s32 $0xC80;
	[sflag:s14] =	ssyncadd.s32 $0xFFFFF9C0  }
0x20: {  	[tilespmem:s30], [sflag:$0x1] =	stream.indirect.gather [hbm4b:s4+s16], $0x10, s3, s16, $0xb8;
	[tilespmem:$0xF510] =	vst v63  }
0x21: {  	s7 =	simm.s32 $0x1300  }
0x22: {  	[tilespmem:s7], [sflag:$0x1] =	stream.indirect.gather [hbm4b:s4+s18], $0x10, s16, s18, $0xb8;
	[tilespmem:$0xF510] =	vst v63  }
0x23: {  	s9 =	simm.s32 $0xC8;
	s12 =	simm.s32 $0x1900  }
0x24: {  	[tilespmem:s12], [sflag:$0x1] =	stream.indirect.gather [hbm4b:s4+s16], $0x10, s9, s16, $0xb8;
	[tilespmem:$0xF510] =	vst v63  }
0x25: {  	s29 =	simm.s32 $0x130;
	s30 =	simm.s32 $0x1F80  }
0x26: {  	[tilespmem:s30], [sflag:$0x1] =	stream.indirect.gather [hbm4b:s4+s18], $0x10, s29, s18, $0xb8;
	[tilespmem:$0xF510] =	vst v63  }
0x27: {  	s9 =	simm.s32 $0x190;
	s12 =	simm.s32 $0x2580  }
0x28: {  	[tilespmem:s12], [sflag:$0x1] =	stream.indirect.gather [hbm4b:s4+s16], $0x10, s9, s16, $0xb8;
	[tilespmem:$0xF510] =	vst v63  }
0x29: {  	s29 =	simm.s32 $0x1F8;
	s30 =	simm.s32 $0x2C00  }
0x2a: {  	[tilespmem:s30], [sflag:$0x1] =	stream.indirect.gather [hbm4b:s4+s18], $0x10, s29, s18, $0xb8;
	[tilespmem:$0xF510] =	vst v63  }
0x2b: {  	s9 =	simm.s32 $0x258;
	s12 =	simm.s32 $0x3200  }
0x2c: {  	[tilespmem:s12], [sflag:$0x1] =	stream.indirect.gather [hbm4b:s4+s16], $0x10, s9, s16, $0xb8;
	[tilespmem:$0xF510] =	vst v63  }
0x2d: {  	s29 =	simm.s32 $0x2C0;
	s30 =	simm.s32 $0x3880  }
0x2e: {  	[tilespmem:s30], [sflag:$0x1] =	stream.indirect.gather [hbm4b:s4+s18], $0x10, s29, s18, $0xb8;
	[tilespmem:$0xF510] =	vst v63  }
0x2f: {  	s9 =	simm.s32 $0x320;
	s12 =	simm.s32 $0x3E80  }
0x30: {  	[tilespmem:s12], [sflag:$0x1] =	stream.indirect.gather [hbm4b:s4+s16], $0x10, s9, s16, $0xb8;
	[tilespmem:$0xF510] =	vst v63  }
0x31: {  	s29 =	simm.s32 $0x388;
	s30 =	simm.s32 $0x4500  }
0x32: {  	[tilespmem:s30], [sflag:$0x1] =	stream.indirect.gather [hbm4b:s4+s18], $0x10, s29, s18, $0xb8;
	[tilespmem:$0xF510] =	vst v63  }
0x33: {  	s9 =	simm.s32 $0x3E8;
	s12 =	simm.s32 $0x4B00  }
0x34: {  	[tilespmem:s12], [sflag:$0x1] =	stream.indirect.gather [hbm4b:s4+s16], $0x10, s9, s16, $0xb8;
	[tilespmem:$0xF510] =	vst v63  }
0x35: {  	s29 =	simm.s32 $0x450;
	s30 =	simm.s32 $0x5180  }
0x36: {  	[tilespmem:s30], [sflag:$0x1] =	stream.indirect.gather [hbm4b:s4+s18], $0x10, s29, s18, $0xb8;
	[tilespmem:$0xF510] =	vst v63  }
0x37: {  	s9 =	simm.s32 $0x4B0;
	s12 =	simm.s32 $0x5780  }
0x38: {  	[tilespmem:s12], [sflag:$0x1] =	stream.indirect.gather [hbm4b:s4+s16], $0x10, s9, s16, $0xb8;
	[tilespmem:$0xF510] =	vst v63  }
0x39: {  	s29 =	simm.s32 $0x518;
	s30 =	simm.s32 $0x5E00  }
0x3a: {  	[tilespmem:s30], [sflag:$0x1] =	stream.indirect.gather [hbm4b:s4+s18], $0x10, s29, s18, $0xb8;
	[tilespmem:$0xF510] =	vst v63  }
0x3b: {  	s9 =	simm.s32 $0x578;
	s12 =	simm.s32 $0x6400  }
0x3c: {  	[tilespmem:s12], [sflag:$0x1] =	stream.indirect.gather [hbm4b:s4+s16], $0x10, s9, s16, $0xb8;
	[tilespmem:$0xF510] =	vst v63  }
0x3d: {  	s28 =	simm.s32 $0x0;
	s29 =	simm.s32 $0x5E0;
	s30 =	simm.s32 $0x6A80  }
0x3e: {  	[tilespmem:s30], [sflag:$0x1] =	stream.indirect.gather [hbm4b:s4+s18], $0x10, s29, s18, $0xb8;
	[tilespmem:$0xF510] =	vst v63  }
.LBB2_2:
0x3f: {  	s30 =	sshllo.u32 s28, $0x1  }
0x40: {  	s7 =	sshll.u32 s30, $0x3  }
0x41: {  	s29 =	sadd.s32 s8, s7  }
0x42: {  	s7 =	smul.u32 $0x19, s29;
	_ =	sdelay $0x1  }
0x43: {  	s9 =	simm.s32 $0x0;
	s7 =	sadd.s32 s5, s7  }
0x44: {  	[tilespmem:s31], [sflag:$0x3] =	stream.linear.gather [hbm4b:s7+s9], $0x640, $0x38;
	[tilespmem:$0xF510] =	vst v63  }
0x45: {  	_ =	swait.ge [sflag:s14], $0x640  }
0x46: {  	[sflag:s14] =	ssyncset.done $0x0  }
0x47: {  	s0 =	simm.s32 $0x7080;
	[sflag:s14] =	ssyncadd.s32 $0xFFFFF9C0  }
0x48: {  	[tilespmem:s0], [sflag:$0x2] =	stream.indirect.gather [hbm4b:s4+s16], $0x10, s31, s16, $0xb8;
	[tilespmem:$0xF510] =	vst v63  }
0x49: {  	s12 =	simm.s32 $0x7700;
	s9 =	simm.s32 $0x6A8  }
0x4a: {  	[tilespmem:s12], [sflag:$0x2] =	stream.indirect.gather [hbm4b:s4+s18], $0x10, s9, s18, $0xb8;
	[tilespmem:$0xF510] =	vst v63  }
0x4b: {  	s9 =	simm.s32 $0x708;
	s12 =	simm.s32 $0x7D00  }
0x4c: {  	[tilespmem:s12], [sflag:$0x2] =	stream.indirect.gather [hbm4b:s4+s16], $0x10, s9, s16, $0xb8;
	[tilespmem:$0xF510] =	vst v63  }
0x4d: {  	s9 =	simm.s32 $0x770;
	s12 =	simm.s32 $0x8380  }
0x4e: {  	[tilespmem:s12], [sflag:$0x2] =	stream.indirect.gather [hbm4b:s4+s18], $0x10, s9, s18, $0xb8;
	[tilespmem:$0xF510] =	vst v63  }
0x4f: {  	s9 =	simm.s32 $0x7D0;
	s12 =	simm.s32 $0x8980  }
0x50: {  	[tilespmem:s12], [sflag:$0x2] =	stream.indirect.gather [hbm4b:s4+s16], $0x10, s9, s16, $0xb8;
	[tilespmem:$0xF510] =	vst v63  }
0x51: {  	s9 =	simm.s32 $0x838;
	s12 =	simm.s32 $0x9000  }
0x52: {  	[tilespmem:s12], [sflag:$0x2] =	stream.indirect.gather [hbm4b:s4+s18], $0x10, s9, s18, $0xb8;
	[tilespmem:$0xF510] =	vst v63  }
0x53: {  	s9 =	simm.s32 $0x898;
	s12 =	simm.s32 $0x9600  }
0x54: {  	[tilespmem:s12], [sflag:$0x2] =	stream.indirect.gather [hbm4b:s4+s16], $0x10, s9, s16, $0xb8;
	[tilespmem:$0xF510] =	vst v63  }
0x55: {  	s9 =	simm.s32 $0x900;
	s12 =	simm.s32 $0x9C80  }
0x56: {  	[tilespmem:s12], [sflag:$0x2] =	stream.indirect.gather [hbm4b:s4+s18], $0x10, s9, s18, $0xb8;
	[tilespmem:$0xF510] =	vst v63  }
0x57: {  	s9 =	simm.s32 $0x960;
	s12 =	simm.s32 $0xA280  }
0x58: {  	[tilespmem:s12], [sflag:$0x2] =	stream.indirect.gather [hbm4b:s4+s16], $0x10, s9, s16, $0xb8;
	[tilespmem:$0xF510] =	vst v63  }
0x59: {  	s9 =	simm.s32 $0x9C8;
	s12 =	simm.s32 $0xA900  }
0x5a: {  	[tilespmem:s12], [sflag:$0x2] =	stream.indirect.gather [hbm4b:s4+s18], $0x10, s9, s18, $0xb8;
	[tilespmem:$0xF510] =	vst v63  }
0x5b: {  	s7 =	simm.s32 $0xA28;
	s9 =	simm.s32 $0xAF00  }
0x5c: {  	[tilespmem:s9], [sflag:$0x2] =	stream.indirect.gather [hbm4b:s4+s16], $0x10, s7, s16, $0xb8;
	[tilespmem:$0xF510] =	vst v63  }
0x5d: {  	_ = 	snop  }
0x5e: {  	[tilespmem:s2], [sflag:$0x2] =	stream.indirect.gather [hbm4b:s4+s18], $0x10, s1, s18, $0xb8;
	[tilespmem:$0xF510] =	vst v63  }
0x5f: {  	_ = 	snop  }
0x60: {  	[tilespmem:s15], [sflag:$0x2] =	stream.indirect.gather [hbm4b:s4+s16], $0x10, s13, s16, $0xb8;
	[tilespmem:$0xF510] =	vst v63  }
0x61: {  	_ = 	snop  }
0x62: {  	[tilespmem:s19], [sflag:$0x2] =	stream.indirect.gather [hbm4b:s4+s18], $0x10, s17, s18, $0xb8;
	[tilespmem:$0xF510] =	vst v63  }
0x63: {  	_ = 	snop  }
0x64: {  	[tilespmem:s21], [sflag:$0x2] =	stream.indirect.gather [hbm4b:s4+s16], $0x10, s20, s16, $0xb8;
	[tilespmem:$0xF510] =	vst v63  }
0x65: {  	_ = 	snop  }
0x66: {  	[tilespmem:s23], [sflag:$0x2] =	stream.indirect.gather [hbm4b:s4+s18], $0x10, s22, s18, $0xb8;
	[tilespmem:$0xF510] =	vst v63  }
0x67: {  	_ =	swait.ge [sflag:s24], $0x680  }
0x68: {  	[sflag:s24] =	ssyncset.done $0x0  }
0x69: {  	[sflag:s24] =	ssyncadd.s32 $0xFFFFF980  }
0x6a: {  	_ =	swait.ge [sflag:s24], $0x600  }
0x6b: {  	[sflag:s24] =	ssyncset.done $0x0  }
0x6c: {  	[sflag:s24] =	ssyncadd.s32 $0xFFFFFA00  }
0x6d: {  	_ =	swait.ge [sflag:s24], $0x680  }
0x6e: {  	[sflag:s24] =	ssyncset.done $0x0  }
0x6f: {  	[sflag:s24] =	ssyncadd.s32 $0xFFFFF980  }
0x70: {  	_ =	swait.ge [sflag:s24], $0x600  }
0x71: {  	[sflag:s24] =	ssyncset.done $0x0  }
0x72: {  	[sflag:s24] =	ssyncadd.s32 $0xFFFFFA00  }
0x73: {  	_ =	swait.ge [sflag:s24], $0x680  }
0x74: {  	[sflag:s24] =	ssyncset.done $0x0  }
0x75: {  	[sflag:s24] =	ssyncadd.s32 $0xFFFFF980  }
0x76: {  	_ =	swait.ge [sflag:s24], $0x600  }
0x77: {  	[sflag:s24] =	ssyncset.done $0x0  }
0x78: {  	[sflag:s24] =	ssyncadd.s32 $0xFFFFFA00  }
0x79: {  	_ =	swait.ge [sflag:s24], $0x680  }
0x7a: {  	[sflag:s24] =	ssyncset.done $0x0  }
0x7b: {  	[sflag:s24] =	ssyncadd.s32 $0xFFFFF980  }
0x7c: {  	_ =	swait.ge [sflag:s24], $0x600  }
0x7d: {  	[sflag:s24] =	ssyncset.done $0x0  }
0x7e: {  	[sflag:s24] =	ssyncadd.s32 $0xFFFFFA00  }
0x7f: {  	_ =	swait.ge [sflag:s24], $0x680  }
0x80: {  	[sflag:s24] =	ssyncset.done $0x0  }
0x81: {  	[sflag:s24] =	ssyncadd.s32 $0xFFFFF980  }
0x82: {  	_ =	swait.ge [sflag:s24], $0x600  }
0x83: {  	[sflag:s24] =	ssyncset.done $0x0  }
0x84: {  	[sflag:s24] =	ssyncadd.s32 $0xFFFFFA00  }
0x85: {  	_ =	swait.ge [sflag:s24], $0x680  }
0x86: {  	[sflag:s24] =	ssyncset.done $0x0  }
0x87: {  	[sflag:s24] =	ssyncadd.s32 $0xFFFFF980  }
0x88: {  	_ =	swait.ge [sflag:s24], $0x600  }
0x89: {  	[sflag:s24] =	ssyncset.done $0x0  }
0x8a: {  	[sflag:s24] =	ssyncadd.s32 $0xFFFFFA00  }
0x8b: {  	_ =	swait.ge [sflag:s24], $0x680  }
0x8c: {  	[sflag:s24] =	ssyncset.done $0x0  }
0x8d: {  	[sflag:s24] =	ssyncadd.s32 $0xFFFFF980  }
0x8e: {  	_ =	swait.ge [sflag:s24], $0x600  }
0x8f: {  	[sflag:s24] =	ssyncset.done $0x0  }
0x90: {  	[sflag:s24] =	ssyncadd.s32 $0xFFFFFA00  }
0x91: {  	_ =	swait.ge [sflag:s24], $0x680  }
0x92: {  	[sflag:s24] =	ssyncset.done $0x0  }
0x93: {  	[sflag:s24] =	ssyncadd.s32 $0xFFFFF980  }
0x94: {  	_ =	swait.ge [sflag:s24], $0x600  }
0x95: {  	[sflag:s24] =	ssyncset.done $0x0  }
0x96: {  	s12 =	simm.s32 $0x0;
	[sflag:s24] =	ssyncadd.s32 $0xFFFFFA00  }
0x97: {  	v0 =	vld [tilespmem:s12+$0xCF0]  }
0x98: {  	v1 =	vld [tilespmem:s12+$0xC80]  }
0x99: {  	v2 =	vld [tilespmem:s12+$0xC90]  }
0x9a: {  	v5 =	vld [tilespmem:s12+$0xCA0]  }
0x9b: {  	v6 =	vld [tilespmem:s12+$0xCB0]  }
0x9c: {  	v3 =	vimm.f32 $0.0e+00;
	v4 =	vimm.f32 $0.0e+00;
	v7 =	vld [tilespmem:s12+$0xCC0]  }
0x9d: {  	v10 =	vimm.f32 $0.0e+00;
	v8 =	vimm.f32 $0.0e+00;
	v11 =	vld [tilespmem:s12+$0xCD0];
	v0 =	vadd.f32 v0, v3  }
0x9e: {  	v9 =	vimm.f32 $0.0e+00;
	s7 =	simm.s32 $0x80;
	s9 =	simm.s32 $0x400;
	v12 =	vld [tilespmem:s12+$0xCE0];
	v1 =	vadd.f32 v1, v3;
	v2 =	vadd.f32 v2, v3  }
.LBB2_3:
0x9f: {  	p0 =	sne.s32 s9, $0x3000;
	v13 =	vld [tilespmem:s7+$0xCF0];
	v3 =	vadd.f32 v5, v3  }
0xa0: {  	v14 =	vld [tilespmem:s7+$0xC80];
	v4 =	vadd.f32 v6, v4  }
0xa1: {  	v15 =	vld [tilespmem:s7+$0xC90];
	v10 =	vadd.f32 v7, v10  }
.Ltmp0:
0xa2: {  	v5 =	vld [tilespmem:s7+$0xCA0];
	v8 =	vadd.f32 v11, v8;
	(pc) =	sbr.rel @p0 .LBB2_3-.Ltmp0, $4  }
0xa3: {  	v6 =	vld [tilespmem:s7+$0xCB0];
	v9 =	vadd.f32 v12, v9  }
0xa4: {  	v7 =	vld [tilespmem:s7+$0xCC0];
	v0 =	vadd.f32 v13, v0  }
0xa5: {  	v1 =	vadd.f32 v14, v1;
	v11 =	vld [tilespmem:s7+$0xCD0]  }
0xa6: {  	v2 =	vadd.f32 v15, v2;
	v12 =	vld [tilespmem:s7+$0xCE0];
	s7 =	sshra.s32 s9, $0x2;
	s9 =	sadd.s32 $0x200, s9  }
0xa7: {  	v13 =	vld [tilespmem:s7+$0xCF0]  }
0xa8: {  	v14 =	vld [tilespmem:s7+$0xC80]  }
0xa9: {  	v15 =	vld [tilespmem:s7+$0xC90]  }
0xaa: {  	v16 =	vld [tilespmem:s7+$0xCA0]  }
0xab: {  	v17 =	vld [tilespmem:s7+$0xCB0]  }
0xac: {  	v18 =	vld [tilespmem:s7+$0xCC0]  }
0xad: {  	v3 =	vadd.f32 v5, v3;
	v5 =	vld [tilespmem:s7+$0xCD0]  }
0xae: {  	v4 =	vadd.f32 v6, v4;
	v6 =	vadd.f32 v7, v10;
	v7 =	vld [tilespmem:s7+$0xCE0]  }
0xaf: {  	v8 =	vadd.f32 v11, v8;
	v9 =	vadd.f32 v12, v9  }
0xb0: {  	v0 =	vadd.f32 v13, v0;
	v1 =	vadd.f32 v14, v1  }
0xb1: {  	v2 =	vadd.f32 v15, v2;
	v3 =	vadd.f32 v16, v3  }
0xb2: {  	v4 =	vadd.f32 v17, v4;
	v6 =	vadd.f32 v18, v6  }
0xb3: {  	v5 =	vadd.f32 v5, v8;
	v7 =	vadd.f32 v7, v9  }
0xb4: {  	s12 =	sshll.u32 s28, $0x8;
	v1 =	vadd.f32 v2, v1;
	v2 =	vadd.f32 v4, v3  }
0xb5: {  	s7 =	sand.u32 $0x3FFFFF00, s12;
	v3 =	vadd.f32 v5, v6;
	v0 =	vadd.f32 v0, v7  }
0xb6: {  	v4 =	vld [tilespmem:s7+$0xD500]  }
0xb7: {  	v1 =	vadd.f32 v2, v1;
	v0 =	vadd.f32 v0, v3  }
0xb8: {  	v2 =	vld [tilespmem:$0xF500]  }
0xb9: {  	v0 =	vadd.f32 v0, v1;
	_ =	sdelay $0x1  }
0xba: {  	v0 =	vmul.f32 v4, v0;
	_ =	sdelay $0x1  }
0xbb: {  	v0 =	vadd.f32 v2, v0;
	_ =	sdelay $0x1  }
0xbc: {  	s0 =	simm.s32 $0x0;
	[tilespmem:$0xD480] =	vst v0  }
0xbd: {  	v0 =	vld [tilespmem:s0+$0x1970]  }
0xbe: {  	v1 =	vld [tilespmem:s0+$0x1900]  }
0xbf: {  	v2 =	vld [tilespmem:s0+$0x1910]  }
0xc0: {  	v5 =	vld [tilespmem:s0+$0x1920]  }
0xc1: {  	v6 =	vld [tilespmem:s0+$0x1930]  }
0xc2: {  	v10 =	vimm.f32 $0.0e+00;
	v3 =	vimm.f32 $0.0e+00;
	v7 =	vld [tilespmem:s0+$0x1940]  }
0xc3: {  	v8 =	vimm.f32 $0.0e+00;
	v9 =	vimm.f32 $0.0e+00;
	v11 =	vld [tilespmem:s0+$0x1950];
	v0 =	vadd.f32 v0, v3  }
0xc4: {  	s9 =	simm.s32 $0x80;
	s12 =	simm.s32 $0x400;
	v4 =	vimm.f32 $0.0e+00;
	v12 =	vld [tilespmem:s0+$0x1960];
	v1 =	vadd.f32 v1, v3;
	v2 =	vadd.f32 v2, v3  }
.LBB2_5:
0xc5: {  	p0 =	sne.s32 s12, $0x3000;
	v13 =	vld [tilespmem:s9+$0x1970];
	v3 =	vadd.f32 v5, v3  }
0xc6: {  	v14 =	vld [tilespmem:s9+$0x1900];
	v4 =	vadd.f32 v6, v4  }
0xc7: {  	v15 =	vld [tilespmem:s9+$0x1910];
	v10 =	vadd.f32 v7, v10  }
.Ltmp1:
0xc8: {  	v5 =	vld [tilespmem:s9+$0x1920];
	v8 =	vadd.f32 v11, v8;
	(pc) =	sbr.rel @p0 .LBB2_5-.Ltmp1, $4  }
0xc9: {  	v6 =	vld [tilespmem:s9+$0x1930];
	v9 =	vadd.f32 v12, v9  }
0xca: {  	v7 =	vld [tilespmem:s9+$0x1940];
	v0 =	vadd.f32 v13, v0  }
0xcb: {  	v1 =	vadd.f32 v14, v1;
	v11 =	vld [tilespmem:s9+$0x1950]  }
0xcc: {  	v2 =	vadd.f32 v15, v2;
	v12 =	vld [tilespmem:s9+$0x1960];
	s9 =	sshra.s32 s12, $0x2;
	s12 =	sadd.s32 $0x200, s12  }
0xcd: {  	v13 =	vld [tilespmem:s9+$0x1970]  }
0xce: {  	v14 =	vld [tilespmem:s9+$0x1900]  }
0xcf: {  	v15 =	vld [tilespmem:s9+$0x1910]  }
0xd0: {  	v16 =	vld [tilespmem:s9+$0x1920]  }
0xd1: {  	v17 =	vld [tilespmem:s9+$0x1930]  }
0xd2: {  	v18 =	vld [tilespmem:s9+$0x1940]  }
0xd3: {  	v3 =	vadd.f32 v5, v3;
	v5 =	vld [tilespmem:s9+$0x1950]  }
0xd4: {  	v4 =	vadd.f32 v6, v4;
	v6 =	vadd.f32 v7, v10;
	v7 =	vld [tilespmem:s9+$0x1960]  }
0xd5: {  	v8 =	vadd.f32 v11, v8;
	v9 =	vadd.f32 v12, v9  }
0xd6: {  	v0 =	vadd.f32 v13, v0;
	v1 =	vadd.f32 v14, v1  }
0xd7: {  	v2 =	vadd.f32 v15, v2;
	v3 =	vadd.f32 v16, v3  }
0xd8: {  	v4 =	vadd.f32 v17, v4;
	v6 =	vadd.f32 v18, v6  }
0xd9: {  	v5 =	vadd.f32 v5, v8;
	v7 =	vadd.f32 v7, v9  }
0xda: {  	v1 =	vadd.f32 v2, v1;
	v2 =	vadd.f32 v4, v3  }
0xdb: {  	v3 =	vadd.f32 v5, v6;
	v0 =	vadd.f32 v0, v7  }
0xdc: {  	v4 =	vld [tilespmem:s7+$0xD510]  }
0xdd: {  	v1 =	vadd.f32 v2, v1;
	v0 =	vadd.f32 v0, v3  }
0xde: {  	v2 =	vld [tilespmem:$0xF500]  }
0xdf: {  	v0 =	vadd.f32 v0, v1;
	_ =	sdelay $0x1  }
0xe0: {  	v0 =	vmul.f32 v4, v0;
	_ =	sdelay $0x1  }
0xe1: {  	v0 =	vadd.f32 v2, v0;
	_ =	sdelay $0x1  }
0xe2: {  	s0 =	simm.s32 $0x0;
	[tilespmem:$0xD490] =	vst v0  }
0xe3: {  	v0 =	vld [tilespmem:s0+$0x25F0]  }
0xe4: {  	v1 =	vld [tilespmem:s0+$0x2580]  }
0xe5: {  	v2 =	vld [tilespmem:s0+$0x2590]  }
0xe6: {  	v5 =	vld [tilespmem:s0+$0x25A0]  }
0xe7: {  	v6 =	vld [tilespmem:s0+$0x25B0]  }
0xe8: {  	v10 =	vimm.f32 $0.0e+00;
	v3 =	vimm.f32 $0.0e+00;
	v7 =	vld [tilespmem:s0+$0x25C0]  }
0xe9: {  	v8 =	vimm.f32 $0.0e+00;
	v9 =	vimm.f32 $0.0e+00;
	v11 =	vld [tilespmem:s0+$0x25D0];
	v0 =	vadd.f32 v0, v3  }
0xea: {  	s12 =	simm.s32 $0x400;
	s9 =	simm.s32 $0x80;
	v4 =	vimm.f32 $0.0e+00;
	v12 =	vld [tilespmem:s0+$0x25E0];
	v1 =	vadd.f32 v1, v3;
	v2 =	vadd.f32 v2, v3  }
.LBB2_7:
0xeb: {  	p0 =	sne.s32 s12, $0x3000;
	v13 =	vld [tilespmem:s9+$0x25F0];
	v3 =	vadd.f32 v5, v3  }
0xec: {  	v14 =	vld [tilespmem:s9+$0x2580];
	v4 =	vadd.f32 v6, v4  }
0xed: {  	v15 =	vld [tilespmem:s9+$0x2590];
	v10 =	vadd.f32 v7, v10  }
.Ltmp2:
0xee: {  	v5 =	vld [tilespmem:s9+$0x25A0];
	v8 =	vadd.f32 v11, v8;
	(pc) =	sbr.rel @p0 .LBB2_7-.Ltmp2, $4  }
0xef: {  	v6 =	vld [tilespmem:s9+$0x25B0];
	v9 =	vadd.f32 v12, v9  }
0xf0: {  	v7 =	vld [tilespmem:s9+$0x25C0];
	v0 =	vadd.f32 v13, v0  }
0xf1: {  	v1 =	vadd.f32 v14, v1;
	v11 =	vld [tilespmem:s9+$0x25D0]  }
0xf2: {  	v2 =	vadd.f32 v15, v2;
	v12 =	vld [tilespmem:s9+$0x25E0];
	s9 =	sshra.s32 s12, $0x2;
	s12 =	sadd.s32 $0x200, s12  }
0xf3: {  	v13 =	vld [tilespmem:s9+$0x25F0]  }
0xf4: {  	v14 =	vld [tilespmem:s9+$0x2580]  }
0xf5: {  	v15 =	vld [tilespmem:s9+$0x2590]  }
0xf6: {  	v16 =	vld [tilespmem:s9+$0x25A0]  }
0xf7: {  	v17 =	vld [tilespmem:s9+$0x25B0]  }
0xf8: {  	v18 =	vld [tilespmem:s9+$0x25C0]  }
0xf9: {  	v3 =	vadd.f32 v5, v3;
	v5 =	vld [tilespmem:s9+$0x25D0]  }
0xfa: {  	v4 =	vadd.f32 v6, v4;
	v6 =	vadd.f32 v7, v10;
	v7 =	vld [tilespmem:s9+$0x25E0]  }
0xfb: {  	v8 =	vadd.f32 v11, v8;
	v9 =	vadd.f32 v12, v9  }
0xfc: {  	v0 =	vadd.f32 v13, v0;
	v1 =	vadd.f32 v14, v1  }
0xfd: {  	v2 =	vadd.f32 v15, v2;
	v3 =	vadd.f32 v16, v3  }
0xfe: {  	v4 =	vadd.f32 v17, v4;
	v6 =	vadd.f32 v18, v6  }
0xff: {  	v5 =	vadd.f32 v5, v8;
	v7 =	vadd.f32 v7, v9  }
0x100: {  	v1 =	vadd.f32 v2, v1;
	v2 =	vadd.f32 v4, v3  }
0x101: {  	v3 =	vadd.f32 v5, v6;
	v0 =	vadd.f32 v0, v7  }
0x102: {  	v4 =	vld [tilespmem:s7+$0xD520]  }
0x103: {  	v1 =	vadd.f32 v2, v1;
	v0 =	vadd.f32 v0, v3  }
0x104: {  	v2 =	vld [tilespmem:$0xF500]  }
0x105: {  	v0 =	vadd.f32 v0, v1;
	_ =	sdelay $0x1  }
0x106: {  	v0 =	vmul.f32 v4, v0;
	_ =	sdelay $0x1  }
0x107: {  	v0 =	vadd.f32 v2, v0;
	_ =	sdelay $0x1  }
0x108: {  	s0 =	simm.s32 $0x0;
	[tilespmem:$0xD4A0] =	vst v0  }
0x109: {  	v0 =	vld [tilespmem:s0+$0x3270]  }
0x10a: {  	v1 =	vld [tilespmem:s0+$0x3200]  }
0x10b: {  	v2 =	vld [tilespmem:s0+$0x3210]  }
0x10c: {  	v5 =	vld [tilespmem:s0+$0x3220]  }
0x10d: {  	v6 =	vld [tilespmem:s0+$0x3230]  }
0x10e: {  	v10 =	vimm.f32 $0.0e+00;
	v3 =	vimm.f32 $0.0e+00;
	v7 =	vld [tilespmem:s0+$0x3240]  }
0x10f: {  	v8 =	vimm.f32 $0.0e+00;
	v9 =	vimm.f32 $0.0e+00;
	v11 =	vld [tilespmem:s0+$0x3250];
	v0 =	vadd.f32 v0, v3  }
0x110: {  	s12 =	simm.s32 $0x400;
	s9 =	simm.s32 $0x80;
	v4 =	vimm.f32 $0.0e+00;
	v12 =	vld [tilespmem:s0+$0x3260];
	v1 =	vadd.f32 v1, v3;
	v2 =	vadd.f32 v2, v3  }
.LBB2_9:
0x111: {  	p0 =	sne.s32 s12, $0x3000;
	v13 =	vld [tilespmem:s9+$0x3270];
	v3 =	vadd.f32 v5, v3  }
0x112: {  	v14 =	vld [tilespmem:s9+$0x3200];
	v4 =	vadd.f32 v6, v4  }
0x113: {  	v15 =	vld [tilespmem:s9+$0x3210];
	v10 =	vadd.f32 v7, v10  }
.Ltmp3:
0x114: {  	v5 =	vld [tilespmem:s9+$0x3220];
	v8 =	vadd.f32 v11, v8;
	(pc) =	sbr.rel @p0 .LBB2_9-.Ltmp3, $4  }
0x115: {  	v6 =	vld [tilespmem:s9+$0x3230];
	v9 =	vadd.f32 v12, v9  }
0x116: {  	v7 =	vld [tilespmem:s9+$0x3240];
	v0 =	vadd.f32 v13, v0  }
0x117: {  	v1 =	vadd.f32 v14, v1;
	v11 =	vld [tilespmem:s9+$0x3250]  }
0x118: {  	v2 =	vadd.f32 v15, v2;
	v12 =	vld [tilespmem:s9+$0x3260];
	s9 =	sshra.s32 s12, $0x2;
	s12 =	sadd.s32 $0x200, s12  }
0x119: {  	v13 =	vld [tilespmem:s9+$0x3270]  }
0x11a: {  	v14 =	vld [tilespmem:s9+$0x3200]  }
0x11b: {  	v15 =	vld [tilespmem:s9+$0x3210]  }
0x11c: {  	v16 =	vld [tilespmem:s9+$0x3220]  }
0x11d: {  	v17 =	vld [tilespmem:s9+$0x3230]  }
0x11e: {  	v18 =	vld [tilespmem:s9+$0x3240]  }
0x11f: {  	v3 =	vadd.f32 v5, v3;
	v5 =	vld [tilespmem:s9+$0x3250]  }
0x120: {  	v4 =	vadd.f32 v6, v4;
	v6 =	vadd.f32 v7, v10;
	v7 =	vld [tilespmem:s9+$0x3260]  }
0x121: {  	v8 =	vadd.f32 v11, v8;
	v9 =	vadd.f32 v12, v9  }
0x122: {  	v0 =	vadd.f32 v13, v0;
	v1 =	vadd.f32 v14, v1  }
0x123: {  	v2 =	vadd.f32 v15, v2;
	v3 =	vadd.f32 v16, v3  }
0x124: {  	v4 =	vadd.f32 v17, v4;
	v6 =	vadd.f32 v18, v6  }
0x125: {  	v5 =	vadd.f32 v5, v8;
	v7 =	vadd.f32 v7, v9  }
0x126: {  	v1 =	vadd.f32 v2, v1;
	v2 =	vadd.f32 v4, v3  }
0x127: {  	v3 =	vadd.f32 v5, v6;
	v0 =	vadd.f32 v0, v7  }
0x128: {  	v4 =	vld [tilespmem:s7+$0xD530]  }
0x129: {  	v1 =	vadd.f32 v2, v1;
	v0 =	vadd.f32 v0, v3  }
0x12a: {  	v2 =	vld [tilespmem:$0xF500]  }
0x12b: {  	v0 =	vadd.f32 v0, v1;
	_ =	sdelay $0x1  }
0x12c: {  	v0 =	vmul.f32 v4, v0;
	_ =	sdelay $0x1  }
0x12d: {  	v0 =	vadd.f32 v2, v0;
	_ =	sdelay $0x1  }
0x12e: {  	s0 =	simm.s32 $0x0;
	[tilespmem:$0xD4B0] =	vst v0  }
0x12f: {  	v0 =	vld [tilespmem:s0+$0x3EF0]  }
0x130: {  	v1 =	vld [tilespmem:s0+$0x3E80]  }
0x131: {  	v2 =	vld [tilespmem:s0+$0x3E90]  }
0x132: {  	v5 =	vld [tilespmem:s0+$0x3EA0]  }
0x133: {  	v6 =	vld [tilespmem:s0+$0x3EB0]  }
0x134: {  	v10 =	vimm.f32 $0.0e+00;
	v3 =	vimm.f32 $0.0e+00;
	v7 =	vld [tilespmem:s0+$0x3EC0]  }
0x135: {  	v8 =	vimm.f32 $0.0e+00;
	v9 =	vimm.f32 $0.0e+00;
	v11 =	vld [tilespmem:s0+$0x3ED0];
	v0 =	vadd.f32 v0, v3  }
0x136: {  	s12 =	simm.s32 $0x400;
	s9 =	simm.s32 $0x80;
	v4 =	vimm.f32 $0.0e+00;
	v12 =	vld [tilespmem:s0+$0x3EE0];
	v1 =	vadd.f32 v1, v3;
	v2 =	vadd.f32 v2, v3  }
.LBB2_11:
0x137: {  	p0 =	sne.s32 s12, $0x3000;
	v13 =	vld [tilespmem:s9+$0x3EF0];
	v3 =	vadd.f32 v5, v3  }
0x138: {  	v14 =	vld [tilespmem:s9+$0x3E80];
	v4 =	vadd.f32 v6, v4  }
0x139: {  	v15 =	vld [tilespmem:s9+$0x3E90];
	v10 =	vadd.f32 v7, v10  }
.Ltmp4:
0x13a: {  	v5 =	vld [tilespmem:s9+$0x3EA0];
	v8 =	vadd.f32 v11, v8;
	(pc) =	sbr.rel @p0 .LBB2_11-.Ltmp4, $4  }
0x13b: {  	v6 =	vld [tilespmem:s9+$0x3EB0];
	v9 =	vadd.f32 v12, v9  }
0x13c: {  	v7 =	vld [tilespmem:s9+$0x3EC0];
	v0 =	vadd.f32 v13, v0  }
0x13d: {  	v1 =	vadd.f32 v14, v1;
	v11 =	vld [tilespmem:s9+$0x3ED0]  }
0x13e: {  	v2 =	vadd.f32 v15, v2;
	v12 =	vld [tilespmem:s9+$0x3EE0];
	s9 =	sshra.s32 s12, $0x2;
	s12 =	sadd.s32 $0x200, s12  }
0x13f: {  	v13 =	vld [tilespmem:s9+$0x3EF0]  }
0x140: {  	v14 =	vld [tilespmem:s9+$0x3E80]  }
0x141: {  	v15 =	vld [tilespmem:s9+$0x3E90]  }
0x142: {  	v16 =	vld [tilespmem:s9+$0x3EA0]  }
0x143: {  	v17 =	vld [tilespmem:s9+$0x3EB0]  }
0x144: {  	v18 =	vld [tilespmem:s9+$0x3EC0]  }
0x145: {  	v3 =	vadd.f32 v5, v3;
	v5 =	vld [tilespmem:s9+$0x3ED0]  }
0x146: {  	v4 =	vadd.f32 v6, v4;
	v6 =	vadd.f32 v7, v10;
	v7 =	vld [tilespmem:s9+$0x3EE0]  }
0x147: {  	v8 =	vadd.f32 v11, v8;
	v9 =	vadd.f32 v12, v9  }
0x148: {  	v0 =	vadd.f32 v13, v0;
	v1 =	vadd.f32 v14, v1  }
0x149: {  	v2 =	vadd.f32 v15, v2;
	v3 =	vadd.f32 v16, v3  }
0x14a: {  	v4 =	vadd.f32 v17, v4;
	v6 =	vadd.f32 v18, v6  }
0x14b: {  	v5 =	vadd.f32 v5, v8;
	v7 =	vadd.f32 v7, v9  }
0x14c: {  	v1 =	vadd.f32 v2, v1;
	v2 =	vadd.f32 v4, v3  }
0x14d: {  	v3 =	vadd.f32 v5, v6;
	v0 =	vadd.f32 v0, v7  }
0x14e: {  	v4 =	vld [tilespmem:s7+$0xD540]  }
0x14f: {  	v1 =	vadd.f32 v2, v1;
	v0 =	vadd.f32 v0, v3  }
0x150: {  	v2 =	vld [tilespmem:$0xF500]  }
0x151: {  	v0 =	vadd.f32 v0, v1;
	_ =	sdelay $0x1  }
0x152: {  	v0 =	vmul.f32 v4, v0;
	_ =	sdelay $0x1  }
0x153: {  	v0 =	vadd.f32 v2, v0;
	_ =	sdelay $0x1  }
0x154: {  	s0 =	simm.s32 $0x0;
	[tilespmem:$0xD4C0] =	vst v0  }
0x155: {  	v0 =	vld [tilespmem:s0+$0x4B70]  }
0x156: {  	v1 =	vld [tilespmem:s0+$0x4B00]  }
0x157: {  	v2 =	vld [tilespmem:s0+$0x4B10]  }
0x158: {  	v5 =	vld [tilespmem:s0+$0x4B20]  }
0x159: {  	v6 =	vld [tilespmem:s0+$0x4B30]  }
0x15a: {  	v10 =	vimm.f32 $0.0e+00;
	v3 =	vimm.f32 $0.0e+00;
	v7 =	vld [tilespmem:s0+$0x4B40]  }
0x15b: {  	v8 =	vimm.f32 $0.0e+00;
	v9 =	vimm.f32 $0.0e+00;
	v11 =	vld [tilespmem:s0+$0x4B50];
	v0 =	vadd.f32 v0, v3  }
0x15c: {  	s12 =	simm.s32 $0x400;
	s9 =	simm.s32 $0x80;
	v4 =	vimm.f32 $0.0e+00;
	v12 =	vld [tilespmem:s0+$0x4B60];
	v1 =	vadd.f32 v1, v3;
	v2 =	vadd.f32 v2, v3  }
.LBB2_13:
0x15d: {  	p0 =	sne.s32 s12, $0x3000;
	v13 =	vld [tilespmem:s9+$0x4B70];
	v3 =	vadd.f32 v5, v3  }
0x15e: {  	v14 =	vld [tilespmem:s9+$0x4B00];
	v4 =	vadd.f32 v6, v4  }
0x15f: {  	v15 =	vld [tilespmem:s9+$0x4B10];
	v10 =	vadd.f32 v7, v10  }
.Ltmp5:
0x160: {  	v5 =	vld [tilespmem:s9+$0x4B20];
	v8 =	vadd.f32 v11, v8;
	(pc) =	sbr.rel @p0 .LBB2_13-.Ltmp5, $4  }
0x161: {  	v6 =	vld [tilespmem:s9+$0x4B30];
	v9 =	vadd.f32 v12, v9  }
0x162: {  	v7 =	vld [tilespmem:s9+$0x4B40];
	v0 =	vadd.f32 v13, v0  }
0x163: {  	v1 =	vadd.f32 v14, v1;
	v11 =	vld [tilespmem:s9+$0x4B50]  }
0x164: {  	v2 =	vadd.f32 v15, v2;
	v12 =	vld [tilespmem:s9+$0x4B60];
	s9 =	sshra.s32 s12, $0x2;
	s12 =	sadd.s32 $0x200, s12  }
0x165: {  	v13 =	vld [tilespmem:s9+$0x4B70]  }
0x166: {  	v14 =	vld [tilespmem:s9+$0x4B00]  }
0x167: {  	v15 =	vld [tilespmem:s9+$0x4B10]  }
0x168: {  	v16 =	vld [tilespmem:s9+$0x4B20]  }
0x169: {  	v17 =	vld [tilespmem:s9+$0x4B30]  }
0x16a: {  	v18 =	vld [tilespmem:s9+$0x4B40]  }
0x16b: {  	v3 =	vadd.f32 v5, v3;
	v5 =	vld [tilespmem:s9+$0x4B50]  }
0x16c: {  	v4 =	vadd.f32 v6, v4;
	v6 =	vadd.f32 v7, v10;
	v7 =	vld [tilespmem:s9+$0x4B60]  }
0x16d: {  	v8 =	vadd.f32 v11, v8;
	v9 =	vadd.f32 v12, v9  }
0x16e: {  	v0 =	vadd.f32 v13, v0;
	v1 =	vadd.f32 v14, v1  }
0x16f: {  	v2 =	vadd.f32 v15, v2;
	v3 =	vadd.f32 v16, v3  }
0x170: {  	v4 =	vadd.f32 v17, v4;
	v6 =	vadd.f32 v18, v6  }
0x171: {  	v5 =	vadd.f32 v5, v8;
	v7 =	vadd.f32 v7, v9  }
0x172: {  	v1 =	vadd.f32 v2, v1;
	v2 =	vadd.f32 v4, v3  }
0x173: {  	v3 =	vadd.f32 v5, v6;
	v0 =	vadd.f32 v0, v7  }
0x174: {  	v4 =	vld [tilespmem:s7+$0xD550]  }
0x175: {  	v1 =	vadd.f32 v2, v1;
	v0 =	vadd.f32 v0, v3  }
0x176: {  	v2 =	vld [tilespmem:$0xF500]  }
0x177: {  	v0 =	vadd.f32 v0, v1;
	_ =	sdelay $0x1  }
0x178: {  	v0 =	vmul.f32 v4, v0;
	_ =	sdelay $0x1  }
0x179: {  	v0 =	vadd.f32 v2, v0;
	_ =	sdelay $0x1  }
0x17a: {  	s0 =	simm.s32 $0x0;
	[tilespmem:$0xD4D0] =	vst v0  }
0x17b: {  	v0 =	vld [tilespmem:s0+$0x57F0]  }
0x17c: {  	v1 =	vld [tilespmem:s0+$0x5780]  }
0x17d: {  	v2 =	vld [tilespmem:s0+$0x5790]  }
0x17e: {  	v5 =	vld [tilespmem:s0+$0x57A0]  }
0x17f: {  	v6 =	vld [tilespmem:s0+$0x57B0]  }
0x180: {  	v10 =	vimm.f32 $0.0e+00;
	v3 =	vimm.f32 $0.0e+00;
	v7 =	vld [tilespmem:s0+$0x57C0]  }
0x181: {  	v8 =	vimm.f32 $0.0e+00;
	v9 =	vimm.f32 $0.0e+00;
	v11 =	vld [tilespmem:s0+$0x57D0];
	v0 =	vadd.f32 v0, v3  }
0x182: {  	s12 =	simm.s32 $0x400;
	s9 =	simm.s32 $0x80;
	v4 =	vimm.f32 $0.0e+00;
	v12 =	vld [tilespmem:s0+$0x57E0];
	v1 =	vadd.f32 v1, v3;
	v2 =	vadd.f32 v2, v3  }
.LBB2_15:
0x183: {  	p0 =	sne.s32 s12, $0x3000;
	v13 =	vld [tilespmem:s9+$0x57F0];
	v3 =	vadd.f32 v5, v3  }
0x184: {  	v14 =	vld [tilespmem:s9+$0x5780];
	v4 =	vadd.f32 v6, v4  }
0x185: {  	v15 =	vld [tilespmem:s9+$0x5790];
	v10 =	vadd.f32 v7, v10  }
.Ltmp6:
0x186: {  	v5 =	vld [tilespmem:s9+$0x57A0];
	v8 =	vadd.f32 v11, v8;
	(pc) =	sbr.rel @p0 .LBB2_15-.Ltmp6, $4  }
0x187: {  	v6 =	vld [tilespmem:s9+$0x57B0];
	v9 =	vadd.f32 v12, v9  }
0x188: {  	v7 =	vld [tilespmem:s9+$0x57C0];
	v0 =	vadd.f32 v13, v0  }
0x189: {  	v1 =	vadd.f32 v14, v1;
	v11 =	vld [tilespmem:s9+$0x57D0]  }
0x18a: {  	v2 =	vadd.f32 v15, v2;
	v12 =	vld [tilespmem:s9+$0x57E0];
	s9 =	sshra.s32 s12, $0x2;
	s12 =	sadd.s32 $0x200, s12  }
0x18b: {  	v13 =	vld [tilespmem:s9+$0x57F0]  }
0x18c: {  	v14 =	vld [tilespmem:s9+$0x5780]  }
0x18d: {  	v15 =	vld [tilespmem:s9+$0x5790]  }
0x18e: {  	v16 =	vld [tilespmem:s9+$0x57A0]  }
0x18f: {  	v17 =	vld [tilespmem:s9+$0x57B0]  }
0x190: {  	v18 =	vld [tilespmem:s9+$0x57C0]  }
0x191: {  	v3 =	vadd.f32 v5, v3;
	v5 =	vld [tilespmem:s9+$0x57D0]  }
0x192: {  	v4 =	vadd.f32 v6, v4;
	v6 =	vadd.f32 v7, v10;
	v7 =	vld [tilespmem:s9+$0x57E0]  }
0x193: {  	v8 =	vadd.f32 v11, v8;
	v9 =	vadd.f32 v12, v9  }
0x194: {  	v0 =	vadd.f32 v13, v0;
	v1 =	vadd.f32 v14, v1  }
0x195: {  	v2 =	vadd.f32 v15, v2;
	v3 =	vadd.f32 v16, v3  }
0x196: {  	v4 =	vadd.f32 v17, v4;
	v6 =	vadd.f32 v18, v6  }
0x197: {  	v5 =	vadd.f32 v5, v8;
	v7 =	vadd.f32 v7, v9  }
0x198: {  	v1 =	vadd.f32 v2, v1;
	v2 =	vadd.f32 v4, v3  }
0x199: {  	v3 =	vadd.f32 v5, v6;
	v0 =	vadd.f32 v0, v7  }
0x19a: {  	v4 =	vld [tilespmem:s7+$0xD560]  }
0x19b: {  	v1 =	vadd.f32 v2, v1;
	v0 =	vadd.f32 v0, v3  }
0x19c: {  	v2 =	vld [tilespmem:$0xF500]  }
0x19d: {  	v0 =	vadd.f32 v0, v1;
	_ =	sdelay $0x1  }
0x19e: {  	v0 =	vmul.f32 v4, v0;
	_ =	sdelay $0x1  }
0x19f: {  	v0 =	vadd.f32 v2, v0;
	_ =	sdelay $0x1  }
0x1a0: {  	s0 =	simm.s32 $0x0;
	[tilespmem:$0xD4E0] =	vst v0  }
0x1a1: {  	v0 =	vld [tilespmem:s0+$0x6470]  }
0x1a2: {  	v1 =	vld [tilespmem:s0+$0x6400]  }
0x1a3: {  	v2 =	vld [tilespmem:s0+$0x6410]  }
0x1a4: {  	v5 =	vld [tilespmem:s0+$0x6420]  }
0x1a5: {  	v6 =	vld [tilespmem:s0+$0x6430]  }
0x1a6: {  	v10 =	vimm.f32 $0.0e+00;
	v3 =	vimm.f32 $0.0e+00;
	v7 =	vld [tilespmem:s0+$0x6440]  }
0x1a7: {  	v8 =	vimm.f32 $0.0e+00;
	v9 =	vimm.f32 $0.0e+00;
	v11 =	vld [tilespmem:s0+$0x6450];
	v0 =	vadd.f32 v0, v3  }
0x1a8: {  	s12 =	simm.s32 $0x400;
	s9 =	simm.s32 $0x80;
	v4 =	vimm.f32 $0.0e+00;
	v12 =	vld [tilespmem:s0+$0x6460];
	v1 =	vadd.f32 v1, v3;
	v2 =	vadd.f32 v2, v3  }
.LBB2_17:
0x1a9: {  	p0 =	sne.s32 s12, $0x3000;
	v13 =	vld [tilespmem:s9+$0x6470];
	v3 =	vadd.f32 v5, v3  }
0x1aa: {  	v14 =	vld [tilespmem:s9+$0x6400];
	v4 =	vadd.f32 v6, v4  }
0x1ab: {  	v15 =	vld [tilespmem:s9+$0x6410];
	v10 =	vadd.f32 v7, v10  }
.Ltmp7:
0x1ac: {  	v5 =	vld [tilespmem:s9+$0x6420];
	v8 =	vadd.f32 v11, v8;
	(pc) =	sbr.rel @p0 .LBB2_17-.Ltmp7, $4  }
0x1ad: {  	v6 =	vld [tilespmem:s9+$0x6430];
	v9 =	vadd.f32 v12, v9  }
0x1ae: {  	v7 =	vld [tilespmem:s9+$0x6440];
	v0 =	vadd.f32 v13, v0  }
0x1af: {  	v1 =	vadd.f32 v14, v1;
	v11 =	vld [tilespmem:s9+$0x6450]  }
0x1b0: {  	v2 =	vadd.f32 v15, v2;
	v12 =	vld [tilespmem:s9+$0x6460];
	s9 =	sshra.s32 s12, $0x2;
	s12 =	sadd.s32 $0x200, s12  }
0x1b1: {  	v13 =	vld [tilespmem:s9+$0x6470]  }
0x1b2: {  	v14 =	vld [tilespmem:s9+$0x6400]  }
0x1b3: {  	v15 =	vld [tilespmem:s9+$0x6410]  }
0x1b4: {  	v16 =	vld [tilespmem:s9+$0x6420]  }
0x1b5: {  	v17 =	vld [tilespmem:s9+$0x6430]  }
0x1b6: {  	v18 =	vld [tilespmem:s9+$0x6440]  }
0x1b7: {  	v3 =	vadd.f32 v5, v3;
	v5 =	vld [tilespmem:s9+$0x6450]  }
0x1b8: {  	v4 =	vadd.f32 v6, v4;
	v6 =	vadd.f32 v7, v10;
	v7 =	vld [tilespmem:s9+$0x6460]  }
0x1b9: {  	v8 =	vadd.f32 v11, v8;
	v9 =	vadd.f32 v12, v9  }
0x1ba: {  	v0 =	vadd.f32 v13, v0;
	v1 =	vadd.f32 v14, v1  }
0x1bb: {  	v2 =	vadd.f32 v15, v2;
	v3 =	vadd.f32 v16, v3  }
0x1bc: {  	v4 =	vadd.f32 v17, v4;
	v6 =	vadd.f32 v18, v6  }
0x1bd: {  	v5 =	vadd.f32 v5, v8;
	v7 =	vadd.f32 v7, v9  }
0x1be: {  	v1 =	vadd.f32 v2, v1;
	v2 =	vadd.f32 v4, v3  }
0x1bf: {  	v3 =	vadd.f32 v5, v6;
	v0 =	vadd.f32 v0, v7  }
0x1c0: {  	v4 =	vld [tilespmem:s7+$0xD570]  }
0x1c1: {  	v1 =	vadd.f32 v2, v1;
	v0 =	vadd.f32 v0, v3  }
0x1c2: {  	v2 =	vld [tilespmem:$0xF500]  }
0x1c3: {  	v0 =	vadd.f32 v0, v1;
	_ =	sdelay $0x1  }
0x1c4: {  	v0 =	vmul.f32 v4, v0;
	_ =	sdelay $0x1  }
0x1c5: {  	v0 =	vadd.f32 v2, v0  }
0x1c6: {  	s0 =	sshll.u32 s28, $0x5  }
0x1c7: {  	p0 =	seq.s32 s28, $0x1F;
	s0 =	sadd.s32 s0, s10;
	[tilespmem:$0xD4F0] =	vst v0  }
0x1c8: {  	[hbm4b:s0+s3] =	stream.linear.scatter [tilespmem:s25], [sflag:$0x3], $0x80, $0x38;
	[tilespmem:$0xF510] =	vst v63  }
0x1c9: {  	s0 =	sshll.u32 @!p0 s28, $0x4  }
0x1ca: {  	s0 =	sadd.s32 @!p0 s0, s11  }
0x1cb: {  	_ =	swait.ge [sflag:s14], $0x80;
	s0 =	smul.u32 @!p0 $0x19, s0  }
0x1cc: {  	[sflag:s14] =	ssyncset.done $0x0  }
0x1cd: {  	s7 =	simm.s32 @!p0 $0x0;
	[sflag:s14] =	ssyncadd.s32 $0xFFFFFF80;
	s0 =	sadd.s32 @!p0 s5, s0  }
0x1ce: {  	[tilespmem:s7], [sflag:$0x3] =	stream.linear.gather @!p0 [hbm4b:s0+s7], $0x640, $0x38;
	[tilespmem:$0xF510] =	vst v63  }
0x1cf: {  	s0 =	simm.s32 @!p0 $0x3  }
0x1d0: {  	_ =	swait.ge @!p0 [sflag:s0], $0x640  }
0x1d1: {  	[sflag:s0] =	ssyncset.done @!p0 $0x0  }
0x1d2: {  	s9 =	simm.s32 @!p0 $0xC80;
	[sflag:s0] =	ssyncadd.s32 @!p0 $0xFFFFF9C0;
	s0 =	simm.s32 @!p0 $0x68  }
0x1d3: {  	[tilespmem:s9], [sflag:$0x1] =	stream.indirect.gather @!p0 [hbm4b:s4+s0], $0x10, s7, s0, $0xb8;
	[tilespmem:$0xF510] =	vst v63  }
0x1d4: {  	s7 =	simm.s32 @!p0 $0x60;
	s9 =	simm.s32 @!p0 $0x1300  }
0x1d5: {  	[tilespmem:s9], [sflag:$0x1] =	stream.indirect.gather @!p0 [hbm4b:s4+s7], $0x10, s0, s7, $0xb8;
	[tilespmem:$0xF510] =	vst v63  }
0x1d6: {  	s12 =	simm.s32 @!p0 $0x1900;
	s9 =	simm.s32 @!p0 $0xC8  }
0x1d7: {  	[tilespmem:s12], [sflag:$0x1] =	stream.indirect.gather @!p0 [hbm4b:s4+s0], $0x10, s9, s0, $0xb8;
	[tilespmem:$0xF510] =	vst v63  }
0x1d8: {  	s9 =	simm.s32 @!p0 $0x130;
	s12 =	simm.s32 @!p0 $0x1F80  }
0x1d9: {  	[tilespmem:s12], [sflag:$0x1] =	stream.indirect.gather @!p0 [hbm4b:s4+s7], $0x10, s9, s7, $0xb8;
	[tilespmem:$0xF510] =	vst v63  }
0x1da: {  	s9 =	simm.s32 @!p0 $0x190;
	s12 =	simm.s32 @!p0 $0x2580  }
0x1db: {  	[tilespmem:s12], [sflag:$0x1] =	stream.indirect.gather @!p0 [hbm4b:s4+s0], $0x10, s9, s0, $0xb8;
	[tilespmem:$0xF510] =	vst v63  }
0x1dc: {  	s9 =	simm.s32 @!p0 $0x1F8;
	s12 =	simm.s32 @!p0 $0x2C00  }
0x1dd: {  	[tilespmem:s12], [sflag:$0x1] =	stream.indirect.gather @!p0 [hbm4b:s4+s7], $0x10, s9, s7, $0xb8;
	[tilespmem:$0xF510] =	vst v63  }
0x1de: {  	s9 =	simm.s32 @!p0 $0x258;
	s12 =	simm.s32 @!p0 $0x3200  }
0x1df: {  	[tilespmem:s12], [sflag:$0x1] =	stream.indirect.gather @!p0 [hbm4b:s4+s0], $0x10, s9, s0, $0xb8;
	[tilespmem:$0xF510] =	vst v63  }
0x1e0: {  	s9 =	simm.s32 @!p0 $0x2C0;
	s12 =	simm.s32 @!p0 $0x3880  }
0x1e1: {  	[tilespmem:s12], [sflag:$0x1] =	stream.indirect.gather @!p0 [hbm4b:s4+s7], $0x10, s9, s7, $0xb8;
	[tilespmem:$0xF510] =	vst v63  }
0x1e2: {  	s9 =	simm.s32 @!p0 $0x320;
	s12 =	simm.s32 @!p0 $0x3E80  }
0x1e3: {  	[tilespmem:s12], [sflag:$0x1] =	stream.indirect.gather @!p0 [hbm4b:s4+s0], $0x10, s9, s0, $0xb8;
	[tilespmem:$0xF510] =	vst v63  }
0x1e4: {  	s9 =	simm.s32 @!p0 $0x388;
	s12 =	simm.s32 @!p0 $0x4500  }
0x1e5: {  	[tilespmem:s12], [sflag:$0x1] =	stream.indirect.gather @!p0 [hbm4b:s4+s7], $0x10, s9, s7, $0xb8;
	[tilespmem:$0xF510] =	vst v63  }
0x1e6: {  	s9 =	simm.s32 @!p0 $0x3E8;
	s12 =	simm.s32 @!p0 $0x4B00  }
0x1e7: {  	[tilespmem:s12], [sflag:$0x1] =	stream.indirect.gather @!p0 [hbm4b:s4+s0], $0x10, s9, s0, $0xb8;
	[tilespmem:$0xF510] =	vst v63  }
0x1e8: {  	s9 =	simm.s32 @!p0 $0x450;
	s12 =	simm.s32 @!p0 $0x5180  }
0x1e9: {  	[tilespmem:s12], [sflag:$0x1] =	stream.indirect.gather @!p0 [hbm4b:s4+s7], $0x10, s9, s7, $0xb8;
	[tilespmem:$0xF510] =	vst v63  }
0x1ea: {  	s9 =	simm.s32 @!p0 $0x4B0;
	s12 =	simm.s32 @!p0 $0x5780  }
0x1eb: {  	[tilespmem:s12], [sflag:$0x1] =	stream.indirect.gather @!p0 [hbm4b:s4+s0], $0x10, s9, s0, $0xb8;
	[tilespmem:$0xF510] =	vst v63  }
0x1ec: {  	s9 =	simm.s32 @!p0 $0x518;
	s12 =	simm.s32 @!p0 $0x5E00  }
0x1ed: {  	[tilespmem:s12], [sflag:$0x1] =	stream.indirect.gather @!p0 [hbm4b:s4+s7], $0x10, s9, s7, $0xb8;
	[tilespmem:$0xF510] =	vst v63  }
0x1ee: {  	s9 =	simm.s32 @!p0 $0x578;
	s12 =	simm.s32 @!p0 $0x6400  }
0x1ef: {  	[tilespmem:s12], [sflag:$0x1] =	stream.indirect.gather @!p0 [hbm4b:s4+s0], $0x10, s9, s0, $0xb8;
	[tilespmem:$0xF510] =	vst v63  }
0x1f0: {  	s0 =	simm.s32 @!p0 $0x5E0;
	s9 =	simm.s32 @!p0 $0x6A80  }
0x1f1: {  	[tilespmem:s9], [sflag:$0x1] =	stream.indirect.gather @!p0 [hbm4b:s4+s7], $0x10, s0, s7, $0xb8;
	[tilespmem:$0xF510] =	vst v63  }
0x1f2: {  	_ =	swait.ge [sflag:s26], $0x680  }
0x1f3: {  	[sflag:s26] =	ssyncset.done $0x0  }
0x1f4: {  	[sflag:s26] =	ssyncadd.s32 $0xFFFFF980  }
0x1f5: {  	_ =	swait.ge [sflag:s26], $0x600  }
0x1f6: {  	[sflag:s26] =	ssyncset.done $0x0  }
0x1f7: {  	[sflag:s26] =	ssyncadd.s32 $0xFFFFFA00  }
0x1f8: {  	_ =	swait.ge [sflag:s26], $0x680  }
0x1f9: {  	[sflag:s26] =	ssyncset.done $0x0  }
0x1fa: {  	[sflag:s26] =	ssyncadd.s32 $0xFFFFF980  }
0x1fb: {  	_ =	swait.ge [sflag:s26], $0x600  }
0x1fc: {  	[sflag:s26] =	ssyncset.done $0x0  }
0x1fd: {  	[sflag:s26] =	ssyncadd.s32 $0xFFFFFA00  }
0x1fe: {  	_ =	swait.ge [sflag:s26], $0x680  }
0x1ff: {  	[sflag:s26] =	ssyncset.done $0x0  }
0x200: {  	[sflag:s26] =	ssyncadd.s32 $0xFFFFF980  }
0x201: {  	_ =	swait.ge [sflag:s26], $0x600  }
0x202: {  	[sflag:s26] =	ssyncset.done $0x0  }
0x203: {  	[sflag:s26] =	ssyncadd.s32 $0xFFFFFA00  }
0x204: {  	_ =	swait.ge [sflag:s26], $0x680  }
0x205: {  	[sflag:s26] =	ssyncset.done $0x0  }
0x206: {  	[sflag:s26] =	ssyncadd.s32 $0xFFFFF980  }
0x207: {  	_ =	swait.ge [sflag:s26], $0x600  }
0x208: {  	[sflag:s26] =	ssyncset.done $0x0  }
0x209: {  	[sflag:s26] =	ssyncadd.s32 $0xFFFFFA00  }
0x20a: {  	_ =	swait.ge [sflag:s26], $0x680  }
0x20b: {  	[sflag:s26] =	ssyncset.done $0x0  }
0x20c: {  	[sflag:s26] =	ssyncadd.s32 $0xFFFFF980  }
0x20d: {  	_ =	swait.ge [sflag:s26], $0x600  }
0x20e: {  	[sflag:s26] =	ssyncset.done $0x0  }
0x20f: {  	[sflag:s26] =	ssyncadd.s32 $0xFFFFFA00  }
0x210: {  	_ =	swait.ge [sflag:s26], $0x680  }
0x211: {  	[sflag:s26] =	ssyncset.done $0x0  }
0x212: {  	[sflag:s26] =	ssyncadd.s32 $0xFFFFF980  }
0x213: {  	_ =	swait.ge [sflag:s26], $0x600  }
0x214: {  	[sflag:s26] =	ssyncset.done $0x0  }
0x215: {  	[sflag:s26] =	ssyncadd.s32 $0xFFFFFA00  }
0x216: {  	_ =	swait.ge [sflag:s26], $0x680  }
0x217: {  	[sflag:s26] =	ssyncset.done $0x0  }
0x218: {  	[sflag:s26] =	ssyncadd.s32 $0xFFFFF980  }
0x219: {  	_ =	swait.ge [sflag:s26], $0x600  }
0x21a: {  	[sflag:s26] =	ssyncset.done $0x0  }
0x21b: {  	[sflag:s26] =	ssyncadd.s32 $0xFFFFFA00  }
0x21c: {  	_ =	swait.ge [sflag:s26], $0x680  }
0x21d: {  	[sflag:s26] =	ssyncset.done $0x0  }
0x21e: {  	[sflag:s26] =	ssyncadd.s32 $0xFFFFF980  }
0x21f: {  	_ =	swait.ge [sflag:s26], $0x600  }
0x220: {  	[sflag:s26] =	ssyncset.done $0x0  }
0x221: {  	s12 =	simm.s32 $0x0;
	[sflag:s26] =	ssyncadd.s32 $0xFFFFFA00  }
0x222: {  	v0 =	vld [tilespmem:s12+$0x70F0]  }
0x223: {  	v1 =	vld [tilespmem:s12+$0x7080]  }
0x224: {  	v2 =	vld [tilespmem:s12+$0x7090]  }
0x225: {  	v5 =	vld [tilespmem:s12+$0x70A0]  }
0x226: {  	v6 =	vld [tilespmem:s12+$0x70B0]  }
0x227: {  	v10 =	vimm.f32 $0.0e+00;
	v3 =	vimm.f32 $0.0e+00;
	v7 =	vld [tilespmem:s12+$0x70C0]  }
0x228: {  	v8 =	vimm.f32 $0.0e+00;
	v9 =	vimm.f32 $0.0e+00;
	v11 =	vld [tilespmem:s12+$0x70D0];
	v0 =	vadd.f32 v0, v3  }
0x229: {  	v4 =	vimm.f32 $0.0e+00;
	s7 =	simm.s32 $0x80;
	s9 =	simm.s32 $0x400;
	v12 =	vld [tilespmem:s12+$0x70E0];
	v1 =	vadd.f32 v1, v3;
	v2 =	vadd.f32 v2, v3  }
.LBB2_19:
0x22a: {  	p0 =	sne.s32 s9, $0x3000;
	v13 =	vld [tilespmem:s7+$0x70F0];
	v3 =	vadd.f32 v5, v3  }
0x22b: {  	v14 =	vld [tilespmem:s7+$0x7080];
	v4 =	vadd.f32 v6, v4  }
0x22c: {  	v15 =	vld [tilespmem:s7+$0x7090];
	v10 =	vadd.f32 v7, v10  }
.Ltmp8:
0x22d: {  	v5 =	vld [tilespmem:s7+$0x70A0];
	v8 =	vadd.f32 v11, v8;
	(pc) =	sbr.rel @p0 .LBB2_19-.Ltmp8, $4  }
0x22e: {  	v6 =	vld [tilespmem:s7+$0x70B0];
	v9 =	vadd.f32 v12, v9  }
0x22f: {  	v7 =	vld [tilespmem:s7+$0x70C0];
	v0 =	vadd.f32 v13, v0  }
0x230: {  	v1 =	vadd.f32 v14, v1;
	v11 =	vld [tilespmem:s7+$0x70D0]  }
0x231: {  	v2 =	vadd.f32 v15, v2;
	v12 =	vld [tilespmem:s7+$0x70E0];
	s7 =	sshra.s32 s9, $0x2;
	s9 =	sadd.s32 $0x200, s9  }
0x232: {  	v13 =	vld [tilespmem:s7+$0x70F0]  }
0x233: {  	v14 =	vld [tilespmem:s7+$0x7080]  }
0x234: {  	v15 =	vld [tilespmem:s7+$0x7090]  }
0x235: {  	v16 =	vld [tilespmem:s7+$0x70A0]  }
0x236: {  	v17 =	vld [tilespmem:s7+$0x70B0]  }
0x237: {  	v18 =	vld [tilespmem:s7+$0x70C0]  }
0x238: {  	v3 =	vadd.f32 v5, v3;
	v5 =	vld [tilespmem:s7+$0x70D0]  }
0x239: {  	v4 =	vadd.f32 v6, v4;
	v6 =	vadd.f32 v7, v10;
	v7 =	vld [tilespmem:s7+$0x70E0]  }
0x23a: {  	v8 =	vadd.f32 v11, v8;
	v9 =	vadd.f32 v12, v9  }
0x23b: {  	v0 =	vadd.f32 v13, v0;
	v1 =	vadd.f32 v14, v1  }
0x23c: {  	v2 =	vadd.f32 v15, v2;
	v3 =	vadd.f32 v16, v3  }
0x23d: {  	v4 =	vadd.f32 v17, v4;
	v6 =	vadd.f32 v18, v6  }
0x23e: {  	v5 =	vadd.f32 v5, v8;
	v7 =	vadd.f32 v7, v9  }
0x23f: {  	s0 =	sshll.u32 s30, $0x7;
	v1 =	vadd.f32 v2, v1;
	v2 =	vadd.f32 v4, v3  }
0x240: {  	s7 =	sand.u32 $0x3FFFFF80, s0;
	v3 =	vadd.f32 v5, v6;
	v0 =	vadd.f32 v0, v7  }
0x241: {  	v4 =	vld [tilespmem:s7+$0xD500]  }
0x242: {  	v1 =	vadd.f32 v2, v1;
	v0 =	vadd.f32 v0, v3  }
0x243: {  	v2 =	vld [tilespmem:$0xF500]  }
0x244: {  	v0 =	vadd.f32 v0, v1;
	_ =	sdelay $0x1  }
0x245: {  	v0 =	vmul.f32 v4, v0;
	_ =	sdelay $0x1  }
0x246: {  	v0 =	vadd.f32 v2, v0;
	_ =	sdelay $0x1  }
0x247: {  	s30 =	simm.s32 $0x0;
	[tilespmem:$0xD480] =	vst v0  }
0x248: {  	v0 =	vld [tilespmem:s30+$0x7D70]  }
0x249: {  	v1 =	vld [tilespmem:s30+$0x7D00]  }
0x24a: {  	v2 =	vld [tilespmem:s30+$0x7D10]  }
0x24b: {  	v5 =	vld [tilespmem:s30+$0x7D20]  }
0x24c: {  	v6 =	vld [tilespmem:s30+$0x7D30]  }
0x24d: {  	v10 =	vimm.f32 $0.0e+00;
	v3 =	vimm.f32 $0.0e+00;
	v7 =	vld [tilespmem:s30+$0x7D40]  }
0x24e: {  	v8 =	vimm.f32 $0.0e+00;
	v9 =	vimm.f32 $0.0e+00;
	v11 =	vld [tilespmem:s30+$0x7D50];
	v0 =	vadd.f32 v0, v3  }
0x24f: {  	s9 =	simm.s32 $0x80;
	s12 =	simm.s32 $0x400;
	v4 =	vimm.f32 $0.0e+00;
	v12 =	vld [tilespmem:s30+$0x7D60];
	v1 =	vadd.f32 v1, v3;
	v2 =	vadd.f32 v2, v3  }
.LBB2_21:
0x250: {  	p0 =	sne.s32 s12, $0x3000;
	v13 =	vld [tilespmem:s9+$0x7D70];
	v3 =	vadd.f32 v5, v3  }
0x251: {  	v14 =	vld [tilespmem:s9+$0x7D00];
	v4 =	vadd.f32 v6, v4  }
0x252: {  	v15 =	vld [tilespmem:s9+$0x7D10];
	v10 =	vadd.f32 v7, v10  }
.Ltmp9:
0x253: {  	v5 =	vld [tilespmem:s9+$0x7D20];
	v8 =	vadd.f32 v11, v8;
	(pc) =	sbr.rel @p0 .LBB2_21-.Ltmp9, $4  }
0x254: {  	v6 =	vld [tilespmem:s9+$0x7D30];
	v9 =	vadd.f32 v12, v9  }
0x255: {  	v7 =	vld [tilespmem:s9+$0x7D40];
	v0 =	vadd.f32 v13, v0  }
0x256: {  	v1 =	vadd.f32 v14, v1;
	v11 =	vld [tilespmem:s9+$0x7D50]  }
0x257: {  	v2 =	vadd.f32 v15, v2;
	v12 =	vld [tilespmem:s9+$0x7D60];
	s9 =	sshra.s32 s12, $0x2;
	s12 =	sadd.s32 $0x200, s12  }
0x258: {  	v13 =	vld [tilespmem:s9+$0x7D70]  }
0x259: {  	v14 =	vld [tilespmem:s9+$0x7D00]  }
0x25a: {  	v15 =	vld [tilespmem:s9+$0x7D10]  }
0x25b: {  	v16 =	vld [tilespmem:s9+$0x7D20]  }
0x25c: {  	v17 =	vld [tilespmem:s9+$0x7D30]  }
0x25d: {  	v18 =	vld [tilespmem:s9+$0x7D40]  }
0x25e: {  	v3 =	vadd.f32 v5, v3;
	v5 =	vld [tilespmem:s9+$0x7D50]  }
0x25f: {  	v4 =	vadd.f32 v6, v4;
	v6 =	vadd.f32 v7, v10;
	v7 =	vld [tilespmem:s9+$0x7D60]  }
0x260: {  	v8 =	vadd.f32 v11, v8;
	v9 =	vadd.f32 v12, v9  }
0x261: {  	v0 =	vadd.f32 v13, v0;
	v1 =	vadd.f32 v14, v1  }
0x262: {  	v2 =	vadd.f32 v15, v2;
	v3 =	vadd.f32 v16, v3  }
0x263: {  	v4 =	vadd.f32 v17, v4;
	v6 =	vadd.f32 v18, v6  }
0x264: {  	v5 =	vadd.f32 v5, v8;
	v7 =	vadd.f32 v7, v9  }
0x265: {  	v1 =	vadd.f32 v2, v1;
	v2 =	vadd.f32 v4, v3  }
0x266: {  	v3 =	vadd.f32 v5, v6;
	v0 =	vadd.f32 v0, v7  }
0x267: {  	v4 =	vld [tilespmem:s7+$0xD510]  }
0x268: {  	v1 =	vadd.f32 v2, v1;
	v0 =	vadd.f32 v0, v3  }
0x269: {  	v2 =	vld [tilespmem:$0xF500]  }
0x26a: {  	v0 =	vadd.f32 v0, v1;
	_ =	sdelay $0x1  }
0x26b: {  	v0 =	vmul.f32 v4, v0;
	_ =	sdelay $0x1  }
0x26c: {  	v0 =	vadd.f32 v2, v0;
	_ =	sdelay $0x1  }
0x26d: {  	s0 =	simm.s32 $0x0;
	[tilespmem:$0xD490] =	vst v0  }
0x26e: {  	v0 =	vld [tilespmem:s0+$0x89F0]  }
0x26f: {  	v1 =	vld [tilespmem:s0+$0x8980]  }
0x270: {  	v2 =	vld [tilespmem:s0+$0x8990]  }
0x271: {  	v5 =	vld [tilespmem:s0+$0x89A0]  }
0x272: {  	v6 =	vld [tilespmem:s0+$0x89B0]  }
0x273: {  	v10 =	vimm.f32 $0.0e+00;
	v3 =	vimm.f32 $0.0e+00;
	v7 =	vld [tilespmem:s0+$0x89C0]  }
0x274: {  	v8 =	vimm.f32 $0.0e+00;
	v9 =	vimm.f32 $0.0e+00;
	v11 =	vld [tilespmem:s0+$0x89D0];
	v0 =	vadd.f32 v0, v3  }
0x275: {  	s12 =	simm.s32 $0x400;
	s9 =	simm.s32 $0x80;
	v4 =	vimm.f32 $0.0e+00;
	v12 =	vld [tilespmem:s0+$0x89E0];
	v1 =	vadd.f32 v1, v3;
	v2 =	vadd.f32 v2, v3  }
.LBB2_23:
0x276: {  	p0 =	sne.s32 s12, $0x3000;
	v13 =	vld [tilespmem:s9+$0x89F0];
	v3 =	vadd.f32 v5, v3  }
0x277: {  	v14 =	vld [tilespmem:s9+$0x8980];
	v4 =	vadd.f32 v6, v4  }
0x278: {  	v15 =	vld [tilespmem:s9+$0x8990];
	v10 =	vadd.f32 v7, v10  }
.Ltmp10:
0x279: {  	v5 =	vld [tilespmem:s9+$0x89A0];
	v8 =	vadd.f32 v11, v8;
	(pc) =	sbr.rel @p0 .LBB2_23-.Ltmp10, $4  }
0x27a: {  	v6 =	vld [tilespmem:s9+$0x89B0];
	v9 =	vadd.f32 v12, v9  }
0x27b: {  	v7 =	vld [tilespmem:s9+$0x89C0];
	v0 =	vadd.f32 v13, v0  }
0x27c: {  	v1 =	vadd.f32 v14, v1;
	v11 =	vld [tilespmem:s9+$0x89D0]  }
0x27d: {  	v2 =	vadd.f32 v15, v2;
	v12 =	vld [tilespmem:s9+$0x89E0];
	s9 =	sshra.s32 s12, $0x2;
	s12 =	sadd.s32 $0x200, s12  }
0x27e: {  	v13 =	vld [tilespmem:s9+$0x89F0]  }
0x27f: {  	v14 =	vld [tilespmem:s9+$0x8980]  }
0x280: {  	v15 =	vld [tilespmem:s9+$0x8990]  }
0x281: {  	v16 =	vld [tilespmem:s9+$0x89A0]  }
0x282: {  	v17 =	vld [tilespmem:s9+$0x89B0]  }
0x283: {  	v18 =	vld [tilespmem:s9+$0x89C0]  }
0x284: {  	v3 =	vadd.f32 v5, v3;
	v5 =	vld [tilespmem:s9+$0x89D0]  }
0x285: {  	v4 =	vadd.f32 v6, v4;
	v6 =	vadd.f32 v7, v10;
	v7 =	vld [tilespmem:s9+$0x89E0]  }
0x286: {  	v8 =	vadd.f32 v11, v8;
	v9 =	vadd.f32 v12, v9  }
0x287: {  	v0 =	vadd.f32 v13, v0;
	v1 =	vadd.f32 v14, v1  }
0x288: {  	v2 =	vadd.f32 v15, v2;
	v3 =	vadd.f32 v16, v3  }
0x289: {  	v4 =	vadd.f32 v17, v4;
	v6 =	vadd.f32 v18, v6  }
0x28a: {  	v5 =	vadd.f32 v5, v8;
	v7 =	vadd.f32 v7, v9  }
0x28b: {  	v1 =	vadd.f32 v2, v1;
	v2 =	vadd.f32 v4, v3  }
0x28c: {  	v3 =	vadd.f32 v5, v6;
	v0 =	vadd.f32 v0, v7  }
0x28d: {  	v4 =	vld [tilespmem:s7+$0xD520]  }
0x28e: {  	v1 =	vadd.f32 v2, v1;
	v0 =	vadd.f32 v0, v3  }
0x28f: {  	v2 =	vld [tilespmem:$0xF500]  }
0x290: {  	v0 =	vadd.f32 v0, v1;
	_ =	sdelay $0x1  }
0x291: {  	v0 =	vmul.f32 v4, v0;
	_ =	sdelay $0x1  }
0x292: {  	v0 =	vadd.f32 v2, v0;
	_ =	sdelay $0x1  }
0x293: {  	s0 =	simm.s32 $0x0;
	[tilespmem:$0xD4A0] =	vst v0  }
0x294: {  	v0 =	vld [tilespmem:s0+$0x9670]  }
0x295: {  	v1 =	vld [tilespmem:s0+$0x9600]  }
0x296: {  	v2 =	vld [tilespmem:s0+$0x9610]  }
0x297: {  	v5 =	vld [tilespmem:s0+$0x9620]  }
0x298: {  	v6 =	vld [tilespmem:s0+$0x9630]  }
0x299: {  	v10 =	vimm.f32 $0.0e+00;
	v3 =	vimm.f32 $0.0e+00;
	v7 =	vld [tilespmem:s0+$0x9640]  }
0x29a: {  	v8 =	vimm.f32 $0.0e+00;
	v9 =	vimm.f32 $0.0e+00;
	v11 =	vld [tilespmem:s0+$0x9650];
	v0 =	vadd.f32 v0, v3  }
0x29b: {  	s12 =	simm.s32 $0x400;
	s9 =	simm.s32 $0x80;
	v4 =	vimm.f32 $0.0e+00;
	v12 =	vld [tilespmem:s0+$0x9660];
	v1 =	vadd.f32 v1, v3;
	v2 =	vadd.f32 v2, v3  }
.LBB2_25:
0x29c: {  	p0 =	sne.s32 s12, $0x3000;
	v13 =	vld [tilespmem:s9+$0x9670];
	v3 =	vadd.f32 v5, v3  }
0x29d: {  	v14 =	vld [tilespmem:s9+$0x9600];
	v4 =	vadd.f32 v6, v4  }
0x29e: {  	v15 =	vld [tilespmem:s9+$0x9610];
	v10 =	vadd.f32 v7, v10  }
.Ltmp11:
0x29f: {  	v5 =	vld [tilespmem:s9+$0x9620];
	v8 =	vadd.f32 v11, v8;
	(pc) =	sbr.rel @p0 .LBB2_25-.Ltmp11, $4  }
0x2a0: {  	v6 =	vld [tilespmem:s9+$0x9630];
	v9 =	vadd.f32 v12, v9  }
0x2a1: {  	v7 =	vld [tilespmem:s9+$0x9640];
	v0 =	vadd.f32 v13, v0  }
0x2a2: {  	v1 =	vadd.f32 v14, v1;
	v11 =	vld [tilespmem:s9+$0x9650]  }
0x2a3: {  	v2 =	vadd.f32 v15, v2;
	v12 =	vld [tilespmem:s9+$0x9660];
	s9 =	sshra.s32 s12, $0x2;
	s12 =	sadd.s32 $0x200, s12  }
0x2a4: {  	v13 =	vld [tilespmem:s9+$0x9670]  }
0x2a5: {  	v14 =	vld [tilespmem:s9+$0x9600]  }
0x2a6: {  	v15 =	vld [tilespmem:s9+$0x9610]  }
0x2a7: {  	v16 =	vld [tilespmem:s9+$0x9620]  }
0x2a8: {  	v17 =	vld [tilespmem:s9+$0x9630]  }
0x2a9: {  	v18 =	vld [tilespmem:s9+$0x9640]  }
0x2aa: {  	v3 =	vadd.f32 v5, v3;
	v5 =	vld [tilespmem:s9+$0x9650]  }
0x2ab: {  	v4 =	vadd.f32 v6, v4;
	v6 =	vadd.f32 v7, v10;
	v7 =	vld [tilespmem:s9+$0x9660]  }
0x2ac: {  	v8 =	vadd.f32 v11, v8;
	v9 =	vadd.f32 v12, v9  }
0x2ad: {  	v0 =	vadd.f32 v13, v0;
	v1 =	vadd.f32 v14, v1  }
0x2ae: {  	v2 =	vadd.f32 v15, v2;
	v3 =	vadd.f32 v16, v3  }
0x2af: {  	v4 =	vadd.f32 v17, v4;
	v6 =	vadd.f32 v18, v6  }
0x2b0: {  	v5 =	vadd.f32 v5, v8;
	v7 =	vadd.f32 v7, v9  }
0x2b1: {  	v1 =	vadd.f32 v2, v1;
	v2 =	vadd.f32 v4, v3  }
0x2b2: {  	v3 =	vadd.f32 v5, v6;
	v0 =	vadd.f32 v0, v7  }
0x2b3: {  	v4 =	vld [tilespmem:s7+$0xD530]  }
0x2b4: {  	v1 =	vadd.f32 v2, v1;
	v0 =	vadd.f32 v0, v3  }
0x2b5: {  	v2 =	vld [tilespmem:$0xF500]  }
0x2b6: {  	v0 =	vadd.f32 v0, v1;
	_ =	sdelay $0x1  }
0x2b7: {  	v0 =	vmul.f32 v4, v0;
	_ =	sdelay $0x1  }
0x2b8: {  	v0 =	vadd.f32 v2, v0;
	_ =	sdelay $0x1  }
0x2b9: {  	s0 =	simm.s32 $0x0;
	[tilespmem:$0xD4B0] =	vst v0  }
0x2ba: {  	v0 =	vld [tilespmem:s0+$0xA2F0]  }
0x2bb: {  	v1 =	vld [tilespmem:s0+$0xA280]  }
0x2bc: {  	v2 =	vld [tilespmem:s0+$0xA290]  }
0x2bd: {  	v5 =	vld [tilespmem:s0+$0xA2A0]  }
0x2be: {  	v6 =	vld [tilespmem:s0+$0xA2B0]  }
0x2bf: {  	v10 =	vimm.f32 $0.0e+00;
	v3 =	vimm.f32 $0.0e+00;
	v7 =	vld [tilespmem:s0+$0xA2C0]  }
0x2c0: {  	v8 =	vimm.f32 $0.0e+00;
	v9 =	vimm.f32 $0.0e+00;
	v11 =	vld [tilespmem:s0+$0xA2D0];
	v0 =	vadd.f32 v0, v3  }
0x2c1: {  	s12 =	simm.s32 $0x400;
	s9 =	simm.s32 $0x80;
	v4 =	vimm.f32 $0.0e+00;
	v12 =	vld [tilespmem:s0+$0xA2E0];
	v1 =	vadd.f32 v1, v3;
	v2 =	vadd.f32 v2, v3  }
.LBB2_27:
0x2c2: {  	p0 =	sne.s32 s12, $0x3000;
	v13 =	vld [tilespmem:s9+$0xA2F0];
	v3 =	vadd.f32 v5, v3  }
0x2c3: {  	v14 =	vld [tilespmem:s9+$0xA280];
	v4 =	vadd.f32 v6, v4  }
0x2c4: {  	v15 =	vld [tilespmem:s9+$0xA290];
	v10 =	vadd.f32 v7, v10  }
.Ltmp12:
0x2c5: {  	v5 =	vld [tilespmem:s9+$0xA2A0];
	v8 =	vadd.f32 v11, v8;
	(pc) =	sbr.rel @p0 .LBB2_27-.Ltmp12, $4  }
0x2c6: {  	v6 =	vld [tilespmem:s9+$0xA2B0];
	v9 =	vadd.f32 v12, v9  }
0x2c7: {  	v7 =	vld [tilespmem:s9+$0xA2C0];
	v0 =	vadd.f32 v13, v0  }
0x2c8: {  	v1 =	vadd.f32 v14, v1;
	v11 =	vld [tilespmem:s9+$0xA2D0]  }
0x2c9: {  	v2 =	vadd.f32 v15, v2;
	v12 =	vld [tilespmem:s9+$0xA2E0];
	s9 =	sshra.s32 s12, $0x2;
	s12 =	sadd.s32 $0x200, s12  }
0x2ca: {  	v13 =	vld [tilespmem:s9+$0xA2F0]  }
0x2cb: {  	v14 =	vld [tilespmem:s9+$0xA280]  }
0x2cc: {  	v15 =	vld [tilespmem:s9+$0xA290]  }
0x2cd: {  	v16 =	vld [tilespmem:s9+$0xA2A0]  }
0x2ce: {  	v17 =	vld [tilespmem:s9+$0xA2B0]  }
0x2cf: {  	v18 =	vld [tilespmem:s9+$0xA2C0]  }
0x2d0: {  	v3 =	vadd.f32 v5, v3;
	v5 =	vld [tilespmem:s9+$0xA2D0]  }
0x2d1: {  	v4 =	vadd.f32 v6, v4;
	v6 =	vadd.f32 v7, v10;
	v7 =	vld [tilespmem:s9+$0xA2E0]  }
0x2d2: {  	v8 =	vadd.f32 v11, v8;
	v9 =	vadd.f32 v12, v9  }
0x2d3: {  	v0 =	vadd.f32 v13, v0;
	v1 =	vadd.f32 v14, v1  }
0x2d4: {  	v2 =	vadd.f32 v15, v2;
	v3 =	vadd.f32 v16, v3  }
0x2d5: {  	v4 =	vadd.f32 v17, v4;
	v6 =	vadd.f32 v18, v6  }
0x2d6: {  	v5 =	vadd.f32 v5, v8;
	v7 =	vadd.f32 v7, v9  }
0x2d7: {  	v1 =	vadd.f32 v2, v1;
	v2 =	vadd.f32 v4, v3  }
0x2d8: {  	v3 =	vadd.f32 v5, v6;
	v0 =	vadd.f32 v0, v7  }
0x2d9: {  	v4 =	vld [tilespmem:s7+$0xD540]  }
0x2da: {  	v1 =	vadd.f32 v2, v1;
	v0 =	vadd.f32 v0, v3  }
0x2db: {  	v2 =	vld [tilespmem:$0xF500]  }
0x2dc: {  	v0 =	vadd.f32 v0, v1;
	_ =	sdelay $0x1  }
0x2dd: {  	v0 =	vmul.f32 v4, v0;
	_ =	sdelay $0x1  }
0x2de: {  	v0 =	vadd.f32 v2, v0;
	_ =	sdelay $0x1  }
0x2df: {  	s0 =	simm.s32 $0x0;
	[tilespmem:$0xD4C0] =	vst v0  }
0x2e0: {  	v0 =	vld [tilespmem:s0+$0xAF70]  }
0x2e1: {  	v1 =	vld [tilespmem:s0+$0xAF00]  }
0x2e2: {  	v2 =	vld [tilespmem:s0+$0xAF10]  }
0x2e3: {  	v5 =	vld [tilespmem:s0+$0xAF20]  }
0x2e4: {  	v6 =	vld [tilespmem:s0+$0xAF30]  }
0x2e5: {  	v10 =	vimm.f32 $0.0e+00;
	v3 =	vimm.f32 $0.0e+00;
	v7 =	vld [tilespmem:s0+$0xAF40]  }
0x2e6: {  	v8 =	vimm.f32 $0.0e+00;
	v9 =	vimm.f32 $0.0e+00;
	v11 =	vld [tilespmem:s0+$0xAF50];
	v0 =	vadd.f32 v0, v3  }
0x2e7: {  	s12 =	simm.s32 $0x400;
	s9 =	simm.s32 $0x80;
	v4 =	vimm.f32 $0.0e+00;
	v12 =	vld [tilespmem:s0+$0xAF60];
	v1 =	vadd.f32 v1, v3;
	v2 =	vadd.f32 v2, v3  }
.LBB2_29:
0x2e8: {  	p0 =	sne.s32 s12, $0x3000;
	v13 =	vld [tilespmem:s9+$0xAF70];
	v3 =	vadd.f32 v5, v3  }
0x2e9: {  	v14 =	vld [tilespmem:s9+$0xAF00];
	v4 =	vadd.f32 v6, v4  }
0x2ea: {  	v15 =	vld [tilespmem:s9+$0xAF10];
	v10 =	vadd.f32 v7, v10  }
.Ltmp13:
0x2eb: {  	v5 =	vld [tilespmem:s9+$0xAF20];
	v8 =	vadd.f32 v11, v8;
	(pc) =	sbr.rel @p0 .LBB2_29-.Ltmp13, $4  }
0x2ec: {  	v6 =	vld [tilespmem:s9+$0xAF30];
	v9 =	vadd.f32 v12, v9  }
0x2ed: {  	v7 =	vld [tilespmem:s9+$0xAF40];
	v0 =	vadd.f32 v13, v0  }
0x2ee: {  	v1 =	vadd.f32 v14, v1;
	v11 =	vld [tilespmem:s9+$0xAF50]  }
0x2ef: {  	v2 =	vadd.f32 v15, v2;
	v12 =	vld [tilespmem:s9+$0xAF60];
	s9 =	sshra.s32 s12, $0x2;
	s12 =	sadd.s32 $0x200, s12  }
0x2f0: {  	v13 =	vld [tilespmem:s9+$0xAF70]  }
0x2f1: {  	v14 =	vld [tilespmem:s9+$0xAF00]  }
0x2f2: {  	v15 =	vld [tilespmem:s9+$0xAF10]  }
0x2f3: {  	v16 =	vld [tilespmem:s9+$0xAF20]  }
0x2f4: {  	v17 =	vld [tilespmem:s9+$0xAF30]  }
0x2f5: {  	v18 =	vld [tilespmem:s9+$0xAF40]  }
0x2f6: {  	v3 =	vadd.f32 v5, v3;
	v5 =	vld [tilespmem:s9+$0xAF50]  }
0x2f7: {  	v4 =	vadd.f32 v6, v4;
	v6 =	vadd.f32 v7, v10;
	v7 =	vld [tilespmem:s9+$0xAF60]  }
0x2f8: {  	v8 =	vadd.f32 v11, v8;
	v9 =	vadd.f32 v12, v9  }
0x2f9: {  	v0 =	vadd.f32 v13, v0;
	v1 =	vadd.f32 v14, v1  }
0x2fa: {  	v2 =	vadd.f32 v15, v2;
	v3 =	vadd.f32 v16, v3  }
0x2fb: {  	v4 =	vadd.f32 v17, v4;
	v6 =	vadd.f32 v18, v6  }
0x2fc: {  	v5 =	vadd.f32 v5, v8;
	v7 =	vadd.f32 v7, v9  }
0x2fd: {  	v1 =	vadd.f32 v2, v1;
	v2 =	vadd.f32 v4, v3  }
0x2fe: {  	v3 =	vadd.f32 v5, v6;
	v0 =	vadd.f32 v0, v7  }
0x2ff: {  	v4 =	vld [tilespmem:s7+$0xD550]  }
0x300: {  	v1 =	vadd.f32 v2, v1;
	v0 =	vadd.f32 v0, v3  }
0x301: {  	v2 =	vld [tilespmem:$0xF500]  }
0x302: {  	v0 =	vadd.f32 v0, v1;
	_ =	sdelay $0x1  }
0x303: {  	v0 =	vmul.f32 v4, v0;
	_ =	sdelay $0x1  }
0x304: {  	v0 =	vadd.f32 v2, v0;
	_ =	sdelay $0x1  }
0x305: {  	s0 =	simm.s32 $0x0;
	[tilespmem:$0xD4D0] =	vst v0  }
0x306: {  	v0 =	vld [tilespmem:s0+$0xBBF0]  }
0x307: {  	v1 =	vld [tilespmem:s0+$0xBB80]  }
0x308: {  	v2 =	vld [tilespmem:s0+$0xBB90]  }
0x309: {  	v5 =	vld [tilespmem:s0+$0xBBA0]  }
0x30a: {  	v6 =	vld [tilespmem:s0+$0xBBB0]  }
0x30b: {  	v10 =	vimm.f32 $0.0e+00;
	v3 =	vimm.f32 $0.0e+00;
	v7 =	vld [tilespmem:s0+$0xBBC0]  }
0x30c: {  	v8 =	vimm.f32 $0.0e+00;
	v9 =	vimm.f32 $0.0e+00;
	v11 =	vld [tilespmem:s0+$0xBBD0];
	v0 =	vadd.f32 v0, v3  }
0x30d: {  	s12 =	simm.s32 $0x400;
	s9 =	simm.s32 $0x80;
	v4 =	vimm.f32 $0.0e+00;
	v12 =	vld [tilespmem:s0+$0xBBE0];
	v1 =	vadd.f32 v1, v3;
	v2 =	vadd.f32 v2, v3  }
.LBB2_31:
0x30e: {  	p0 =	sne.s32 s12, $0x3000;
	v13 =	vld [tilespmem:s9+$0xBBF0];
	v3 =	vadd.f32 v5, v3  }
0x30f: {  	v14 =	vld [tilespmem:s9+$0xBB80];
	v4 =	vadd.f32 v6, v4  }
0x310: {  	v15 =	vld [tilespmem:s9+$0xBB90];
	v10 =	vadd.f32 v7, v10  }
.Ltmp14:
0x311: {  	v5 =	vld [tilespmem:s9+$0xBBA0];
	v8 =	vadd.f32 v11, v8;
	(pc) =	sbr.rel @p0 .LBB2_31-.Ltmp14, $4  }
0x312: {  	v6 =	vld [tilespmem:s9+$0xBBB0];
	v9 =	vadd.f32 v12, v9  }
0x313: {  	v7 =	vld [tilespmem:s9+$0xBBC0];
	v0 =	vadd.f32 v13, v0  }
0x314: {  	v1 =	vadd.f32 v14, v1;
	v11 =	vld [tilespmem:s9+$0xBBD0]  }
0x315: {  	v2 =	vadd.f32 v15, v2;
	v12 =	vld [tilespmem:s9+$0xBBE0];
	s9 =	sshra.s32 s12, $0x2;
	s12 =	sadd.s32 $0x200, s12  }
0x316: {  	v13 =	vld [tilespmem:s9+$0xBBF0]  }
0x317: {  	v14 =	vld [tilespmem:s9+$0xBB80]  }
0x318: {  	v15 =	vld [tilespmem:s9+$0xBB90]  }
0x319: {  	v16 =	vld [tilespmem:s9+$0xBBA0]  }
0x31a: {  	v17 =	vld [tilespmem:s9+$0xBBB0]  }
0x31b: {  	v18 =	vld [tilespmem:s9+$0xBBC0]  }
0x31c: {  	v3 =	vadd.f32 v5, v3;
	v5 =	vld [tilespmem:s9+$0xBBD0]  }
0x31d: {  	v4 =	vadd.f32 v6, v4;
	v6 =	vadd.f32 v7, v10;
	v7 =	vld [tilespmem:s9+$0xBBE0]  }
0x31e: {  	v8 =	vadd.f32 v11, v8;
	v9 =	vadd.f32 v12, v9  }
0x31f: {  	v0 =	vadd.f32 v13, v0;
	v1 =	vadd.f32 v14, v1  }
0x320: {  	v2 =	vadd.f32 v15, v2;
	v3 =	vadd.f32 v16, v3  }
0x321: {  	v4 =	vadd.f32 v17, v4;
	v6 =	vadd.f32 v18, v6  }
0x322: {  	v5 =	vadd.f32 v5, v8;
	v7 =	vadd.f32 v7, v9  }
0x323: {  	v1 =	vadd.f32 v2, v1;
	v2 =	vadd.f32 v4, v3  }
0x324: {  	v3 =	vadd.f32 v5, v6;
	v0 =	vadd.f32 v0, v7  }
0x325: {  	v4 =	vld [tilespmem:s7+$0xD560]  }
0x326: {  	v1 =	vadd.f32 v2, v1;
	v0 =	vadd.f32 v0, v3  }
0x327: {  	v2 =	vld [tilespmem:$0xF500]  }
0x328: {  	v0 =	vadd.f32 v0, v1;
	_ =	sdelay $0x1  }
0x329: {  	v0 =	vmul.f32 v4, v0;
	_ =	sdelay $0x1  }
0x32a: {  	v0 =	vadd.f32 v2, v0;
	_ =	sdelay $0x1  }
0x32b: {  	s0 =	simm.s32 $0x0;
	[tilespmem:$0xD4E0] =	vst v0  }
0x32c: {  	v0 =	vld [tilespmem:s0+$0xC870]  }
0x32d: {  	v1 =	vld [tilespmem:s0+$0xC800]  }
0x32e: {  	v2 =	vld [tilespmem:s0+$0xC810]  }
0x32f: {  	v5 =	vld [tilespmem:s0+$0xC820]  }
0x330: {  	v6 =	vld [tilespmem:s0+$0xC830]  }
0x331: {  	v10 =	vimm.f32 $0.0e+00;
	v3 =	vimm.f32 $0.0e+00;
	v7 =	vld [tilespmem:s0+$0xC840]  }
0x332: {  	v8 =	vimm.f32 $0.0e+00;
	v9 =	vimm.f32 $0.0e+00;
	v11 =	vld [tilespmem:s0+$0xC850];
	v0 =	vadd.f32 v0, v3  }
0x333: {  	s12 =	simm.s32 $0x400;
	s9 =	simm.s32 $0x80;
	v4 =	vimm.f32 $0.0e+00;
	v12 =	vld [tilespmem:s0+$0xC860];
	v1 =	vadd.f32 v1, v3;
	v2 =	vadd.f32 v2, v3  }
.LBB2_33:
0x334: {  	p0 =	sne.s32 s12, $0x3000;
	v13 =	vld [tilespmem:s9+$0xC870];
	v3 =	vadd.f32 v5, v3  }
0x335: {  	v14 =	vld [tilespmem:s9+$0xC800];
	v4 =	vadd.f32 v6, v4  }
0x336: {  	v15 =	vld [tilespmem:s9+$0xC810];
	v10 =	vadd.f32 v7, v10  }
.Ltmp15:
0x337: {  	v5 =	vld [tilespmem:s9+$0xC820];
	v8 =	vadd.f32 v11, v8;
	(pc) =	sbr.rel @p0 .LBB2_33-.Ltmp15, $4  }
0x338: {  	v6 =	vld [tilespmem:s9+$0xC830];
	v9 =	vadd.f32 v12, v9  }
0x339: {  	v7 =	vld [tilespmem:s9+$0xC840];
	v0 =	vadd.f32 v13, v0  }
0x33a: {  	v1 =	vadd.f32 v14, v1;
	v11 =	vld [tilespmem:s9+$0xC850]  }
0x33b: {  	v2 =	vadd.f32 v15, v2;
	v12 =	vld [tilespmem:s9+$0xC860];
	s9 =	sshra.s32 s12, $0x2;
	s12 =	sadd.s32 $0x200, s12  }
0x33c: {  	v13 =	vld [tilespmem:s9+$0xC870]  }
0x33d: {  	v14 =	vld [tilespmem:s9+$0xC800]  }
0x33e: {  	v15 =	vld [tilespmem:s9+$0xC810]  }
0x33f: {  	v16 =	vld [tilespmem:s9+$0xC820]  }
0x340: {  	v17 =	vld [tilespmem:s9+$0xC830]  }
0x341: {  	v18 =	vld [tilespmem:s9+$0xC840]  }
0x342: {  	v3 =	vadd.f32 v5, v3;
	v57 =	vld [tilespmem:s9+$0xC850]  }
0x343: {  	v59 =	vld [tilespmem:s9+$0xC860];
	v4 =	vadd.f32 v6, v4;
	v58 =	vadd.f32 v7, v10  }
0x344: {  	v8 =	vadd.f32 v11, v8;
	v9 =	vadd.f32 v12, v9  }
0x345: {  	v0 =	vadd.f32 v13, v0;
	v1 =	vadd.f32 v14, v1  }
0x346: {  	v2 =	vadd.f32 v15, v2;
	v3 =	vadd.f32 v16, v3  }
0x347: {  	v4 =	vadd.f32 v17, v4;
	v6 =	vadd.f32 v18, v58  }
0x348: {  	v5 =	vadd.f32 v57, v8;
	v7 =	vadd.f32 v59, v9  }
0x349: {  	v1 =	vadd.f32 v2, v1;
	v60 =	vadd.f32 v4, v3  }
0x34a: {  	v61 =	vadd.f32 v5, v6;
	v0 =	vadd.f32 v0, v7  }
0x34b: {  	v62 =	vld [tilespmem:s7+$0xD570]  }
0x34c: {  	v1 =	vadd.f32 v60, v1;
	v0 =	vadd.f32 v0, v61  }
0x34d: {  	v63 =	vld [tilespmem:$0xF500]  }
0x34e: {  	v0 =	vadd.f32 v0, v1;
	_ =	sdelay $0x1  }
0x34f: {  	v0 =	vmul.f32 v62, v0;
	_ =	sdelay $0x1  }
0x350: {  	s0 =	sshll.u32 s29, $0x1;
	s28 =	sadd.s32 $0x1, s28;
	v0 =	vadd.f32 v63, v0  }
0x351: {  	s0 =	sand.u32 $0x1FFFFFF0, s0;
	p0 =	sne.s32 s28, $0x20  }
.Ltmp16:
0x352: {  	s0 =	sadd.s32 s6, s0;
	[tilespmem:$0xD4F0] =	vst v0;
	(pc) =	sbr.rel @p0 .LBB2_2-.Ltmp16, $4  }
0x353: {  	[hbm4b:s0+s3] =	stream.linear.scatter [tilespmem:s25], [sflag:$0x3], $0x80, $0x38;
	[tilespmem:$0xF510] =	vst v63  }
0x354: {  	_ =	swait.ge [sflag:s14], $0x80  }
0x355: {  	[sflag:s14] =	ssyncset.done $0x0  }
0x356: {  	[sflag:s14] =	ssyncadd.s32 $0xFFFFFF80  }
0x357: {  	s7 =	rddreg [dreg:$0x6]  }
0x358: {  	s0 =	rddreg [dreg:$0x5];
	s7 =	sadd.s32 $0x1, s7  }
0x359: {  	p0 =	sne.s32 s7, s0  }
.Ltmp17:
0x35a: {  	_ = 	snop;
	(pc) =	sbr.rel @p0 .LBB2_1-.Ltmp17, $1  }
0x35b: {  	_ =	sdelay $0x3  }
0x35c: {  	_ =	sfence.sel $0x180000  }
0x35d: {  	[bflag:$0x0] =	sbarrier.arrive $0xFFFF  }
0x35e: {  	_ =	strace $0x90000047  }
0x35f: {  	s0 =	stileid.u32;
	[bflag:$0x2] =	sbarrier.arrive $0xFFFF  }
0x360: {  	p0 =	sne.s32 s0, $0x0;
	s0 =	rddreg [dreg:$0x2]  }
0x361: {  	s0 =	sadd.s32 @!p0 $0x100000, s0  }
0x362: {  	[sflag:s0] =	ssyncadd.tile.s32 @!p0 $0x1;
	_ =	shalt  }
.Lfunc_end2:
_tile_overlayer_lowered:
.L_overlay_start_2:
0x363: {  	(tag) =	ssettag $0x2  }
0x364: {  	s0 =	rddreg [dreg:$0x0];
	s2 =	stileid.u32  }
0x365: {  	s1 =	rddreg [dreg:$0x1];
	p0 =	sne.s32 s2, $0x0  }
0x366: {  	s3 =	rddreg [dreg:$0x2];
	[bflag:$0x3] =	sbarrier.arrive $0xFFFF;
	s2 =	simm.s32 @!p0 $0x1C03  }
0x367: {  	[timem:s3], [sflag:s2] =	dma.local @!p0 [hbm:s0], s1  }
0x368: {  	s0 =	simm.s32 @!p0 $0x3  }
0x369: {  	_ =	swait.ge @!p0 [sflag:s0], s1  }
0x36a: {  	s1 =	ssub.s32 @!p0 $0x0, s1;
	[sflag:s0] =	ssyncset.done @!p0 $0x0  }
0x36b: {  	[sflag:s0] =	ssyncadd.s32 @!p0 s1  }
0x36c: {  	[bflag:$0x3] =	sbarrier.arrive $0xFFFF  }
0x36d: {  	_ =	shalt  }

</sc_bundles>
